<compile_context>
chip_gen: v7x
topology: tpu7x:2x2x1
jax: 0.10.2.dev20260603
libtpu: 0.0.44.dev20260713+nightly
codegen_flags: <defaults>
</compile_context>

<pallas_src>
import functools

import jax
import jax.numpy as jnp
from jax import lax
from jax.experimental import pallas as pl
from jax.experimental.pallas import tpu as pltpu
from jax.experimental.pallas import tpu_sc as plsc

VOCAB = 1000
N_EMBD = 128
BLOCK = 50
BATCH = 1024

NC = 2
NS = 16
NW = NC * NS
ROWS_PER_W = BATCH // NW
POS_PER_CHUNK = 2
N_CHUNKS = BLOCK // POS_PER_CHUNK
CHUNK_ROWS = POS_PER_CHUNK * ROWS_PER_W

GROUP_CHUNKS = (5, 20)


def _sc_gather(n_chunks, idxp_hbm, tok_hbm, x_hbm,
               idx_v, buf0, buf1, tok_sp, gs0, gs1, ws0, ws1):
    wid = lax.axis_index("s") * NC + lax.axis_index("c")
    col = wid * ROWS_PER_W
    @pl.when(lax.axis_index("s") == 0)
    def _stage():
        pltpu.sync_copy(tok_hbm, tok_sp)

    pltpu.sync_copy(idxp_hbm.at[wid], idx_v)
    plsc.subcore_barrier()

    bufs = (buf0, buf1)
    gsems = (gs0, gs1)
    wsems = (ws0, ws1)
    gathers = [None] * n_chunks
    writes = [None] * n_chunks

    def issue_writes(qq):
        p = qq % 2
        return [
            pltpu.async_copy(
                bufs[p].at[pl.ds(k * ROWS_PER_W, ROWS_PER_W)],
                x_hbm.at[qq * POS_PER_CHUNK + k, pl.ds(col, ROWS_PER_W)],
                wsems[p],
            )
            for k in range(POS_PER_CHUNK)
        ]

    for q in range(n_chunks):
        p = q % 2
        if q >= 2:
            for w in writes[q - 2]:
                w.wait()
        gathers[q] = pltpu.async_copy(tok_sp.at[idx_v.at[q]], bufs[p], gsems[p])
        if q >= 1:
            gathers[q - 1].wait()
            writes[q - 1] = issue_writes(q - 1)
    q = n_chunks - 1
    gathers[q].wait()
    writes[q] = issue_writes(q)
    for w in writes[q - 1] + writes[q]:
        w.wait()


def _sc_embed(idx_perm, tok_table, n_chunks):
    mesh = plsc.VectorSubcoreMesh(core_axis_name="c", subcore_axis_name="s")
    n_pos = n_chunks * POS_PER_CHUNK
    return pl.kernel(
        functools.partial(_sc_gather, n_chunks),
        mesh=mesh,
        out_type=jax.ShapeDtypeStruct((n_pos, BATCH, N_EMBD), jnp.float32),
        scratch_types=[
            pltpu.VMEM((n_chunks, CHUNK_ROWS), jnp.int32),
            pltpu.VMEM((CHUNK_ROWS, N_EMBD), jnp.float32),
            pltpu.VMEM((CHUNK_ROWS, N_EMBD), jnp.float32),
            pltpu.VMEM_SHARED((VOCAB, N_EMBD), jnp.float32),
            pltpu.SemaphoreType.DMA,
            pltpu.SemaphoreType.DMA,
            pltpu.SemaphoreType.DMA,
            pltpu.SemaphoreType.DMA,
        ],
    )(idx_perm, tok_table)


def _pos_body(pos_ref, w_ref, b_ref, o_ref):
    o_ref[...] = (
        jnp.dot(pos_ref[...], w_ref[...], preferred_element_type=jnp.float32)
        + b_ref[...]
    )


def _tc_pos_logits(pos_table, W, b):
    return pl.pallas_call(
        _pos_body,
        out_shape=jax.ShapeDtypeStruct((BLOCK, VOCAB), jnp.float32),
    )(pos_table, W, b)


TC_POS = 2


def _mm_body_first(x_ref, wt_ref, pb_ref, o_ref):
    dn = (((1,), (1,)), ((), ()))
    for k in range(TC_POS):
        o_ref[k] = (
            lax.dot_general(wt_ref[...], x_ref[k], dn,
                            preferred_element_type=jnp.float32)
            + pb_ref[k]
        )


def _mm_body_rest(x_ref, wt_ref, pb_ref, o_prev_ref, o_ref):
    del o_prev_ref
    _mm_body_first(x_ref, wt_ref, pb_ref, o_ref)


def _tc_head_group(xg, Wt, pb3, out_prev, pos_base, n_pos):
    gb = pos_base // TC_POS
    in_specs = [
        pl.BlockSpec((TC_POS, BATCH, N_EMBD), lambda i: (i, 0, 0)),
        pl.BlockSpec((VOCAB, N_EMBD), lambda i: (0, 0)),
        pl.BlockSpec((TC_POS, VOCAB, 1), lambda i: (i + gb, 0, 0)),
    ]
    args = [xg, Wt, pb3]
    body = _mm_body_first
    aliases = {}
    if out_prev is not None:
        in_specs.append(pl.BlockSpec(memory_space=pl.MemorySpace.ANY))
        args.append(out_prev)
        body = _mm_body_rest
        aliases = {3: 0}
    return pl.pallas_call(
        body,
        grid=(n_pos // TC_POS,),
        in_specs=in_specs,
        out_specs=pl.BlockSpec((TC_POS, VOCAB, BATCH), lambda i: (i + gb, 0, 0)),
        out_shape=jax.ShapeDtypeStruct((BLOCK, VOCAB, BATCH), jnp.float32),
        input_output_aliases=aliases,
    )(*args)


def kernel(inputs, tok_table, pos_table, W, b):
    idx = inputs.astype(jnp.int32)
    idx_perm = (
        idx.reshape(NW, ROWS_PER_W, BLOCK)
        .transpose(0, 2, 1)
        .reshape(NW, N_CHUNKS, CHUNK_ROWS)
    )
    Wt = W.T
    pelb = _tc_pos_logits(pos_table, W, b)
    pb3 = pelb[:, :, None]

    qc0, qc1 = GROUP_CHUNKS
    xg0 = _sc_embed(idx_perm[:, :qc0], tok_table, qc0)
    xg1 = _sc_embed(idx_perm[:, qc0:], tok_table, qc1)
    p0 = qc0 * POS_PER_CHUNK
    out_a = _tc_head_group(xg0, Wt, pb3, None, 0, p0)
    out3 = _tc_head_group(xg1, Wt, pb3, out_a, p0, BLOCK - p0)
    logits = out3.transpose(2, 0, 1)
    loss = jnp.zeros((0,), dtype=jnp.float32)
    return (logits, loss)

# --- scband reference (transcript-rebuilt; emitter-appended) ---
"""Pipeline reference for scband-bigram-language-model-41446434406674 (READ-ONLY COPY).

The authoritative reference and input builder live on the scoring server;
editing this copy changes nothing except your own understanding.
"""

import jax, jax.numpy as jnp
import numpy as np

VOCAB = 1000
N_EMBD = 128
BLOCK = 50
BATCH = 1024

def setup_inputs(seed: int = 0) -> dict:
    key = jax.random.key(seed)
    k1, k2, k3, k4, k5 = jax.random.split(key, 5)
    inputs = jax.random.randint(k1, (BATCH, BLOCK), 0, VOCAB, dtype=jnp.int64 if jax.config.jax_enable_x64 else jnp.int32)
    tok_table = jax.random.normal(k2, (VOCAB, N_EMBD), dtype=jnp.float32)
    pos_table = jax.random.normal(k3, (BLOCK, N_EMBD), dtype=jnp.float32)
    W = jax.random.normal(k4, (N_EMBD, VOCAB), dtype=jnp.float32) * (1.0 / np.sqrt(N_EMBD))
    b = jax.random.normal(k5, (VOCAB,), dtype=jnp.float32) * 0.01
    return {"inputs": inputs, "tok_table": tok_table, "pos_table": pos_table, "W": W, "b": b}

def reference(inputs, tok_table, pos_table, W, b):
    B, T = inputs.shape
    # token embedding lookup (gather)
    tok_embd = jnp.take(tok_table, inputs, axis=0)            # [B, T, n_embd]
    # position embedding lookup
    pos_embd = jnp.take(pos_table, jnp.arange(T), axis=0)     # [T, n_embd]
    x = tok_embd + pos_embd[None, :, :]                        # broadcast add
    logits = jnp.einsum('btd,dv->btv', x, W) + b               # lm_head
    # targets is None branch: loss = zeros(0,)
    loss = jnp.zeros((0,), dtype=jnp.float32)
    return (logits, loss)

if __name__ == "__main__":
    import jax
    _d = setup_inputs()
    print(jax.jit(kernel)(*tuple(_d.values())))

</pallas_src>

<mosaic_0001>
#map = affine_map<(d0, d1) -> (0, 0, 0)>
#map1 = affine_map<(d0, d1) -> (0, 0)>
module attributes {stable_mosaic.version = 14 : i64} {
  func.func @_sc_gather(%arg0: i32, %arg1: i32, %arg2: memref<32x5x64xi32, #tpu.memory_space<hbm>>, %arg3: memref<1000x128xf32, #tpu.memory_space<hbm>>, %arg4: memref<10x1024x128xf32, #tpu.memory_space<hbm>>, %arg5: memref<5x64xi32, #tpu.memory_space<vmem>>, %arg6: memref<64x128xf32, #tpu.memory_space<vmem>>, %arg7: memref<64x128xf32, #tpu.memory_space<vmem>>, %arg8: memref<1000x128xf32, #tpu.memory_space<vmem_shared>>, %arg9: memref<!tpu.dma_semaphore, #tpu.memory_space<semaphore_mem>>, %arg10: memref<!tpu.dma_semaphore, #tpu.memory_space<semaphore_mem>>, %arg11: memref<!tpu.dma_semaphore, #tpu.memory_space<semaphore_mem>>, %arg12: memref<!tpu.dma_semaphore, #tpu.memory_space<semaphore_mem>>) attributes {dimension_semantics = [#tpu.dimension_semantics<core_parallel>, #tpu.dimension_semantics<subcore_parallel>], iteration_bounds = array<i64: 2, 16>, scalar_prefetch = 0 : i64, scratch_operands = 8 : i64, tpu.core_type = #tpu.core_type<sc_vector_subcore>, window_params = [{transform_indices = #map}, {transform_indices = #map1}, {transform_indices = #map}]} {
    %mul3A = arith.constant 2 : i32
    %mul3A_0 = arith.muli %arg1, %mul3A : i32
    %add3A = arith.addi %mul3A_0, %arg0 : i32
    %mul3A_1 = arith.constant 32 : i32
    %mul3A_2 = arith.muli %add3A, %mul3A_1 : i32
    %eq3A = arith.constant 0 : i32
    %eq3A_3 = arith.cmpi eq, %arg1, %eq3A : i32
    %convert_element_type3A = arith.extui %eq3A_3 : i1 to i32
    %cond3A = arith.constant 0 : i32
    %cond3A_4 = arith.cmpi ne, %convert_element_type3A, %cond3A : i32
    scf.if %cond3A_4 {
      "tpu.region"() ({
        %run_scoped3A = tpu.sem_alloc : memref<!tpu.dma_semaphore, #tpu.memory_space<semaphore_mem>>
        tpu.enqueue_dma source(%arg3 : memref<1000x128xf32, #tpu.memory_space<hbm>>) target(%arg8 : memref<1000x128xf32, #tpu.memory_space<vmem_shared>>) target_semaphore(%run_scoped3A : memref<!tpu.dma_semaphore, #tpu.memory_space<semaphore_mem>>)
        tpu.wait_dma2 semaphore(%run_scoped3A : memref<!tpu.dma_semaphore, #tpu.memory_space<semaphore_mem>>) src(%arg3 : memref<1000x128xf32, #tpu.memory_space<hbm>>) dst(%arg8 : memref<1000x128xf32, #tpu.memory_space<vmem_shared>>)
        tpu.yield
      }) : () -> ()
    } else {
    }
    "tpu.region"() ({
      %run_scoped3A = tpu.sem_alloc : memref<!tpu.dma_semaphore, #tpu.memory_space<semaphore_mem>>
      %dma_start3A_333 = arith.constant 0 : i32
      %dma_start3A_334 = arith.constant 0 : i32
      %dma_start3A_335 = tpu.memref_slice %arg2[%add3A, %dma_start3A_333, %dma_start3A_334] : memref<32x5x64xi32, #tpu.memory_space<hbm>> -> memref<1x5x64xi32, #tpu.memory_space<hbm>>
      %dma_start3A_336 = tpu.memref_squeeze %dma_start3A_335 : memref<1x5x64xi32, #tpu.memory_space<hbm>> -> memref<5x64xi32, #tpu.memory_space<hbm>>
      %dma_start3A_337 = arith.constant 0 : i32
      %dma_start3A_338 = arith.constant 0 : i32
      %dma_start3A_339 = tpu.memref_slice %arg2[%add3A, %dma_start3A_337, %dma_start3A_338] : memref<32x5x64xi32, #tpu.memory_space<hbm>> -> memref<1x5x64xi32, #tpu.memory_space<hbm>>
      %dma_start3A_340 = tpu.memref_squeeze %dma_start3A_339 : memref<1x5x64xi32, #tpu.memory_space<hbm>> -> memref<5x64xi32, #tpu.memory_space<hbm>>
      tpu.enqueue_dma source(%dma_start3A_340 : memref<5x64xi32, #tpu.memory_space<hbm>>) target(%arg5 : memref<5x64xi32, #tpu.memory_space<vmem>>) target_semaphore(%run_scoped3A : memref<!tpu.dma_semaphore, #tpu.memory_space<semaphore_mem>>)
      %dma_wait3A_341 = arith.constant 0 : i32
      %dma_wait3A_342 = arith.constant 0 : i32
      %dma_wait3A_343 = tpu.memref_slice %arg2[%add3A, %dma_wait3A_341, %dma_wait3A_342] : memref<32x5x64xi32, #tpu.memory_space<hbm>> -> memref<1x5x64xi32, #tpu.memory_space<hbm>>
      %dma_wait3A_344 = tpu.memref_squeeze %dma_wait3A_343 : memref<1x5x64xi32, #tpu.memory_space<hbm>> -> memref<5x64xi32, #tpu.memory_space<hbm>>
      %dma_wait3A_345 = arith.constant 0 : i32
      %dma_wait3A_346 = arith.constant 0 : i32
      %dma_wait3A_347 = tpu.memref_slice %arg2[%add3A, %dma_wait3A_345, %dma_wait3A_346] : memref<32x5x64xi32, #tpu.memory_space<hbm>> -> memref<1x5x64xi32, #tpu.memory_space<hbm>>
      %dma_wait3A_348 = tpu.memref_squeeze %dma_wait3A_347 : memref<1x5x64xi32, #tpu.memory_space<hbm>> -> memref<5x64xi32, #tpu.memory_space<hbm>>
      tpu.wait_dma2 semaphore(%run_scoped3A : memref<!tpu.dma_semaphore, #tpu.memory_space<semaphore_mem>>) src(%dma_wait3A_348 : memref<5x64xi32, #tpu.memory_space<hbm>>) dst(%arg5 : memref<5x64xi32, #tpu.memory_space<vmem>>)
      tpu.yield
    }) : () -> ()
    %barrier3A = arith.constant 0 : index
    tpu.barrier barrier_id(%barrier3A)
    %dma_start3A = arith.constant 0 : i32
    %dma_start3A_5 = arith.constant 0 : i32
    %dma_start3A_6 = tpu.memref_slice %arg5[%dma_start3A, %dma_start3A_5] : memref<5x64xi32, #tpu.memory_space<vmem>> -> memref<1x64xi32, #tpu.memory_space<vmem>>
    %dma_start3A_7 = tpu.memref_squeeze %dma_start3A_6 : memref<1x64xi32, #tpu.memory_space<vmem>> -> memref<64xi32, #tpu.memory_space<vmem>>
    %dma_start3A_8 = arith.constant 0 : i32
    %dma_start3A_9 = arith.constant 0 : i32
    %dma_start3A_10 = tpu.memref_slice %arg8[%dma_start3A_8, %dma_start3A_9] : memref<1000x128xf32, #tpu.memory_space<vmem_shared>> -> memref<1000x128xf32, #tpu.memory_space<vmem_shared>>
    tpu.enqueue_indirect_dma source(%dma_start3A_10 : memref<1000x128xf32, #tpu.memory_space<vmem_shared>>) target(%arg6 : memref<64x128xf32, #tpu.memory_space<vmem>>) offsets(%dma_start3A_7 : memref<64xi32, #tpu.memory_space<vmem>>) semaphore(%arg9 : memref<!tpu.dma_semaphore, #tpu.memory_space<semaphore_mem>>)
    %dma_start3A_11 = arith.constant 1 : i32
    %dma_start3A_12 = arith.constant 0 : i32
    %dma_start3A_13 = tpu.memref_slice %arg5[%dma_start3A_11, %dma_start3A_12] : memref<5x64xi32, #tpu.memory_space<vmem>> -> memref<1x64xi32, #tpu.memory_space<vmem>>
    %dma_start3A_14 = tpu.memref_squeeze %dma_start3A_13 : memref<1x64xi32, #tpu.memory_space<vmem>> -> memref<64xi32, #tpu.memory_space<vmem>>
    %dma_start3A_15 = arith.constant 0 : i32
    %dma_start3A_16 = arith.constant 0 : i32
    %dma_start3A_17 = tpu.memref_slice %arg8[%dma_start3A_15, %dma_start3A_16] : memref<1000x128xf32, #tpu.memory_space<vmem_shared>> -> memref<1000x128xf32, #tpu.memory_space<vmem_shared>>
    tpu.enqueue_indirect_dma source(%dma_start3A_17 : memref<1000x128xf32, #tpu.memory_space<vmem_shared>>) target(%arg7 : memref<64x128xf32, #tpu.memory_space<vmem>>) offsets(%dma_start3A_14 : memref<64xi32, #tpu.memory_space<vmem>>) semaphore(%arg10 : memref<!tpu.dma_semaphore, #tpu.memory_space<semaphore_mem>>)
    %dma_wait3A = arith.constant 0 : i32
    %dma_wait3A_18 = arith.constant 0 : i32
    %dma_wait3A_19 = tpu.memref_slice %arg5[%dma_wait3A, %dma_wait3A_18] : memref<5x64xi32, #tpu.memory_space<vmem>> -> memref<1x64xi32, #tpu.memory_space<vmem>>
    %dma_wait3A_20 = tpu.memref_squeeze %dma_wait3A_19 : memref<1x64xi32, #tpu.memory_space<vmem>> -> memref<64xi32, #tpu.memory_space<vmem>>
    %dma_wait3A_21 = arith.constant 0 : i32
    %dma_wait3A_22 = arith.constant 0 : i32
    %dma_wait3A_23 = tpu.memref_slice %arg8[%dma_wait3A_21, %dma_wait3A_22] : memref<1000x128xf32, #tpu.memory_space<vmem_shared>> -> memref<1000x128xf32, #tpu.memory_space<vmem_shared>>
    tpu.wait_indirect_dma semaphore(%arg9 : memref<!tpu.dma_semaphore, #tpu.memory_space<semaphore_mem>>) src(%dma_wait3A_23 : memref<1000x128xf32, #tpu.memory_space<vmem_shared>>) dst(%arg6 : memref<64x128xf32, #tpu.memory_space<vmem>>)
    %dma_start3A_24 = arith.constant 0 : i32
    %dma_start3A_25 = arith.constant 0 : i32
    %dma_start3A_26 = arith.constant 0 : i32
    %dma_start3A_27 = tpu.memref_slice %arg6[%dma_start3A_25, %dma_start3A_26] : memref<64x128xf32, #tpu.memory_space<vmem>> -> memref<32x128xf32, #tpu.memory_space<vmem>>
    %dma_start3A_28 = arith.constant 0 : i32
    %dma_start3A_29 = tpu.memref_slice %arg4[%dma_start3A_24, %mul3A_2, %dma_start3A_28] : memref<10x1024x128xf32, #tpu.memory_space<hbm>> -> memref<1x32x128xf32, #tpu.memory_space<hbm>>
    %dma_start3A_30 = tpu.memref_squeeze %dma_start3A_29 : memref<1x32x128xf32, #tpu.memory_space<hbm>> -> memref<32x128xf32, #tpu.memory_space<hbm>>
    %dma_start3A_31 = arith.constant 0 : i32
    %dma_start3A_32 = tpu.memref_slice %arg4[%dma_start3A_24, %mul3A_2, %dma_start3A_31] : memref<10x1024x128xf32, #tpu.memory_space<hbm>> -> memref<1x32x128xf32, #tpu.memory_space<hbm>>
    %dma_start3A_33 = tpu.memref_squeeze %dma_start3A_32 : memref<1x32x128xf32, #tpu.memory_space<hbm>> -> memref<32x128xf32, #tpu.memory_space<hbm>>
    %dma_start3A_34 = arith.constant 0 : i32
    %dma_start3A_35 = arith.constant 0 : i32
    %dma_start3A_36 = tpu.memref_slice %arg6[%dma_start3A_34, %dma_start3A_35] : memref<64x128xf32, #tpu.memory_space<vmem>> -> memref<32x128xf32, #tpu.memory_space<vmem>>
    tpu.enqueue_dma source(%dma_start3A_36 : memref<32x128xf32, #tpu.memory_space<vmem>>) target(%dma_start3A_33 : memref<32x128xf32, #tpu.memory_space<hbm>>) target_semaphore(%arg11 : memref<!tpu.dma_semaphore, #tpu.memory_space<semaphore_mem>>)
    %dma_start3A_37 = arith.constant 1 : i32
    %dma_start3A_38 = arith.constant 32 : i32
    %dma_start3A_39 = arith.constant 0 : i32
    %dma_start3A_40 = tpu.memref_slice %arg6[%dma_start3A_38, %dma_start3A_39] : memref<64x128xf32, #tpu.memory_space<vmem>> -> memref<32x128xf32, #tpu.memory_space<vmem>>
    %dma_start3A_41 = arith.constant 0 : i32
    %dma_start3A_42 = tpu.memref_slice %arg4[%dma_start3A_37, %mul3A_2, %dma_start3A_41] : memref<10x1024x128xf32, #tpu.memory_space<hbm>> -> memref<1x32x128xf32, #tpu.memory_space<hbm>>
    %dma_start3A_43 = tpu.memref_squeeze %dma_start3A_42 : memref<1x32x128xf32, #tpu.memory_space<hbm>> -> memref<32x128xf32, #tpu.memory_space<hbm>>
    %dma_start3A_44 = arith.constant 0 : i32
    %dma_start3A_45 = tpu.memref_slice %arg4[%dma_start3A_37, %mul3A_2, %dma_start3A_44] : memref<10x1024x128xf32, #tpu.memory_space<hbm>> -> memref<1x32x128xf32, #tpu.memory_space<hbm>>
    %dma_start3A_46 = tpu.memref_squeeze %dma_start3A_45 : memref<1x32x128xf32, #tpu.memory_space<hbm>> -> memref<32x128xf32, #tpu.memory_space<hbm>>
    %dma_start3A_47 = arith.constant 32 : i32
    %dma_start3A_48 = arith.constant 0 : i32
    %dma_start3A_49 = tpu.memref_slice %arg6[%dma_start3A_47, %dma_start3A_48] : memref<64x128xf32, #tpu.memory_space<vmem>> -> memref<32x128xf32, #tpu.memory_space<vmem>>
    tpu.enqueue_dma source(%dma_start3A_49 : memref<32x128xf32, #tpu.memory_space<vmem>>) target(%dma_start3A_46 : memref<32x128xf32, #tpu.memory_space<hbm>>) target_semaphore(%arg11 : memref<!tpu.dma_semaphore, #tpu.memory_space<semaphore_mem>>)
    %dma_wait3A_50 = arith.constant 0 : i32
    %dma_wait3A_51 = arith.constant 0 : i32
    %dma_wait3A_52 = arith.constant 0 : i32
    %dma_wait3A_53 = tpu.memref_slice %arg6[%dma_wait3A_51, %dma_wait3A_52] : memref<64x128xf32, #tpu.memory_space<vmem>> -> memref<32x128xf32, #tpu.memory_space<vmem>>
    %dma_wait3A_54 = arith.constant 0 : i32
    %dma_wait3A_55 = tpu.memref_slice %arg4[%dma_wait3A_50, %mul3A_2, %dma_wait3A_54] : memref<10x1024x128xf32, #tpu.memory_space<hbm>> -> memref<1x32x128xf32, #tpu.memory_space<hbm>>
    %dma_wait3A_56 = tpu.memref_squeeze %dma_wait3A_55 : memref<1x32x128xf32, #tpu.memory_space<hbm>> -> memref<32x128xf32, #tpu.memory_space<hbm>>
    %dma_wait3A_57 = arith.constant 0 : i32
    %dma_wait3A_58 = tpu.memref_slice %arg4[%dma_wait3A_50, %mul3A_2, %dma_wait3A_57] : memref<10x1024x128xf32, #tpu.memory_space<hbm>> -> memref<1x32x128xf32, #tpu.memory_space<hbm>>
    %dma_wait3A_59 = tpu.memref_squeeze %dma_wait3A_58 : memref<1x32x128xf32, #tpu.memory_space<hbm>> -> memref<32x128xf32, #tpu.memory_space<hbm>>
    %dma_wait3A_60 = arith.constant 0 : i32
    %dma_wait3A_61 = arith.constant 0 : i32
    %dma_wait3A_62 = tpu.memref_slice %arg6[%dma_wait3A_60, %dma_wait3A_61] : memref<64x128xf32, #tpu.memory_space<vmem>> -> memref<32x128xf32, #tpu.memory_space<vmem>>
    tpu.wait_dma2 semaphore(%arg11 : memref<!tpu.dma_semaphore, #tpu.memory_space<semaphore_mem>>) src(%dma_wait3A_62 : memref<32x128xf32, #tpu.memory_space<vmem>>) dst(%dma_wait3A_59 : memref<32x128xf32, #tpu.memory_space<hbm>>)
    %dma_wait3A_63 = arith.constant 1 : i32
    %dma_wait3A_64 = arith.constant 32 : i32
    %dma_wait3A_65 = arith.constant 0 : i32
    %dma_wait3A_66 = tpu.memref_slice %arg6[%dma_wait3A_64, %dma_wait3A_65] : memref<64x128xf32, #tpu.memory_space<vmem>> -> memref<32x128xf32, #tpu.memory_space<vmem>>
    %dma_wait3A_67 = arith.constant 0 : i32
    %dma_wait3A_68 = tpu.memref_slice %arg4[%dma_wait3A_63, %mul3A_2, %dma_wait3A_67] : memref<10x1024x128xf32, #tpu.memory_space<hbm>> -> memref<1x32x128xf32, #tpu.memory_space<hbm>>
    %dma_wait3A_69 = tpu.memref_squeeze %dma_wait3A_68 : memref<1x32x128xf32, #tpu.memory_space<hbm>> -> memref<32x128xf32, #tpu.memory_space<hbm>>
    %dma_wait3A_70 = arith.constant 0 : i32
    %dma_wait3A_71 = tpu.memref_slice %arg4[%dma_wait3A_63, %mul3A_2, %dma_wait3A_70] : memref<10x1024x128xf32, #tpu.memory_space<hbm>> -> memref<1x32x128xf32, #tpu.memory_space<hbm>>
    %dma_wait3A_72 = tpu.memref_squeeze %dma_wait3A_71 : memref<1x32x128xf32, #tpu.memory_space<hbm>> -> memref<32x128xf32, #tpu.memory_space<hbm>>
    %dma_wait3A_73 = arith.constant 32 : i32
    %dma_wait3A_74 = arith.constant 0 : i32
    %dma_wait3A_75 = tpu.memref_slice %arg6[%dma_wait3A_73, %dma_wait3A_74] : memref<64x128xf32, #tpu.memory_space<vmem>> -> memref<32x128xf32, #tpu.memory_space<vmem>>
    tpu.wait_dma2 semaphore(%arg11 : memref<!tpu.dma_semaphore, #tpu.memory_space<semaphore_mem>>) src(%dma_wait3A_75 : memref<32x128xf32, #tpu.memory_space<vmem>>) dst(%dma_wait3A_72 : memref<32x128xf32, #tpu.memory_space<hbm>>)
    %dma_start3A_76 = arith.constant 2 : i32
    %dma_start3A_77 = arith.constant 0 : i32
    %dma_start3A_78 = tpu.memref_slice %arg5[%dma_start3A_76, %dma_start3A_77] : memref<5x64xi32, #tpu.memory_space<vmem>> -> memref<1x64xi32, #tpu.memory_space<vmem>>
    %dma_start3A_79 = tpu.memref_squeeze %dma_start3A_78 : memref<1x64xi32, #tpu.memory_space<vmem>> -> memref<64xi32, #tpu.memory_space<vmem>>
    %dma_start3A_80 = arith.constant 0 : i32
    %dma_start3A_81 = arith.constant 0 : i32
    %dma_start3A_82 = tpu.memref_slice %arg8[%dma_start3A_80, %dma_start3A_81] : memref<1000x128xf32, #tpu.memory_space<vmem_shared>> -> memref<1000x128xf32, #tpu.memory_space<vmem_shared>>
    tpu.enqueue_indirect_dma source(%dma_start3A_82 : memref<1000x128xf32, #tpu.memory_space<vmem_shared>>) target(%arg6 : memref<64x128xf32, #tpu.memory_space<vmem>>) offsets(%dma_start3A_79 : memref<64xi32, #tpu.memory_space<vmem>>) semaphore(%arg9 : memref<!tpu.dma_semaphore, #tpu.memory_space<semaphore_mem>>)
    %dma_wait3A_83 = arith.constant 1 : i32
    %dma_wait3A_84 = arith.constant 0 : i32
    %dma_wait3A_85 = tpu.memref_slice %arg5[%dma_wait3A_83, %dma_wait3A_84] : memref<5x64xi32, #tpu.memory_space<vmem>> -> memref<1x64xi32, #tpu.memory_space<vmem>>
    %dma_wait3A_86 = tpu.memref_squeeze %dma_wait3A_85 : memref<1x64xi32, #tpu.memory_space<vmem>> -> memref<64xi32, #tpu.memory_space<vmem>>
    %dma_wait3A_87 = arith.constant 0 : i32
    %dma_wait3A_88 = arith.constant 0 : i32
    %dma_wait3A_89 = tpu.memref_slice %arg8[%dma_wait3A_87, %dma_wait3A_88] : memref<1000x128xf32, #tpu.memory_space<vmem_shared>> -> memref<1000x128xf32, #tpu.memory_space<vmem_shared>>
    tpu.wait_indirect_dma semaphore(%arg10 : memref<!tpu.dma_semaphore, #tpu.memory_space<semaphore_mem>>) src(%dma_wait3A_89 : memref<1000x128xf32, #tpu.memory_space<vmem_shared>>) dst(%arg7 : memref<64x128xf32, #tpu.memory_space<vmem>>)
    %dma_start3A_90 = arith.constant 2 : i32
    %dma_start3A_91 = arith.constant 0 : i32
    %dma_start3A_92 = arith.constant 0 : i32
    %dma_start3A_93 = tpu.memref_slice %arg7[%dma_start3A_91, %dma_start3A_92] : memref<64x128xf32, #tpu.memory_space<vmem>> -> memref<32x128xf32, #tpu.memory_space<vmem>>
    %dma_start3A_94 = arith.constant 0 : i32
    %dma_start3A_95 = tpu.memref_slice %arg4[%dma_start3A_90, %mul3A_2, %dma_start3A_94] : memref<10x1024x128xf32, #tpu.memory_space<hbm>> -> memref<1x32x128xf32, #tpu.memory_space<hbm>>
    %dma_start3A_96 = tpu.memref_squeeze %dma_start3A_95 : memref<1x32x128xf32, #tpu.memory_space<hbm>> -> memref<32x128xf32, #tpu.memory_space<hbm>>
    %dma_start3A_97 = arith.constant 0 : i32
    %dma_start3A_98 = tpu.memref_slice %arg4[%dma_start3A_90, %mul3A_2, %dma_start3A_97] : memref<10x1024x128xf32, #tpu.memory_space<hbm>> -> memref<1x32x128xf32, #tpu.memory_space<hbm>>
    %dma_start3A_99 = tpu.memref_squeeze %dma_start3A_98 : memref<1x32x128xf32, #tpu.memory_space<hbm>> -> memref<32x128xf32, #tpu.memory_space<hbm>>
    %dma_start3A_100 = arith.constant 0 : i32
    %dma_start3A_101 = arith.constant 0 : i32
    %dma_start3A_102 = tpu.memref_slice %arg7[%dma_start3A_100, %dma_start3A_101] : memref<64x128xf32, #tpu.memory_space<vmem>> -> memref<32x128xf32, #tpu.memory_space<vmem>>
    tpu.enqueue_dma source(%dma_start3A_102 : memref<32x128xf32, #tpu.memory_space<vmem>>) target(%dma_start3A_99 : memref<32x128xf32, #tpu.memory_space<hbm>>) target_semaphore(%arg12 : memref<!tpu.dma_semaphore, #tpu.memory_space<semaphore_mem>>)
    %dma_start3A_103 = arith.constant 3 : i32
    %dma_start3A_104 = arith.constant 32 : i32
    %dma_start3A_105 = arith.constant 0 : i32
    %dma_start3A_106 = tpu.memref_slice %arg7[%dma_start3A_104, %dma_start3A_105] : memref<64x128xf32, #tpu.memory_space<vmem>> -> memref<32x128xf32, #tpu.memory_space<vmem>>
    %dma_start3A_107 = arith.constant 0 : i32
    %dma_start3A_108 = tpu.memref_slice %arg4[%dma_start3A_103, %mul3A_2, %dma_start3A_107] : memref<10x1024x128xf32, #tpu.memory_space<hbm>> -> memref<1x32x128xf32, #tpu.memory_space<hbm>>
    %dma_start3A_109 = tpu.memref_squeeze %dma_start3A_108 : memref<1x32x128xf32, #tpu.memory_space<hbm>> -> memref<32x128xf32, #tpu.memory_space<hbm>>
    %dma_start3A_110 = arith.constant 0 : i32
    %dma_start3A_111 = tpu.memref_slice %arg4[%dma_start3A_103, %mul3A_2, %dma_start3A_110] : memref<10x1024x128xf32, #tpu.memory_space<hbm>> -> memref<1x32x128xf32, #tpu.memory_space<hbm>>
    %dma_start3A_112 = tpu.memref_squeeze %dma_start3A_111 : memref<1x32x128xf32, #tpu.memory_space<hbm>> -> memref<32x128xf32, #tpu.memory_space<hbm>>
    %dma_start3A_113 = arith.constant 32 : i32
    %dma_start3A_114 = arith.constant 0 : i32
    %dma_start3A_115 = tpu.memref_slice %arg7[%dma_start3A_113, %dma_start3A_114] : memref<64x128xf32, #tpu.memory_space<vmem>> -> memref<32x128xf32, #tpu.memory_space<vmem>>
    tpu.enqueue_dma source(%dma_start3A_115 : memref<32x128xf32, #tpu.memory_space<vmem>>) target(%dma_start3A_112 : memref<32x128xf32, #tpu.memory_space<hbm>>) target_semaphore(%arg12 : memref<!tpu.dma_semaphore, #tpu.memory_space<semaphore_mem>>)
    %dma_wait3A_116 = arith.constant 2 : i32
    %dma_wait3A_117 = arith.constant 0 : i32
    %dma_wait3A_118 = arith.constant 0 : i32
    %dma_wait3A_119 = tpu.memref_slice %arg7[%dma_wait3A_117, %dma_wait3A_118] : memref<64x128xf32, #tpu.memory_space<vmem>> -> memref<32x128xf32, #tpu.memory_space<vmem>>
    %dma_wait3A_120 = arith.constant 0 : i32
    %dma_wait3A_121 = tpu.memref_slice %arg4[%dma_wait3A_116, %mul3A_2, %dma_wait3A_120] : memref<10x1024x128xf32, #tpu.memory_space<hbm>> -> memref<1x32x128xf32, #tpu.memory_space<hbm>>
    %dma_wait3A_122 = tpu.memref_squeeze %dma_wait3A_121 : memref<1x32x128xf32, #tpu.memory_space<hbm>> -> memref<32x128xf32, #tpu.memory_space<hbm>>
    %dma_wait3A_123 = arith.constant 0 : i32
    %dma_wait3A_124 = tpu.memref_slice %arg4[%dma_wait3A_116, %mul3A_2, %dma_wait3A_123] : memref<10x1024x128xf32, #tpu.memory_space<hbm>> -> memref<1x32x128xf32, #tpu.memory_space<hbm>>
    %dma_wait3A_125 = tpu.memref_squeeze %dma_wait3A_124 : memref<1x32x128xf32, #tpu.memory_space<hbm>> -> memref<32x128xf32, #tpu.memory_space<hbm>>
    %dma_wait3A_126 = arith.constant 0 : i32
    %dma_wait3A_127 = arith.constant 0 : i32
    %dma_wait3A_128 = tpu.memref_slice %arg7[%dma_wait3A_126, %dma_wait3A_127] : memref<64x128xf32, #tpu.memory_space<vmem>> -> memref<32x128xf32, #tpu.memory_space<vmem>>
    tpu.wait_dma2 semaphore(%arg12 : memref<!tpu.dma_semaphore, #tpu.memory_space<semaphore_mem>>) src(%dma_wait3A_128 : memref<32x128xf32, #tpu.memory_space<vmem>>) dst(%dma_wait3A_125 : memref<32x128xf32, #tpu.memory_space<hbm>>)
    %dma_wait3A_129 = arith.constant 3 : i32
    %dma_wait3A_130 = arith.constant 32 : i32
    %dma_wait3A_131 = arith.constant 0 : i32
    %dma_wait3A_132 = tpu.memref_slice %arg7[%dma_wait3A_130, %dma_wait3A_131] : memref<64x128xf32, #tpu.memory_space<vmem>> -> memref<32x128xf32, #tpu.memory_space<vmem>>
    %dma_wait3A_133 = arith.constant 0 : i32
    %dma_wait3A_134 = tpu.memref_slice %arg4[%dma_wait3A_129, %mul3A_2, %dma_wait3A_133] : memref<10x1024x128xf32, #tpu.memory_space<hbm>> -> memref<1x32x128xf32, #tpu.memory_space<hbm>>
    %dma_wait3A_135 = tpu.memref_squeeze %dma_wait3A_134 : memref<1x32x128xf32, #tpu.memory_space<hbm>> -> memref<32x128xf32, #tpu.memory_space<hbm>>
    %dma_wait3A_136 = arith.constant 0 : i32
    %dma_wait3A_137 = tpu.memref_slice %arg4[%dma_wait3A_129, %mul3A_2, %dma_wait3A_136] : memref<10x1024x128xf32, #tpu.memory_space<hbm>> -> memref<1x32x128xf32, #tpu.memory_space<hbm>>
    %dma_wait3A_138 = tpu.memref_squeeze %dma_wait3A_137 : memref<1x32x128xf32, #tpu.memory_space<hbm>> -> memref<32x128xf32, #tpu.memory_space<hbm>>
    %dma_wait3A_139 = arith.constant 32 : i32
    %dma_wait3A_140 = arith.constant 0 : i32
    %dma_wait3A_141 = tpu.memref_slice %arg7[%dma_wait3A_139, %dma_wait3A_140] : memref<64x128xf32, #tpu.memory_space<vmem>> -> memref<32x128xf32, #tpu.memory_space<vmem>>
    tpu.wait_dma2 semaphore(%arg12 : memref<!tpu.dma_semaphore, #tpu.memory_space<semaphore_mem>>) src(%dma_wait3A_141 : memref<32x128xf32, #tpu.memory_space<vmem>>) dst(%dma_wait3A_138 : memref<32x128xf32, #tpu.memory_space<hbm>>)
    %dma_start3A_142 = arith.constant 3 : i32
    %dma_start3A_143 = arith.constant 0 : i32
    %dma_start3A_144 = tpu.memref_slice %arg5[%dma_start3A_142, %dma_start3A_143] : memref<5x64xi32, #tpu.memory_space<vmem>> -> memref<1x64xi32, #tpu.memory_space<vmem>>
    %dma_start3A_145 = tpu.memref_squeeze %dma_start3A_144 : memref<1x64xi32, #tpu.memory_space<vmem>> -> memref<64xi32, #tpu.memory_space<vmem>>
    %dma_start3A_146 = arith.constant 0 : i32
    %dma_start3A_147 = arith.constant 0 : i32
    %dma_start3A_148 = tpu.memref_slice %arg8[%dma_start3A_146, %dma_start3A_147] : memref<1000x128xf32, #tpu.memory_space<vmem_shared>> -> memref<1000x128xf32, #tpu.memory_space<vmem_shared>>
    tpu.enqueue_indirect_dma source(%dma_start3A_148 : memref<1000x128xf32, #tpu.memory_space<vmem_shared>>) target(%arg7 : memref<64x128xf32, #tpu.memory_space<vmem>>) offsets(%dma_start3A_145 : memref<64xi32, #tpu.memory_space<vmem>>) semaphore(%arg10 : memref<!tpu.dma_semaphore, #tpu.memory_space<semaphore_mem>>)
    %dma_wait3A_149 = arith.constant 2 : i32
    %dma_wait3A_150 = arith.constant 0 : i32
    %dma_wait3A_151 = tpu.memref_slice %arg5[%dma_wait3A_149, %dma_wait3A_150] : memref<5x64xi32, #tpu.memory_space<vmem>> -> memref<1x64xi32, #tpu.memory_space<vmem>>
    %dma_wait3A_152 = tpu.memref_squeeze %dma_wait3A_151 : memref<1x64xi32, #tpu.memory_space<vmem>> -> memref<64xi32, #tpu.memory_space<vmem>>
    %dma_wait3A_153 = arith.constant 0 : i32
    %dma_wait3A_154 = arith.constant 0 : i32
    %dma_wait3A_155 = tpu.memref_slice %arg8[%dma_wait3A_153, %dma_wait3A_154] : memref<1000x128xf32, #tpu.memory_space<vmem_shared>> -> memref<1000x128xf32, #tpu.memory_space<vmem_shared>>
    tpu.wait_indirect_dma semaphore(%arg9 : memref<!tpu.dma_semaphore, #tpu.memory_space<semaphore_mem>>) src(%dma_wait3A_155 : memref<1000x128xf32, #tpu.memory_space<vmem_shared>>) dst(%arg6 : memref<64x128xf32, #tpu.memory_space<vmem>>)
    %dma_start3A_156 = arith.constant 4 : i32
    %dma_start3A_157 = arith.constant 0 : i32
    %dma_start3A_158 = arith.constant 0 : i32
    %dma_start3A_159 = tpu.memref_slice %arg6[%dma_start3A_157, %dma_start3A_158] : memref<64x128xf32, #tpu.memory_space<vmem>> -> memref<32x128xf32, #tpu.memory_space<vmem>>
    %dma_start3A_160 = arith.constant 0 : i32
    %dma_start3A_161 = tpu.memref_slice %arg4[%dma_start3A_156, %mul3A_2, %dma_start3A_160] : memref<10x1024x128xf32, #tpu.memory_space<hbm>> -> memref<1x32x128xf32, #tpu.memory_space<hbm>>
    %dma_start3A_162 = tpu.memref_squeeze %dma_start3A_161 : memref<1x32x128xf32, #tpu.memory_space<hbm>> -> memref<32x128xf32, #tpu.memory_space<hbm>>
    %dma_start3A_163 = arith.constant 0 : i32
    %dma_start3A_164 = tpu.memref_slice %arg4[%dma_start3A_156, %mul3A_2, %dma_start3A_163] : memref<10x1024x128xf32, #tpu.memory_space<hbm>> -> memref<1x32x128xf32, #tpu.memory_space<hbm>>
    %dma_start3A_165 = tpu.memref_squeeze %dma_start3A_164 : memref<1x32x128xf32, #tpu.memory_space<hbm>> -> memref<32x128xf32, #tpu.memory_space<hbm>>
    %dma_start3A_166 = arith.constant 0 : i32
    %dma_start3A_167 = arith.constant 0 : i32
    %dma_start3A_168 = tpu.memref_slice %arg6[%dma_start3A_166, %dma_start3A_167] : memref<64x128xf32, #tpu.memory_space<vmem>> -> memref<32x128xf32, #tpu.memory_space<vmem>>
    tpu.enqueue_dma source(%dma_start3A_168 : memref<32x128xf32, #tpu.memory_space<vmem>>) target(%dma_start3A_165 : memref<32x128xf32, #tpu.memory_space<hbm>>) target_semaphore(%arg11 : memref<!tpu.dma_semaphore, #tpu.memory_space<semaphore_mem>>)
    %dma_start3A_169 = arith.constant 5 : i32
    %dma_start3A_170 = arith.constant 32 : i32
    %dma_start3A_171 = arith.constant 0 : i32
    %dma_start3A_172 = tpu.memref_slice %arg6[%dma_start3A_170, %dma_start3A_171] : memref<64x128xf32, #tpu.memory_space<vmem>> -> memref<32x128xf32, #tpu.memory_space<vmem>>
    %dma_start3A_173 = arith.constant 0 : i32
    %dma_start3A_174 = tpu.memref_slice %arg4[%dma_start3A_169, %mul3A_2, %dma_start3A_173] : memref<10x1024x128xf32, #tpu.memory_space<hbm>> -> memref<1x32x128xf32, #tpu.memory_space<hbm>>
    %dma_start3A_175 = tpu.memref_squeeze %dma_start3A_174 : memref<1x32x128xf32, #tpu.memory_space<hbm>> -> memref<32x128xf32, #tpu.memory_space<hbm>>
    %dma_start3A_176 = arith.constant 0 : i32
    %dma_start3A_177 = tpu.memref_slice %arg4[%dma_start3A_169, %mul3A_2, %dma_start3A_176] : memref<10x1024x128xf32, #tpu.memory_space<hbm>> -> memref<1x32x128xf32, #tpu.memory_space<hbm>>
    %dma_start3A_178 = tpu.memref_squeeze %dma_start3A_177 : memref<1x32x128xf32, #tpu.memory_space<hbm>> -> memref<32x128xf32, #tpu.memory_space<hbm>>
    %dma_start3A_179 = arith.constant 32 : i32
    %dma_start3A_180 = arith.constant 0 : i32
    %dma_start3A_181 = tpu.memref_slice %arg6[%dma_start3A_179, %dma_start3A_180] : memref<64x128xf32, #tpu.memory_space<vmem>> -> memref<32x128xf32, #tpu.memory_space<vmem>>
    tpu.enqueue_dma source(%dma_start3A_181 : memref<32x128xf32, #tpu.memory_space<vmem>>) target(%dma_start3A_178 : memref<32x128xf32, #tpu.memory_space<hbm>>) target_semaphore(%arg11 : memref<!tpu.dma_semaphore, #tpu.memory_space<semaphore_mem>>)
    %dma_wait3A_182 = arith.constant 4 : i32
    %dma_wait3A_183 = arith.constant 0 : i32
    %dma_wait3A_184 = arith.constant 0 : i32
    %dma_wait3A_185 = tpu.memref_slice %arg6[%dma_wait3A_183, %dma_wait3A_184] : memref<64x128xf32, #tpu.memory_space<vmem>> -> memref<32x128xf32, #tpu.memory_space<vmem>>
    %dma_wait3A_186 = arith.constant 0 : i32
    %dma_wait3A_187 = tpu.memref_slice %arg4[%dma_wait3A_182, %mul3A_2, %dma_wait3A_186] : memref<10x1024x128xf32, #tpu.memory_space<hbm>> -> memref<1x32x128xf32, #tpu.memory_space<hbm>>
    %dma_wait3A_188 = tpu.memref_squeeze %dma_wait3A_187 : memref<1x32x128xf32, #tpu.memory_space<hbm>> -> memref<32x128xf32, #tpu.memory_space<hbm>>
    %dma_wait3A_189 = arith.constant 0 : i32
    %dma_wait3A_190 = tpu.memref_slice %arg4[%dma_wait3A_182, %mul3A_2, %dma_wait3A_189] : memref<10x1024x128xf32, #tpu.memory_space<hbm>> -> memref<1x32x128xf32, #tpu.memory_space<hbm>>
    %dma_wait3A_191 = tpu.memref_squeeze %dma_wait3A_190 : memref<1x32x128xf32, #tpu.memory_space<hbm>> -> memref<32x128xf32, #tpu.memory_space<hbm>>
    %dma_wait3A_192 = arith.constant 0 : i32
    %dma_wait3A_193 = arith.constant 0 : i32
    %dma_wait3A_194 = tpu.memref_slice %arg6[%dma_wait3A_192, %dma_wait3A_193] : memref<64x128xf32, #tpu.memory_space<vmem>> -> memref<32x128xf32, #tpu.memory_space<vmem>>
    tpu.wait_dma2 semaphore(%arg11 : memref<!tpu.dma_semaphore, #tpu.memory_space<semaphore_mem>>) src(%dma_wait3A_194 : memref<32x128xf32, #tpu.memory_space<vmem>>) dst(%dma_wait3A_191 : memref<32x128xf32, #tpu.memory_space<hbm>>)
    %dma_wait3A_195 = arith.constant 5 : i32
    %dma_wait3A_196 = arith.constant 32 : i32
    %dma_wait3A_197 = arith.constant 0 : i32
    %dma_wait3A_198 = tpu.memref_slice %arg6[%dma_wait3A_196, %dma_wait3A_197] : memref<64x128xf32, #tpu.memory_space<vmem>> -> memref<32x128xf32, #tpu.memory_space<vmem>>
    %dma_wait3A_199 = arith.constant 0 : i32
    %dma_wait3A_200 = tpu.memref_slice %arg4[%dma_wait3A_195, %mul3A_2, %dma_wait3A_199] : memref<10x1024x128xf32, #tpu.memory_space<hbm>> -> memref<1x32x128xf32, #tpu.memory_space<hbm>>
    %dma_wait3A_201 = tpu.memref_squeeze %dma_wait3A_200 : memref<1x32x128xf32, #tpu.memory_space<hbm>> -> memref<32x128xf32, #tpu.memory_space<hbm>>
    %dma_wait3A_202 = arith.constant 0 : i32
    %dma_wait3A_203 = tpu.memref_slice %arg4[%dma_wait3A_195, %mul3A_2, %dma_wait3A_202] : memref<10x1024x128xf32, #tpu.memory_space<hbm>> -> memref<1x32x128xf32, #tpu.memory_space<hbm>>
    %dma_wait3A_204 = tpu.memref_squeeze %dma_wait3A_203 : memref<1x32x128xf32, #tpu.memory_space<hbm>> -> memref<32x128xf32, #tpu.memory_space<hbm>>
    %dma_wait3A_205 = arith.constant 32 : i32
    %dma_wait3A_206 = arith.constant 0 : i32
    %dma_wait3A_207 = tpu.memref_slice %arg6[%dma_wait3A_205, %dma_wait3A_206] : memref<64x128xf32, #tpu.memory_space<vmem>> -> memref<32x128xf32, #tpu.memory_space<vmem>>
    tpu.wait_dma2 semaphore(%arg11 : memref<!tpu.dma_semaphore, #tpu.memory_space<semaphore_mem>>) src(%dma_wait3A_207 : memref<32x128xf32, #tpu.memory_space<vmem>>) dst(%dma_wait3A_204 : memref<32x128xf32, #tpu.memory_space<hbm>>)
    %dma_start3A_208 = arith.constant 4 : i32
    %dma_start3A_209 = arith.constant 0 : i32
    %dma_start3A_210 = tpu.memref_slice %arg5[%dma_start3A_208, %dma_start3A_209] : memref<5x64xi32, #tpu.memory_space<vmem>> -> memref<1x64xi32, #tpu.memory_space<vmem>>
    %dma_start3A_211 = tpu.memref_squeeze %dma_start3A_210 : memref<1x64xi32, #tpu.memory_space<vmem>> -> memref<64xi32, #tpu.memory_space<vmem>>
    %dma_start3A_212 = arith.constant 0 : i32
    %dma_start3A_213 = arith.constant 0 : i32
    %dma_start3A_214 = tpu.memref_slice %arg8[%dma_start3A_212, %dma_start3A_213] : memref<1000x128xf32, #tpu.memory_space<vmem_shared>> -> memref<1000x128xf32, #tpu.memory_space<vmem_shared>>
    tpu.enqueue_indirect_dma source(%dma_start3A_214 : memref<1000x128xf32, #tpu.memory_space<vmem_shared>>) target(%arg6 : memref<64x128xf32, #tpu.memory_space<vmem>>) offsets(%dma_start3A_211 : memref<64xi32, #tpu.memory_space<vmem>>) semaphore(%arg9 : memref<!tpu.dma_semaphore, #tpu.memory_space<semaphore_mem>>)
    %dma_wait3A_215 = arith.constant 3 : i32
    %dma_wait3A_216 = arith.constant 0 : i32
    %dma_wait3A_217 = tpu.memref_slice %arg5[%dma_wait3A_215, %dma_wait3A_216] : memref<5x64xi32, #tpu.memory_space<vmem>> -> memref<1x64xi32, #tpu.memory_space<vmem>>
    %dma_wait3A_218 = tpu.memref_squeeze %dma_wait3A_217 : memref<1x64xi32, #tpu.memory_space<vmem>> -> memref<64xi32, #tpu.memory_space<vmem>>
    %dma_wait3A_219 = arith.constant 0 : i32
    %dma_wait3A_220 = arith.constant 0 : i32
    %dma_wait3A_221 = tpu.memref_slice %arg8[%dma_wait3A_219, %dma_wait3A_220] : memref<1000x128xf32, #tpu.memory_space<vmem_shared>> -> memref<1000x128xf32, #tpu.memory_space<vmem_shared>>
    tpu.wait_indirect_dma semaphore(%arg10 : memref<!tpu.dma_semaphore, #tpu.memory_space<semaphore_mem>>) src(%dma_wait3A_221 : memref<1000x128xf32, #tpu.memory_space<vmem_shared>>) dst(%arg7 : memref<64x128xf32, #tpu.memory_space<vmem>>)
    %dma_start3A_222 = arith.constant 6 : i32
    %dma_start3A_223 = arith.constant 0 : i32
    %dma_start3A_224 = arith.constant 0 : i32
    %dma_start3A_225 = tpu.memref_slice %arg7[%dma_start3A_223, %dma_start3A_224] : memref<64x128xf32, #tpu.memory_space<vmem>> -> memref<32x128xf32, #tpu.memory_space<vmem>>
    %dma_start3A_226 = arith.constant 0 : i32
    %dma_start3A_227 = tpu.memref_slice %arg4[%dma_start3A_222, %mul3A_2, %dma_start3A_226] : memref<10x1024x128xf32, #tpu.memory_space<hbm>> -> memref<1x32x128xf32, #tpu.memory_space<hbm>>
    %dma_start3A_228 = tpu.memref_squeeze %dma_start3A_227 : memref<1x32x128xf32, #tpu.memory_space<hbm>> -> memref<32x128xf32, #tpu.memory_space<hbm>>
    %dma_start3A_229 = arith.constant 0 : i32
    %dma_start3A_230 = tpu.memref_slice %arg4[%dma_start3A_222, %mul3A_2, %dma_start3A_229] : memref<10x1024x128xf32, #tpu.memory_space<hbm>> -> memref<1x32x128xf32, #tpu.memory_space<hbm>>
    %dma_start3A_231 = tpu.memref_squeeze %dma_start3A_230 : memref<1x32x128xf32, #tpu.memory_space<hbm>> -> memref<32x128xf32, #tpu.memory_space<hbm>>
    %dma_start3A_232 = arith.constant 0 : i32
    %dma_start3A_233 = arith.constant 0 : i32
    %dma_start3A_234 = tpu.memref_slice %arg7[%dma_start3A_232, %dma_start3A_233] : memref<64x128xf32, #tpu.memory_space<vmem>> -> memref<32x128xf32, #tpu.memory_space<vmem>>
    tpu.enqueue_dma source(%dma_start3A_234 : memref<32x128xf32, #tpu.memory_space<vmem>>) target(%dma_start3A_231 : memref<32x128xf32, #tpu.memory_space<hbm>>) target_semaphore(%arg12 : memref<!tpu.dma_semaphore, #tpu.memory_space<semaphore_mem>>)
    %dma_start3A_235 = arith.constant 7 : i32
    %dma_start3A_236 = arith.constant 32 : i32
    %dma_start3A_237 = arith.constant 0 : i32
    %dma_start3A_238 = tpu.memref_slice %arg7[%dma_start3A_236, %dma_start3A_237] : memref<64x128xf32, #tpu.memory_space<vmem>> -> memref<32x128xf32, #tpu.memory_space<vmem>>
    %dma_start3A_239 = arith.constant 0 : i32
    %dma_start3A_240 = tpu.memref_slice %arg4[%dma_start3A_235, %mul3A_2, %dma_start3A_239] : memref<10x1024x128xf32, #tpu.memory_space<hbm>> -> memref<1x32x128xf32, #tpu.memory_space<hbm>>
    %dma_start3A_241 = tpu.memref_squeeze %dma_start3A_240 : memref<1x32x128xf32, #tpu.memory_space<hbm>> -> memref<32x128xf32, #tpu.memory_space<hbm>>
    %dma_start3A_242 = arith.constant 0 : i32
    %dma_start3A_243 = tpu.memref_slice %arg4[%dma_start3A_235, %mul3A_2, %dma_start3A_242] : memref<10x1024x128xf32, #tpu.memory_space<hbm>> -> memref<1x32x128xf32, #tpu.memory_space<hbm>>
    %dma_start3A_244 = tpu.memref_squeeze %dma_start3A_243 : memref<1x32x128xf32, #tpu.memory_space<hbm>> -> memref<32x128xf32, #tpu.memory_space<hbm>>
    %dma_start3A_245 = arith.constant 32 : i32
    %dma_start3A_246 = arith.constant 0 : i32
    %dma_start3A_247 = tpu.memref_slice %arg7[%dma_start3A_245, %dma_start3A_246] : memref<64x128xf32, #tpu.memory_space<vmem>> -> memref<32x128xf32, #tpu.memory_space<vmem>>
    tpu.enqueue_dma source(%dma_start3A_247 : memref<32x128xf32, #tpu.memory_space<vmem>>) target(%dma_start3A_244 : memref<32x128xf32, #tpu.memory_space<hbm>>) target_semaphore(%arg12 : memref<!tpu.dma_semaphore, #tpu.memory_space<semaphore_mem>>)
    %dma_wait3A_248 = arith.constant 4 : i32
    %dma_wait3A_249 = arith.constant 0 : i32
    %dma_wait3A_250 = tpu.memref_slice %arg5[%dma_wait3A_248, %dma_wait3A_249] : memref<5x64xi32, #tpu.memory_space<vmem>> -> memref<1x64xi32, #tpu.memory_space<vmem>>
    %dma_wait3A_251 = tpu.memref_squeeze %dma_wait3A_250 : memref<1x64xi32, #tpu.memory_space<vmem>> -> memref<64xi32, #tpu.memory_space<vmem>>
    %dma_wait3A_252 = arith.constant 0 : i32
    %dma_wait3A_253 = arith.constant 0 : i32
    %dma_wait3A_254 = tpu.memref_slice %arg8[%dma_wait3A_252, %dma_wait3A_253] : memref<1000x128xf32, #tpu.memory_space<vmem_shared>> -> memref<1000x128xf32, #tpu.memory_space<vmem_shared>>
    tpu.wait_indirect_dma semaphore(%arg9 : memref<!tpu.dma_semaphore, #tpu.memory_space<semaphore_mem>>) src(%dma_wait3A_254 : memref<1000x128xf32, #tpu.memory_space<vmem_shared>>) dst(%arg6 : memref<64x128xf32, #tpu.memory_space<vmem>>)
    %dma_start3A_255 = arith.constant 8 : i32
    %dma_start3A_256 = arith.constant 0 : i32
    %dma_start3A_257 = arith.constant 0 : i32
    %dma_start3A_258 = tpu.memref_slice %arg6[%dma_start3A_256, %dma_start3A_257] : memref<64x128xf32, #tpu.memory_space<vmem>> -> memref<32x128xf32, #tpu.memory_space<vmem>>
    %dma_start3A_259 = arith.constant 0 : i32
    %dma_start3A_260 = tpu.memref_slice %arg4[%dma_start3A_255, %mul3A_2, %dma_start3A_259] : memref<10x1024x128xf32, #tpu.memory_space<hbm>> -> memref<1x32x128xf32, #tpu.memory_space<hbm>>
    %dma_start3A_261 = tpu.memref_squeeze %dma_start3A_260 : memref<1x32x128xf32, #tpu.memory_space<hbm>> -> memref<32x128xf32, #tpu.memory_space<hbm>>
    %dma_start3A_262 = arith.constant 0 : i32
    %dma_start3A_263 = tpu.memref_slice %arg4[%dma_start3A_255, %mul3A_2, %dma_start3A_262] : memref<10x1024x128xf32, #tpu.memory_space<hbm>> -> memref<1x32x128xf32, #tpu.memory_space<hbm>>
    %dma_start3A_264 = tpu.memref_squeeze %dma_start3A_263 : memref<1x32x128xf32, #tpu.memory_space<hbm>> -> memref<32x128xf32, #tpu.memory_space<hbm>>
    %dma_start3A_265 = arith.constant 0 : i32
    %dma_start3A_266 = arith.constant 0 : i32
    %dma_start3A_267 = tpu.memref_slice %arg6[%dma_start3A_265, %dma_start3A_266] : memref<64x128xf32, #tpu.memory_space<vmem>> -> memref<32x128xf32, #tpu.memory_space<vmem>>
    tpu.enqueue_dma source(%dma_start3A_267 : memref<32x128xf32, #tpu.memory_space<vmem>>) target(%dma_start3A_264 : memref<32x128xf32, #tpu.memory_space<hbm>>) target_semaphore(%arg11 : memref<!tpu.dma_semaphore, #tpu.memory_space<semaphore_mem>>)
    %dma_start3A_268 = arith.constant 9 : i32
    %dma_start3A_269 = arith.constant 32 : i32
    %dma_start3A_270 = arith.constant 0 : i32
    %dma_start3A_271 = tpu.memref_slice %arg6[%dma_start3A_269, %dma_start3A_270] : memref<64x128xf32, #tpu.memory_space<vmem>> -> memref<32x128xf32, #tpu.memory_space<vmem>>
    %dma_start3A_272 = arith.constant 0 : i32
    %dma_start3A_273 = tpu.memref_slice %arg4[%dma_start3A_268, %mul3A_2, %dma_start3A_272] : memref<10x1024x128xf32, #tpu.memory_space<hbm>> -> memref<1x32x128xf32, #tpu.memory_space<hbm>>
    %dma_start3A_274 = tpu.memref_squeeze %dma_start3A_273 : memref<1x32x128xf32, #tpu.memory_space<hbm>> -> memref<32x128xf32, #tpu.memory_space<hbm>>
    %dma_start3A_275 = arith.constant 0 : i32
    %dma_start3A_276 = tpu.memref_slice %arg4[%dma_start3A_268, %mul3A_2, %dma_start3A_275] : memref<10x1024x128xf32, #tpu.memory_space<hbm>> -> memref<1x32x128xf32, #tpu.memory_space<hbm>>
    %dma_start3A_277 = tpu.memref_squeeze %dma_start3A_276 : memref<1x32x128xf32, #tpu.memory_space<hbm>> -> memref<32x128xf32, #tpu.memory_space<hbm>>
    %dma_start3A_278 = arith.constant 32 : i32
    %dma_start3A_279 = arith.constant 0 : i32
    %dma_start3A_280 = tpu.memref_slice %arg6[%dma_start3A_278, %dma_start3A_279] : memref<64x128xf32, #tpu.memory_space<vmem>> -> memref<32x128xf32, #tpu.memory_space<vmem>>
    tpu.enqueue_dma source(%dma_start3A_280 : memref<32x128xf32, #tpu.memory_space<vmem>>) target(%dma_start3A_277 : memref<32x128xf32, #tpu.memory_space<hbm>>) target_semaphore(%arg11 : memref<!tpu.dma_semaphore, #tpu.memory_space<semaphore_mem>>)
    %dma_wait3A_281 = arith.constant 6 : i32
    %dma_wait3A_282 = arith.constant 0 : i32
    %dma_wait3A_283 = arith.constant 0 : i32
    %dma_wait3A_284 = tpu.memref_slice %arg7[%dma_wait3A_282, %dma_wait3A_283] : memref<64x128xf32, #tpu.memory_space<vmem>> -> memref<32x128xf32, #tpu.memory_space<vmem>>
    %dma_wait3A_285 = arith.constant 0 : i32
    %dma_wait3A_286 = tpu.memref_slice %arg4[%dma_wait3A_281, %mul3A_2, %dma_wait3A_285] : memref<10x1024x128xf32, #tpu.memory_space<hbm>> -> memref<1x32x128xf32, #tpu.memory_space<hbm>>
    %dma_wait3A_287 = tpu.memref_squeeze %dma_wait3A_286 : memref<1x32x128xf32, #tpu.memory_space<hbm>> -> memref<32x128xf32, #tpu.memory_space<hbm>>
    %dma_wait3A_288 = arith.constant 0 : i32
    %dma_wait3A_289 = tpu.memref_slice %arg4[%dma_wait3A_281, %mul3A_2, %dma_wait3A_288] : memref<10x1024x128xf32, #tpu.memory_space<hbm>> -> memref<1x32x128xf32, #tpu.memory_space<hbm>>
    %dma_wait3A_290 = tpu.memref_squeeze %dma_wait3A_289 : memref<1x32x128xf32, #tpu.memory_space<hbm>> -> memref<32x128xf32, #tpu.memory_space<hbm>>
    %dma_wait3A_291 = arith.constant 0 : i32
    %dma_wait3A_292 = arith.constant 0 : i32
    %dma_wait3A_293 = tpu.memref_slice %arg7[%dma_wait3A_291, %dma_wait3A_292] : memref<64x128xf32, #tpu.memory_space<vmem>> -> memref<32x128xf32, #tpu.memory_space<vmem>>
    tpu.wait_dma2 semaphore(%arg12 : memref<!tpu.dma_semaphore, #tpu.memory_space<semaphore_mem>>) src(%dma_wait3A_293 : memref<32x128xf32, #tpu.memory_space<vmem>>) dst(%dma_wait3A_290 : memref<32x128xf32, #tpu.memory_space<hbm>>)
    %dma_wait3A_294 = arith.constant 7 : i32
    %dma_wait3A_295 = arith.constant 32 : i32
    %dma_wait3A_296 = arith.constant 0 : i32
    %dma_wait3A_297 = tpu.memref_slice %arg7[%dma_wait3A_295, %dma_wait3A_296] : memref<64x128xf32, #tpu.memory_space<vmem>> -> memref<32x128xf32, #tpu.memory_space<vmem>>
    %dma_wait3A_298 = arith.constant 0 : i32
    %dma_wait3A_299 = tpu.memref_slice %arg4[%dma_wait3A_294, %mul3A_2, %dma_wait3A_298] : memref<10x1024x128xf32, #tpu.memory_space<hbm>> -> memref<1x32x128xf32, #tpu.memory_space<hbm>>
    %dma_wait3A_300 = tpu.memref_squeeze %dma_wait3A_299 : memref<1x32x128xf32, #tpu.memory_space<hbm>> -> memref<32x128xf32, #tpu.memory_space<hbm>>
    %dma_wait3A_301 = arith.constant 0 : i32
    %dma_wait3A_302 = tpu.memref_slice %arg4[%dma_wait3A_294, %mul3A_2, %dma_wait3A_301] : memref<10x1024x128xf32, #tpu.memory_space<hbm>> -> memref<1x32x128xf32, #tpu.memory_space<hbm>>
    %dma_wait3A_303 = tpu.memref_squeeze %dma_wait3A_302 : memref<1x32x128xf32, #tpu.memory_space<hbm>> -> memref<32x128xf32, #tpu.memory_space<hbm>>
    %dma_wait3A_304 = arith.constant 32 : i32
    %dma_wait3A_305 = arith.constant 0 : i32
    %dma_wait3A_306 = tpu.memref_slice %arg7[%dma_wait3A_304, %dma_wait3A_305] : memref<64x128xf32, #tpu.memory_space<vmem>> -> memref<32x128xf32, #tpu.memory_space<vmem>>
    tpu.wait_dma2 semaphore(%arg12 : memref<!tpu.dma_semaphore, #tpu.memory_space<semaphore_mem>>) src(%dma_wait3A_306 : memref<32x128xf32, #tpu.memory_space<vmem>>) dst(%dma_wait3A_303 : memref<32x128xf32, #tpu.memory_space<hbm>>)
    %dma_wait3A_307 = arith.constant 8 : i32
    %dma_wait3A_308 = arith.constant 0 : i32
    %dma_wait3A_309 = arith.constant 0 : i32
    %dma_wait3A_310 = tpu.memref_slice %arg6[%dma_wait3A_308, %dma_wait3A_309] : memref<64x128xf32, #tpu.memory_space<vmem>> -> memref<32x128xf32, #tpu.memory_space<vmem>>
    %dma_wait3A_311 = arith.constant 0 : i32
    %dma_wait3A_312 = tpu.memref_slice %arg4[%dma_wait3A_307, %mul3A_2, %dma_wait3A_311] : memref<10x1024x128xf32, #tpu.memory_space<hbm>> -> memref<1x32x128xf32, #tpu.memory_space<hbm>>
    %dma_wait3A_313 = tpu.memref_squeeze %dma_wait3A_312 : memref<1x32x128xf32, #tpu.memory_space<hbm>> -> memref<32x128xf32, #tpu.memory_space<hbm>>
    %dma_wait3A_314 = arith.constant 0 : i32
    %dma_wait3A_315 = tpu.memref_slice %arg4[%dma_wait3A_307, %mul3A_2, %dma_wait3A_314] : memref<10x1024x128xf32, #tpu.memory_space<hbm>> -> memref<1x32x128xf32, #tpu.memory_space<hbm>>
    %dma_wait3A_316 = tpu.memref_squeeze %dma_wait3A_315 : memref<1x32x128xf32, #tpu.memory_space<hbm>> -> memref<32x128xf32, #tpu.memory_space<hbm>>
    %dma_wait3A_317 = arith.constant 0 : i32
    %dma_wait3A_318 = arith.constant 0 : i32
    %dma_wait3A_319 = tpu.memref_slice %arg6[%dma_wait3A_317, %dma_wait3A_318] : memref<64x128xf32, #tpu.memory_space<vmem>> -> memref<32x128xf32, #tpu.memory_space<vmem>>
    tpu.wait_dma2 semaphore(%arg11 : memref<!tpu.dma_semaphore, #tpu.memory_space<semaphore_mem>>) src(%dma_wait3A_319 : memref<32x128xf32, #tpu.memory_space<vmem>>) dst(%dma_wait3A_316 : memref<32x128xf32, #tpu.memory_space<hbm>>)
    %dma_wait3A_320 = arith.constant 9 : i32
    %dma_wait3A_321 = arith.constant 32 : i32
    %dma_wait3A_322 = arith.constant 0 : i32
    %dma_wait3A_323 = tpu.memref_slice %arg6[%dma_wait3A_321, %dma_wait3A_322] : memref<64x128xf32, #tpu.memory_space<vmem>> -> memref<32x128xf32, #tpu.memory_space<vmem>>
    %dma_wait3A_324 = arith.constant 0 : i32
    %dma_wait3A_325 = tpu.memref_slice %arg4[%dma_wait3A_320, %mul3A_2, %dma_wait3A_324] : memref<10x1024x128xf32, #tpu.memory_space<hbm>> -> memref<1x32x128xf32, #tpu.memory_space<hbm>>
    %dma_wait3A_326 = tpu.memref_squeeze %dma_wait3A_325 : memref<1x32x128xf32, #tpu.memory_space<hbm>> -> memref<32x128xf32, #tpu.memory_space<hbm>>
    %dma_wait3A_327 = arith.constant 0 : i32
    %dma_wait3A_328 = tpu.memref_slice %arg4[%dma_wait3A_320, %mul3A_2, %dma_wait3A_327] : memref<10x1024x128xf32, #tpu.memory_space<hbm>> -> memref<1x32x128xf32, #tpu.memory_space<hbm>>
    %dma_wait3A_329 = tpu.memref_squeeze %dma_wait3A_328 : memref<1x32x128xf32, #tpu.memory_space<hbm>> -> memref<32x128xf32, #tpu.memory_space<hbm>>
    %dma_wait3A_330 = arith.constant 32 : i32
    %dma_wait3A_331 = arith.constant 0 : i32
    %dma_wait3A_332 = tpu.memref_slice %arg6[%dma_wait3A_330, %dma_wait3A_331] : memref<64x128xf32, #tpu.memory_space<vmem>> -> memref<32x128xf32, #tpu.memory_space<vmem>>
    tpu.wait_dma2 semaphore(%arg11 : memref<!tpu.dma_semaphore, #tpu.memory_space<semaphore_mem>>) src(%dma_wait3A_332 : memref<32x128xf32, #tpu.memory_space<vmem>>) dst(%dma_wait3A_329 : memref<32x128xf32, #tpu.memory_space<hbm>>)
    return
  }
}

#map = affine_map<(d0, d1) -> (0, 0, 0)>
#map1 = affine_map<(d0, d1) -> (0, 0)>
module attributes {stable_mosaic.version = 14 : i64} {
  func.func @_sc_gather(%arg0: i32, %arg1: i32, %arg2: memref<32x20x64xi32, #tpu.memory_space<hbm>>, %arg3: memref<1000x128xf32, #tpu.memory_space<hbm>>, %arg4: memref<40x1024x128xf32, #tpu.memory_space<hbm>>, %arg5: memref<20x64xi32, #tpu.memory_space<vmem>>, %arg6: memref<64x128xf32, #tpu.memory_space<vmem>>, %arg7: memref<64x128xf32, #tpu.memory_space<vmem>>, %arg8: memref<1000x128xf32, #tpu.memory_space<vmem_shared>>, %arg9: memref<!tpu.dma_semaphore, #tpu.memory_space<semaphore_mem>>, %arg10: memref<!tpu.dma_semaphore, #tpu.memory_space<semaphore_mem>>, %arg11: memref<!tpu.dma_semaphore, #tpu.memory_space<semaphore_mem>>, %arg12: memref<!tpu.dma_semaphore, #tpu.memory_space<semaphore_mem>>) attributes {dimension_semantics = [#tpu.dimension_semantics<core_parallel>, #tpu.dimension_semantics<subcore_parallel>], iteration_bounds = array<i64: 2, 16>, scalar_prefetch = 0 : i64, scratch_operands = 8 : i64, tpu.core_type = #tpu.core_type<sc_vector_subcore>, window_params = [{transform_indices = #map}, {transform_indices = #map1}, {transform_indices = #map}]} {
    %mul3A = arith.constant 2 : i32
    %mul3A_0 = arith.muli %arg1, %mul3A : i32
    %add3A = arith.addi %mul3A_0, %arg0 : i32
    %mul3A_1 = arith.constant 32 : i32
    %mul3A_2 = arith.muli %add3A, %mul3A_1 : i32
    %eq3A = arith.constant 0 : i32
    %eq3A_3 = arith.cmpi eq, %arg1, %eq3A : i32
    %convert_element_type3A = arith.extui %eq3A_3 : i1 to i32
    %cond3A = arith.constant 0 : i32
    %cond3A_4 = arith.cmpi ne, %convert_element_type3A, %cond3A : i32
    scf.if %cond3A_4 {
      "tpu.region"() ({
        %run_scoped3A = tpu.sem_alloc : memref<!tpu.dma_semaphore, #tpu.memory_space<semaphore_mem>>
        tpu.enqueue_dma source(%arg3 : memref<1000x128xf32, #tpu.memory_space<hbm>>) target(%arg8 : memref<1000x128xf32, #tpu.memory_space<vmem_shared>>) target_semaphore(%run_scoped3A : memref<!tpu.dma_semaphore, #tpu.memory_space<semaphore_mem>>)
        tpu.wait_dma2 semaphore(%run_scoped3A : memref<!tpu.dma_semaphore, #tpu.memory_space<semaphore_mem>>) src(%arg3 : memref<1000x128xf32, #tpu.memory_space<hbm>>) dst(%arg8 : memref<1000x128xf32, #tpu.memory_space<vmem_shared>>)
        tpu.yield
      }) : () -> ()
    } else {
    }
    "tpu.region"() ({
      %run_scoped3A = tpu.sem_alloc : memref<!tpu.dma_semaphore, #tpu.memory_space<semaphore_mem>>
      %dma_start3A_1323 = arith.constant 0 : i32
      %dma_start3A_1324 = arith.constant 0 : i32
      %dma_start3A_1325 = tpu.memref_slice %arg2[%add3A, %dma_start3A_1323, %dma_start3A_1324] : memref<32x20x64xi32, #tpu.memory_space<hbm>> -> memref<1x20x64xi32, #tpu.memory_space<hbm>>
      %dma_start3A_1326 = tpu.memref_squeeze %dma_start3A_1325 : memref<1x20x64xi32, #tpu.memory_space<hbm>> -> memref<20x64xi32, #tpu.memory_space<hbm>>
      %dma_start3A_1327 = arith.constant 0 : i32
      %dma_start3A_1328 = arith.constant 0 : i32
      %dma_start3A_1329 = tpu.memref_slice %arg2[%add3A, %dma_start3A_1327, %dma_start3A_1328] : memref<32x20x64xi32, #tpu.memory_space<hbm>> -> memref<1x20x64xi32, #tpu.memory_space<hbm>>
      %dma_start3A_1330 = tpu.memref_squeeze %dma_start3A_1329 : memref<1x20x64xi32, #tpu.memory_space<hbm>> -> memref<20x64xi32, #tpu.memory_space<hbm>>
      tpu.enqueue_dma source(%dma_start3A_1330 : memref<20x64xi32, #tpu.memory_space<hbm>>) target(%arg5 : memref<20x64xi32, #tpu.memory_space<vmem>>) target_semaphore(%run_scoped3A : memref<!tpu.dma_semaphore, #tpu.memory_space<semaphore_mem>>)
      %dma_wait3A_1331 = arith.constant 0 : i32
      %dma_wait3A_1332 = arith.constant 0 : i32
      %dma_wait3A_1333 = tpu.memref_slice %arg2[%add3A, %dma_wait3A_1331, %dma_wait3A_1332] : memref<32x20x64xi32, #tpu.memory_space<hbm>> -> memref<1x20x64xi32, #tpu.memory_space<hbm>>
      %dma_wait3A_1334 = tpu.memref_squeeze %dma_wait3A_1333 : memref<1x20x64xi32, #tpu.memory_space<hbm>> -> memref<20x64xi32, #tpu.memory_space<hbm>>
      %dma_wait3A_1335 = arith.constant 0 : i32
      %dma_wait3A_1336 = arith.constant 0 : i32
      %dma_wait3A_1337 = tpu.memref_slice %arg2[%add3A, %dma_wait3A_1335, %dma_wait3A_1336] : memref<32x20x64xi32, #tpu.memory_space<hbm>> -> memref<1x20x64xi32, #tpu.memory_space<hbm>>
      %dma_wait3A_1338 = tpu.memref_squeeze %dma_wait3A_1337 : memref<1x20x64xi32, #tpu.memory_space<hbm>> -> memref<20x64xi32, #tpu.memory_space<hbm>>
      tpu.wait_dma2 semaphore(%run_scoped3A : memref<!tpu.dma_semaphore, #tpu.memory_space<semaphore_mem>>) src(%dma_wait3A_1338 : memref<20x64xi32, #tpu.memory_space<hbm>>) dst(%arg5 : memref<20x64xi32, #tpu.memory_space<vmem>>)
      tpu.yield
    }) : () -> ()
    %barrier3A = arith.constant 0 : index
    tpu.barrier barrier_id(%barrier3A)
    %dma_start3A = arith.constant 0 : i32
    %dma_start3A_5 = arith.constant 0 : i32
    %dma_start3A_6 = tpu.memref_slice %arg5[%dma_start3A, %dma_start3A_5] : memref<20x64xi32, #tpu.memory_space<vmem>> -> memref<1x64xi32, #tpu.memory_space<vmem>>
    %dma_start3A_7 = tpu.memref_squeeze %dma_start3A_6 : memref<1x64xi32, #tpu.memory_space<vmem>> -> memref<64xi32, #tpu.memory_space<vmem>>
    %dma_start3A_8 = arith.constant 0 : i32
    %dma_start3A_9 = arith.constant 0 : i32
    %dma_start3A_10 = tpu.memref_slice %arg8[%dma_start3A_8, %dma_start3A_9] : memref<1000x128xf32, #tpu.memory_space<vmem_shared>> -> memref<1000x128xf32, #tpu.memory_space<vmem_shared>>
    tpu.enqueue_indirect_dma source(%dma_start3A_10 : memref<1000x128xf32, #tpu.memory_space<vmem_shared>>) target(%arg6 : memref<64x128xf32, #tpu.memory_space<vmem>>) offsets(%dma_start3A_7 : memref<64xi32, #tpu.memory_space<vmem>>) semaphore(%arg9 : memref<!tpu.dma_semaphore, #tpu.memory_space<semaphore_mem>>)
    %dma_start3A_11 = arith.constant 1 : i32
    %dma_start3A_12 = arith.constant 0 : i32
    %dma_start3A_13 = tpu.memref_slice %arg5[%dma_start3A_11, %dma_start3A_12] : memref<20x64xi32, #tpu.memory_space<vmem>> -> memref<1x64xi32, #tpu.memory_space<vmem>>
    %dma_start3A_14 = tpu.memref_squeeze %dma_start3A_13 : memref<1x64xi32, #tpu.memory_space<vmem>> -> memref<64xi32, #tpu.memory_space<vmem>>
    %dma_start3A_15 = arith.constant 0 : i32
    %dma_start3A_16 = arith.constant 0 : i32
    %dma_start3A_17 = tpu.memref_slice %arg8[%dma_start3A_15, %dma_start3A_16] : memref<1000x128xf32, #tpu.memory_space<vmem_shared>> -> memref<1000x128xf32, #tpu.memory_space<vmem_shared>>
    tpu.enqueue_indirect_dma source(%dma_start3A_17 : memref<1000x128xf32, #tpu.memory_space<vmem_shared>>) target(%arg7 : memref<64x128xf32, #tpu.memory_space<vmem>>) offsets(%dma_start3A_14 : memref<64xi32, #tpu.memory_space<vmem>>) semaphore(%arg10 : memref<!tpu.dma_semaphore, #tpu.memory_space<semaphore_mem>>)
    %dma_wait3A = arith.constant 0 : i32
    %dma_wait3A_18 = arith.constant 0 : i32
    %dma_wait3A_19 = tpu.memref_slice %arg5[%dma_wait3A, %dma_wait3A_18] : memref<20x64xi32, #tpu.memory_space<vmem>> -> memref<1x64xi32, #tpu.memory_space<vmem>>
    %dma_wait3A_20 = tpu.memref_squeeze %dma_wait3A_19 : memref<1x64xi32, #tpu.memory_space<vmem>> -> memref<64xi32, #tpu.memory_space<vmem>>
    %dma_wait3A_21 = arith.constant 0 : i32
    %dma_wait3A_22 = arith.constant 0 : i32
    %dma_wait3A_23 = tpu.memref_slice %arg8[%dma_wait3A_21, %dma_wait3A_22] : memref<1000x128xf32, #tpu.memory_space<vmem_shared>> -> memref<1000x128xf32, #tpu.memory_space<vmem_shared>>
    tpu.wait_indirect_dma semaphore(%arg9 : memref<!tpu.dma_semaphore, #tpu.memory_space<semaphore_mem>>) src(%dma_wait3A_23 : memref<1000x128xf32, #tpu.memory_space<vmem_shared>>) dst(%arg6 : memref<64x128xf32, #tpu.memory_space<vmem>>)
    %dma_start3A_24 = arith.constant 0 : i32
    %dma_start3A_25 = arith.constant 0 : i32
    %dma_start3A_26 = arith.constant 0 : i32
    %dma_start3A_27 = tpu.memref_slice %arg6[%dma_start3A_25, %dma_start3A_26] : memref<64x128xf32, #tpu.memory_space<vmem>> -> memref<32x128xf32, #tpu.memory_space<vmem>>
    %dma_start3A_28 = arith.constant 0 : i32
    %dma_start3A_29 = tpu.memref_slice %arg4[%dma_start3A_24, %mul3A_2, %dma_start3A_28] : memref<40x1024x128xf32, #tpu.memory_space<hbm>> -> memref<1x32x128xf32, #tpu.memory_space<hbm>>
    %dma_start3A_30 = tpu.memref_squeeze %dma_start3A_29 : memref<1x32x128xf32, #tpu.memory_space<hbm>> -> memref<32x128xf32, #tpu.memory_space<hbm>>
    %dma_start3A_31 = arith.constant 0 : i32
    %dma_start3A_32 = tpu.memref_slice %arg4[%dma_start3A_24, %mul3A_2, %dma_start3A_31] : memref<40x1024x128xf32, #tpu.memory_space<hbm>> -> memref<1x32x128xf32, #tpu.memory_space<hbm>>
    %dma_start3A_33 = tpu.memref_squeeze %dma_start3A_32 : memref<1x32x128xf32, #tpu.memory_space<hbm>> -> memref<32x128xf32, #tpu.memory_space<hbm>>
    %dma_start3A_34 = arith.constant 0 : i32
    %dma_start3A_35 = arith.constant 0 : i32
    %dma_start3A_36 = tpu.memref_slice %arg6[%dma_start3A_34, %dma_start3A_35] : memref<64x128xf32, #tpu.memory_space<vmem>> -> memref<32x128xf32, #tpu.memory_space<vmem>>
    tpu.enqueue_dma source(%dma_start3A_36 : memref<32x128xf32, #tpu.memory_space<vmem>>) target(%dma_start3A_33 : memref<32x128xf32, #tpu.memory_space<hbm>>) target_semaphore(%arg11 : memref<!tpu.dma_semaphore, #tpu.memory_space<semaphore_mem>>)
    %dma_start3A_37 = arith.constant 1 : i32
    %dma_start3A_38 = arith.constant 32 : i32
    %dma_start3A_39 = arith.constant 0 : i32
    %dma_start3A_40 = tpu.memref_slice %arg6[%dma_start3A_38, %dma_start3A_39] : memref<64x128xf32, #tpu.memory_space<vmem>> -> memref<32x128xf32, #tpu.memory_space<vmem>>
    %dma_start3A_41 = arith.constant 0 : i32
    %dma_start3A_42 = tpu.memref_slice %arg4[%dma_start3A_37, %mul3A_2, %dma_start3A_41] : memref<40x1024x128xf32, #tpu.memory_space<hbm>> -> memref<1x32x128xf32, #tpu.memory_space<hbm>>
    %dma_start3A_43 = tpu.memref_squeeze %dma_start3A_42 : memref<1x32x128xf32, #tpu.memory_space<hbm>> -> memref<32x128xf32, #tpu.memory_space<hbm>>
    %dma_start3A_44 = arith.constant 0 : i32
    %dma_start3A_45 = tpu.memref_slice %arg4[%dma_start3A_37, %mul3A_2, %dma_start3A_44] : memref<40x1024x128xf32, #tpu.memory_space<hbm>> -> memref<1x32x128xf32, #tpu.memory_space<hbm>>
    %dma_start3A_46 = tpu.memref_squeeze %dma_start3A_45 : memref<1x32x128xf32, #tpu.memory_space<hbm>> -> memref<32x128xf32, #tpu.memory_space<hbm>>
    %dma_start3A_47 = arith.constant 32 : i32
    %dma_start3A_48 = arith.constant 0 : i32
    %dma_start3A_49 = tpu.memref_slice %arg6[%dma_start3A_47, %dma_start3A_48] : memref<64x128xf32, #tpu.memory_space<vmem>> -> memref<32x128xf32, #tpu.memory_space<vmem>>
    tpu.enqueue_dma source(%dma_start3A_49 : memref<32x128xf32, #tpu.memory_space<vmem>>) target(%dma_start3A_46 : memref<32x128xf32, #tpu.memory_space<hbm>>) target_semaphore(%arg11 : memref<!tpu.dma_semaphore, #tpu.memory_space<semaphore_mem>>)
    %dma_wait3A_50 = arith.constant 0 : i32
    %dma_wait3A_51 = arith.constant 0 : i32
    %dma_wait3A_52 = arith.constant 0 : i32
    %dma_wait3A_53 = tpu.memref_slice %arg6[%dma_wait3A_51, %dma_wait3A_52] : memref<64x128xf32, #tpu.memory_space<vmem>> -> memref<32x128xf32, #tpu.memory_space<vmem>>
    %dma_wait3A_54 = arith.constant 0 : i32
    %dma_wait3A_55 = tpu.memref_slice %arg4[%dma_wait3A_50, %mul3A_2, %dma_wait3A_54] : memref<40x1024x128xf32, #tpu.memory_space<hbm>> -> memref<1x32x128xf32, #tpu.memory_space<hbm>>
    %dma_wait3A_56 = tpu.memref_squeeze %dma_wait3A_55 : memref<1x32x128xf32, #tpu.memory_space<hbm>> -> memref<32x128xf32, #tpu.memory_space<hbm>>
    %dma_wait3A_57 = arith.constant 0 : i32
    %dma_wait3A_58 = tpu.memref_slice %arg4[%dma_wait3A_50, %mul3A_2, %dma_wait3A_57] : memref<40x1024x128xf32, #tpu.memory_space<hbm>> -> memref<1x32x128xf32, #tpu.memory_space<hbm>>
    %dma_wait3A_59 = tpu.memref_squeeze %dma_wait3A_58 : memref<1x32x128xf32, #tpu.memory_space<hbm>> -> memref<32x128xf32, #tpu.memory_space<hbm>>
    %dma_wait3A_60 = arith.constant 0 : i32
    %dma_wait3A_61 = arith.constant 0 : i32
    %dma_wait3A_62 = tpu.memref_slice %arg6[%dma_wait3A_60, %dma_wait3A_61] : memref<64x128xf32, #tpu.memory_space<vmem>> -> memref<32x128xf32, #tpu.memory_space<vmem>>
    tpu.wait_dma2 semaphore(%arg11 : memref<!tpu.dma_semaphore, #tpu.memory_space<semaphore_mem>>) src(%dma_wait3A_62 : memref<32x128xf32, #tpu.memory_space<vmem>>) dst(%dma_wait3A_59 : memref<32x128xf32, #tpu.memory_space<hbm>>)
    %dma_wait3A_63 = arith.constant 1 : i32
    %dma_wait3A_64 = arith.constant 32 : i32
    %dma_wait3A_65 = arith.constant 0 : i32
    %dma_wait3A_66 = tpu.memref_slice %arg6[%dma_wait3A_64, %dma_wait3A_65] : memref<64x128xf32, #tpu.memory_space<vmem>> -> memref<32x128xf32, #tpu.memory_space<vmem>>
    %dma_wait3A_67 = arith.constant 0 : i32
    %dma_wait3A_68 = tpu.memref_slice %arg4[%dma_wait3A_63, %mul3A_2, %dma_wait3A_67] : memref<40x1024x128xf32, #tpu.memory_space<hbm>> -> memref<1x32x128xf32, #tpu.memory_space<hbm>>
    %dma_wait3A_69 = tpu.memref_squeeze %dma_wait3A_68 : memref<1x32x128xf32, #tpu.memory_space<hbm>> -> memref<32x128xf32, #tpu.memory_space<hbm>>
    %dma_wait3A_70 = arith.constant 0 : i32
    %dma_wait3A_71 = tpu.memref_slice %arg4[%dma_wait3A_63, %mul3A_2, %dma_wait3A_70] : memref<40x1024x128xf32, #tpu.memory_space<hbm>> -> memref<1x32x128xf32, #tpu.memory_space<hbm>>
    %dma_wait3A_72 = tpu.memref_squeeze %dma_wait3A_71 : memref<1x32x128xf32, #tpu.memory_space<hbm>> -> memref<32x128xf32, #tpu.memory_space<hbm>>
    %dma_wait3A_73 = arith.constant 32 : i32
    %dma_wait3A_74 = arith.constant 0 : i32
    %dma_wait3A_75 = tpu.memref_slice %arg6[%dma_wait3A_73, %dma_wait3A_74] : memref<64x128xf32, #tpu.memory_space<vmem>> -> memref<32x128xf32, #tpu.memory_space<vmem>>
    tpu.wait_dma2 semaphore(%arg11 : memref<!tpu.dma_semaphore, #tpu.memory_space<semaphore_mem>>) src(%dma_wait3A_75 : memref<32x128xf32, #tpu.memory_space<vmem>>) dst(%dma_wait3A_72 : memref<32x128xf32, #tpu.memory_space<hbm>>)
    %dma_start3A_76 = arith.constant 2 : i32
    %dma_start3A_77 = arith.constant 0 : i32
    %dma_start3A_78 = tpu.memref_slice %arg5[%dma_start3A_76, %dma_start3A_77] : memref<20x64xi32, #tpu.memory_space<vmem>> -> memref<1x64xi32, #tpu.memory_space<vmem>>
    %dma_start3A_79 = tpu.memref_squeeze %dma_start3A_78 : memref<1x64xi32, #tpu.memory_space<vmem>> -> memref<64xi32, #tpu.memory_space<vmem>>
    %dma_start3A_80 = arith.constant 0 : i32
    %dma_start3A_81 = arith.constant 0 : i32
    %dma_start3A_82 = tpu.memref_slice %arg8[%dma_start3A_80, %dma_start3A_81] : memref<1000x128xf32, #tpu.memory_space<vmem_shared>> -> memref<1000x128xf32, #tpu.memory_space<vmem_shared>>
    tpu.enqueue_indirect_dma source(%dma_start3A_82 : memref<1000x128xf32, #tpu.memory_space<vmem_shared>>) target(%arg6 : memref<64x128xf32, #tpu.memory_space<vmem>>) offsets(%dma_start3A_79 : memref<64xi32, #tpu.memory_space<vmem>>) semaphore(%arg9 : memref<!tpu.dma_semaphore, #tpu.memory_space<semaphore_mem>>)
    %dma_wait3A_83 = arith.constant 1 : i32
    %dma_wait3A_84 = arith.constant 0 : i32
    %dma_wait3A_85 = tpu.memref_slice %arg5[%dma_wait3A_83, %dma_wait3A_84] : memref<20x64xi32, #tpu.memory_space<vmem>> -> memref<1x64xi32, #tpu.memory_space<vmem>>
    %dma_wait3A_86 = tpu.memref_squeeze %dma_wait3A_85 : memref<1x64xi32, #tpu.memory_space<vmem>> -> memref<64xi32, #tpu.memory_space<vmem>>
    %dma_wait3A_87 = arith.constant 0 : i32
    %dma_wait3A_88 = arith.constant 0 : i32
    %dma_wait3A_89 = tpu.memref_slice %arg8[%dma_wait3A_87, %dma_wait3A_88] : memref<1000x128xf32, #tpu.memory_space<vmem_shared>> -> memref<1000x128xf32, #tpu.memory_space<vmem_shared>>
    tpu.wait_indirect_dma semaphore(%arg10 : memref<!tpu.dma_semaphore, #tpu.memory_space<semaphore_mem>>) src(%dma_wait3A_89 : memref<1000x128xf32, #tpu.memory_space<vmem_shared>>) dst(%arg7 : memref<64x128xf32, #tpu.memory_space<vmem>>)
    %dma_start3A_90 = arith.constant 2 : i32
    %dma_start3A_91 = arith.constant 0 : i32
    %dma_start3A_92 = arith.constant 0 : i32
    %dma_start3A_93 = tpu.memref_slice %arg7[%dma_start3A_91, %dma_start3A_92] : memref<64x128xf32, #tpu.memory_space<vmem>> -> memref<32x128xf32, #tpu.memory_space<vmem>>
    %dma_start3A_94 = arith.constant 0 : i32
    %dma_start3A_95 = tpu.memref_slice %arg4[%dma_start3A_90, %mul3A_2, %dma_start3A_94] : memref<40x1024x128xf32, #tpu.memory_space<hbm>> -> memref<1x32x128xf32, #tpu.memory_space<hbm>>
    %dma_start3A_96 = tpu.memref_squeeze %dma_start3A_95 : memref<1x32x128xf32, #tpu.memory_space<hbm>> -> memref<32x128xf32, #tpu.memory_space<hbm>>
    %dma_start3A_97 = arith.constant 0 : i32
    %dma_start3A_98 = tpu.memref_slice %arg4[%dma_start3A_90, %mul3A_2, %dma_start3A_97] : memref<40x1024x128xf32, #tpu.memory_space<hbm>> -> memref<1x32x128xf32, #tpu.memory_space<hbm>>
    %dma_start3A_99 = tpu.memref_squeeze %dma_start3A_98 : memref<1x32x128xf32, #tpu.memory_space<hbm>> -> memref<32x128xf32, #tpu.memory_space<hbm>>
    %dma_start3A_100 = arith.constant 0 : i32
    %dma_start3A_101 = arith.constant 0 : i32
    %dma_start3A_102 = tpu.memref_slice %arg7[%dma_start3A_100, %dma_start3A_101] : memref<64x128xf32, #tpu.memory_space<vmem>> -> memref<32x128xf32, #tpu.memory_space<vmem>>
    tpu.enqueue_dma source(%dma_start3A_102 : memref<32x128xf32, #tpu.memory_space<vmem>>) target(%dma_start3A_99 : memref<32x128xf32, #tpu.memory_space<hbm>>) target_semaphore(%arg12 : memref<!tpu.dma_semaphore, #tpu.memory_space<semaphore_mem>>)
    %dma_start3A_103 = arith.constant 3 : i32
    %dma_start3A_104 = arith.constant 32 : i32
    %dma_start3A_105 = arith.constant 0 : i32
    %dma_start3A_106 = tpu.memref_slice %arg7[%dma_start3A_104, %dma_start3A_105] : memref<64x128xf32, #tpu.memory_space<vmem>> -> memref<32x128xf32, #tpu.memory_space<vmem>>
    %dma_start3A_107 = arith.constant 0 : i32
    %dma_start3A_108 = tpu.memref_slice %arg4[%dma_start3A_103, %mul3A_2, %dma_start3A_107] : memref<40x1024x128xf32, #tpu.memory_space<hbm>> -> memref<1x32x128xf32, #tpu.memory_space<hbm>>
    %dma_start3A_109 = tpu.memref_squeeze %dma_start3A_108 : memref<1x32x128xf32, #tpu.memory_space<hbm>> -> memref<32x128xf32, #tpu.memory_space<hbm>>
    %dma_start3A_110 = arith.constant 0 : i32
    %dma_start3A_111 = tpu.memref_slice %arg4[%dma_start3A_103, %mul3A_2, %dma_start3A_110] : memref<40x1024x128xf32, #tpu.memory_space<hbm>> -> memref<1x32x128xf32, #tpu.memory_space<hbm>>
    %dma_start3A_112 = tpu.memref_squeeze %dma_start3A_111 : memref<1x32x128xf32, #tpu.memory_space<hbm>> -> memref<32x128xf32, #tpu.memory_space<hbm>>
    %dma_start3A_113 = arith.constant 32 : i32
    %dma_start3A_114 = arith.constant 0 : i32
    %dma_start3A_115 = tpu.memref_slice %arg7[%dma_start3A_113, %dma_start3A_114] : memref<64x128xf32, #tpu.memory_space<vmem>> -> memref<32x128xf32, #tpu.memory_space<vmem>>
    tpu.enqueue_dma source(%dma_start3A_115 : memref<32x128xf32, #tpu.memory_space<vmem>>) target(%dma_start3A_112 : memref<32x128xf32, #tpu.memory_space<hbm>>) target_semaphore(%arg12 : memref<!tpu.dma_semaphore, #tpu.memory_space<semaphore_mem>>)
    %dma_wait3A_116 = arith.constant 2 : i32
    %dma_wait3A_117 = arith.constant 0 : i32
    %dma_wait3A_118 = arith.constant 0 : i32
    %dma_wait3A_119 = tpu.memref_slice %arg7[%dma_wait3A_117, %dma_wait3A_118] : memref<64x128xf32, #tpu.memory_space<vmem>> -> memref<32x128xf32, #tpu.memory_space<vmem>>
    %dma_wait3A_120 = arith.constant 0 : i32
    %dma_wait3A_121 = tpu.memref_slice %arg4[%dma_wait3A_116, %mul3A_2, %dma_wait3A_120] : memref<40x1024x128xf32, #tpu.memory_space<hbm>> -> memref<1x32x128xf32, #tpu.memory_space<hbm>>
    %dma_wait3A_122 = tpu.memref_squeeze %dma_wait3A_121 : memref<1x32x128xf32, #tpu.memory_space<hbm>> -> memref<32x128xf32, #tpu.memory_space<hbm>>
    %dma_wait3A_123 = arith.constant 0 : i32
    %dma_wait3A_124 = tpu.memref_slice %arg4[%dma_wait3A_116, %mul3A_2, %dma_wait3A_123] : memref<40x1024x128xf32, #tpu.memory_space<hbm>> -> memref<1x32x128xf32, #tpu.memory_space<hbm>>
    %dma_wait3A_125 = tpu.memref_squeeze %dma_wait3A_124 : memref<1x32x128xf32, #tpu.memory_space<hbm>> -> memref<32x128xf32, #tpu.memory_space<hbm>>
    %dma_wait3A_126 = arith.constant 0 : i32
    %dma_wait3A_127 = arith.constant 0 : i32
    %dma_wait3A_128 = tpu.memref_slice %arg7[%dma_wait3A_126, %dma_wait3A_127] : memref<64x128xf32, #tpu.memory_space<vmem>> -> memref<32x128xf32, #tpu.memory_space<vmem>>
    tpu.wait_dma2 semaphore(%arg12 : memref<!tpu.dma_semaphore, #tpu.memory_space<semaphore_mem>>) src(%dma_wait3A_128 : memref<32x128xf32, #tpu.memory_space<vmem>>) dst(%dma_wait3A_125 : memref<32x128xf32, #tpu.memory_space<hbm>>)
    %dma_wait3A_129 = arith.constant 3 : i32
    %dma_wait3A_130 = arith.constant 32 : i32
    %dma_wait3A_131 = arith.constant 0 : i32
    %dma_wait3A_132 = tpu.memref_slice %arg7[%dma_wait3A_130, %dma_wait3A_131] : memref<64x128xf32, #tpu.memory_space<vmem>> -> memref<32x128xf32, #tpu.memory_space<vmem>>
    %dma_wait3A_133 = arith.constant 0 : i32
    %dma_wait3A_134 = tpu.memref_slice %arg4[%dma_wait3A_129, %mul3A_2, %dma_wait3A_133] : memref<40x1024x128xf32, #tpu.memory_space<hbm>> -> memref<1x32x128xf32, #tpu.memory_space<hbm>>
    %dma_wait3A_135 = tpu.memref_squeeze %dma_wait3A_134 : memref<1x32x128xf32, #tpu.memory_space<hbm>> -> memref<32x128xf32, #tpu.memory_space<hbm>>
    %dma_wait3A_136 = arith.constant 0 : i32
    %dma_wait3A_137 = tpu.memref_slice %arg4[%dma_wait3A_129, %mul3A_2, %dma_wait3A_136] : memref<40x1024x128xf32, #tpu.memory_space<hbm>> -> memref<1x32x128xf32, #tpu.memory_space<hbm>>
    %dma_wait3A_138 = tpu.memref_squeeze %dma_wait3A_137 : memref<1x32x128xf32, #tpu.memory_space<hbm>> -> memref<32x128xf32, #tpu.memory_space<hbm>>
    %dma_wait3A_139 = arith.constant 32 : i32
    %dma_wait3A_140 = arith.constant 0 : i32
    %dma_wait3A_141 = tpu.memref_slice %arg7[%dma_wait3A_139, %dma_wait3A_140] : memref<64x128xf32, #tpu.memory_space<vmem>> -> memref<32x128xf32, #tpu.memory_space<vmem>>
    tpu.wait_dma2 semaphore(%arg12 : memref<!tpu.dma_semaphore, #tpu.memory_space<semaphore_mem>>) src(%dma_wait3A_141 : memref<32x128xf32, #tpu.memory_space<vmem>>) dst(%dma_wait3A_138 : memref<32x128xf32, #tpu.memory_space<hbm>>)
    %dma_start3A_142 = arith.constant 3 : i32
    %dma_start3A_143 = arith.constant 0 : i32
    %dma_start3A_144 = tpu.memref_slice %arg5[%dma_start3A_142, %dma_start3A_143] : memref<20x64xi32, #tpu.memory_space<vmem>> -> memref<1x64xi32, #tpu.memory_space<vmem>>
    %dma_start3A_145 = tpu.memref_squeeze %dma_start3A_144 : memref<1x64xi32, #tpu.memory_space<vmem>> -> memref<64xi32, #tpu.memory_space<vmem>>
    %dma_start3A_146 = arith.constant 0 : i32
    %dma_start3A_147 = arith.constant 0 : i32
    %dma_start3A_148 = tpu.memref_slice %arg8[%dma_start3A_146, %dma_start3A_147] : memref<1000x128xf32, #tpu.memory_space<vmem_shared>> -> memref<1000x128xf32, #tpu.memory_space<vmem_shared>>
    tpu.enqueue_indirect_dma source(%dma_start3A_148 : memref<1000x128xf32, #tpu.memory_space<vmem_shared>>) target(%arg7 : memref<64x128xf32, #tpu.memory_space<vmem>>) offsets(%dma_start3A_145 : memref<64xi32, #tpu.memory_space<vmem>>) semaphore(%arg10 : memref<!tpu.dma_semaphore, #tpu.memory_space<semaphore_mem>>)
    %dma_wait3A_149 = arith.constant 2 : i32
    %dma_wait3A_150 = arith.constant 0 : i32
    %dma_wait3A_151 = tpu.memref_slice %arg5[%dma_wait3A_149, %dma_wait3A_150] : memref<20x64xi32, #tpu.memory_space<vmem>> -> memref<1x64xi32, #tpu.memory_space<vmem>>
    %dma_wait3A_152 = tpu.memref_squeeze %dma_wait3A_151 : memref<1x64xi32, #tpu.memory_space<vmem>> -> memref<64xi32, #tpu.memory_space<vmem>>
    %dma_wait3A_153 = arith.constant 0 : i32
    %dma_wait3A_154 = arith.constant 0 : i32
    %dma_wait3A_155 = tpu.memref_slice %arg8[%dma_wait3A_153, %dma_wait3A_154] : memref<1000x128xf32, #tpu.memory_space<vmem_shared>> -> memref<1000x128xf32, #tpu.memory_space<vmem_shared>>
    tpu.wait_indirect_dma semaphore(%arg9 : memref<!tpu.dma_semaphore, #tpu.memory_space<semaphore_mem>>) src(%dma_wait3A_155 : memref<1000x128xf32, #tpu.memory_space<vmem_shared>>) dst(%arg6 : memref<64x128xf32, #tpu.memory_space<vmem>>)
    %dma_start3A_156 = arith.constant 4 : i32
    %dma_start3A_157 = arith.constant 0 : i32
    %dma_start3A_158 = arith.constant 0 : i32
    %dma_start3A_159 = tpu.memref_slice %arg6[%dma_start3A_157, %dma_start3A_158] : memref<64x128xf32, #tpu.memory_space<vmem>> -> memref<32x128xf32, #tpu.memory_space<vmem>>
    %dma_start3A_160 = arith.constant 0 : i32
    %dma_start3A_161 = tpu.memref_slice %arg4[%dma_start3A_156, %mul3A_2, %dma_start3A_160] : memref<40x1024x128xf32, #tpu.memory_space<hbm>> -> memref<1x32x128xf32, #tpu.memory_space<hbm>>
    %dma_start3A_162 = tpu.memref_squeeze %dma_start3A_161 : memref<1x32x128xf32, #tpu.memory_space<hbm>> -> memref<32x128xf32, #tpu.memory_space<hbm>>
    %dma_start3A_163 = arith.constant 0 : i32
    %dma_start3A_164 = tpu.memref_slice %arg4[%dma_start3A_156, %mul3A_2, %dma_start3A_163] : memref<40x1024x128xf32, #tpu.memory_space<hbm>> -> memref<1x32x128xf32, #tpu.memory_space<hbm>>
    %dma_start3A_165 = tpu.memref_squeeze %dma_start3A_164 : memref<1x32x128xf32, #tpu.memory_space<hbm>> -> memref<32x128xf32, #tpu.memory_space<hbm>>
    %dma_start3A_166 = arith.constant 0 : i32
    %dma_start3A_167 = arith.constant 0 : i32
    %dma_start3A_168 = tpu.memref_slice %arg6[%dma_start3A_166, %dma_start3A_167] : memref<64x128xf32, #tpu.memory_space<vmem>> -> memref<32x128xf32, #tpu.memory_space<vmem>>
    tpu.enqueue_dma source(%dma_start3A_168 : memref<32x128xf32, #tpu.memory_space<vmem>>) target(%dma_start3A_165 : memref<32x128xf32, #tpu.memory_space<hbm>>) target_semaphore(%arg11 : memref<!tpu.dma_semaphore, #tpu.memory_space<semaphore_mem>>)
    %dma_start3A_169 = arith.constant 5 : i32
    %dma_start3A_170 = arith.constant 32 : i32
    %dma_start3A_171 = arith.constant 0 : i32
    %dma_start3A_172 = tpu.memref_slice %arg6[%dma_start3A_170, %dma_start3A_171] : memref<64x128xf32, #tpu.memory_space<vmem>> -> memref<32x128xf32, #tpu.memory_space<vmem>>
    %dma_start3A_173 = arith.constant 0 : i32
    %dma_start3A_174 = tpu.memref_slice %arg4[%dma_start3A_169, %mul3A_2, %dma_start3A_173] : memref<40x1024x128xf32, #tpu.memory_space<hbm>> -> memref<1x32x128xf32, #tpu.memory_space<hbm>>
    %dma_start3A_175 = tpu.memref_squeeze %dma_start3A_174 : memref<1x32x128xf32, #tpu.memory_space<hbm>> -> memref<32x128xf32, #tpu.memory_space<hbm>>
    %dma_start3A_176 = arith.constant 0 : i32
    %dma_start3A_177 = tpu.memref_slice %arg4[%dma_start3A_169, %mul3A_2, %dma_start3A_176] : memref<40x1024x128xf32, #tpu.memory_space<hbm>> -> memref<1x32x128xf32, #tpu.memory_space<hbm>>
    %dma_start3A_178 = tpu.memref_squeeze %dma_start3A_177 : memref<1x32x128xf32, #tpu.memory_space<hbm>> -> memref<32x128xf32, #tpu.memory_space<hbm>>
    %dma_start3A_179 = arith.constant 32 : i32
    %dma_start3A_180 = arith.constant 0 : i32
    %dma_start3A_181 = tpu.memref_slice %arg6[%dma_start3A_179, %dma_start3A_180] : memref<64x128xf32, #tpu.memory_space<vmem>> -> memref<32x128xf32, #tpu.memory_space<vmem>>
    tpu.enqueue_dma source(%dma_start3A_181 : memref<32x128xf32, #tpu.memory_space<vmem>>) target(%dma_start3A_178 : memref<32x128xf32, #tpu.memory_space<hbm>>) target_semaphore(%arg11 : memref<!tpu.dma_semaphore, #tpu.memory_space<semaphore_mem>>)
    %dma_wait3A_182 = arith.constant 4 : i32
    %dma_wait3A_183 = arith.constant 0 : i32
    %dma_wait3A_184 = arith.constant 0 : i32
    %dma_wait3A_185 = tpu.memref_slice %arg6[%dma_wait3A_183, %dma_wait3A_184] : memref<64x128xf32, #tpu.memory_space<vmem>> -> memref<32x128xf32, #tpu.memory_space<vmem>>
    %dma_wait3A_186 = arith.constant 0 : i32
    %dma_wait3A_187 = tpu.memref_slice %arg4[%dma_wait3A_182, %mul3A_2, %dma_wait3A_186] : memref<40x1024x128xf32, #tpu.memory_space<hbm>> -> memref<1x32x128xf32, #tpu.memory_space<hbm>>
    %dma_wait3A_188 = tpu.memref_squeeze %dma_wait3A_187 : memref<1x32x128xf32, #tpu.memory_space<hbm>> -> memref<32x128xf32, #tpu.memory_space<hbm>>
    %dma_wait3A_189 = arith.constant 0 : i32
    %dma_wait3A_190 = tpu.memref_slice %arg4[%dma_wait3A_182, %mul3A_2, %dma_wait3A_189] : memref<40x1024x128xf32, #tpu.memory_space<hbm>> -> memref<1x32x128xf32, #tpu.memory_space<hbm>>
    %dma_wait3A_191 = tpu.memref_squeeze %dma_wait3A_190 : memref<1x32x128xf32, #tpu.memory_space<hbm>> -> memref<32x128xf32, #tpu.memory_space<hbm>>
    %dma_wait3A_192 = arith.constant 0 : i32
    %dma_wait3A_193 = arith.constant 0 : i32
    %dma_wait3A_194 = tpu.memref_slice %arg6[%dma_wait3A_192, %dma_wait3A_193] : memref<64x128xf32, #tpu.memory_space<vmem>> -> memref<32x128xf32, #tpu.memory_space<vmem>>
    tpu.wait_dma2 semaphore(%arg11 : memref<!tpu.dma_semaphore, #tpu.memory_space<semaphore_mem>>) src(%dma_wait3A_194 : memref<32x128xf32, #tpu.memory_space<vmem>>) dst(%dma_wait3A_191 : memref<32x128xf32, #tpu.memory_space<hbm>>)
    %dma_wait3A_195 = arith.constant 5 : i32
    %dma_wait3A_196 = arith.constant 32 : i32
    %dma_wait3A_197 = arith.constant 0 : i32
    %dma_wait3A_198 = tpu.memref_slice %arg6[%dma_wait3A_196, %dma_wait3A_197] : memref<64x128xf32, #tpu.memory_space<vmem>> -> memref<32x128xf32, #tpu.memory_space<vmem>>
    %dma_wait3A_199 = arith.constant 0 : i32
    %dma_wait3A_200 = tpu.memref_slice %arg4[%dma_wait3A_195, %mul3A_2, %dma_wait3A_199] : memref<40x1024x128xf32, #tpu.memory_space<hbm>> -> memref<1x32x128xf32, #tpu.memory_space<hbm>>
    %dma_wait3A_201 = tpu.memref_squeeze %dma_wait3A_200 : memref<1x32x128xf32, #tpu.memory_space<hbm>> -> memref<32x128xf32, #tpu.memory_space<hbm>>
    %dma_wait3A_202 = arith.constant 0 : i32
    %dma_wait3A_203 = tpu.memref_slice %arg4[%dma_wait3A_195, %mul3A_2, %dma_wait3A_202] : memref<40x1024x128xf32, #tpu.memory_space<hbm>> -> memref<1x32x128xf32, #tpu.memory_space<hbm>>
    %dma_wait3A_204 = tpu.memref_squeeze %dma_wait3A_203 : memref<1x32x128xf32, #tpu.memory_space<hbm>> -> memref<32x128xf32, #tpu.memory_space<hbm>>
    %dma_wait3A_205 = arith.constant 32 : i32
    %dma_wait3A_206 = arith.constant 0 : i32
    %dma_wait3A_207 = tpu.memref_slice %arg6[%dma_wait3A_205, %dma_wait3A_206] : memref<64x128xf32, #tpu.memory_space<vmem>> -> memref<32x128xf32, #tpu.memory_space<vmem>>
    tpu.wait_dma2 semaphore(%arg11 : memref<!tpu.dma_semaphore, #tpu.memory_space<semaphore_mem>>) src(%dma_wait3A_207 : memref<32x128xf32, #tpu.memory_space<vmem>>) dst(%dma_wait3A_204 : memref<32x128xf32, #tpu.memory_space<hbm>>)
    %dma_start3A_208 = arith.constant 4 : i32
    %dma_start3A_209 = arith.constant 0 : i32
    %dma_start3A_210 = tpu.memref_slice %arg5[%dma_start3A_208, %dma_start3A_209] : memref<20x64xi32, #tpu.memory_space<vmem>> -> memref<1x64xi32, #tpu.memory_space<vmem>>
    %dma_start3A_211 = tpu.memref_squeeze %dma_start3A_210 : memref<1x64xi32, #tpu.memory_space<vmem>> -> memref<64xi32, #tpu.memory_space<vmem>>
    %dma_start3A_212 = arith.constant 0 : i32
    %dma_start3A_213 = arith.constant 0 : i32
    %dma_start3A_214 = tpu.memref_slice %arg8[%dma_start3A_212, %dma_start3A_213] : memref<1000x128xf32, #tpu.memory_space<vmem_shared>> -> memref<1000x128xf32, #tpu.memory_space<vmem_shared>>
    tpu.enqueue_indirect_dma source(%dma_start3A_214 : memref<1000x128xf32, #tpu.memory_space<vmem_shared>>) target(%arg6 : memref<64x128xf32, #tpu.memory_space<vmem>>) offsets(%dma_start3A_211 : memref<64xi32, #tpu.memory_space<vmem>>) semaphore(%arg9 : memref<!tpu.dma_semaphore, #tpu.memory_space<semaphore_mem>>)
    %dma_wait3A_215 = arith.constant 3 : i32
    %dma_wait3A_216 = arith.constant 0 : i32
    %dma_wait3A_217 = tpu.memref_slice %arg5[%dma_wait3A_215, %dma_wait3A_216] : memref<20x64xi32, #tpu.memory_space<vmem>> -> memref<1x64xi32, #tpu.memory_space<vmem>>
    %dma_wait3A_218 = tpu.memref_squeeze %dma_wait3A_217 : memref<1x64xi32, #tpu.memory_space<vmem>> -> memref<64xi32, #tpu.memory_space<vmem>>
    %dma_wait3A_219 = arith.constant 0 : i32
    %dma_wait3A_220 = arith.constant 0 : i32
    %dma_wait3A_221 = tpu.memref_slice %arg8[%dma_wait3A_219, %dma_wait3A_220] : memref<1000x128xf32, #tpu.memory_space<vmem_shared>> -> memref<1000x128xf32, #tpu.memory_space<vmem_shared>>
    tpu.wait_indirect_dma semaphore(%arg10 : memref<!tpu.dma_semaphore, #tpu.memory_space<semaphore_mem>>) src(%dma_wait3A_221 : memref<1000x128xf32, #tpu.memory_space<vmem_shared>>) dst(%arg7 : memref<64x128xf32, #tpu.memory_space<vmem>>)
    %dma_start3A_222 = arith.constant 6 : i32
    %dma_start3A_223 = arith.constant 0 : i32
    %dma_start3A_224 = arith.constant 0 : i32
    %dma_start3A_225 = tpu.memref_slice %arg7[%dma_start3A_223, %dma_start3A_224] : memref<64x128xf32, #tpu.memory_space<vmem>> -> memref<32x128xf32, #tpu.memory_space<vmem>>
    %dma_start3A_226 = arith.constant 0 : i32
    %dma_start3A_227 = tpu.memref_slice %arg4[%dma_start3A_222, %mul3A_2, %dma_start3A_226] : memref<40x1024x128xf32, #tpu.memory_space<hbm>> -> memref<1x32x128xf32, #tpu.memory_space<hbm>>
    %dma_start3A_228 = tpu.memref_squeeze %dma_start3A_227 : memref<1x32x128xf32, #tpu.memory_space<hbm>> -> memref<32x128xf32, #tpu.memory_space<hbm>>
    %dma_start3A_229 = arith.constant 0 : i32
    %dma_start3A_230 = tpu.memref_slice %arg4[%dma_start3A_222, %mul3A_2, %dma_start3A_229] : memref<40x1024x128xf32, #tpu.memory_space<hbm>> -> memref<1x32x128xf32, #tpu.memory_space<hbm>>
    %dma_start3A_231 = tpu.memref_squeeze %dma_start3A_230 : memref<1x32x128xf32, #tpu.memory_space<hbm>> -> memref<32x128xf32, #tpu.memory_space<hbm>>
    %dma_start3A_232 = arith.constant 0 : i32
    %dma_start3A_233 = arith.constant 0 : i32
    %dma_start3A_234 = tpu.memref_slice %arg7[%dma_start3A_232, %dma_start3A_233] : memref<64x128xf32, #tpu.memory_space<vmem>> -> memref<32x128xf32, #tpu.memory_space<vmem>>
    tpu.enqueue_dma source(%dma_start3A_234 : memref<32x128xf32, #tpu.memory_space<vmem>>) target(%dma_start3A_231 : memref<32x128xf32, #tpu.memory_space<hbm>>) target_semaphore(%arg12 : memref<!tpu.dma_semaphore, #tpu.memory_space<semaphore_mem>>)
    %dma_start3A_235 = arith.constant 7 : i32
    %dma_start3A_236 = arith.constant 32 : i32
    %dma_start3A_237 = arith.constant 0 : i32
    %dma_start3A_238 = tpu.memref_slice %arg7[%dma_start3A_236, %dma_start3A_237] : memref<64x128xf32, #tpu.memory_space<vmem>> -> memref<32x128xf32, #tpu.memory_space<vmem>>
    %dma_start3A_239 = arith.constant 0 : i32
    %dma_start3A_240 = tpu.memref_slice %arg4[%dma_start3A_235, %mul3A_2, %dma_start3A_239] : memref<40x1024x128xf32, #tpu.memory_space<hbm>> -> memref<1x32x128xf32, #tpu.memory_space<hbm>>
    %dma_start3A_241 = tpu.memref_squeeze %dma_start3A_240 : memref<1x32x128xf32, #tpu.memory_space<hbm>> -> memref<32x128xf32, #tpu.memory_space<hbm>>
    %dma_start3A_242 = arith.constant 0 : i32
    %dma_start3A_243 = tpu.memref_slice %arg4[%dma_start3A_235, %mul3A_2, %dma_start3A_242] : memref<40x1024x128xf32, #tpu.memory_space<hbm>> -> memref<1x32x128xf32, #tpu.memory_space<hbm>>
    %dma_start3A_244 = tpu.memref_squeeze %dma_start3A_243 : memref<1x32x128xf32, #tpu.memory_space<hbm>> -> memref<32x128xf32, #tpu.memory_space<hbm>>
    %dma_start3A_245 = arith.constant 32 : i32
    %dma_start3A_246 = arith.constant 0 : i32
    %dma_start3A_247 = tpu.memref_slice %arg7[%dma_start3A_245, %dma_start3A_246] : memref<64x128xf32, #tpu.memory_space<vmem>> -> memref<32x128xf32, #tpu.memory_space<vmem>>
    tpu.enqueue_dma source(%dma_start3A_247 : memref<32x128xf32, #tpu.memory_space<vmem>>) target(%dma_start3A_244 : memref<32x128xf32, #tpu.memory_space<hbm>>) target_semaphore(%arg12 : memref<!tpu.dma_semaphore, #tpu.memory_space<semaphore_mem>>)
    %dma_wait3A_248 = arith.constant 6 : i32
    %dma_wait3A_249 = arith.constant 0 : i32
    %dma_wait3A_250 = arith.constant 0 : i32
    %dma_wait3A_251 = tpu.memref_slice %arg7[%dma_wait3A_249, %dma_wait3A_250] : memref<64x128xf32, #tpu.memory_space<vmem>> -> memref<32x128xf32, #tpu.memory_space<vmem>>
    %dma_wait3A_252 = arith.constant 0 : i32
    %dma_wait3A_253 = tpu.memref_slice %arg4[%dma_wait3A_248, %mul3A_2, %dma_wait3A_252] : memref<40x1024x128xf32, #tpu.memory_space<hbm>> -> memref<1x32x128xf32, #tpu.memory_space<hbm>>
    %dma_wait3A_254 = tpu.memref_squeeze %dma_wait3A_253 : memref<1x32x128xf32, #tpu.memory_space<hbm>> -> memref<32x128xf32, #tpu.memory_space<hbm>>
    %dma_wait3A_255 = arith.constant 0 : i32
    %dma_wait3A_256 = tpu.memref_slice %arg4[%dma_wait3A_248, %mul3A_2, %dma_wait3A_255] : memref<40x1024x128xf32, #tpu.memory_space<hbm>> -> memref<1x32x128xf32, #tpu.memory_space<hbm>>
    %dma_wait3A_257 = tpu.memref_squeeze %dma_wait3A_256 : memref<1x32x128xf32, #tpu.memory_space<hbm>> -> memref<32x128xf32, #tpu.memory_space<hbm>>
    %dma_wait3A_258 = arith.constant 0 : i32
    %dma_wait3A_259 = arith.constant 0 : i32
    %dma_wait3A_260 = tpu.memref_slice %arg7[%dma_wait3A_258, %dma_wait3A_259] : memref<64x128xf32, #tpu.memory_space<vmem>> -> memref<32x128xf32, #tpu.memory_space<vmem>>
    tpu.wait_dma2 semaphore(%arg12 : memref<!tpu.dma_semaphore, #tpu.memory_space<semaphore_mem>>) src(%dma_wait3A_260 : memref<32x128xf32, #tpu.memory_space<vmem>>) dst(%dma_wait3A_257 : memref<32x128xf32, #tpu.memory_space<hbm>>)
    %dma_wait3A_261 = arith.constant 7 : i32
    %dma_wait3A_262 = arith.constant 32 : i32
    %dma_wait3A_263 = arith.constant 0 : i32
    %dma_wait3A_264 = tpu.memref_slice %arg7[%dma_wait3A_262, %dma_wait3A_263] : memref<64x128xf32, #tpu.memory_space<vmem>> -> memref<32x128xf32, #tpu.memory_space<vmem>>
    %dma_wait3A_265 = arith.constant 0 : i32
    %dma_wait3A_266 = tpu.memref_slice %arg4[%dma_wait3A_261, %mul3A_2, %dma_wait3A_265] : memref<40x1024x128xf32, #tpu.memory_space<hbm>> -> memref<1x32x128xf32, #tpu.memory_space<hbm>>
    %dma_wait3A_267 = tpu.memref_squeeze %dma_wait3A_266 : memref<1x32x128xf32, #tpu.memory_space<hbm>> -> memref<32x128xf32, #tpu.memory_space<hbm>>
    %dma_wait3A_268 = arith.constant 0 : i32
    %dma_wait3A_269 = tpu.memref_slice %arg4[%dma_wait3A_261, %mul3A_2, %dma_wait3A_268] : memref<40x1024x128xf32, #tpu.memory_space<hbm>> -> memref<1x32x128xf32, #tpu.memory_space<hbm>>
    %dma_wait3A_270 = tpu.memref_squeeze %dma_wait3A_269 : memref<1x32x128xf32, #tpu.memory_space<hbm>> -> memref<32x128xf32, #tpu.memory_space<hbm>>
    %dma_wait3A_271 = arith.constant 32 : i32
    %dma_wait3A_272 = arith.constant 0 : i32
    %dma_wait3A_273 = tpu.memref_slice %arg7[%dma_wait3A_271, %dma_wait3A_272] : memref<64x128xf32, #tpu.memory_space<vmem>> -> memref<32x128xf32, #tpu.memory_space<vmem>>
    tpu.wait_dma2 semaphore(%arg12 : memref<!tpu.dma_semaphore, #tpu.memory_space<semaphore_mem>>) src(%dma_wait3A_273 : memref<32x128xf32, #tpu.memory_space<vmem>>) dst(%dma_wait3A_270 : memref<32x128xf32, #tpu.memory_space<hbm>>)
    %dma_start3A_274 = arith.constant 5 : i32
    %dma_start3A_275 = arith.constant 0 : i32
    %dma_start3A_276 = tpu.memref_slice %arg5[%dma_start3A_274, %dma_start3A_275] : memref<20x64xi32, #tpu.memory_space<vmem>> -> memref<1x64xi32, #tpu.memory_space<vmem>>
    %dma_start3A_277 = tpu.memref_squeeze %dma_start3A_276 : memref<1x64xi32, #tpu.memory_space<vmem>> -> memref<64xi32, #tpu.memory_space<vmem>>
    %dma_start3A_278 = arith.constant 0 : i32
    %dma_start3A_279 = arith.constant 0 : i32
    %dma_start3A_280 = tpu.memref_slice %arg8[%dma_start3A_278, %dma_start3A_279] : memref<1000x128xf32, #tpu.memory_space<vmem_shared>> -> memref<1000x128xf32, #tpu.memory_space<vmem_shared>>
    tpu.enqueue_indirect_dma source(%dma_start3A_280 : memref<1000x128xf32, #tpu.memory_space<vmem_shared>>) target(%arg7 : memref<64x128xf32, #tpu.memory_space<vmem>>) offsets(%dma_start3A_277 : memref<64xi32, #tpu.memory_space<vmem>>) semaphore(%arg10 : memref<!tpu.dma_semaphore, #tpu.memory_space<semaphore_mem>>)
    %dma_wait3A_281 = arith.constant 4 : i32
    %dma_wait3A_282 = arith.constant 0 : i32
    %dma_wait3A_283 = tpu.memref_slice %arg5[%dma_wait3A_281, %dma_wait3A_282] : memref<20x64xi32, #tpu.memory_space<vmem>> -> memref<1x64xi32, #tpu.memory_space<vmem>>
    %dma_wait3A_284 = tpu.memref_squeeze %dma_wait3A_283 : memref<1x64xi32, #tpu.memory_space<vmem>> -> memref<64xi32, #tpu.memory_space<vmem>>
    %dma_wait3A_285 = arith.constant 0 : i32
    %dma_wait3A_286 = arith.constant 0 : i32
    %dma_wait3A_287 = tpu.memref_slice %arg8[%dma_wait3A_285, %dma_wait3A_286] : memref<1000x128xf32, #tpu.memory_space<vmem_shared>> -> memref<1000x128xf32, #tpu.memory_space<vmem_shared>>
    tpu.wait_indirect_dma semaphore(%arg9 : memref<!tpu.dma_semaphore, #tpu.memory_space<semaphore_mem>>) src(%dma_wait3A_287 : memref<1000x128xf32, #tpu.memory_space<vmem_shared>>) dst(%arg6 : memref<64x128xf32, #tpu.memory_space<vmem>>)
    %dma_start3A_288 = arith.constant 8 : i32
    %dma_start3A_289 = arith.constant 0 : i32
    %dma_start3A_290 = arith.constant 0 : i32
    %dma_start3A_291 = tpu.memref_slice %arg6[%dma_start3A_289, %dma_start3A_290] : memref<64x128xf32, #tpu.memory_space<vmem>> -> memref<32x128xf32, #tpu.memory_space<vmem>>
    %dma_start3A_292 = arith.constant 0 : i32
    %dma_start3A_293 = tpu.memref_slice %arg4[%dma_start3A_288, %mul3A_2, %dma_start3A_292] : memref<40x1024x128xf32, #tpu.memory_space<hbm>> -> memref<1x32x128xf32, #tpu.memory_space<hbm>>
    %dma_start3A_294 = tpu.memref_squeeze %dma_start3A_293 : memref<1x32x128xf32, #tpu.memory_space<hbm>> -> memref<32x128xf32, #tpu.memory_space<hbm>>
    %dma_start3A_295 = arith.constant 0 : i32
    %dma_start3A_296 = tpu.memref_slice %arg4[%dma_start3A_288, %mul3A_2, %dma_start3A_295] : memref<40x1024x128xf32, #tpu.memory_space<hbm>> -> memref<1x32x128xf32, #tpu.memory_space<hbm>>
    %dma_start3A_297 = tpu.memref_squeeze %dma_start3A_296 : memref<1x32x128xf32, #tpu.memory_space<hbm>> -> memref<32x128xf32, #tpu.memory_space<hbm>>
    %dma_start3A_298 = arith.constant 0 : i32
    %dma_start3A_299 = arith.constant 0 : i32
    %dma_start3A_300 = tpu.memref_slice %arg6[%dma_start3A_298, %dma_start3A_299] : memref<64x128xf32, #tpu.memory_space<vmem>> -> memref<32x128xf32, #tpu.memory_space<vmem>>
    tpu.enqueue_dma source(%dma_start3A_300 : memref<32x128xf32, #tpu.memory_space<vmem>>) target(%dma_start3A_297 : memref<32x128xf32, #tpu.memory_space<hbm>>) target_semaphore(%arg11 : memref<!tpu.dma_semaphore, #tpu.memory_space<semaphore_mem>>)
    %dma_start3A_301 = arith.constant 9 : i32
    %dma_start3A_302 = arith.constant 32 : i32
    %dma_start3A_303 = arith.constant 0 : i32
    %dma_start3A_304 = tpu.memref_slice %arg6[%dma_start3A_302, %dma_start3A_303] : memref<64x128xf32, #tpu.memory_space<vmem>> -> memref<32x128xf32, #tpu.memory_space<vmem>>
    %dma_start3A_305 = arith.constant 0 : i32
    %dma_start3A_306 = tpu.memref_slice %arg4[%dma_start3A_301, %mul3A_2, %dma_start3A_305] : memref<40x1024x128xf32, #tpu.memory_space<hbm>> -> memref<1x32x128xf32, #tpu.memory_space<hbm>>
    %dma_start3A_307 = tpu.memref_squeeze %dma_start3A_306 : memref<1x32x128xf32, #tpu.memory_space<hbm>> -> memref<32x128xf32, #tpu.memory_space<hbm>>
    %dma_start3A_308 = arith.constant 0 : i32
    %dma_start3A_309 = tpu.memref_slice %arg4[%dma_start3A_301, %mul3A_2, %dma_start3A_308] : memref<40x1024x128xf32, #tpu.memory_space<hbm>> -> memref<1x32x128xf32, #tpu.memory_space<hbm>>
    %dma_start3A_310 = tpu.memref_squeeze %dma_start3A_309 : memref<1x32x128xf32, #tpu.memory_space<hbm>> -> memref<32x128xf32, #tpu.memory_space<hbm>>
    %dma_start3A_311 = arith.constant 32 : i32
    %dma_start3A_312 = arith.constant 0 : i32
    %dma_start3A_313 = tpu.memref_slice %arg6[%dma_start3A_311, %dma_start3A_312] : memref<64x128xf32, #tpu.memory_space<vmem>> -> memref<32x128xf32, #tpu.memory_space<vmem>>
    tpu.enqueue_dma source(%dma_start3A_313 : memref<32x128xf32, #tpu.memory_space<vmem>>) target(%dma_start3A_310 : memref<32x128xf32, #tpu.memory_space<hbm>>) target_semaphore(%arg11 : memref<!tpu.dma_semaphore, #tpu.memory_space<semaphore_mem>>)
    %dma_wait3A_314 = arith.constant 8 : i32
    %dma_wait3A_315 = arith.constant 0 : i32
    %dma_wait3A_316 = arith.constant 0 : i32
    %dma_wait3A_317 = tpu.memref_slice %arg6[%dma_wait3A_315, %dma_wait3A_316] : memref<64x128xf32, #tpu.memory_space<vmem>> -> memref<32x128xf32, #tpu.memory_space<vmem>>
    %dma_wait3A_318 = arith.constant 0 : i32
    %dma_wait3A_319 = tpu.memref_slice %arg4[%dma_wait3A_314, %mul3A_2, %dma_wait3A_318] : memref<40x1024x128xf32, #tpu.memory_space<hbm>> -> memref<1x32x128xf32, #tpu.memory_space<hbm>>
    %dma_wait3A_320 = tpu.memref_squeeze %dma_wait3A_319 : memref<1x32x128xf32, #tpu.memory_space<hbm>> -> memref<32x128xf32, #tpu.memory_space<hbm>>
    %dma_wait3A_321 = arith.constant 0 : i32
    %dma_wait3A_322 = tpu.memref_slice %arg4[%dma_wait3A_314, %mul3A_2, %dma_wait3A_321] : memref<40x1024x128xf32, #tpu.memory_space<hbm>> -> memref<1x32x128xf32, #tpu.memory_space<hbm>>
    %dma_wait3A_323 = tpu.memref_squeeze %dma_wait3A_322 : memref<1x32x128xf32, #tpu.memory_space<hbm>> -> memref<32x128xf32, #tpu.memory_space<hbm>>
    %dma_wait3A_324 = arith.constant 0 : i32
    %dma_wait3A_325 = arith.constant 0 : i32
    %dma_wait3A_326 = tpu.memref_slice %arg6[%dma_wait3A_324, %dma_wait3A_325] : memref<64x128xf32, #tpu.memory_space<vmem>> -> memref<32x128xf32, #tpu.memory_space<vmem>>
    tpu.wait_dma2 semaphore(%arg11 : memref<!tpu.dma_semaphore, #tpu.memory_space<semaphore_mem>>) src(%dma_wait3A_326 : memref<32x128xf32, #tpu.memory_space<vmem>>) dst(%dma_wait3A_323 : memref<32x128xf32, #tpu.memory_space<hbm>>)
    %dma_wait3A_327 = arith.constant 9 : i32
    %dma_wait3A_328 = arith.constant 32 : i32
    %dma_wait3A_329 = arith.constant 0 : i32
    %dma_wait3A_330 = tpu.memref_slice %arg6[%dma_wait3A_328, %dma_wait3A_329] : memref<64x128xf32, #tpu.memory_space<vmem>> -> memref<32x128xf32, #tpu.memory_space<vmem>>
    %dma_wait3A_331 = arith.constant 0 : i32
    %dma_wait3A_332 = tpu.memref_slice %arg4[%dma_wait3A_327, %mul3A_2, %dma_wait3A_331] : memref<40x1024x128xf32, #tpu.memory_space<hbm>> -> memref<1x32x128xf32, #tpu.memory_space<hbm>>
    %dma_wait3A_333 = tpu.memref_squeeze %dma_wait3A_332 : memref<1x32x128xf32, #tpu.memory_space<hbm>> -> memref<32x128xf32, #tpu.memory_space<hbm>>
    %dma_wait3A_334 = arith.constant 0 : i32
    %dma_wait3A_335 = tpu.memref_slice %arg4[%dma_wait3A_327, %mul3A_2, %dma_wait3A_334] : memref<40x1024x128xf32, #tpu.memory_space<hbm>> -> memref<1x32x128xf32, #tpu.memory_space<hbm>>
    %dma_wait3A_336 = tpu.memref_squeeze %dma_wait3A_335 : memref<1x32x128xf32, #tpu.memory_space<hbm>> -> memref<32x128xf32, #tpu.memory_space<hbm>>
    %dma_wait3A_337 = arith.constant 32 : i32
    %dma_wait3A_338 = arith.constant 0 : i32
    %dma_wait3A_339 = tpu.memref_slice %arg6[%dma_wait3A_337, %dma_wait3A_338] : memref<64x128xf32, #tpu.memory_space<vmem>> -> memref<32x128xf32, #tpu.memory_space<vmem>>
    tpu.wait_dma2 semaphore(%arg11 : memref<!tpu.dma_semaphore, #tpu.memory_space<semaphore_mem>>) src(%dma_wait3A_339 : memref<32x128xf32, #tpu.memory_space<vmem>>) dst(%dma_wait3A_336 : memref<32x128xf32, #tpu.memory_space<hbm>>)
    %dma_start3A_340 = arith.constant 6 : i32
    %dma_start3A_341 = arith.constant 0 : i32
    %dma_start3A_342 = tpu.memref_slice %arg5[%dma_start3A_340, %dma_start3A_341] : memref<20x64xi32, #tpu.memory_space<vmem>> -> memref<1x64xi32, #tpu.memory_space<vmem>>
    %dma_start3A_343 = tpu.memref_squeeze %dma_start3A_342 : memref<1x64xi32, #tpu.memory_space<vmem>> -> memref<64xi32, #tpu.memory_space<vmem>>
    %dma_start3A_344 = arith.constant 0 : i32
    %dma_start3A_345 = arith.constant 0 : i32
    %dma_start3A_346 = tpu.memref_slice %arg8[%dma_start3A_344, %dma_start3A_345] : memref<1000x128xf32, #tpu.memory_space<vmem_shared>> -> memref<1000x128xf32, #tpu.memory_space<vmem_shared>>
    tpu.enqueue_indirect_dma source(%dma_start3A_346 : memref<1000x128xf32, #tpu.memory_space<vmem_shared>>) target(%arg6 : memref<64x128xf32, #tpu.memory_space<vmem>>) offsets(%dma_start3A_343 : memref<64xi32, #tpu.memory_space<vmem>>) semaphore(%arg9 : memref<!tpu.dma_semaphore, #tpu.memory_space<semaphore_mem>>)
    %dma_wait3A_347 = arith.constant 5 : i32
    %dma_wait3A_348 = arith.constant 0 : i32
    %dma_wait3A_349 = tpu.memref_slice %arg5[%dma_wait3A_347, %dma_wait3A_348] : memref<20x64xi32, #tpu.memory_space<vmem>> -> memref<1x64xi32, #tpu.memory_space<vmem>>
    %dma_wait3A_350 = tpu.memref_squeeze %dma_wait3A_349 : memref<1x64xi32, #tpu.memory_space<vmem>> -> memref<64xi32, #tpu.memory_space<vmem>>
    %dma_wait3A_351 = arith.constant 0 : i32
    %dma_wait3A_352 = arith.constant 0 : i32
    %dma_wait3A_353 = tpu.memref_slice %arg8[%dma_wait3A_351, %dma_wait3A_352] : memref<1000x128xf32, #tpu.memory_space<vmem_shared>> -> memref<1000x128xf32, #tpu.memory_space<vmem_shared>>
    tpu.wait_indirect_dma semaphore(%arg10 : memref<!tpu.dma_semaphore, #tpu.memory_space<semaphore_mem>>) src(%dma_wait3A_353 : memref<1000x128xf32, #tpu.memory_space<vmem_shared>>) dst(%arg7 : memref<64x128xf32, #tpu.memory_space<vmem>>)
    %dma_start3A_354 = arith.constant 10 : i32
    %dma_start3A_355 = arith.constant 0 : i32
    %dma_start3A_356 = arith.constant 0 : i32
    %dma_start3A_357 = tpu.memref_slice %arg7[%dma_start3A_355, %dma_start3A_356] : memref<64x128xf32, #tpu.memory_space<vmem>> -> memref<32x128xf32, #tpu.memory_space<vmem>>
    %dma_start3A_358 = arith.constant 0 : i32
    %dma_start3A_359 = tpu.memref_slice %arg4[%dma_start3A_354, %mul3A_2, %dma_start3A_358] : memref<40x1024x128xf32, #tpu.memory_space<hbm>> -> memref<1x32x128xf32, #tpu.memory_space<hbm>>
    %dma_start3A_360 = tpu.memref_squeeze %dma_start3A_359 : memref<1x32x128xf32, #tpu.memory_space<hbm>> -> memref<32x128xf32, #tpu.memory_space<hbm>>
    %dma_start3A_361 = arith.constant 0 : i32
    %dma_start3A_362 = tpu.memref_slice %arg4[%dma_start3A_354, %mul3A_2, %dma_start3A_361] : memref<40x1024x128xf32, #tpu.memory_space<hbm>> -> memref<1x32x128xf32, #tpu.memory_space<hbm>>
    %dma_start3A_363 = tpu.memref_squeeze %dma_start3A_362 : memref<1x32x128xf32, #tpu.memory_space<hbm>> -> memref<32x128xf32, #tpu.memory_space<hbm>>
    %dma_start3A_364 = arith.constant 0 : i32
    %dma_start3A_365 = arith.constant 0 : i32
    %dma_start3A_366 = tpu.memref_slice %arg7[%dma_start3A_364, %dma_start3A_365] : memref<64x128xf32, #tpu.memory_space<vmem>> -> memref<32x128xf32, #tpu.memory_space<vmem>>
    tpu.enqueue_dma source(%dma_start3A_366 : memref<32x128xf32, #tpu.memory_space<vmem>>) target(%dma_start3A_363 : memref<32x128xf32, #tpu.memory_space<hbm>>) target_semaphore(%arg12 : memref<!tpu.dma_semaphore, #tpu.memory_space<semaphore_mem>>)
    %dma_start3A_367 = arith.constant 11 : i32
    %dma_start3A_368 = arith.constant 32 : i32
    %dma_start3A_369 = arith.constant 0 : i32
    %dma_start3A_370 = tpu.memref_slice %arg7[%dma_start3A_368, %dma_start3A_369] : memref<64x128xf32, #tpu.memory_space<vmem>> -> memref<32x128xf32, #tpu.memory_space<vmem>>
    %dma_start3A_371 = arith.constant 0 : i32
    %dma_start3A_372 = tpu.memref_slice %arg4[%dma_start3A_367, %mul3A_2, %dma_start3A_371] : memref<40x1024x128xf32, #tpu.memory_space<hbm>> -> memref<1x32x128xf32, #tpu.memory_space<hbm>>
    %dma_start3A_373 = tpu.memref_squeeze %dma_start3A_372 : memref<1x32x128xf32, #tpu.memory_space<hbm>> -> memref<32x128xf32, #tpu.memory_space<hbm>>
    %dma_start3A_374 = arith.constant 0 : i32
    %dma_start3A_375 = tpu.memref_slice %arg4[%dma_start3A_367, %mul3A_2, %dma_start3A_374] : memref<40x1024x128xf32, #tpu.memory_space<hbm>> -> memref<1x32x128xf32, #tpu.memory_space<hbm>>
    %dma_start3A_376 = tpu.memref_squeeze %dma_start3A_375 : memref<1x32x128xf32, #tpu.memory_space<hbm>> -> memref<32x128xf32, #tpu.memory_space<hbm>>
    %dma_start3A_377 = arith.constant 32 : i32
    %dma_start3A_378 = arith.constant 0 : i32
    %dma_start3A_379 = tpu.memref_slice %arg7[%dma_start3A_377, %dma_start3A_378] : memref<64x128xf32, #tpu.memory_space<vmem>> -> memref<32x128xf32, #tpu.memory_space<vmem>>
    tpu.enqueue_dma source(%dma_start3A_379 : memref<32x128xf32, #tpu.memory_space<vmem>>) target(%dma_start3A_376 : memref<32x128xf32, #tpu.memory_space<hbm>>) target_semaphore(%arg12 : memref<!tpu.dma_semaphore, #tpu.memory_space<semaphore_mem>>)
    %dma_wait3A_380 = arith.constant 10 : i32
    %dma_wait3A_381 = arith.constant 0 : i32
    %dma_wait3A_382 = arith.constant 0 : i32
    %dma_wait3A_383 = tpu.memref_slice %arg7[%dma_wait3A_381, %dma_wait3A_382] : memref<64x128xf32, #tpu.memory_space<vmem>> -> memref<32x128xf32, #tpu.memory_space<vmem>>
    %dma_wait3A_384 = arith.constant 0 : i32
    %dma_wait3A_385 = tpu.memref_slice %arg4[%dma_wait3A_380, %mul3A_2, %dma_wait3A_384] : memref<40x1024x128xf32, #tpu.memory_space<hbm>> -> memref<1x32x128xf32, #tpu.memory_space<hbm>>
    %dma_wait3A_386 = tpu.memref_squeeze %dma_wait3A_385 : memref<1x32x128xf32, #tpu.memory_space<hbm>> -> memref<32x128xf32, #tpu.memory_space<hbm>>
    %dma_wait3A_387 = arith.constant 0 : i32
    %dma_wait3A_388 = tpu.memref_slice %arg4[%dma_wait3A_380, %mul3A_2, %dma_wait3A_387] : memref<40x1024x128xf32, #tpu.memory_space<hbm>> -> memref<1x32x128xf32, #tpu.memory_space<hbm>>
    %dma_wait3A_389 = tpu.memref_squeeze %dma_wait3A_388 : memref<1x32x128xf32, #tpu.memory_space<hbm>> -> memref<32x128xf32, #tpu.memory_space<hbm>>
    %dma_wait3A_390 = arith.constant 0 : i32
    %dma_wait3A_391 = arith.constant 0 : i32
    %dma_wait3A_392 = tpu.memref_slice %arg7[%dma_wait3A_390, %dma_wait3A_391] : memref<64x128xf32, #tpu.memory_space<vmem>> -> memref<32x128xf32, #tpu.memory_space<vmem>>
    tpu.wait_dma2 semaphore(%arg12 : memref<!tpu.dma_semaphore, #tpu.memory_space<semaphore_mem>>) src(%dma_wait3A_392 : memref<32x128xf32, #tpu.memory_space<vmem>>) dst(%dma_wait3A_389 : memref<32x128xf32, #tpu.memory_space<hbm>>)
    %dma_wait3A_393 = arith.constant 11 : i32
    %dma_wait3A_394 = arith.constant 32 : i32
    %dma_wait3A_395 = arith.constant 0 : i32
    %dma_wait3A_396 = tpu.memref_slice %arg7[%dma_wait3A_394, %dma_wait3A_395] : memref<64x128xf32, #tpu.memory_space<vmem>> -> memref<32x128xf32, #tpu.memory_space<vmem>>
    %dma_wait3A_397 = arith.constant 0 : i32
    %dma_wait3A_398 = tpu.memref_slice %arg4[%dma_wait3A_393, %mul3A_2, %dma_wait3A_397] : memref<40x1024x128xf32, #tpu.memory_space<hbm>> -> memref<1x32x128xf32, #tpu.memory_space<hbm>>
    %dma_wait3A_399 = tpu.memref_squeeze %dma_wait3A_398 : memref<1x32x128xf32, #tpu.memory_space<hbm>> -> memref<32x128xf32, #tpu.memory_space<hbm>>
    %dma_wait3A_400 = arith.constant 0 : i32
    %dma_wait3A_401 = tpu.memref_slice %arg4[%dma_wait3A_393, %mul3A_2, %dma_wait3A_400] : memref<40x1024x128xf32, #tpu.memory_space<hbm>> -> memref<1x32x128xf32, #tpu.memory_space<hbm>>
    %dma_wait3A_402 = tpu.memref_squeeze %dma_wait3A_401 : memref<1x32x128xf32, #tpu.memory_space<hbm>> -> memref<32x128xf32, #tpu.memory_space<hbm>>
    %dma_wait3A_403 = arith.constant 32 : i32
    %dma_wait3A_404 = arith.constant 0 : i32
    %dma_wait3A_405 = tpu.memref_slice %arg7[%dma_wait3A_403, %dma_wait3A_404] : memref<64x128xf32, #tpu.memory_space<vmem>> -> memref<32x128xf32, #tpu.memory_space<vmem>>
    tpu.wait_dma2 semaphore(%arg12 : memref<!tpu.dma_semaphore, #tpu.memory_space<semaphore_mem>>) src(%dma_wait3A_405 : memref<32x128xf32, #tpu.memory_space<vmem>>) dst(%dma_wait3A_402 : memref<32x128xf32, #tpu.memory_space<hbm>>)
    %dma_start3A_406 = arith.constant 7 : i32
    %dma_start3A_407 = arith.constant 0 : i32
    %dma_start3A_408 = tpu.memref_slice %arg5[%dma_start3A_406, %dma_start3A_407] : memref<20x64xi32, #tpu.memory_space<vmem>> -> memref<1x64xi32, #tpu.memory_space<vmem>>
    %dma_start3A_409 = tpu.memref_squeeze %dma_start3A_408 : memref<1x64xi32, #tpu.memory_space<vmem>> -> memref<64xi32, #tpu.memory_space<vmem>>
    %dma_start3A_410 = arith.constant 0 : i32
    %dma_start3A_411 = arith.constant 0 : i32
    %dma_start3A_412 = tpu.memref_slice %arg8[%dma_start3A_410, %dma_start3A_411] : memref<1000x128xf32, #tpu.memory_space<vmem_shared>> -> memref<1000x128xf32, #tpu.memory_space<vmem_shared>>
    tpu.enqueue_indirect_dma source(%dma_start3A_412 : memref<1000x128xf32, #tpu.memory_space<vmem_shared>>) target(%arg7 : memref<64x128xf32, #tpu.memory_space<vmem>>) offsets(%dma_start3A_409 : memref<64xi32, #tpu.memory_space<vmem>>) semaphore(%arg10 : memref<!tpu.dma_semaphore, #tpu.memory_space<semaphore_mem>>)
    %dma_wait3A_413 = arith.constant 6 : i32
    %dma_wait3A_414 = arith.constant 0 : i32
    %dma_wait3A_415 = tpu.memref_slice %arg5[%dma_wait3A_413, %dma_wait3A_414] : memref<20x64xi32, #tpu.memory_space<vmem>> -> memref<1x64xi32, #tpu.memory_space<vmem>>
    %dma_wait3A_416 = tpu.memref_squeeze %dma_wait3A_415 : memref<1x64xi32, #tpu.memory_space<vmem>> -> memref<64xi32, #tpu.memory_space<vmem>>
    %dma_wait3A_417 = arith.constant 0 : i32
    %dma_wait3A_418 = arith.constant 0 : i32
    %dma_wait3A_419 = tpu.memref_slice %arg8[%dma_wait3A_417, %dma_wait3A_418] : memref<1000x128xf32, #tpu.memory_space<vmem_shared>> -> memref<1000x128xf32, #tpu.memory_space<vmem_shared>>
    tpu.wait_indirect_dma semaphore(%arg9 : memref<!tpu.dma_semaphore, #tpu.memory_space<semaphore_mem>>) src(%dma_wait3A_419 : memref<1000x128xf32, #tpu.memory_space<vmem_shared>>) dst(%arg6 : memref<64x128xf32, #tpu.memory_space<vmem>>)
    %dma_start3A_420 = arith.constant 12 : i32
    %dma_start3A_421 = arith.constant 0 : i32
    %dma_start3A_422 = arith.constant 0 : i32
    %dma_start3A_423 = tpu.memref_slice %arg6[%dma_start3A_421, %dma_start3A_422] : memref<64x128xf32, #tpu.memory_space<vmem>> -> memref<32x128xf32, #tpu.memory_space<vmem>>
    %dma_start3A_424 = arith.constant 0 : i32
    %dma_start3A_425 = tpu.memref_slice %arg4[%dma_start3A_420, %mul3A_2, %dma_start3A_424] : memref<40x1024x128xf32, #tpu.memory_space<hbm>> -> memref<1x32x128xf32, #tpu.memory_space<hbm>>
    %dma_start3A_426 = tpu.memref_squeeze %dma_start3A_425 : memref<1x32x128xf32, #tpu.memory_space<hbm>> -> memref<32x128xf32, #tpu.memory_space<hbm>>
    %dma_start3A_427 = arith.constant 0 : i32
    %dma_start3A_428 = tpu.memref_slice %arg4[%dma_start3A_420, %mul3A_2, %dma_start3A_427] : memref<40x1024x128xf32, #tpu.memory_space<hbm>> -> memref<1x32x128xf32, #tpu.memory_space<hbm>>
    %dma_start3A_429 = tpu.memref_squeeze %dma_start3A_428 : memref<1x32x128xf32, #tpu.memory_space<hbm>> -> memref<32x128xf32, #tpu.memory_space<hbm>>
    %dma_start3A_430 = arith.constant 0 : i32
    %dma_start3A_431 = arith.constant 0 : i32
    %dma_start3A_432 = tpu.memref_slice %arg6[%dma_start3A_430, %dma_start3A_431] : memref<64x128xf32, #tpu.memory_space<vmem>> -> memref<32x128xf32, #tpu.memory_space<vmem>>
    tpu.enqueue_dma source(%dma_start3A_432 : memref<32x128xf32, #tpu.memory_space<vmem>>) target(%dma_start3A_429 : memref<32x128xf32, #tpu.memory_space<hbm>>) target_semaphore(%arg11 : memref<!tpu.dma_semaphore, #tpu.memory_space<semaphore_mem>>)
    %dma_start3A_433 = arith.constant 13 : i32
    %dma_start3A_434 = arith.constant 32 : i32
    %dma_start3A_435 = arith.constant 0 : i32
    %dma_start3A_436 = tpu.memref_slice %arg6[%dma_start3A_434, %dma_start3A_435] : memref<64x128xf32, #tpu.memory_space<vmem>> -> memref<32x128xf32, #tpu.memory_space<vmem>>
    %dma_start3A_437 = arith.constant 0 : i32
    %dma_start3A_438 = tpu.memref_slice %arg4[%dma_start3A_433, %mul3A_2, %dma_start3A_437] : memref<40x1024x128xf32, #tpu.memory_space<hbm>> -> memref<1x32x128xf32, #tpu.memory_space<hbm>>
    %dma_start3A_439 = tpu.memref_squeeze %dma_start3A_438 : memref<1x32x128xf32, #tpu.memory_space<hbm>> -> memref<32x128xf32, #tpu.memory_space<hbm>>
    %dma_start3A_440 = arith.constant 0 : i32
    %dma_start3A_441 = tpu.memref_slice %arg4[%dma_start3A_433, %mul3A_2, %dma_start3A_440] : memref<40x1024x128xf32, #tpu.memory_space<hbm>> -> memref<1x32x128xf32, #tpu.memory_space<hbm>>
    %dma_start3A_442 = tpu.memref_squeeze %dma_start3A_441 : memref<1x32x128xf32, #tpu.memory_space<hbm>> -> memref<32x128xf32, #tpu.memory_space<hbm>>
    %dma_start3A_443 = arith.constant 32 : i32
    %dma_start3A_444 = arith.constant 0 : i32
    %dma_start3A_445 = tpu.memref_slice %arg6[%dma_start3A_443, %dma_start3A_444] : memref<64x128xf32, #tpu.memory_space<vmem>> -> memref<32x128xf32, #tpu.memory_space<vmem>>
    tpu.enqueue_dma source(%dma_start3A_445 : memref<32x128xf32, #tpu.memory_space<vmem>>) target(%dma_start3A_442 : memref<32x128xf32, #tpu.memory_space<hbm>>) target_semaphore(%arg11 : memref<!tpu.dma_semaphore, #tpu.memory_space<semaphore_mem>>)
    %dma_wait3A_446 = arith.constant 12 : i32
    %dma_wait3A_447 = arith.constant 0 : i32
    %dma_wait3A_448 = arith.constant 0 : i32
    %dma_wait3A_449 = tpu.memref_slice %arg6[%dma_wait3A_447, %dma_wait3A_448] : memref<64x128xf32, #tpu.memory_space<vmem>> -> memref<32x128xf32, #tpu.memory_space<vmem>>
    %dma_wait3A_450 = arith.constant 0 : i32
    %dma_wait3A_451 = tpu.memref_slice %arg4[%dma_wait3A_446, %mul3A_2, %dma_wait3A_450] : memref<40x1024x128xf32, #tpu.memory_space<hbm>> -> memref<1x32x128xf32, #tpu.memory_space<hbm>>
    %dma_wait3A_452 = tpu.memref_squeeze %dma_wait3A_451 : memref<1x32x128xf32, #tpu.memory_space<hbm>> -> memref<32x128xf32, #tpu.memory_space<hbm>>
    %dma_wait3A_453 = arith.constant 0 : i32
    %dma_wait3A_454 = tpu.memref_slice %arg4[%dma_wait3A_446, %mul3A_2, %dma_wait3A_453] : memref<40x1024x128xf32, #tpu.memory_space<hbm>> -> memref<1x32x128xf32, #tpu.memory_space<hbm>>
    %dma_wait3A_455 = tpu.memref_squeeze %dma_wait3A_454 : memref<1x32x128xf32, #tpu.memory_space<hbm>> -> memref<32x128xf32, #tpu.memory_space<hbm>>
    %dma_wait3A_456 = arith.constant 0 : i32
    %dma_wait3A_457 = arith.constant 0 : i32
    %dma_wait3A_458 = tpu.memref_slice %arg6[%dma_wait3A_456, %dma_wait3A_457] : memref<64x128xf32, #tpu.memory_space<vmem>> -> memref<32x128xf32, #tpu.memory_space<vmem>>
    tpu.wait_dma2 semaphore(%arg11 : memref<!tpu.dma_semaphore, #tpu.memory_space<semaphore_mem>>) src(%dma_wait3A_458 : memref<32x128xf32, #tpu.memory_space<vmem>>) dst(%dma_wait3A_455 : memref<32x128xf32, #tpu.memory_space<hbm>>)
    %dma_wait3A_459 = arith.constant 13 : i32
    %dma_wait3A_460 = arith.constant 32 : i32
    %dma_wait3A_461 = arith.constant 0 : i32
    %dma_wait3A_462 = tpu.memref_slice %arg6[%dma_wait3A_460, %dma_wait3A_461] : memref<64x128xf32, #tpu.memory_space<vmem>> -> memref<32x128xf32, #tpu.memory_space<vmem>>
    %dma_wait3A_463 = arith.constant 0 : i32
    %dma_wait3A_464 = tpu.memref_slice %arg4[%dma_wait3A_459, %mul3A_2, %dma_wait3A_463] : memref<40x1024x128xf32, #tpu.memory_space<hbm>> -> memref<1x32x128xf32, #tpu.memory_space<hbm>>
    %dma_wait3A_465 = tpu.memref_squeeze %dma_wait3A_464 : memref<1x32x128xf32, #tpu.memory_space<hbm>> -> memref<32x128xf32, #tpu.memory_space<hbm>>
    %dma_wait3A_466 = arith.constant 0 : i32
    %dma_wait3A_467 = tpu.memref_slice %arg4[%dma_wait3A_459, %mul3A_2, %dma_wait3A_466] : memref<40x1024x128xf32, #tpu.memory_space<hbm>> -> memref<1x32x128xf32, #tpu.memory_space<hbm>>
    %dma_wait3A_468 = tpu.memref_squeeze %dma_wait3A_467 : memref<1x32x128xf32, #tpu.memory_space<hbm>> -> memref<32x128xf32, #tpu.memory_space<hbm>>
    %dma_wait3A_469 = arith.constant 32 : i32
    %dma_wait3A_470 = arith.constant 0 : i32
    %dma_wait3A_471 = tpu.memref_slice %arg6[%dma_wait3A_469, %dma_wait3A_470] : memref<64x128xf32, #tpu.memory_space<vmem>> -> memref<32x128xf32, #tpu.memory_space<vmem>>
    tpu.wait_dma2 semaphore(%arg11 : memref<!tpu.dma_semaphore, #tpu.memory_space<semaphore_mem>>) src(%dma_wait3A_471 : memref<32x128xf32, #tpu.memory_space<vmem>>) dst(%dma_wait3A_468 : memref<32x128xf32, #tpu.memory_space<hbm>>)
    %dma_start3A_472 = arith.constant 8 : i32
    %dma_start3A_473 = arith.constant 0 : i32
    %dma_start3A_474 = tpu.memref_slice %arg5[%dma_start3A_472, %dma_start3A_473] : memref<20x64xi32, #tpu.memory_space<vmem>> -> memref<1x64xi32, #tpu.memory_space<vmem>>
    %dma_start3A_475 = tpu.memref_squeeze %dma_start3A_474 : memref<1x64xi32, #tpu.memory_space<vmem>> -> memref<64xi32, #tpu.memory_space<vmem>>
    %dma_start3A_476 = arith.constant 0 : i32
    %dma_start3A_477 = arith.constant 0 : i32
    %dma_start3A_478 = tpu.memref_slice %arg8[%dma_start3A_476, %dma_start3A_477] : memref<1000x128xf32, #tpu.memory_space<vmem_shared>> -> memref<1000x128xf32, #tpu.memory_space<vmem_shared>>
    tpu.enqueue_indirect_dma source(%dma_start3A_478 : memref<1000x128xf32, #tpu.memory_space<vmem_shared>>) target(%arg6 : memref<64x128xf32, #tpu.memory_space<vmem>>) offsets(%dma_start3A_475 : memref<64xi32, #tpu.memory_space<vmem>>) semaphore(%arg9 : memref<!tpu.dma_semaphore, #tpu.memory_space<semaphore_mem>>)
    %dma_wait3A_479 = arith.constant 7 : i32
    %dma_wait3A_480 = arith.constant 0 : i32
    %dma_wait3A_481 = tpu.memref_slice %arg5[%dma_wait3A_479, %dma_wait3A_480] : memref<20x64xi32, #tpu.memory_space<vmem>> -> memref<1x64xi32, #tpu.memory_space<vmem>>
    %dma_wait3A_482 = tpu.memref_squeeze %dma_wait3A_481 : memref<1x64xi32, #tpu.memory_space<vmem>> -> memref<64xi32, #tpu.memory_space<vmem>>
    %dma_wait3A_483 = arith.constant 0 : i32
    %dma_wait3A_484 = arith.constant 0 : i32
    %dma_wait3A_485 = tpu.memref_slice %arg8[%dma_wait3A_483, %dma_wait3A_484] : memref<1000x128xf32, #tpu.memory_space<vmem_shared>> -> memref<1000x128xf32, #tpu.memory_space<vmem_shared>>
    tpu.wait_indirect_dma semaphore(%arg10 : memref<!tpu.dma_semaphore, #tpu.memory_space<semaphore_mem>>) src(%dma_wait3A_485 : memref<1000x128xf32, #tpu.memory_space<vmem_shared>>) dst(%arg7 : memref<64x128xf32, #tpu.memory_space<vmem>>)
    %dma_start3A_486 = arith.constant 14 : i32
    %dma_start3A_487 = arith.constant 0 : i32
    %dma_start3A_488 = arith.constant 0 : i32
    %dma_start3A_489 = tpu.memref_slice %arg7[%dma_start3A_487, %dma_start3A_488] : memref<64x128xf32, #tpu.memory_space<vmem>> -> memref<32x128xf32, #tpu.memory_space<vmem>>
    %dma_start3A_490 = arith.constant 0 : i32
    %dma_start3A_491 = tpu.memref_slice %arg4[%dma_start3A_486, %mul3A_2, %dma_start3A_490] : memref<40x1024x128xf32, #tpu.memory_space<hbm>> -> memref<1x32x128xf32, #tpu.memory_space<hbm>>
    %dma_start3A_492 = tpu.memref_squeeze %dma_start3A_491 : memref<1x32x128xf32, #tpu.memory_space<hbm>> -> memref<32x128xf32, #tpu.memory_space<hbm>>
    %dma_start3A_493 = arith.constant 0 : i32
    %dma_start3A_494 = tpu.memref_slice %arg4[%dma_start3A_486, %mul3A_2, %dma_start3A_493] : memref<40x1024x128xf32, #tpu.memory_space<hbm>> -> memref<1x32x128xf32, #tpu.memory_space<hbm>>
    %dma_start3A_495 = tpu.memref_squeeze %dma_start3A_494 : memref<1x32x128xf32, #tpu.memory_space<hbm>> -> memref<32x128xf32, #tpu.memory_space<hbm>>
    %dma_start3A_496 = arith.constant 0 : i32
    %dma_start3A_497 = arith.constant 0 : i32
    %dma_start3A_498 = tpu.memref_slice %arg7[%dma_start3A_496, %dma_start3A_497] : memref<64x128xf32, #tpu.memory_space<vmem>> -> memref<32x128xf32, #tpu.memory_space<vmem>>
    tpu.enqueue_dma source(%dma_start3A_498 : memref<32x128xf32, #tpu.memory_space<vmem>>) target(%dma_start3A_495 : memref<32x128xf32, #tpu.memory_space<hbm>>) target_semaphore(%arg12 : memref<!tpu.dma_semaphore, #tpu.memory_space<semaphore_mem>>)
    %dma_start3A_499 = arith.constant 15 : i32
    %dma_start3A_500 = arith.constant 32 : i32
    %dma_start3A_501 = arith.constant 0 : i32
    %dma_start3A_502 = tpu.memref_slice %arg7[%dma_start3A_500, %dma_start3A_501] : memref<64x128xf32, #tpu.memory_space<vmem>> -> memref<32x128xf32, #tpu.memory_space<vmem>>
    %dma_start3A_503 = arith.constant 0 : i32
    %dma_start3A_504 = tpu.memref_slice %arg4[%dma_start3A_499, %mul3A_2, %dma_start3A_503] : memref<40x1024x128xf32, #tpu.memory_space<hbm>> -> memref<1x32x128xf32, #tpu.memory_space<hbm>>
    %dma_start3A_505 = tpu.memref_squeeze %dma_start3A_504 : memref<1x32x128xf32, #tpu.memory_space<hbm>> -> memref<32x128xf32, #tpu.memory_space<hbm>>
    %dma_start3A_506 = arith.constant 0 : i32
    %dma_start3A_507 = tpu.memref_slice %arg4[%dma_start3A_499, %mul3A_2, %dma_start3A_506] : memref<40x1024x128xf32, #tpu.memory_space<hbm>> -> memref<1x32x128xf32, #tpu.memory_space<hbm>>
    %dma_start3A_508 = tpu.memref_squeeze %dma_start3A_507 : memref<1x32x128xf32, #tpu.memory_space<hbm>> -> memref<32x128xf32, #tpu.memory_space<hbm>>
    %dma_start3A_509 = arith.constant 32 : i32
    %dma_start3A_510 = arith.constant 0 : i32
    %dma_start3A_511 = tpu.memref_slice %arg7[%dma_start3A_509, %dma_start3A_510] : memref<64x128xf32, #tpu.memory_space<vmem>> -> memref<32x128xf32, #tpu.memory_space<vmem>>
    tpu.enqueue_dma source(%dma_start3A_511 : memref<32x128xf32, #tpu.memory_space<vmem>>) target(%dma_start3A_508 : memref<32x128xf32, #tpu.memory_space<hbm>>) target_semaphore(%arg12 : memref<!tpu.dma_semaphore, #tpu.memory_space<semaphore_mem>>)
    %dma_wait3A_512 = arith.constant 14 : i32
    %dma_wait3A_513 = arith.constant 0 : i32
    %dma_wait3A_514 = arith.constant 0 : i32
    %dma_wait3A_515 = tpu.memref_slice %arg7[%dma_wait3A_513, %dma_wait3A_514] : memref<64x128xf32, #tpu.memory_space<vmem>> -> memref<32x128xf32, #tpu.memory_space<vmem>>
    %dma_wait3A_516 = arith.constant 0 : i32
    %dma_wait3A_517 = tpu.memref_slice %arg4[%dma_wait3A_512, %mul3A_2, %dma_wait3A_516] : memref<40x1024x128xf32, #tpu.memory_space<hbm>> -> memref<1x32x128xf32, #tpu.memory_space<hbm>>
    %dma_wait3A_518 = tpu.memref_squeeze %dma_wait3A_517 : memref<1x32x128xf32, #tpu.memory_space<hbm>> -> memref<32x128xf32, #tpu.memory_space<hbm>>
    %dma_wait3A_519 = arith.constant 0 : i32
    %dma_wait3A_520 = tpu.memref_slice %arg4[%dma_wait3A_512, %mul3A_2, %dma_wait3A_519] : memref<40x1024x128xf32, #tpu.memory_space<hbm>> -> memref<1x32x128xf32, #tpu.memory_space<hbm>>
    %dma_wait3A_521 = tpu.memref_squeeze %dma_wait3A_520 : memref<1x32x128xf32, #tpu.memory_space<hbm>> -> memref<32x128xf32, #tpu.memory_space<hbm>>
    %dma_wait3A_522 = arith.constant 0 : i32
    %dma_wait3A_523 = arith.constant 0 : i32
    %dma_wait3A_524 = tpu.memref_slice %arg7[%dma_wait3A_522, %dma_wait3A_523] : memref<64x128xf32, #tpu.memory_space<vmem>> -> memref<32x128xf32, #tpu.memory_space<vmem>>
    tpu.wait_dma2 semaphore(%arg12 : memref<!tpu.dma_semaphore, #tpu.memory_space<semaphore_mem>>) src(%dma_wait3A_524 : memref<32x128xf32, #tpu.memory_space<vmem>>) dst(%dma_wait3A_521 : memref<32x128xf32, #tpu.memory_space<hbm>>)
    %dma_wait3A_525 = arith.constant 15 : i32
    %dma_wait3A_526 = arith.constant 32 : i32
    %dma_wait3A_527 = arith.constant 0 : i32
    %dma_wait3A_528 = tpu.memref_slice %arg7[%dma_wait3A_526, %dma_wait3A_527] : memref<64x128xf32, #tpu.memory_space<vmem>> -> memref<32x128xf32, #tpu.memory_space<vmem>>
    %dma_wait3A_529 = arith.constant 0 : i32
    %dma_wait3A_530 = tpu.memref_slice %arg4[%dma_wait3A_525, %mul3A_2, %dma_wait3A_529] : memref<40x1024x128xf32, #tpu.memory_space<hbm>> -> memref<1x32x128xf32, #tpu.memory_space<hbm>>
    %dma_wait3A_531 = tpu.memref_squeeze %dma_wait3A_530 : memref<1x32x128xf32, #tpu.memory_space<hbm>> -> memref<32x128xf32, #tpu.memory_space<hbm>>
    %dma_wait3A_532 = arith.constant 0 : i32
    %dma_wait3A_533 = tpu.memref_slice %arg4[%dma_wait3A_525, %mul3A_2, %dma_wait3A_532] : memref<40x1024x128xf32, #tpu.memory_space<hbm>> -> memref<1x32x128xf32, #tpu.memory_space<hbm>>
    %dma_wait3A_534 = tpu.memref_squeeze %dma_wait3A_533 : memref<1x32x128xf32, #tpu.memory_space<hbm>> -> memref<32x128xf32, #tpu.memory_space<hbm>>
    %dma_wait3A_535 = arith.constant 32 : i32
    %dma_wait3A_536 = arith.constant 0 : i32
    %dma_wait3A_537 = tpu.memref_slice %arg7[%dma_wait3A_535, %dma_wait3A_536] : memref<64x128xf32, #tpu.memory_space<vmem>> -> memref<32x128xf32, #tpu.memory_space<vmem>>
    tpu.wait_dma2 semaphore(%arg12 : memref<!tpu.dma_semaphore, #tpu.memory_space<semaphore_mem>>) src(%dma_wait3A_537 : memref<32x128xf32, #tpu.memory_space<vmem>>) dst(%dma_wait3A_534 : memref<32x128xf32, #tpu.memory_space<hbm>>)
    %dma_start3A_538 = arith.constant 9 : i32
    %dma_start3A_539 = arith.constant 0 : i32
    %dma_start3A_540 = tpu.memref_slice %arg5[%dma_start3A_538, %dma_start3A_539] : memref<20x64xi32, #tpu.memory_space<vmem>> -> memref<1x64xi32, #tpu.memory_space<vmem>>
    %dma_start3A_541 = tpu.memref_squeeze %dma_start3A_540 : memref<1x64xi32, #tpu.memory_space<vmem>> -> memref<64xi32, #tpu.memory_space<vmem>>
    %dma_start3A_542 = arith.constant 0 : i32
    %dma_start3A_543 = arith.constant 0 : i32
    %dma_start3A_544 = tpu.memref_slice %arg8[%dma_start3A_542, %dma_start3A_543] : memref<1000x128xf32, #tpu.memory_space<vmem_shared>> -> memref<1000x128xf32, #tpu.memory_space<vmem_shared>>
    tpu.enqueue_indirect_dma source(%dma_start3A_544 : memref<1000x128xf32, #tpu.memory_space<vmem_shared>>) target(%arg7 : memref<64x128xf32, #tpu.memory_space<vmem>>) offsets(%dma_start3A_541 : memref<64xi32, #tpu.memory_space<vmem>>) semaphore(%arg10 : memref<!tpu.dma_semaphore, #tpu.memory_space<semaphore_mem>>)
    %dma_wait3A_545 = arith.constant 8 : i32
    %dma_wait3A_546 = arith.constant 0 : i32
    %dma_wait3A_547 = tpu.memref_slice %arg5[%dma_wait3A_545, %dma_wait3A_546] : memref<20x64xi32, #tpu.memory_space<vmem>> -> memref<1x64xi32, #tpu.memory_space<vmem>>
    %dma_wait3A_548 = tpu.memref_squeeze %dma_wait3A_547 : memref<1x64xi32, #tpu.memory_space<vmem>> -> memref<64xi32, #tpu.memory_space<vmem>>
    %dma_wait3A_549 = arith.constant 0 : i32
    %dma_wait3A_550 = arith.constant 0 : i32
    %dma_wait3A_551 = tpu.memref_slice %arg8[%dma_wait3A_549, %dma_wait3A_550] : memref<1000x128xf32, #tpu.memory_space<vmem_shared>> -> memref<1000x128xf32, #tpu.memory_space<vmem_shared>>
    tpu.wait_indirect_dma semaphore(%arg9 : memref<!tpu.dma_semaphore, #tpu.memory_space<semaphore_mem>>) src(%dma_wait3A_551 : memref<1000x128xf32, #tpu.memory_space<vmem_shared>>) dst(%arg6 : memref<64x128xf32, #tpu.memory_space<vmem>>)
    %dma_start3A_552 = arith.constant 16 : i32
    %dma_start3A_553 = arith.constant 0 : i32
    %dma_start3A_554 = arith.constant 0 : i32
    %dma_start3A_555 = tpu.memref_slice %arg6[%dma_start3A_553, %dma_start3A_554] : memref<64x128xf32, #tpu.memory_space<vmem>> -> memref<32x128xf32, #tpu.memory_space<vmem>>
    %dma_start3A_556 = arith.constant 0 : i32
    %dma_start3A_557 = tpu.memref_slice %arg4[%dma_start3A_552, %mul3A_2, %dma_start3A_556] : memref<40x1024x128xf32, #tpu.memory_space<hbm>> -> memref<1x32x128xf32, #tpu.memory_space<hbm>>
    %dma_start3A_558 = tpu.memref_squeeze %dma_start3A_557 : memref<1x32x128xf32, #tpu.memory_space<hbm>> -> memref<32x128xf32, #tpu.memory_space<hbm>>
    %dma_start3A_559 = arith.constant 0 : i32
    %dma_start3A_560 = tpu.memref_slice %arg4[%dma_start3A_552, %mul3A_2, %dma_start3A_559] : memref<40x1024x128xf32, #tpu.memory_space<hbm>> -> memref<1x32x128xf32, #tpu.memory_space<hbm>>
    %dma_start3A_561 = tpu.memref_squeeze %dma_start3A_560 : memref<1x32x128xf32, #tpu.memory_space<hbm>> -> memref<32x128xf32, #tpu.memory_space<hbm>>
    %dma_start3A_562 = arith.constant 0 : i32
    %dma_start3A_563 = arith.constant 0 : i32
    %dma_start3A_564 = tpu.memref_slice %arg6[%dma_start3A_562, %dma_start3A_563] : memref<64x128xf32, #tpu.memory_space<vmem>> -> memref<32x128xf32, #tpu.memory_space<vmem>>
    tpu.enqueue_dma source(%dma_start3A_564 : memref<32x128xf32, #tpu.memory_space<vmem>>) target(%dma_start3A_561 : memref<32x128xf32, #tpu.memory_space<hbm>>) target_semaphore(%arg11 : memref<!tpu.dma_semaphore, #tpu.memory_space<semaphore_mem>>)
    %dma_start3A_565 = arith.constant 17 : i32
    %dma_start3A_566 = arith.constant 32 : i32
    %dma_start3A_567 = arith.constant 0 : i32
    %dma_start3A_568 = tpu.memref_slice %arg6[%dma_start3A_566, %dma_start3A_567] : memref<64x128xf32, #tpu.memory_space<vmem>> -> memref<32x128xf32, #tpu.memory_space<vmem>>
    %dma_start3A_569 = arith.constant 0 : i32
    %dma_start3A_570 = tpu.memref_slice %arg4[%dma_start3A_565, %mul3A_2, %dma_start3A_569] : memref<40x1024x128xf32, #tpu.memory_space<hbm>> -> memref<1x32x128xf32, #tpu.memory_space<hbm>>
    %dma_start3A_571 = tpu.memref_squeeze %dma_start3A_570 : memref<1x32x128xf32, #tpu.memory_space<hbm>> -> memref<32x128xf32, #tpu.memory_space<hbm>>
    %dma_start3A_572 = arith.constant 0 : i32
    %dma_start3A_573 = tpu.memref_slice %arg4[%dma_start3A_565, %mul3A_2, %dma_start3A_572] : memref<40x1024x128xf32, #tpu.memory_space<hbm>> -> memref<1x32x128xf32, #tpu.memory_space<hbm>>
    %dma_start3A_574 = tpu.memref_squeeze %dma_start3A_573 : memref<1x32x128xf32, #tpu.memory_space<hbm>> -> memref<32x128xf32, #tpu.memory_space<hbm>>
    %dma_start3A_575 = arith.constant 32 : i32
    %dma_start3A_576 = arith.constant 0 : i32
    %dma_start3A_577 = tpu.memref_slice %arg6[%dma_start3A_575, %dma_start3A_576] : memref<64x128xf32, #tpu.memory_space<vmem>> -> memref<32x128xf32, #tpu.memory_space<vmem>>
    tpu.enqueue_dma source(%dma_start3A_577 : memref<32x128xf32, #tpu.memory_space<vmem>>) target(%dma_start3A_574 : memref<32x128xf32, #tpu.memory_space<hbm>>) target_semaphore(%arg11 : memref<!tpu.dma_semaphore, #tpu.memory_space<semaphore_mem>>)
    %dma_wait3A_578 = arith.constant 16 : i32
    %dma_wait3A_579 = arith.constant 0 : i32
    %dma_wait3A_580 = arith.constant 0 : i32
    %dma_wait3A_581 = tpu.memref_slice %arg6[%dma_wait3A_579, %dma_wait3A_580] : memref<64x128xf32, #tpu.memory_space<vmem>> -> memref<32x128xf32, #tpu.memory_space<vmem>>
    %dma_wait3A_582 = arith.constant 0 : i32
    %dma_wait3A_583 = tpu.memref_slice %arg4[%dma_wait3A_578, %mul3A_2, %dma_wait3A_582] : memref<40x1024x128xf32, #tpu.memory_space<hbm>> -> memref<1x32x128xf32, #tpu.memory_space<hbm>>
    %dma_wait3A_584 = tpu.memref_squeeze %dma_wait3A_583 : memref<1x32x128xf32, #tpu.memory_space<hbm>> -> memref<32x128xf32, #tpu.memory_space<hbm>>
    %dma_wait3A_585 = arith.constant 0 : i32
    %dma_wait3A_586 = tpu.memref_slice %arg4[%dma_wait3A_578, %mul3A_2, %dma_wait3A_585] : memref<40x1024x128xf32, #tpu.memory_space<hbm>> -> memref<1x32x128xf32, #tpu.memory_space<hbm>>
    %dma_wait3A_587 = tpu.memref_squeeze %dma_wait3A_586 : memref<1x32x128xf32, #tpu.memory_space<hbm>> -> memref<32x128xf32, #tpu.memory_space<hbm>>
    %dma_wait3A_588 = arith.constant 0 : i32
    %dma_wait3A_589 = arith.constant 0 : i32
    %dma_wait3A_590 = tpu.memref_slice %arg6[%dma_wait3A_588, %dma_wait3A_589] : memref<64x128xf32, #tpu.memory_space<vmem>> -> memref<32x128xf32, #tpu.memory_space<vmem>>
    tpu.wait_dma2 semaphore(%arg11 : memref<!tpu.dma_semaphore, #tpu.memory_space<semaphore_mem>>) src(%dma_wait3A_590 : memref<32x128xf32, #tpu.memory_space<vmem>>) dst(%dma_wait3A_587 : memref<32x128xf32, #tpu.memory_space<hbm>>)
    %dma_wait3A_591 = arith.constant 17 : i32
    %dma_wait3A_592 = arith.constant 32 : i32
    %dma_wait3A_593 = arith.constant 0 : i32
    %dma_wait3A_594 = tpu.memref_slice %arg6[%dma_wait3A_592, %dma_wait3A_593] : memref<64x128xf32, #tpu.memory_space<vmem>> -> memref<32x128xf32, #tpu.memory_space<vmem>>
    %dma_wait3A_595 = arith.constant 0 : i32
    %dma_wait3A_596 = tpu.memref_slice %arg4[%dma_wait3A_591, %mul3A_2, %dma_wait3A_595] : memref<40x1024x128xf32, #tpu.memory_space<hbm>> -> memref<1x32x128xf32, #tpu.memory_space<hbm>>
    %dma_wait3A_597 = tpu.memref_squeeze %dma_wait3A_596 : memref<1x32x128xf32, #tpu.memory_space<hbm>> -> memref<32x128xf32, #tpu.memory_space<hbm>>
    %dma_wait3A_598 = arith.constant 0 : i32
    %dma_wait3A_599 = tpu.memref_slice %arg4[%dma_wait3A_591, %mul3A_2, %dma_wait3A_598] : memref<40x1024x128xf32, #tpu.memory_space<hbm>> -> memref<1x32x128xf32, #tpu.memory_space<hbm>>
    %dma_wait3A_600 = tpu.memref_squeeze %dma_wait3A_599 : memref<1x32x128xf32, #tpu.memory_space<hbm>> -> memref<32x128xf32, #tpu.memory_space<hbm>>
    %dma_wait3A_601 = arith.constant 32 : i32
    %dma_wait3A_602 = arith.constant 0 : i32
    %dma_wait3A_603 = tpu.memref_slice %arg6[%dma_wait3A_601, %dma_wait3A_602] : memref<64x128xf32, #tpu.memory_space<vmem>> -> memref<32x128xf32, #tpu.memory_space<vmem>>
    tpu.wait_dma2 semaphore(%arg11 : memref<!tpu.dma_semaphore, #tpu.memory_space<semaphore_mem>>) src(%dma_wait3A_603 : memref<32x128xf32, #tpu.memory_space<vmem>>) dst(%dma_wait3A_600 : memref<32x128xf32, #tpu.memory_space<hbm>>)
    %dma_start3A_604 = arith.constant 10 : i32
    %dma_start3A_605 = arith.constant 0 : i32
    %dma_start3A_606 = tpu.memref_slice %arg5[%dma_start3A_604, %dma_start3A_605] : memref<20x64xi32, #tpu.memory_space<vmem>> -> memref<1x64xi32, #tpu.memory_space<vmem>>
    %dma_start3A_607 = tpu.memref_squeeze %dma_start3A_606 : memref<1x64xi32, #tpu.memory_space<vmem>> -> memref<64xi32, #tpu.memory_space<vmem>>
    %dma_start3A_608 = arith.constant 0 : i32
    %dma_start3A_609 = arith.constant 0 : i32
    %dma_start3A_610 = tpu.memref_slice %arg8[%dma_start3A_608, %dma_start3A_609] : memref<1000x128xf32, #tpu.memory_space<vmem_shared>> -> memref<1000x128xf32, #tpu.memory_space<vmem_shared>>
    tpu.enqueue_indirect_dma source(%dma_start3A_610 : memref<1000x128xf32, #tpu.memory_space<vmem_shared>>) target(%arg6 : memref<64x128xf32, #tpu.memory_space<vmem>>) offsets(%dma_start3A_607 : memref<64xi32, #tpu.memory_space<vmem>>) semaphore(%arg9 : memref<!tpu.dma_semaphore, #tpu.memory_space<semaphore_mem>>)
    %dma_wait3A_611 = arith.constant 9 : i32
    %dma_wait3A_612 = arith.constant 0 : i32
    %dma_wait3A_613 = tpu.memref_slice %arg5[%dma_wait3A_611, %dma_wait3A_612] : memref<20x64xi32, #tpu.memory_space<vmem>> -> memref<1x64xi32, #tpu.memory_space<vmem>>
    %dma_wait3A_614 = tpu.memref_squeeze %dma_wait3A_613 : memref<1x64xi32, #tpu.memory_space<vmem>> -> memref<64xi32, #tpu.memory_space<vmem>>
    %dma_wait3A_615 = arith.constant 0 : i32
    %dma_wait3A_616 = arith.constant 0 : i32
    %dma_wait3A_617 = tpu.memref_slice %arg8[%dma_wait3A_615, %dma_wait3A_616] : memref<1000x128xf32, #tpu.memory_space<vmem_shared>> -> memref<1000x128xf32, #tpu.memory_space<vmem_shared>>
    tpu.wait_indirect_dma semaphore(%arg10 : memref<!tpu.dma_semaphore, #tpu.memory_space<semaphore_mem>>) src(%dma_wait3A_617 : memref<1000x128xf32, #tpu.memory_space<vmem_shared>>) dst(%arg7 : memref<64x128xf32, #tpu.memory_space<vmem>>)
    %dma_start3A_618 = arith.constant 18 : i32
    %dma_start3A_619 = arith.constant 0 : i32
    %dma_start3A_620 = arith.constant 0 : i32
    %dma_start3A_621 = tpu.memref_slice %arg7[%dma_start3A_619, %dma_start3A_620] : memref<64x128xf32, #tpu.memory_space<vmem>> -> memref<32x128xf32, #tpu.memory_space<vmem>>
    %dma_start3A_622 = arith.constant 0 : i32
    %dma_start3A_623 = tpu.memref_slice %arg4[%dma_start3A_618, %mul3A_2, %dma_start3A_622] : memref<40x1024x128xf32, #tpu.memory_space<hbm>> -> memref<1x32x128xf32, #tpu.memory_space<hbm>>
    %dma_start3A_624 = tpu.memref_squeeze %dma_start3A_623 : memref<1x32x128xf32, #tpu.memory_space<hbm>> -> memref<32x128xf32, #tpu.memory_space<hbm>>
    %dma_start3A_625 = arith.constant 0 : i32
    %dma_start3A_626 = tpu.memref_slice %arg4[%dma_start3A_618, %mul3A_2, %dma_start3A_625] : memref<40x1024x128xf32, #tpu.memory_space<hbm>> -> memref<1x32x128xf32, #tpu.memory_space<hbm>>
    %dma_start3A_627 = tpu.memref_squeeze %dma_start3A_626 : memref<1x32x128xf32, #tpu.memory_space<hbm>> -> memref<32x128xf32, #tpu.memory_space<hbm>>
    %dma_start3A_628 = arith.constant 0 : i32
    %dma_start3A_629 = arith.constant 0 : i32
    %dma_start3A_630 = tpu.memref_slice %arg7[%dma_start3A_628, %dma_start3A_629] : memref<64x128xf32, #tpu.memory_space<vmem>> -> memref<32x128xf32, #tpu.memory_space<vmem>>
    tpu.enqueue_dma source(%dma_start3A_630 : memref<32x128xf32, #tpu.memory_space<vmem>>) target(%dma_start3A_627 : memref<32x128xf32, #tpu.memory_space<hbm>>) target_semaphore(%arg12 : memref<!tpu.dma_semaphore, #tpu.memory_space<semaphore_mem>>)
    %dma_start3A_631 = arith.constant 19 : i32
    %dma_start3A_632 = arith.constant 32 : i32
    %dma_start3A_633 = arith.constant 0 : i32
    %dma_start3A_634 = tpu.memref_slice %arg7[%dma_start3A_632, %dma_start3A_633] : memref<64x128xf32, #tpu.memory_space<vmem>> -> memref<32x128xf32, #tpu.memory_space<vmem>>
    %dma_start3A_635 = arith.constant 0 : i32
    %dma_start3A_636 = tpu.memref_slice %arg4[%dma_start3A_631, %mul3A_2, %dma_start3A_635] : memref<40x1024x128xf32, #tpu.memory_space<hbm>> -> memref<1x32x128xf32, #tpu.memory_space<hbm>>
    %dma_start3A_637 = tpu.memref_squeeze %dma_start3A_636 : memref<1x32x128xf32, #tpu.memory_space<hbm>> -> memref<32x128xf32, #tpu.memory_space<hbm>>
    %dma_start3A_638 = arith.constant 0 : i32
    %dma_start3A_639 = tpu.memref_slice %arg4[%dma_start3A_631, %mul3A_2, %dma_start3A_638] : memref<40x1024x128xf32, #tpu.memory_space<hbm>> -> memref<1x32x128xf32, #tpu.memory_space<hbm>>
    %dma_start3A_640 = tpu.memref_squeeze %dma_start3A_639 : memref<1x32x128xf32, #tpu.memory_space<hbm>> -> memref<32x128xf32, #tpu.memory_space<hbm>>
    %dma_start3A_641 = arith.constant 32 : i32
    %dma_start3A_642 = arith.constant 0 : i32
    %dma_start3A_643 = tpu.memref_slice %arg7[%dma_start3A_641, %dma_start3A_642] : memref<64x128xf32, #tpu.memory_space<vmem>> -> memref<32x128xf32, #tpu.memory_space<vmem>>
    tpu.enqueue_dma source(%dma_start3A_643 : memref<32x128xf32, #tpu.memory_space<vmem>>) target(%dma_start3A_640 : memref<32x128xf32, #tpu.memory_space<hbm>>) target_semaphore(%arg12 : memref<!tpu.dma_semaphore, #tpu.memory_space<semaphore_mem>>)
    %dma_wait3A_644 = arith.constant 18 : i32
    %dma_wait3A_645 = arith.constant 0 : i32
    %dma_wait3A_646 = arith.constant 0 : i32
    %dma_wait3A_647 = tpu.memref_slice %arg7[%dma_wait3A_645, %dma_wait3A_646] : memref<64x128xf32, #tpu.memory_space<vmem>> -> memref<32x128xf32, #tpu.memory_space<vmem>>
    %dma_wait3A_648 = arith.constant 0 : i32
    %dma_wait3A_649 = tpu.memref_slice %arg4[%dma_wait3A_644, %mul3A_2, %dma_wait3A_648] : memref<40x1024x128xf32, #tpu.memory_space<hbm>> -> memref<1x32x128xf32, #tpu.memory_space<hbm>>
    %dma_wait3A_650 = tpu.memref_squeeze %dma_wait3A_649 : memref<1x32x128xf32, #tpu.memory_space<hbm>> -> memref<32x128xf32, #tpu.memory_space<hbm>>
    %dma_wait3A_651 = arith.constant 0 : i32
    %dma_wait3A_652 = tpu.memref_slice %arg4[%dma_wait3A_644, %mul3A_2, %dma_wait3A_651] : memref<40x1024x128xf32, #tpu.memory_space<hbm>> -> memref<1x32x128xf32, #tpu.memory_space<hbm>>
    %dma_wait3A_653 = tpu.memref_squeeze %dma_wait3A_652 : memref<1x32x128xf32, #tpu.memory_space<hbm>> -> memref<32x128xf32, #tpu.memory_space<hbm>>
    %dma_wait3A_654 = arith.constant 0 : i32
    %dma_wait3A_655 = arith.constant 0 : i32
    %dma_wait3A_656 = tpu.memref_slice %arg7[%dma_wait3A_654, %dma_wait3A_655] : memref<64x128xf32, #tpu.memory_space<vmem>> -> memref<32x128xf32, #tpu.memory_space<vmem>>
    tpu.wait_dma2 semaphore(%arg12 : memref<!tpu.dma_semaphore, #tpu.memory_space<semaphore_mem>>) src(%dma_wait3A_656 : memref<32x128xf32, #tpu.memory_space<vmem>>) dst(%dma_wait3A_653 : memref<32x128xf32, #tpu.memory_space<hbm>>)
    %dma_wait3A_657 = arith.constant 19 : i32
    %dma_wait3A_658 = arith.constant 32 : i32
    %dma_wait3A_659 = arith.constant 0 : i32
    %dma_wait3A_660 = tpu.memref_slice %arg7[%dma_wait3A_658, %dma_wait3A_659] : memref<64x128xf32, #tpu.memory_space<vmem>> -> memref<32x128xf32, #tpu.memory_space<vmem>>
    %dma_wait3A_661 = arith.constant 0 : i32
    %dma_wait3A_662 = tpu.memref_slice %arg4[%dma_wait3A_657, %mul3A_2, %dma_wait3A_661] : memref<40x1024x128xf32, #tpu.memory_space<hbm>> -> memref<1x32x128xf32, #tpu.memory_space<hbm>>
    %dma_wait3A_663 = tpu.memref_squeeze %dma_wait3A_662 : memref<1x32x128xf32, #tpu.memory_space<hbm>> -> memref<32x128xf32, #tpu.memory_space<hbm>>
    %dma_wait3A_664 = arith.constant 0 : i32
    %dma_wait3A_665 = tpu.memref_slice %arg4[%dma_wait3A_657, %mul3A_2, %dma_wait3A_664] : memref<40x1024x128xf32, #tpu.memory_space<hbm>> -> memref<1x32x128xf32, #tpu.memory_space<hbm>>
    %dma_wait3A_666 = tpu.memref_squeeze %dma_wait3A_665 : memref<1x32x128xf32, #tpu.memory_space<hbm>> -> memref<32x128xf32, #tpu.memory_space<hbm>>
    %dma_wait3A_667 = arith.constant 32 : i32
    %dma_wait3A_668 = arith.constant 0 : i32
    %dma_wait3A_669 = tpu.memref_slice %arg7[%dma_wait3A_667, %dma_wait3A_668] : memref<64x128xf32, #tpu.memory_space<vmem>> -> memref<32x128xf32, #tpu.memory_space<vmem>>
    tpu.wait_dma2 semaphore(%arg12 : memref<!tpu.dma_semaphore, #tpu.memory_space<semaphore_mem>>) src(%dma_wait3A_669 : memref<32x128xf32, #tpu.memory_space<vmem>>) dst(%dma_wait3A_666 : memref<32x128xf32, #tpu.memory_space<hbm>>)
    %dma_start3A_670 = arith.constant 11 : i32
    %dma_start3A_671 = arith.constant 0 : i32
    %dma_start3A_672 = tpu.memref_slice %arg5[%dma_start3A_670, %dma_start3A_671] : memref<20x64xi32, #tpu.memory_space<vmem>> -> memref<1x64xi32, #tpu.memory_space<vmem>>
    %dma_start3A_673 = tpu.memref_squeeze %dma_start3A_672 : memref<1x64xi32, #tpu.memory_space<vmem>> -> memref<64xi32, #tpu.memory_space<vmem>>
    %dma_start3A_674 = arith.constant 0 : i32
    %dma_start3A_675 = arith.constant 0 : i32
    %dma_start3A_676 = tpu.memref_slice %arg8[%dma_start3A_674, %dma_start3A_675] : memref<1000x128xf32, #tpu.memory_space<vmem_shared>> -> memref<1000x128xf32, #tpu.memory_space<vmem_shared>>
    tpu.enqueue_indirect_dma source(%dma_start3A_676 : memref<1000x128xf32, #tpu.memory_space<vmem_shared>>) target(%arg7 : memref<64x128xf32, #tpu.memory_space<vmem>>) offsets(%dma_start3A_673 : memref<64xi32, #tpu.memory_space<vmem>>) semaphore(%arg10 : memref<!tpu.dma_semaphore, #tpu.memory_space<semaphore_mem>>)
    %dma_wait3A_677 = arith.constant 10 : i32
    %dma_wait3A_678 = arith.constant 0 : i32
    %dma_wait3A_679 = tpu.memref_slice %arg5[%dma_wait3A_677, %dma_wait3A_678] : memref<20x64xi32, #tpu.memory_space<vmem>> -> memref<1x64xi32, #tpu.memory_space<vmem>>
    %dma_wait3A_680 = tpu.memref_squeeze %dma_wait3A_679 : memref<1x64xi32, #tpu.memory_space<vmem>> -> memref<64xi32, #tpu.memory_space<vmem>>
    %dma_wait3A_681 = arith.constant 0 : i32
    %dma_wait3A_682 = arith.constant 0 : i32
    %dma_wait3A_683 = tpu.memref_slice %arg8[%dma_wait3A_681, %dma_wait3A_682] : memref<1000x128xf32, #tpu.memory_space<vmem_shared>> -> memref<1000x128xf32, #tpu.memory_space<vmem_shared>>
    tpu.wait_indirect_dma semaphore(%arg9 : memref<!tpu.dma_semaphore, #tpu.memory_space<semaphore_mem>>) src(%dma_wait3A_683 : memref<1000x128xf32, #tpu.memory_space<vmem_shared>>) dst(%arg6 : memref<64x128xf32, #tpu.memory_space<vmem>>)
    %dma_start3A_684 = arith.constant 20 : i32
    %dma_start3A_685 = arith.constant 0 : i32
    %dma_start3A_686 = arith.constant 0 : i32
    %dma_start3A_687 = tpu.memref_slice %arg6[%dma_start3A_685, %dma_start3A_686] : memref<64x128xf32, #tpu.memory_space<vmem>> -> memref<32x128xf32, #tpu.memory_space<vmem>>
    %dma_start3A_688 = arith.constant 0 : i32
    %dma_start3A_689 = tpu.memref_slice %arg4[%dma_start3A_684, %mul3A_2, %dma_start3A_688] : memref<40x1024x128xf32, #tpu.memory_space<hbm>> -> memref<1x32x128xf32, #tpu.memory_space<hbm>>
    %dma_start3A_690 = tpu.memref_squeeze %dma_start3A_689 : memref<1x32x128xf32, #tpu.memory_space<hbm>> -> memref<32x128xf32, #tpu.memory_space<hbm>>
    %dma_start3A_691 = arith.constant 0 : i32
    %dma_start3A_692 = tpu.memref_slice %arg4[%dma_start3A_684, %mul3A_2, %dma_start3A_691] : memref<40x1024x128xf32, #tpu.memory_space<hbm>> -> memref<1x32x128xf32, #tpu.memory_space<hbm>>
    %dma_start3A_693 = tpu.memref_squeeze %dma_start3A_692 : memref<1x32x128xf32, #tpu.memory_space<hbm>> -> memref<32x128xf32, #tpu.memory_space<hbm>>
    %dma_start3A_694 = arith.constant 0 : i32
    %dma_start3A_695 = arith.constant 0 : i32
    %dma_start3A_696 = tpu.memref_slice %arg6[%dma_start3A_694, %dma_start3A_695] : memref<64x128xf32, #tpu.memory_space<vmem>> -> memref<32x128xf32, #tpu.memory_space<vmem>>
    tpu.enqueue_dma source(%dma_start3A_696 : memref<32x128xf32, #tpu.memory_space<vmem>>) target(%dma_start3A_693 : memref<32x128xf32, #tpu.memory_space<hbm>>) target_semaphore(%arg11 : memref<!tpu.dma_semaphore, #tpu.memory_space<semaphore_mem>>)
    %dma_start3A_697 = arith.constant 21 : i32
    %dma_start3A_698 = arith.constant 32 : i32
    %dma_start3A_699 = arith.constant 0 : i32
    %dma_start3A_700 = tpu.memref_slice %arg6[%dma_start3A_698, %dma_start3A_699] : memref<64x128xf32, #tpu.memory_space<vmem>> -> memref<32x128xf32, #tpu.memory_space<vmem>>
    %dma_start3A_701 = arith.constant 0 : i32
    %dma_start3A_702 = tpu.memref_slice %arg4[%dma_start3A_697, %mul3A_2, %dma_start3A_701] : memref<40x1024x128xf32, #tpu.memory_space<hbm>> -> memref<1x32x128xf32, #tpu.memory_space<hbm>>
    %dma_start3A_703 = tpu.memref_squeeze %dma_start3A_702 : memref<1x32x128xf32, #tpu.memory_space<hbm>> -> memref<32x128xf32, #tpu.memory_space<hbm>>
    %dma_start3A_704 = arith.constant 0 : i32
    %dma_start3A_705 = tpu.memref_slice %arg4[%dma_start3A_697, %mul3A_2, %dma_start3A_704] : memref<40x1024x128xf32, #tpu.memory_space<hbm>> -> memref<1x32x128xf32, #tpu.memory_space<hbm>>
    %dma_start3A_706 = tpu.memref_squeeze %dma_start3A_705 : memref<1x32x128xf32, #tpu.memory_space<hbm>> -> memref<32x128xf32, #tpu.memory_space<hbm>>
    %dma_start3A_707 = arith.constant 32 : i32
    %dma_start3A_708 = arith.constant 0 : i32
    %dma_start3A_709 = tpu.memref_slice %arg6[%dma_start3A_707, %dma_start3A_708] : memref<64x128xf32, #tpu.memory_space<vmem>> -> memref<32x128xf32, #tpu.memory_space<vmem>>
    tpu.enqueue_dma source(%dma_start3A_709 : memref<32x128xf32, #tpu.memory_space<vmem>>) target(%dma_start3A_706 : memref<32x128xf32, #tpu.memory_space<hbm>>) target_semaphore(%arg11 : memref<!tpu.dma_semaphore, #tpu.memory_space<semaphore_mem>>)
    %dma_wait3A_710 = arith.constant 20 : i32
    %dma_wait3A_711 = arith.constant 0 : i32
    %dma_wait3A_712 = arith.constant 0 : i32
    %dma_wait3A_713 = tpu.memref_slice %arg6[%dma_wait3A_711, %dma_wait3A_712] : memref<64x128xf32, #tpu.memory_space<vmem>> -> memref<32x128xf32, #tpu.memory_space<vmem>>
    %dma_wait3A_714 = arith.constant 0 : i32
    %dma_wait3A_715 = tpu.memref_slice %arg4[%dma_wait3A_710, %mul3A_2, %dma_wait3A_714] : memref<40x1024x128xf32, #tpu.memory_space<hbm>> -> memref<1x32x128xf32, #tpu.memory_space<hbm>>
    %dma_wait3A_716 = tpu.memref_squeeze %dma_wait3A_715 : memref<1x32x128xf32, #tpu.memory_space<hbm>> -> memref<32x128xf32, #tpu.memory_space<hbm>>
    %dma_wait3A_717 = arith.constant 0 : i32
    %dma_wait3A_718 = tpu.memref_slice %arg4[%dma_wait3A_710, %mul3A_2, %dma_wait3A_717] : memref<40x1024x128xf32, #tpu.memory_space<hbm>> -> memref<1x32x128xf32, #tpu.memory_space<hbm>>
    %dma_wait3A_719 = tpu.memref_squeeze %dma_wait3A_718 : memref<1x32x128xf32, #tpu.memory_space<hbm>> -> memref<32x128xf32, #tpu.memory_space<hbm>>
    %dma_wait3A_720 = arith.constant 0 : i32
    %dma_wait3A_721 = arith.constant 0 : i32
    %dma_wait3A_722 = tpu.memref_slice %arg6[%dma_wait3A_720, %dma_wait3A_721] : memref<64x128xf32, #tpu.memory_space<vmem>> -> memref<32x128xf32, #tpu.memory_space<vmem>>
    tpu.wait_dma2 semaphore(%arg11 : memref<!tpu.dma_semaphore, #tpu.memory_space<semaphore_mem>>) src(%dma_wait3A_722 : memref<32x128xf32, #tpu.memory_space<vmem>>) dst(%dma_wait3A_719 : memref<32x128xf32, #tpu.memory_space<hbm>>)
    %dma_wait3A_723 = arith.constant 21 : i32
    %dma_wait3A_724 = arith.constant 32 : i32
    %dma_wait3A_725 = arith.constant 0 : i32
    %dma_wait3A_726 = tpu.memref_slice %arg6[%dma_wait3A_724, %dma_wait3A_725] : memref<64x128xf32, #tpu.memory_space<vmem>> -> memref<32x128xf32, #tpu.memory_space<vmem>>
    %dma_wait3A_727 = arith.constant 0 : i32
    %dma_wait3A_728 = tpu.memref_slice %arg4[%dma_wait3A_723, %mul3A_2, %dma_wait3A_727] : memref<40x1024x128xf32, #tpu.memory_space<hbm>> -> memref<1x32x128xf32, #tpu.memory_space<hbm>>
    %dma_wait3A_729 = tpu.memref_squeeze %dma_wait3A_728 : memref<1x32x128xf32, #tpu.memory_space<hbm>> -> memref<32x128xf32, #tpu.memory_space<hbm>>
    %dma_wait3A_730 = arith.constant 0 : i32
    %dma_wait3A_731 = tpu.memref_slice %arg4[%dma_wait3A_723, %mul3A_2, %dma_wait3A_730] : memref<40x1024x128xf32, #tpu.memory_space<hbm>> -> memref<1x32x128xf32, #tpu.memory_space<hbm>>
    %dma_wait3A_732 = tpu.memref_squeeze %dma_wait3A_731 : memref<1x32x128xf32, #tpu.memory_space<hbm>> -> memref<32x128xf32, #tpu.memory_space<hbm>>
    %dma_wait3A_733 = arith.constant 32 : i32
    %dma_wait3A_734 = arith.constant 0 : i32
    %dma_wait3A_735 = tpu.memref_slice %arg6[%dma_wait3A_733, %dma_wait3A_734] : memref<64x128xf32, #tpu.memory_space<vmem>> -> memref<32x128xf32, #tpu.memory_space<vmem>>
    tpu.wait_dma2 semaphore(%arg11 : memref<!tpu.dma_semaphore, #tpu.memory_space<semaphore_mem>>) src(%dma_wait3A_735 : memref<32x128xf32, #tpu.memory_space<vmem>>) dst(%dma_wait3A_732 : memref<32x128xf32, #tpu.memory_space<hbm>>)
    %dma_start3A_736 = arith.constant 12 : i32
    %dma_start3A_737 = arith.constant 0 : i32
    %dma_start3A_738 = tpu.memref_slice %arg5[%dma_start3A_736, %dma_start3A_737] : memref<20x64xi32, #tpu.memory_space<vmem>> -> memref<1x64xi32, #tpu.memory_space<vmem>>
    %dma_start3A_739 = tpu.memref_squeeze %dma_start3A_738 : memref<1x64xi32, #tpu.memory_space<vmem>> -> memref<64xi32, #tpu.memory_space<vmem>>
    %dma_start3A_740 = arith.constant 0 : i32
    %dma_start3A_741 = arith.constant 0 : i32
    %dma_start3A_742 = tpu.memref_slice %arg8[%dma_start3A_740, %dma_start3A_741] : memref<1000x128xf32, #tpu.memory_space<vmem_shared>> -> memref<1000x128xf32, #tpu.memory_space<vmem_shared>>
    tpu.enqueue_indirect_dma source(%dma_start3A_742 : memref<1000x128xf32, #tpu.memory_space<vmem_shared>>) target(%arg6 : memref<64x128xf32, #tpu.memory_space<vmem>>) offsets(%dma_start3A_739 : memref<64xi32, #tpu.memory_space<vmem>>) semaphore(%arg9 : memref<!tpu.dma_semaphore, #tpu.memory_space<semaphore_mem>>)
    %dma_wait3A_743 = arith.constant 11 : i32
    %dma_wait3A_744 = arith.constant 0 : i32
    %dma_wait3A_745 = tpu.memref_slice %arg5[%dma_wait3A_743, %dma_wait3A_744] : memref<20x64xi32, #tpu.memory_space<vmem>> -> memref<1x64xi32, #tpu.memory_space<vmem>>
    %dma_wait3A_746 = tpu.memref_squeeze %dma_wait3A_745 : memref<1x64xi32, #tpu.memory_space<vmem>> -> memref<64xi32, #tpu.memory_space<vmem>>
    %dma_wait3A_747 = arith.constant 0 : i32
    %dma_wait3A_748 = arith.constant 0 : i32
    %dma_wait3A_749 = tpu.memref_slice %arg8[%dma_wait3A_747, %dma_wait3A_748] : memref<1000x128xf32, #tpu.memory_space<vmem_shared>> -> memref<1000x128xf32, #tpu.memory_space<vmem_shared>>
    tpu.wait_indirect_dma semaphore(%arg10 : memref<!tpu.dma_semaphore, #tpu.memory_space<semaphore_mem>>) src(%dma_wait3A_749 : memref<1000x128xf32, #tpu.memory_space<vmem_shared>>) dst(%arg7 : memref<64x128xf32, #tpu.memory_space<vmem>>)
    %dma_start3A_750 = arith.constant 22 : i32
    %dma_start3A_751 = arith.constant 0 : i32
    %dma_start3A_752 = arith.constant 0 : i32
    %dma_start3A_753 = tpu.memref_slice %arg7[%dma_start3A_751, %dma_start3A_752] : memref<64x128xf32, #tpu.memory_space<vmem>> -> memref<32x128xf32, #tpu.memory_space<vmem>>
    %dma_start3A_754 = arith.constant 0 : i32
    %dma_start3A_755 = tpu.memref_slice %arg4[%dma_start3A_750, %mul3A_2, %dma_start3A_754] : memref<40x1024x128xf32, #tpu.memory_space<hbm>> -> memref<1x32x128xf32, #tpu.memory_space<hbm>>
    %dma_start3A_756 = tpu.memref_squeeze %dma_start3A_755 : memref<1x32x128xf32, #tpu.memory_space<hbm>> -> memref<32x128xf32, #tpu.memory_space<hbm>>
    %dma_start3A_757 = arith.constant 0 : i32
    %dma_start3A_758 = tpu.memref_slice %arg4[%dma_start3A_750, %mul3A_2, %dma_start3A_757] : memref<40x1024x128xf32, #tpu.memory_space<hbm>> -> memref<1x32x128xf32, #tpu.memory_space<hbm>>
    %dma_start3A_759 = tpu.memref_squeeze %dma_start3A_758 : memref<1x32x128xf32, #tpu.memory_space<hbm>> -> memref<32x128xf32, #tpu.memory_space<hbm>>
    %dma_start3A_760 = arith.constant 0 : i32
    %dma_start3A_761 = arith.constant 0 : i32
    %dma_start3A_762 = tpu.memref_slice %arg7[%dma_start3A_760, %dma_start3A_761] : memref<64x128xf32, #tpu.memory_space<vmem>> -> memref<32x128xf32, #tpu.memory_space<vmem>>
    tpu.enqueue_dma source(%dma_start3A_762 : memref<32x128xf32, #tpu.memory_space<vmem>>) target(%dma_start3A_759 : memref<32x128xf32, #tpu.memory_space<hbm>>) target_semaphore(%arg12 : memref<!tpu.dma_semaphore, #tpu.memory_space<semaphore_mem>>)
    %dma_start3A_763 = arith.constant 23 : i32
    %dma_start3A_764 = arith.constant 32 : i32
    %dma_start3A_765 = arith.constant 0 : i32
    %dma_start3A_766 = tpu.memref_slice %arg7[%dma_start3A_764, %dma_start3A_765] : memref<64x128xf32, #tpu.memory_space<vmem>> -> memref<32x128xf32, #tpu.memory_space<vmem>>
    %dma_start3A_767 = arith.constant 0 : i32
    %dma_start3A_768 = tpu.memref_slice %arg4[%dma_start3A_763, %mul3A_2, %dma_start3A_767] : memref<40x1024x128xf32, #tpu.memory_space<hbm>> -> memref<1x32x128xf32, #tpu.memory_space<hbm>>
    %dma_start3A_769 = tpu.memref_squeeze %dma_start3A_768 : memref<1x32x128xf32, #tpu.memory_space<hbm>> -> memref<32x128xf32, #tpu.memory_space<hbm>>
    %dma_start3A_770 = arith.constant 0 : i32
    %dma_start3A_771 = tpu.memref_slice %arg4[%dma_start3A_763, %mul3A_2, %dma_start3A_770] : memref<40x1024x128xf32, #tpu.memory_space<hbm>> -> memref<1x32x128xf32, #tpu.memory_space<hbm>>
    %dma_start3A_772 = tpu.memref_squeeze %dma_start3A_771 : memref<1x32x128xf32, #tpu.memory_space<hbm>> -> memref<32x128xf32, #tpu.memory_space<hbm>>
    %dma_start3A_773 = arith.constant 32 : i32
    %dma_start3A_774 = arith.constant 0 : i32
    %dma_start3A_775 = tpu.memref_slice %arg7[%dma_start3A_773, %dma_start3A_774] : memref<64x128xf32, #tpu.memory_space<vmem>> -> memref<32x128xf32, #tpu.memory_space<vmem>>
    tpu.enqueue_dma source(%dma_start3A_775 : memref<32x128xf32, #tpu.memory_space<vmem>>) target(%dma_start3A_772 : memref<32x128xf32, #tpu.memory_space<hbm>>) target_semaphore(%arg12 : memref<!tpu.dma_semaphore, #tpu.memory_space<semaphore_mem>>)
    %dma_wait3A_776 = arith.constant 22 : i32
    %dma_wait3A_777 = arith.constant 0 : i32
    %dma_wait3A_778 = arith.constant 0 : i32
    %dma_wait3A_779 = tpu.memref_slice %arg7[%dma_wait3A_777, %dma_wait3A_778] : memref<64x128xf32, #tpu.memory_space<vmem>> -> memref<32x128xf32, #tpu.memory_space<vmem>>
    %dma_wait3A_780 = arith.constant 0 : i32
    %dma_wait3A_781 = tpu.memref_slice %arg4[%dma_wait3A_776, %mul3A_2, %dma_wait3A_780] : memref<40x1024x128xf32, #tpu.memory_space<hbm>> -> memref<1x32x128xf32, #tpu.memory_space<hbm>>
    %dma_wait3A_782 = tpu.memref_squeeze %dma_wait3A_781 : memref<1x32x128xf32, #tpu.memory_space<hbm>> -> memref<32x128xf32, #tpu.memory_space<hbm>>
    %dma_wait3A_783 = arith.constant 0 : i32
    %dma_wait3A_784 = tpu.memref_slice %arg4[%dma_wait3A_776, %mul3A_2, %dma_wait3A_783] : memref<40x1024x128xf32, #tpu.memory_space<hbm>> -> memref<1x32x128xf32, #tpu.memory_space<hbm>>
    %dma_wait3A_785 = tpu.memref_squeeze %dma_wait3A_784 : memref<1x32x128xf32, #tpu.memory_space<hbm>> -> memref<32x128xf32, #tpu.memory_space<hbm>>
    %dma_wait3A_786 = arith.constant 0 : i32
    %dma_wait3A_787 = arith.constant 0 : i32
    %dma_wait3A_788 = tpu.memref_slice %arg7[%dma_wait3A_786, %dma_wait3A_787] : memref<64x128xf32, #tpu.memory_space<vmem>> -> memref<32x128xf32, #tpu.memory_space<vmem>>
    tpu.wait_dma2 semaphore(%arg12 : memref<!tpu.dma_semaphore, #tpu.memory_space<semaphore_mem>>) src(%dma_wait3A_788 : memref<32x128xf32, #tpu.memory_space<vmem>>) dst(%dma_wait3A_785 : memref<32x128xf32, #tpu.memory_space<hbm>>)
    %dma_wait3A_789 = arith.constant 23 : i32
    %dma_wait3A_790 = arith.constant 32 : i32
    %dma_wait3A_791 = arith.constant 0 : i32
    %dma_wait3A_792 = tpu.memref_slice %arg7[%dma_wait3A_790, %dma_wait3A_791] : memref<64x128xf32, #tpu.memory_space<vmem>> -> memref<32x128xf32, #tpu.memory_space<vmem>>
    %dma_wait3A_793 = arith.constant 0 : i32
    %dma_wait3A_794 = tpu.memref_slice %arg4[%dma_wait3A_789, %mul3A_2, %dma_wait3A_793] : memref<40x1024x128xf32, #tpu.memory_space<hbm>> -> memref<1x32x128xf32, #tpu.memory_space<hbm>>
    %dma_wait3A_795 = tpu.memref_squeeze %dma_wait3A_794 : memref<1x32x128xf32, #tpu.memory_space<hbm>> -> memref<32x128xf32, #tpu.memory_space<hbm>>
    %dma_wait3A_796 = arith.constant 0 : i32
    %dma_wait3A_797 = tpu.memref_slice %arg4[%dma_wait3A_789, %mul3A_2, %dma_wait3A_796] : memref<40x1024x128xf32, #tpu.memory_space<hbm>> -> memref<1x32x128xf32, #tpu.memory_space<hbm>>
    %dma_wait3A_798 = tpu.memref_squeeze %dma_wait3A_797 : memref<1x32x128xf32, #tpu.memory_space<hbm>> -> memref<32x128xf32, #tpu.memory_space<hbm>>
    %dma_wait3A_799 = arith.constant 32 : i32
    %dma_wait3A_800 = arith.constant 0 : i32
    %dma_wait3A_801 = tpu.memref_slice %arg7[%dma_wait3A_799, %dma_wait3A_800] : memref<64x128xf32, #tpu.memory_space<vmem>> -> memref<32x128xf32, #tpu.memory_space<vmem>>
    tpu.wait_dma2 semaphore(%arg12 : memref<!tpu.dma_semaphore, #tpu.memory_space<semaphore_mem>>) src(%dma_wait3A_801 : memref<32x128xf32, #tpu.memory_space<vmem>>) dst(%dma_wait3A_798 : memref<32x128xf32, #tpu.memory_space<hbm>>)
    %dma_start3A_802 = arith.constant 13 : i32
    %dma_start3A_803 = arith.constant 0 : i32
    %dma_start3A_804 = tpu.memref_slice %arg5[%dma_start3A_802, %dma_start3A_803] : memref<20x64xi32, #tpu.memory_space<vmem>> -> memref<1x64xi32, #tpu.memory_space<vmem>>
    %dma_start3A_805 = tpu.memref_squeeze %dma_start3A_804 : memref<1x64xi32, #tpu.memory_space<vmem>> -> memref<64xi32, #tpu.memory_space<vmem>>
    %dma_start3A_806 = arith.constant 0 : i32
    %dma_start3A_807 = arith.constant 0 : i32
    %dma_start3A_808 = tpu.memref_slice %arg8[%dma_start3A_806, %dma_start3A_807] : memref<1000x128xf32, #tpu.memory_space<vmem_shared>> -> memref<1000x128xf32, #tpu.memory_space<vmem_shared>>
    tpu.enqueue_indirect_dma source(%dma_start3A_808 : memref<1000x128xf32, #tpu.memory_space<vmem_shared>>) target(%arg7 : memref<64x128xf32, #tpu.memory_space<vmem>>) offsets(%dma_start3A_805 : memref<64xi32, #tpu.memory_space<vmem>>) semaphore(%arg10 : memref<!tpu.dma_semaphore, #tpu.memory_space<semaphore_mem>>)
    %dma_wait3A_809 = arith.constant 12 : i32
    %dma_wait3A_810 = arith.constant 0 : i32
    %dma_wait3A_811 = tpu.memref_slice %arg5[%dma_wait3A_809, %dma_wait3A_810] : memref<20x64xi32, #tpu.memory_space<vmem>> -> memref<1x64xi32, #tpu.memory_space<vmem>>
    %dma_wait3A_812 = tpu.memref_squeeze %dma_wait3A_811 : memref<1x64xi32, #tpu.memory_space<vmem>> -> memref<64xi32, #tpu.memory_space<vmem>>
    %dma_wait3A_813 = arith.constant 0 : i32
    %dma_wait3A_814 = arith.constant 0 : i32
    %dma_wait3A_815 = tpu.memref_slice %arg8[%dma_wait3A_813, %dma_wait3A_814] : memref<1000x128xf32, #tpu.memory_space<vmem_shared>> -> memref<1000x128xf32, #tpu.memory_space<vmem_shared>>
    tpu.wait_indirect_dma semaphore(%arg9 : memref<!tpu.dma_semaphore, #tpu.memory_space<semaphore_mem>>) src(%dma_wait3A_815 : memref<1000x128xf32, #tpu.memory_space<vmem_shared>>) dst(%arg6 : memref<64x128xf32, #tpu.memory_space<vmem>>)
    %dma_start3A_816 = arith.constant 24 : i32
    %dma_start3A_817 = arith.constant 0 : i32
    %dma_start3A_818 = arith.constant 0 : i32
    %dma_start3A_819 = tpu.memref_slice %arg6[%dma_start3A_817, %dma_start3A_818] : memref<64x128xf32, #tpu.memory_space<vmem>> -> memref<32x128xf32, #tpu.memory_space<vmem>>
    %dma_start3A_820 = arith.constant 0 : i32
    %dma_start3A_821 = tpu.memref_slice %arg4[%dma_start3A_816, %mul3A_2, %dma_start3A_820] : memref<40x1024x128xf32, #tpu.memory_space<hbm>> -> memref<1x32x128xf32, #tpu.memory_space<hbm>>
    %dma_start3A_822 = tpu.memref_squeeze %dma_start3A_821 : memref<1x32x128xf32, #tpu.memory_space<hbm>> -> memref<32x128xf32, #tpu.memory_space<hbm>>
    %dma_start3A_823 = arith.constant 0 : i32
    %dma_start3A_824 = tpu.memref_slice %arg4[%dma_start3A_816, %mul3A_2, %dma_start3A_823] : memref<40x1024x128xf32, #tpu.memory_space<hbm>> -> memref<1x32x128xf32, #tpu.memory_space<hbm>>
    %dma_start3A_825 = tpu.memref_squeeze %dma_start3A_824 : memref<1x32x128xf32, #tpu.memory_space<hbm>> -> memref<32x128xf32, #tpu.memory_space<hbm>>
    %dma_start3A_826 = arith.constant 0 : i32
    %dma_start3A_827 = arith.constant 0 : i32
    %dma_start3A_828 = tpu.memref_slice %arg6[%dma_start3A_826, %dma_start3A_827] : memref<64x128xf32, #tpu.memory_space<vmem>> -> memref<32x128xf32, #tpu.memory_space<vmem>>
    tpu.enqueue_dma source(%dma_start3A_828 : memref<32x128xf32, #tpu.memory_space<vmem>>) target(%dma_start3A_825 : memref<32x128xf32, #tpu.memory_space<hbm>>) target_semaphore(%arg11 : memref<!tpu.dma_semaphore, #tpu.memory_space<semaphore_mem>>)
    %dma_start3A_829 = arith.constant 25 : i32
    %dma_start3A_830 = arith.constant 32 : i32
    %dma_start3A_831 = arith.constant 0 : i32
    %dma_start3A_832 = tpu.memref_slice %arg6[%dma_start3A_830, %dma_start3A_831] : memref<64x128xf32, #tpu.memory_space<vmem>> -> memref<32x128xf32, #tpu.memory_space<vmem>>
    %dma_start3A_833 = arith.constant 0 : i32
    %dma_start3A_834 = tpu.memref_slice %arg4[%dma_start3A_829, %mul3A_2, %dma_start3A_833] : memref<40x1024x128xf32, #tpu.memory_space<hbm>> -> memref<1x32x128xf32, #tpu.memory_space<hbm>>
    %dma_start3A_835 = tpu.memref_squeeze %dma_start3A_834 : memref<1x32x128xf32, #tpu.memory_space<hbm>> -> memref<32x128xf32, #tpu.memory_space<hbm>>
    %dma_start3A_836 = arith.constant 0 : i32
    %dma_start3A_837 = tpu.memref_slice %arg4[%dma_start3A_829, %mul3A_2, %dma_start3A_836] : memref<40x1024x128xf32, #tpu.memory_space<hbm>> -> memref<1x32x128xf32, #tpu.memory_space<hbm>>
    %dma_start3A_838 = tpu.memref_squeeze %dma_start3A_837 : memref<1x32x128xf32, #tpu.memory_space<hbm>> -> memref<32x128xf32, #tpu.memory_space<hbm>>
    %dma_start3A_839 = arith.constant 32 : i32
    %dma_start3A_840 = arith.constant 0 : i32
    %dma_start3A_841 = tpu.memref_slice %arg6[%dma_start3A_839, %dma_start3A_840] : memref<64x128xf32, #tpu.memory_space<vmem>> -> memref<32x128xf32, #tpu.memory_space<vmem>>
    tpu.enqueue_dma source(%dma_start3A_841 : memref<32x128xf32, #tpu.memory_space<vmem>>) target(%dma_start3A_838 : memref<32x128xf32, #tpu.memory_space<hbm>>) target_semaphore(%arg11 : memref<!tpu.dma_semaphore, #tpu.memory_space<semaphore_mem>>)
    %dma_wait3A_842 = arith.constant 24 : i32
    %dma_wait3A_843 = arith.constant 0 : i32
    %dma_wait3A_844 = arith.constant 0 : i32
    %dma_wait3A_845 = tpu.memref_slice %arg6[%dma_wait3A_843, %dma_wait3A_844] : memref<64x128xf32, #tpu.memory_space<vmem>> -> memref<32x128xf32, #tpu.memory_space<vmem>>
    %dma_wait3A_846 = arith.constant 0 : i32
    %dma_wait3A_847 = tpu.memref_slice %arg4[%dma_wait3A_842, %mul3A_2, %dma_wait3A_846] : memref<40x1024x128xf32, #tpu.memory_space<hbm>> -> memref<1x32x128xf32, #tpu.memory_space<hbm>>
    %dma_wait3A_848 = tpu.memref_squeeze %dma_wait3A_847 : memref<1x32x128xf32, #tpu.memory_space<hbm>> -> memref<32x128xf32, #tpu.memory_space<hbm>>
    %dma_wait3A_849 = arith.constant 0 : i32
    %dma_wait3A_850 = tpu.memref_slice %arg4[%dma_wait3A_842, %mul3A_2, %dma_wait3A_849] : memref<40x1024x128xf32, #tpu.memory_space<hbm>> -> memref<1x32x128xf32, #tpu.memory_space<hbm>>
    %dma_wait3A_851 = tpu.memref_squeeze %dma_wait3A_850 : memref<1x32x128xf32, #tpu.memory_space<hbm>> -> memref<32x128xf32, #tpu.memory_space<hbm>>
    %dma_wait3A_852 = arith.constant 0 : i32
    %dma_wait3A_853 = arith.constant 0 : i32
    %dma_wait3A_854 = tpu.memref_slice %arg6[%dma_wait3A_852, %dma_wait3A_853] : memref<64x128xf32, #tpu.memory_space<vmem>> -> memref<32x128xf32, #tpu.memory_space<vmem>>
    tpu.wait_dma2 semaphore(%arg11 : memref<!tpu.dma_semaphore, #tpu.memory_space<semaphore_mem>>) src(%dma_wait3A_854 : memref<32x128xf32, #tpu.memory_space<vmem>>) dst(%dma_wait3A_851 : memref<32x128xf32, #tpu.memory_space<hbm>>)
    %dma_wait3A_855 = arith.constant 25 : i32
    %dma_wait3A_856 = arith.constant 32 : i32
    %dma_wait3A_857 = arith.constant 0 : i32
    %dma_wait3A_858 = tpu.memref_slice %arg6[%dma_wait3A_856, %dma_wait3A_857] : memref<64x128xf32, #tpu.memory_space<vmem>> -> memref<32x128xf32, #tpu.memory_space<vmem>>
    %dma_wait3A_859 = arith.constant 0 : i32
    %dma_wait3A_860 = tpu.memref_slice %arg4[%dma_wait3A_855, %mul3A_2, %dma_wait3A_859] : memref<40x1024x128xf32, #tpu.memory_space<hbm>> -> memref<1x32x128xf32, #tpu.memory_space<hbm>>
    %dma_wait3A_861 = tpu.memref_squeeze %dma_wait3A_860 : memref<1x32x128xf32, #tpu.memory_space<hbm>> -> memref<32x128xf32, #tpu.memory_space<hbm>>
    %dma_wait3A_862 = arith.constant 0 : i32
    %dma_wait3A_863 = tpu.memref_slice %arg4[%dma_wait3A_855, %mul3A_2, %dma_wait3A_862] : memref<40x1024x128xf32, #tpu.memory_space<hbm>> -> memref<1x32x128xf32, #tpu.memory_space<hbm>>
    %dma_wait3A_864 = tpu.memref_squeeze %dma_wait3A_863 : memref<1x32x128xf32, #tpu.memory_space<hbm>> -> memref<32x128xf32, #tpu.memory_space<hbm>>
    %dma_wait3A_865 = arith.constant 32 : i32
    %dma_wait3A_866 = arith.constant 0 : i32
    %dma_wait3A_867 = tpu.memref_slice %arg6[%dma_wait3A_865, %dma_wait3A_866] : memref<64x128xf32, #tpu.memory_space<vmem>> -> memref<32x128xf32, #tpu.memory_space<vmem>>
    tpu.wait_dma2 semaphore(%arg11 : memref<!tpu.dma_semaphore, #tpu.memory_space<semaphore_mem>>) src(%dma_wait3A_867 : memref<32x128xf32, #tpu.memory_space<vmem>>) dst(%dma_wait3A_864 : memref<32x128xf32, #tpu.memory_space<hbm>>)
    %dma_start3A_868 = arith.constant 14 : i32
    %dma_start3A_869 = arith.constant 0 : i32
    %dma_start3A_870 = tpu.memref_slice %arg5[%dma_start3A_868, %dma_start3A_869] : memref<20x64xi32, #tpu.memory_space<vmem>> -> memref<1x64xi32, #tpu.memory_space<vmem>>
    %dma_start3A_871 = tpu.memref_squeeze %dma_start3A_870 : memref<1x64xi32, #tpu.memory_space<vmem>> -> memref<64xi32, #tpu.memory_space<vmem>>
    %dma_start3A_872 = arith.constant 0 : i32
    %dma_start3A_873 = arith.constant 0 : i32
    %dma_start3A_874 = tpu.memref_slice %arg8[%dma_start3A_872, %dma_start3A_873] : memref<1000x128xf32, #tpu.memory_space<vmem_shared>> -> memref<1000x128xf32, #tpu.memory_space<vmem_shared>>
    tpu.enqueue_indirect_dma source(%dma_start3A_874 : memref<1000x128xf32, #tpu.memory_space<vmem_shared>>) target(%arg6 : memref<64x128xf32, #tpu.memory_space<vmem>>) offsets(%dma_start3A_871 : memref<64xi32, #tpu.memory_space<vmem>>) semaphore(%arg9 : memref<!tpu.dma_semaphore, #tpu.memory_space<semaphore_mem>>)
    %dma_wait3A_875 = arith.constant 13 : i32
    %dma_wait3A_876 = arith.constant 0 : i32
    %dma_wait3A_877 = tpu.memref_slice %arg5[%dma_wait3A_875, %dma_wait3A_876] : memref<20x64xi32, #tpu.memory_space<vmem>> -> memref<1x64xi32, #tpu.memory_space<vmem>>
    %dma_wait3A_878 = tpu.memref_squeeze %dma_wait3A_877 : memref<1x64xi32, #tpu.memory_space<vmem>> -> memref<64xi32, #tpu.memory_space<vmem>>
    %dma_wait3A_879 = arith.constant 0 : i32
    %dma_wait3A_880 = arith.constant 0 : i32
    %dma_wait3A_881 = tpu.memref_slice %arg8[%dma_wait3A_879, %dma_wait3A_880] : memref<1000x128xf32, #tpu.memory_space<vmem_shared>> -> memref<1000x128xf32, #tpu.memory_space<vmem_shared>>
    tpu.wait_indirect_dma semaphore(%arg10 : memref<!tpu.dma_semaphore, #tpu.memory_space<semaphore_mem>>) src(%dma_wait3A_881 : memref<1000x128xf32, #tpu.memory_space<vmem_shared>>) dst(%arg7 : memref<64x128xf32, #tpu.memory_space<vmem>>)
    %dma_start3A_882 = arith.constant 26 : i32
    %dma_start3A_883 = arith.constant 0 : i32
    %dma_start3A_884 = arith.constant 0 : i32
    %dma_start3A_885 = tpu.memref_slice %arg7[%dma_start3A_883, %dma_start3A_884] : memref<64x128xf32, #tpu.memory_space<vmem>> -> memref<32x128xf32, #tpu.memory_space<vmem>>
    %dma_start3A_886 = arith.constant 0 : i32
    %dma_start3A_887 = tpu.memref_slice %arg4[%dma_start3A_882, %mul3A_2, %dma_start3A_886] : memref<40x1024x128xf32, #tpu.memory_space<hbm>> -> memref<1x32x128xf32, #tpu.memory_space<hbm>>
    %dma_start3A_888 = tpu.memref_squeeze %dma_start3A_887 : memref<1x32x128xf32, #tpu.memory_space<hbm>> -> memref<32x128xf32, #tpu.memory_space<hbm>>
    %dma_start3A_889 = arith.constant 0 : i32
    %dma_start3A_890 = tpu.memref_slice %arg4[%dma_start3A_882, %mul3A_2, %dma_start3A_889] : memref<40x1024x128xf32, #tpu.memory_space<hbm>> -> memref<1x32x128xf32, #tpu.memory_space<hbm>>
    %dma_start3A_891 = tpu.memref_squeeze %dma_start3A_890 : memref<1x32x128xf32, #tpu.memory_space<hbm>> -> memref<32x128xf32, #tpu.memory_space<hbm>>
    %dma_start3A_892 = arith.constant 0 : i32
    %dma_start3A_893 = arith.constant 0 : i32
    %dma_start3A_894 = tpu.memref_slice %arg7[%dma_start3A_892, %dma_start3A_893] : memref<64x128xf32, #tpu.memory_space<vmem>> -> memref<32x128xf32, #tpu.memory_space<vmem>>
    tpu.enqueue_dma source(%dma_start3A_894 : memref<32x128xf32, #tpu.memory_space<vmem>>) target(%dma_start3A_891 : memref<32x128xf32, #tpu.memory_space<hbm>>) target_semaphore(%arg12 : memref<!tpu.dma_semaphore, #tpu.memory_space<semaphore_mem>>)
    %dma_start3A_895 = arith.constant 27 : i32
    %dma_start3A_896 = arith.constant 32 : i32
    %dma_start3A_897 = arith.constant 0 : i32
    %dma_start3A_898 = tpu.memref_slice %arg7[%dma_start3A_896, %dma_start3A_897] : memref<64x128xf32, #tpu.memory_space<vmem>> -> memref<32x128xf32, #tpu.memory_space<vmem>>
    %dma_start3A_899 = arith.constant 0 : i32
    %dma_start3A_900 = tpu.memref_slice %arg4[%dma_start3A_895, %mul3A_2, %dma_start3A_899] : memref<40x1024x128xf32, #tpu.memory_space<hbm>> -> memref<1x32x128xf32, #tpu.memory_space<hbm>>
    %dma_start3A_901 = tpu.memref_squeeze %dma_start3A_900 : memref<1x32x128xf32, #tpu.memory_space<hbm>> -> memref<32x128xf32, #tpu.memory_space<hbm>>
    %dma_start3A_902 = arith.constant 0 : i32
    %dma_start3A_903 = tpu.memref_slice %arg4[%dma_start3A_895, %mul3A_2, %dma_start3A_902] : memref<40x1024x128xf32, #tpu.memory_space<hbm>> -> memref<1x32x128xf32, #tpu.memory_space<hbm>>
    %dma_start3A_904 = tpu.memref_squeeze %dma_start3A_903 : memref<1x32x128xf32, #tpu.memory_space<hbm>> -> memref<32x128xf32, #tpu.memory_space<hbm>>
    %dma_start3A_905 = arith.constant 32 : i32
    %dma_start3A_906 = arith.constant 0 : i32
    %dma_start3A_907 = tpu.memref_slice %arg7[%dma_start3A_905, %dma_start3A_906] : memref<64x128xf32, #tpu.memory_space<vmem>> -> memref<32x128xf32, #tpu.memory_space<vmem>>
    tpu.enqueue_dma source(%dma_start3A_907 : memref<32x128xf32, #tpu.memory_space<vmem>>) target(%dma_start3A_904 : memref<32x128xf32, #tpu.memory_space<hbm>>) target_semaphore(%arg12 : memref<!tpu.dma_semaphore, #tpu.memory_space<semaphore_mem>>)
    %dma_wait3A_908 = arith.constant 26 : i32
    %dma_wait3A_909 = arith.constant 0 : i32
    %dma_wait3A_910 = arith.constant 0 : i32
    %dma_wait3A_911 = tpu.memref_slice %arg7[%dma_wait3A_909, %dma_wait3A_910] : memref<64x128xf32, #tpu.memory_space<vmem>> -> memref<32x128xf32, #tpu.memory_space<vmem>>
    %dma_wait3A_912 = arith.constant 0 : i32
    %dma_wait3A_913 = tpu.memref_slice %arg4[%dma_wait3A_908, %mul3A_2, %dma_wait3A_912] : memref<40x1024x128xf32, #tpu.memory_space<hbm>> -> memref<1x32x128xf32, #tpu.memory_space<hbm>>
    %dma_wait3A_914 = tpu.memref_squeeze %dma_wait3A_913 : memref<1x32x128xf32, #tpu.memory_space<hbm>> -> memref<32x128xf32, #tpu.memory_space<hbm>>
    %dma_wait3A_915 = arith.constant 0 : i32
    %dma_wait3A_916 = tpu.memref_slice %arg4[%dma_wait3A_908, %mul3A_2, %dma_wait3A_915] : memref<40x1024x128xf32, #tpu.memory_space<hbm>> -> memref<1x32x128xf32, #tpu.memory_space<hbm>>
    %dma_wait3A_917 = tpu.memref_squeeze %dma_wait3A_916 : memref<1x32x128xf32, #tpu.memory_space<hbm>> -> memref<32x128xf32, #tpu.memory_space<hbm>>
    %dma_wait3A_918 = arith.constant 0 : i32
    %dma_wait3A_919 = arith.constant 0 : i32
    %dma_wait3A_920 = tpu.memref_slice %arg7[%dma_wait3A_918, %dma_wait3A_919] : memref<64x128xf32, #tpu.memory_space<vmem>> -> memref<32x128xf32, #tpu.memory_space<vmem>>
    tpu.wait_dma2 semaphore(%arg12 : memref<!tpu.dma_semaphore, #tpu.memory_space<semaphore_mem>>) src(%dma_wait3A_920 : memref<32x128xf32, #tpu.memory_space<vmem>>) dst(%dma_wait3A_917 : memref<32x128xf32, #tpu.memory_space<hbm>>)
    %dma_wait3A_921 = arith.constant 27 : i32
    %dma_wait3A_922 = arith.constant 32 : i32
    %dma_wait3A_923 = arith.constant 0 : i32
    %dma_wait3A_924 = tpu.memref_slice %arg7[%dma_wait3A_922, %dma_wait3A_923] : memref<64x128xf32, #tpu.memory_space<vmem>> -> memref<32x128xf32, #tpu.memory_space<vmem>>
    %dma_wait3A_925 = arith.constant 0 : i32
    %dma_wait3A_926 = tpu.memref_slice %arg4[%dma_wait3A_921, %mul3A_2, %dma_wait3A_925] : memref<40x1024x128xf32, #tpu.memory_space<hbm>> -> memref<1x32x128xf32, #tpu.memory_space<hbm>>
    %dma_wait3A_927 = tpu.memref_squeeze %dma_wait3A_926 : memref<1x32x128xf32, #tpu.memory_space<hbm>> -> memref<32x128xf32, #tpu.memory_space<hbm>>
    %dma_wait3A_928 = arith.constant 0 : i32
    %dma_wait3A_929 = tpu.memref_slice %arg4[%dma_wait3A_921, %mul3A_2, %dma_wait3A_928] : memref<40x1024x128xf32, #tpu.memory_space<hbm>> -> memref<1x32x128xf32, #tpu.memory_space<hbm>>
    %dma_wait3A_930 = tpu.memref_squeeze %dma_wait3A_929 : memref<1x32x128xf32, #tpu.memory_space<hbm>> -> memref<32x128xf32, #tpu.memory_space<hbm>>
    %dma_wait3A_931 = arith.constant 32 : i32
    %dma_wait3A_932 = arith.constant 0 : i32
    %dma_wait3A_933 = tpu.memref_slice %arg7[%dma_wait3A_931, %dma_wait3A_932] : memref<64x128xf32, #tpu.memory_space<vmem>> -> memref<32x128xf32, #tpu.memory_space<vmem>>
    tpu.wait_dma2 semaphore(%arg12 : memref<!tpu.dma_semaphore, #tpu.memory_space<semaphore_mem>>) src(%dma_wait3A_933 : memref<32x128xf32, #tpu.memory_space<vmem>>) dst(%dma_wait3A_930 : memref<32x128xf32, #tpu.memory_space<hbm>>)
    %dma_start3A_934 = arith.constant 15 : i32
    %dma_start3A_935 = arith.constant 0 : i32
    %dma_start3A_936 = tpu.memref_slice %arg5[%dma_start3A_934, %dma_start3A_935] : memref<20x64xi32, #tpu.memory_space<vmem>> -> memref<1x64xi32, #tpu.memory_space<vmem>>
    %dma_start3A_937 = tpu.memref_squeeze %dma_start3A_936 : memref<1x64xi32, #tpu.memory_space<vmem>> -> memref<64xi32, #tpu.memory_space<vmem>>
    %dma_start3A_938 = arith.constant 0 : i32
    %dma_start3A_939 = arith.constant 0 : i32
    %dma_start3A_940 = tpu.memref_slice %arg8[%dma_start3A_938, %dma_start3A_939] : memref<1000x128xf32, #tpu.memory_space<vmem_shared>> -> memref<1000x128xf32, #tpu.memory_space<vmem_shared>>
    tpu.enqueue_indirect_dma source(%dma_start3A_940 : memref<1000x128xf32, #tpu.memory_space<vmem_shared>>) target(%arg7 : memref<64x128xf32, #tpu.memory_space<vmem>>) offsets(%dma_start3A_937 : memref<64xi32, #tpu.memory_space<vmem>>) semaphore(%arg10 : memref<!tpu.dma_semaphore, #tpu.memory_space<semaphore_mem>>)
    %dma_wait3A_941 = arith.constant 14 : i32
    %dma_wait3A_942 = arith.constant 0 : i32
    %dma_wait3A_943 = tpu.memref_slice %arg5[%dma_wait3A_941, %dma_wait3A_942] : memref<20x64xi32, #tpu.memory_space<vmem>> -> memref<1x64xi32, #tpu.memory_space<vmem>>
    %dma_wait3A_944 = tpu.memref_squeeze %dma_wait3A_943 : memref<1x64xi32, #tpu.memory_space<vmem>> -> memref<64xi32, #tpu.memory_space<vmem>>
    %dma_wait3A_945 = arith.constant 0 : i32
    %dma_wait3A_946 = arith.constant 0 : i32
    %dma_wait3A_947 = tpu.memref_slice %arg8[%dma_wait3A_945, %dma_wait3A_946] : memref<1000x128xf32, #tpu.memory_space<vmem_shared>> -> memref<1000x128xf32, #tpu.memory_space<vmem_shared>>
    tpu.wait_indirect_dma semaphore(%arg9 : memref<!tpu.dma_semaphore, #tpu.memory_space<semaphore_mem>>) src(%dma_wait3A_947 : memref<1000x128xf32, #tpu.memory_space<vmem_shared>>) dst(%arg6 : memref<64x128xf32, #tpu.memory_space<vmem>>)
    %dma_start3A_948 = arith.constant 28 : i32
    %dma_start3A_949 = arith.constant 0 : i32
    %dma_start3A_950 = arith.constant 0 : i32
    %dma_start3A_951 = tpu.memref_slice %arg6[%dma_start3A_949, %dma_start3A_950] : memref<64x128xf32, #tpu.memory_space<vmem>> -> memref<32x128xf32, #tpu.memory_space<vmem>>
    %dma_start3A_952 = arith.constant 0 : i32
    %dma_start3A_953 = tpu.memref_slice %arg4[%dma_start3A_948, %mul3A_2, %dma_start3A_952] : memref<40x1024x128xf32, #tpu.memory_space<hbm>> -> memref<1x32x128xf32, #tpu.memory_space<hbm>>
    %dma_start3A_954 = tpu.memref_squeeze %dma_start3A_953 : memref<1x32x128xf32, #tpu.memory_space<hbm>> -> memref<32x128xf32, #tpu.memory_space<hbm>>
    %dma_start3A_955 = arith.constant 0 : i32
    %dma_start3A_956 = tpu.memref_slice %arg4[%dma_start3A_948, %mul3A_2, %dma_start3A_955] : memref<40x1024x128xf32, #tpu.memory_space<hbm>> -> memref<1x32x128xf32, #tpu.memory_space<hbm>>
    %dma_start3A_957 = tpu.memref_squeeze %dma_start3A_956 : memref<1x32x128xf32, #tpu.memory_space<hbm>> -> memref<32x128xf32, #tpu.memory_space<hbm>>
    %dma_start3A_958 = arith.constant 0 : i32
    %dma_start3A_959 = arith.constant 0 : i32
    %dma_start3A_960 = tpu.memref_slice %arg6[%dma_start3A_958, %dma_start3A_959] : memref<64x128xf32, #tpu.memory_space<vmem>> -> memref<32x128xf32, #tpu.memory_space<vmem>>
    tpu.enqueue_dma source(%dma_start3A_960 : memref<32x128xf32, #tpu.memory_space<vmem>>) target(%dma_start3A_957 : memref<32x128xf32, #tpu.memory_space<hbm>>) target_semaphore(%arg11 : memref<!tpu.dma_semaphore, #tpu.memory_space<semaphore_mem>>)
    %dma_start3A_961 = arith.constant 29 : i32
    %dma_start3A_962 = arith.constant 32 : i32
    %dma_start3A_963 = arith.constant 0 : i32
    %dma_start3A_964 = tpu.memref_slice %arg6[%dma_start3A_962, %dma_start3A_963] : memref<64x128xf32, #tpu.memory_space<vmem>> -> memref<32x128xf32, #tpu.memory_space<vmem>>
    %dma_start3A_965 = arith.constant 0 : i32
    %dma_start3A_966 = tpu.memref_slice %arg4[%dma_start3A_961, %mul3A_2, %dma_start3A_965] : memref<40x1024x128xf32, #tpu.memory_space<hbm>> -> memref<1x32x128xf32, #tpu.memory_space<hbm>>
    %dma_start3A_967 = tpu.memref_squeeze %dma_start3A_966 : memref<1x32x128xf32, #tpu.memory_space<hbm>> -> memref<32x128xf32, #tpu.memory_space<hbm>>
    %dma_start3A_968 = arith.constant 0 : i32
    %dma_start3A_969 = tpu.memref_slice %arg4[%dma_start3A_961, %mul3A_2, %dma_start3A_968] : memref<40x1024x128xf32, #tpu.memory_space<hbm>> -> memref<1x32x128xf32, #tpu.memory_space<hbm>>
    %dma_start3A_970 = tpu.memref_squeeze %dma_start3A_969 : memref<1x32x128xf32, #tpu.memory_space<hbm>> -> memref<32x128xf32, #tpu.memory_space<hbm>>
    %dma_start3A_971 = arith.constant 32 : i32
    %dma_start3A_972 = arith.constant 0 : i32
    %dma_start3A_973 = tpu.memref_slice %arg6[%dma_start3A_971, %dma_start3A_972] : memref<64x128xf32, #tpu.memory_space<vmem>> -> memref<32x128xf32, #tpu.memory_space<vmem>>
    tpu.enqueue_dma source(%dma_start3A_973 : memref<32x128xf32, #tpu.memory_space<vmem>>) target(%dma_start3A_970 : memref<32x128xf32, #tpu.memory_space<hbm>>) target_semaphore(%arg11 : memref<!tpu.dma_semaphore, #tpu.memory_space<semaphore_mem>>)
    %dma_wait3A_974 = arith.constant 28 : i32
    %dma_wait3A_975 = arith.constant 0 : i32
    %dma_wait3A_976 = arith.constant 0 : i32
    %dma_wait3A_977 = tpu.memref_slice %arg6[%dma_wait3A_975, %dma_wait3A_976] : memref<64x128xf32, #tpu.memory_space<vmem>> -> memref<32x128xf32, #tpu.memory_space<vmem>>
    %dma_wait3A_978 = arith.constant 0 : i32
    %dma_wait3A_979 = tpu.memref_slice %arg4[%dma_wait3A_974, %mul3A_2, %dma_wait3A_978] : memref<40x1024x128xf32, #tpu.memory_space<hbm>> -> memref<1x32x128xf32, #tpu.memory_space<hbm>>
    %dma_wait3A_980 = tpu.memref_squeeze %dma_wait3A_979 : memref<1x32x128xf32, #tpu.memory_space<hbm>> -> memref<32x128xf32, #tpu.memory_space<hbm>>
    %dma_wait3A_981 = arith.constant 0 : i32
    %dma_wait3A_982 = tpu.memref_slice %arg4[%dma_wait3A_974, %mul3A_2, %dma_wait3A_981] : memref<40x1024x128xf32, #tpu.memory_space<hbm>> -> memref<1x32x128xf32, #tpu.memory_space<hbm>>
    %dma_wait3A_983 = tpu.memref_squeeze %dma_wait3A_982 : memref<1x32x128xf32, #tpu.memory_space<hbm>> -> memref<32x128xf32, #tpu.memory_space<hbm>>
    %dma_wait3A_984 = arith.constant 0 : i32
    %dma_wait3A_985 = arith.constant 0 : i32
    %dma_wait3A_986 = tpu.memref_slice %arg6[%dma_wait3A_984, %dma_wait3A_985] : memref<64x128xf32, #tpu.memory_space<vmem>> -> memref<32x128xf32, #tpu.memory_space<vmem>>
    tpu.wait_dma2 semaphore(%arg11 : memref<!tpu.dma_semaphore, #tpu.memory_space<semaphore_mem>>) src(%dma_wait3A_986 : memref<32x128xf32, #tpu.memory_space<vmem>>) dst(%dma_wait3A_983 : memref<32x128xf32, #tpu.memory_space<hbm>>)
    %dma_wait3A_987 = arith.constant 29 : i32
    %dma_wait3A_988 = arith.constant 32 : i32
    %dma_wait3A_989 = arith.constant 0 : i32
    %dma_wait3A_990 = tpu.memref_slice %arg6[%dma_wait3A_988, %dma_wait3A_989] : memref<64x128xf32, #tpu.memory_space<vmem>> -> memref<32x128xf32, #tpu.memory_space<vmem>>
    %dma_wait3A_991 = arith.constant 0 : i32
    %dma_wait3A_992 = tpu.memref_slice %arg4[%dma_wait3A_987, %mul3A_2, %dma_wait3A_991] : memref<40x1024x128xf32, #tpu.memory_space<hbm>> -> memref<1x32x128xf32, #tpu.memory_space<hbm>>
    %dma_wait3A_993 = tpu.memref_squeeze %dma_wait3A_992 : memref<1x32x128xf32, #tpu.memory_space<hbm>> -> memref<32x128xf32, #tpu.memory_space<hbm>>
    %dma_wait3A_994 = arith.constant 0 : i32
    %dma_wait3A_995 = tpu.memref_slice %arg4[%dma_wait3A_987, %mul3A_2, %dma_wait3A_994] : memref<40x1024x128xf32, #tpu.memory_space<hbm>> -> memref<1x32x128xf32, #tpu.memory_space<hbm>>
    %dma_wait3A_996 = tpu.memref_squeeze %dma_wait3A_995 : memref<1x32x128xf32, #tpu.memory_space<hbm>> -> memref<32x128xf32, #tpu.memory_space<hbm>>
    %dma_wait3A_997 = arith.constant 32 : i32
    %dma_wait3A_998 = arith.constant 0 : i32
    %dma_wait3A_999 = tpu.memref_slice %arg6[%dma_wait3A_997, %dma_wait3A_998] : memref<64x128xf32, #tpu.memory_space<vmem>> -> memref<32x128xf32, #tpu.memory_space<vmem>>
    tpu.wait_dma2 semaphore(%arg11 : memref<!tpu.dma_semaphore, #tpu.memory_space<semaphore_mem>>) src(%dma_wait3A_999 : memref<32x128xf32, #tpu.memory_space<vmem>>) dst(%dma_wait3A_996 : memref<32x128xf32, #tpu.memory_space<hbm>>)
    %dma_start3A_1000 = arith.constant 16 : i32
    %dma_start3A_1001 = arith.constant 0 : i32
    %dma_start3A_1002 = tpu.memref_slice %arg5[%dma_start3A_1000, %dma_start3A_1001] : memref<20x64xi32, #tpu.memory_space<vmem>> -> memref<1x64xi32, #tpu.memory_space<vmem>>
    %dma_start3A_1003 = tpu.memref_squeeze %dma_start3A_1002 : memref<1x64xi32, #tpu.memory_space<vmem>> -> memref<64xi32, #tpu.memory_space<vmem>>
    %dma_start3A_1004 = arith.constant 0 : i32
    %dma_start3A_1005 = arith.constant 0 : i32
    %dma_start3A_1006 = tpu.memref_slice %arg8[%dma_start3A_1004, %dma_start3A_1005] : memref<1000x128xf32, #tpu.memory_space<vmem_shared>> -> memref<1000x128xf32, #tpu.memory_space<vmem_shared>>
    tpu.enqueue_indirect_dma source(%dma_start3A_1006 : memref<1000x128xf32, #tpu.memory_space<vmem_shared>>) target(%arg6 : memref<64x128xf32, #tpu.memory_space<vmem>>) offsets(%dma_start3A_1003 : memref<64xi32, #tpu.memory_space<vmem>>) semaphore(%arg9 : memref<!tpu.dma_semaphore, #tpu.memory_space<semaphore_mem>>)
    %dma_wait3A_1007 = arith.constant 15 : i32
    %dma_wait3A_1008 = arith.constant 0 : i32
    %dma_wait3A_1009 = tpu.memref_slice %arg5[%dma_wait3A_1007, %dma_wait3A_1008] : memref<20x64xi32, #tpu.memory_space<vmem>> -> memref<1x64xi32, #tpu.memory_space<vmem>>
    %dma_wait3A_1010 = tpu.memref_squeeze %dma_wait3A_1009 : memref<1x64xi32, #tpu.memory_space<vmem>> -> memref<64xi32, #tpu.memory_space<vmem>>
    %dma_wait3A_1011 = arith.constant 0 : i32
    %dma_wait3A_1012 = arith.constant 0 : i32
    %dma_wait3A_1013 = tpu.memref_slice %arg8[%dma_wait3A_1011, %dma_wait3A_1012] : memref<1000x128xf32, #tpu.memory_space<vmem_shared>> -> memref<1000x128xf32, #tpu.memory_space<vmem_shared>>
    tpu.wait_indirect_dma semaphore(%arg10 : memref<!tpu.dma_semaphore, #tpu.memory_space<semaphore_mem>>) src(%dma_wait3A_1013 : memref<1000x128xf32, #tpu.memory_space<vmem_shared>>) dst(%arg7 : memref<64x128xf32, #tpu.memory_space<vmem>>)
    %dma_start3A_1014 = arith.constant 30 : i32
    %dma_start3A_1015 = arith.constant 0 : i32
    %dma_start3A_1016 = arith.constant 0 : i32
    %dma_start3A_1017 = tpu.memref_slice %arg7[%dma_start3A_1015, %dma_start3A_1016] : memref<64x128xf32, #tpu.memory_space<vmem>> -> memref<32x128xf32, #tpu.memory_space<vmem>>
    %dma_start3A_1018 = arith.constant 0 : i32
    %dma_start3A_1019 = tpu.memref_slice %arg4[%dma_start3A_1014, %mul3A_2, %dma_start3A_1018] : memref<40x1024x128xf32, #tpu.memory_space<hbm>> -> memref<1x32x128xf32, #tpu.memory_space<hbm>>
    %dma_start3A_1020 = tpu.memref_squeeze %dma_start3A_1019 : memref<1x32x128xf32, #tpu.memory_space<hbm>> -> memref<32x128xf32, #tpu.memory_space<hbm>>
    %dma_start3A_1021 = arith.constant 0 : i32
    %dma_start3A_1022 = tpu.memref_slice %arg4[%dma_start3A_1014, %mul3A_2, %dma_start3A_1021] : memref<40x1024x128xf32, #tpu.memory_space<hbm>> -> memref<1x32x128xf32, #tpu.memory_space<hbm>>
    %dma_start3A_1023 = tpu.memref_squeeze %dma_start3A_1022 : memref<1x32x128xf32, #tpu.memory_space<hbm>> -> memref<32x128xf32, #tpu.memory_space<hbm>>
    %dma_start3A_1024 = arith.constant 0 : i32
    %dma_start3A_1025 = arith.constant 0 : i32
    %dma_start3A_1026 = tpu.memref_slice %arg7[%dma_start3A_1024, %dma_start3A_1025] : memref<64x128xf32, #tpu.memory_space<vmem>> -> memref<32x128xf32, #tpu.memory_space<vmem>>
    tpu.enqueue_dma source(%dma_start3A_1026 : memref<32x128xf32, #tpu.memory_space<vmem>>) target(%dma_start3A_1023 : memref<32x128xf32, #tpu.memory_space<hbm>>) target_semaphore(%arg12 : memref<!tpu.dma_semaphore, #tpu.memory_space<semaphore_mem>>)
    %dma_start3A_1027 = arith.constant 31 : i32
    %dma_start3A_1028 = arith.constant 32 : i32
    %dma_start3A_1029 = arith.constant 0 : i32
    %dma_start3A_1030 = tpu.memref_slice %arg7[%dma_start3A_1028, %dma_start3A_1029] : memref<64x128xf32, #tpu.memory_space<vmem>> -> memref<32x128xf32, #tpu.memory_space<vmem>>
    %dma_start3A_1031 = arith.constant 0 : i32
    %dma_start3A_1032 = tpu.memref_slice %arg4[%dma_start3A_1027, %mul3A_2, %dma_start3A_1031] : memref<40x1024x128xf32, #tpu.memory_space<hbm>> -> memref<1x32x128xf32, #tpu.memory_space<hbm>>
    %dma_start3A_1033 = tpu.memref_squeeze %dma_start3A_1032 : memref<1x32x128xf32, #tpu.memory_space<hbm>> -> memref<32x128xf32, #tpu.memory_space<hbm>>
    %dma_start3A_1034 = arith.constant 0 : i32
    %dma_start3A_1035 = tpu.memref_slice %arg4[%dma_start3A_1027, %mul3A_2, %dma_start3A_1034] : memref<40x1024x128xf32, #tpu.memory_space<hbm>> -> memref<1x32x128xf32, #tpu.memory_space<hbm>>
    %dma_start3A_1036 = tpu.memref_squeeze %dma_start3A_1035 : memref<1x32x128xf32, #tpu.memory_space<hbm>> -> memref<32x128xf32, #tpu.memory_space<hbm>>
    %dma_start3A_1037 = arith.constant 32 : i32
    %dma_start3A_1038 = arith.constant 0 : i32
    %dma_start3A_1039 = tpu.memref_slice %arg7[%dma_start3A_1037, %dma_start3A_1038] : memref<64x128xf32, #tpu.memory_space<vmem>> -> memref<32x128xf32, #tpu.memory_space<vmem>>
    tpu.enqueue_dma source(%dma_start3A_1039 : memref<32x128xf32, #tpu.memory_space<vmem>>) target(%dma_start3A_1036 : memref<32x128xf32, #tpu.memory_space<hbm>>) target_semaphore(%arg12 : memref<!tpu.dma_semaphore, #tpu.memory_space<semaphore_mem>>)
    %dma_wait3A_1040 = arith.constant 30 : i32
    %dma_wait3A_1041 = arith.constant 0 : i32
    %dma_wait3A_1042 = arith.constant 0 : i32
    %dma_wait3A_1043 = tpu.memref_slice %arg7[%dma_wait3A_1041, %dma_wait3A_1042] : memref<64x128xf32, #tpu.memory_space<vmem>> -> memref<32x128xf32, #tpu.memory_space<vmem>>
    %dma_wait3A_1044 = arith.constant 0 : i32
    %dma_wait3A_1045 = tpu.memref_slice %arg4[%dma_wait3A_1040, %mul3A_2, %dma_wait3A_1044] : memref<40x1024x128xf32, #tpu.memory_space<hbm>> -> memref<1x32x128xf32, #tpu.memory_space<hbm>>
    %dma_wait3A_1046 = tpu.memref_squeeze %dma_wait3A_1045 : memref<1x32x128xf32, #tpu.memory_space<hbm>> -> memref<32x128xf32, #tpu.memory_space<hbm>>
    %dma_wait3A_1047 = arith.constant 0 : i32
    %dma_wait3A_1048 = tpu.memref_slice %arg4[%dma_wait3A_1040, %mul3A_2, %dma_wait3A_1047] : memref<40x1024x128xf32, #tpu.memory_space<hbm>> -> memref<1x32x128xf32, #tpu.memory_space<hbm>>
    %dma_wait3A_1049 = tpu.memref_squeeze %dma_wait3A_1048 : memref<1x32x128xf32, #tpu.memory_space<hbm>> -> memref<32x128xf32, #tpu.memory_space<hbm>>
    %dma_wait3A_1050 = arith.constant 0 : i32
    %dma_wait3A_1051 = arith.constant 0 : i32
    %dma_wait3A_1052 = tpu.memref_slice %arg7[%dma_wait3A_1050, %dma_wait3A_1051] : memref<64x128xf32, #tpu.memory_space<vmem>> -> memref<32x128xf32, #tpu.memory_space<vmem>>
    tpu.wait_dma2 semaphore(%arg12 : memref<!tpu.dma_semaphore, #tpu.memory_space<semaphore_mem>>) src(%dma_wait3A_1052 : memref<32x128xf32, #tpu.memory_space<vmem>>) dst(%dma_wait3A_1049 : memref<32x128xf32, #tpu.memory_space<hbm>>)
    %dma_wait3A_1053 = arith.constant 31 : i32
    %dma_wait3A_1054 = arith.constant 32 : i32
    %dma_wait3A_1055 = arith.constant 0 : i32
    %dma_wait3A_1056 = tpu.memref_slice %arg7[%dma_wait3A_1054, %dma_wait3A_1055] : memref<64x128xf32, #tpu.memory_space<vmem>> -> memref<32x128xf32, #tpu.memory_space<vmem>>
    %dma_wait3A_1057 = arith.constant 0 : i32
    %dma_wait3A_1058 = tpu.memref_slice %arg4[%dma_wait3A_1053, %mul3A_2, %dma_wait3A_1057] : memref<40x1024x128xf32, #tpu.memory_space<hbm>> -> memref<1x32x128xf32, #tpu.memory_space<hbm>>
    %dma_wait3A_1059 = tpu.memref_squeeze %dma_wait3A_1058 : memref<1x32x128xf32, #tpu.memory_space<hbm>> -> memref<32x128xf32, #tpu.memory_space<hbm>>
    %dma_wait3A_1060 = arith.constant 0 : i32
    %dma_wait3A_1061 = tpu.memref_slice %arg4[%dma_wait3A_1053, %mul3A_2, %dma_wait3A_1060] : memref<40x1024x128xf32, #tpu.memory_space<hbm>> -> memref<1x32x128xf32, #tpu.memory_space<hbm>>
    %dma_wait3A_1062 = tpu.memref_squeeze %dma_wait3A_1061 : memref<1x32x128xf32, #tpu.memory_space<hbm>> -> memref<32x128xf32, #tpu.memory_space<hbm>>
    %dma_wait3A_1063 = arith.constant 32 : i32
    %dma_wait3A_1064 = arith.constant 0 : i32
    %dma_wait3A_1065 = tpu.memref_slice %arg7[%dma_wait3A_1063, %dma_wait3A_1064] : memref<64x128xf32, #tpu.memory_space<vmem>> -> memref<32x128xf32, #tpu.memory_space<vmem>>
    tpu.wait_dma2 semaphore(%arg12 : memref<!tpu.dma_semaphore, #tpu.memory_space<semaphore_mem>>) src(%dma_wait3A_1065 : memref<32x128xf32, #tpu.memory_space<vmem>>) dst(%dma_wait3A_1062 : memref<32x128xf32, #tpu.memory_space<hbm>>)
    %dma_start3A_1066 = arith.constant 17 : i32
    %dma_start3A_1067 = arith.constant 0 : i32
    %dma_start3A_1068 = tpu.memref_slice %arg5[%dma_start3A_1066, %dma_start3A_1067] : memref<20x64xi32, #tpu.memory_space<vmem>> -> memref<1x64xi32, #tpu.memory_space<vmem>>
    %dma_start3A_1069 = tpu.memref_squeeze %dma_start3A_1068 : memref<1x64xi32, #tpu.memory_space<vmem>> -> memref<64xi32, #tpu.memory_space<vmem>>
    %dma_start3A_1070 = arith.constant 0 : i32
    %dma_start3A_1071 = arith.constant 0 : i32
    %dma_start3A_1072 = tpu.memref_slice %arg8[%dma_start3A_1070, %dma_start3A_1071] : memref<1000x128xf32, #tpu.memory_space<vmem_shared>> -> memref<1000x128xf32, #tpu.memory_space<vmem_shared>>
    tpu.enqueue_indirect_dma source(%dma_start3A_1072 : memref<1000x128xf32, #tpu.memory_space<vmem_shared>>) target(%arg7 : memref<64x128xf32, #tpu.memory_space<vmem>>) offsets(%dma_start3A_1069 : memref<64xi32, #tpu.memory_space<vmem>>) semaphore(%arg10 : memref<!tpu.dma_semaphore, #tpu.memory_space<semaphore_mem>>)
    %dma_wait3A_1073 = arith.constant 16 : i32
    %dma_wait3A_1074 = arith.constant 0 : i32
    %dma_wait3A_1075 = tpu.memref_slice %arg5[%dma_wait3A_1073, %dma_wait3A_1074] : memref<20x64xi32, #tpu.memory_space<vmem>> -> memref<1x64xi32, #tpu.memory_space<vmem>>
    %dma_wait3A_1076 = tpu.memref_squeeze %dma_wait3A_1075 : memref<1x64xi32, #tpu.memory_space<vmem>> -> memref<64xi32, #tpu.memory_space<vmem>>
    %dma_wait3A_1077 = arith.constant 0 : i32
    %dma_wait3A_1078 = arith.constant 0 : i32
    %dma_wait3A_1079 = tpu.memref_slice %arg8[%dma_wait3A_1077, %dma_wait3A_1078] : memref<1000x128xf32, #tpu.memory_space<vmem_shared>> -> memref<1000x128xf32, #tpu.memory_space<vmem_shared>>
    tpu.wait_indirect_dma semaphore(%arg9 : memref<!tpu.dma_semaphore, #tpu.memory_space<semaphore_mem>>) src(%dma_wait3A_1079 : memref<1000x128xf32, #tpu.memory_space<vmem_shared>>) dst(%arg6 : memref<64x128xf32, #tpu.memory_space<vmem>>)
    %dma_start3A_1080 = arith.constant 32 : i32
    %dma_start3A_1081 = arith.constant 0 : i32
    %dma_start3A_1082 = arith.constant 0 : i32
    %dma_start3A_1083 = tpu.memref_slice %arg6[%dma_start3A_1081, %dma_start3A_1082] : memref<64x128xf32, #tpu.memory_space<vmem>> -> memref<32x128xf32, #tpu.memory_space<vmem>>
    %dma_start3A_1084 = arith.constant 0 : i32
    %dma_start3A_1085 = tpu.memref_slice %arg4[%dma_start3A_1080, %mul3A_2, %dma_start3A_1084] : memref<40x1024x128xf32, #tpu.memory_space<hbm>> -> memref<1x32x128xf32, #tpu.memory_space<hbm>>
    %dma_start3A_1086 = tpu.memref_squeeze %dma_start3A_1085 : memref<1x32x128xf32, #tpu.memory_space<hbm>> -> memref<32x128xf32, #tpu.memory_space<hbm>>
    %dma_start3A_1087 = arith.constant 0 : i32
    %dma_start3A_1088 = tpu.memref_slice %arg4[%dma_start3A_1080, %mul3A_2, %dma_start3A_1087] : memref<40x1024x128xf32, #tpu.memory_space<hbm>> -> memref<1x32x128xf32, #tpu.memory_space<hbm>>
    %dma_start3A_1089 = tpu.memref_squeeze %dma_start3A_1088 : memref<1x32x128xf32, #tpu.memory_space<hbm>> -> memref<32x128xf32, #tpu.memory_space<hbm>>
    %dma_start3A_1090 = arith.constant 0 : i32
    %dma_start3A_1091 = arith.constant 0 : i32
    %dma_start3A_1092 = tpu.memref_slice %arg6[%dma_start3A_1090, %dma_start3A_1091] : memref<64x128xf32, #tpu.memory_space<vmem>> -> memref<32x128xf32, #tpu.memory_space<vmem>>
    tpu.enqueue_dma source(%dma_start3A_1092 : memref<32x128xf32, #tpu.memory_space<vmem>>) target(%dma_start3A_1089 : memref<32x128xf32, #tpu.memory_space<hbm>>) target_semaphore(%arg11 : memref<!tpu.dma_semaphore, #tpu.memory_space<semaphore_mem>>)
    %dma_start3A_1093 = arith.constant 33 : i32
    %dma_start3A_1094 = arith.constant 32 : i32
    %dma_start3A_1095 = arith.constant 0 : i32
    %dma_start3A_1096 = tpu.memref_slice %arg6[%dma_start3A_1094, %dma_start3A_1095] : memref<64x128xf32, #tpu.memory_space<vmem>> -> memref<32x128xf32, #tpu.memory_space<vmem>>
    %dma_start3A_1097 = arith.constant 0 : i32
    %dma_start3A_1098 = tpu.memref_slice %arg4[%dma_start3A_1093, %mul3A_2, %dma_start3A_1097] : memref<40x1024x128xf32, #tpu.memory_space<hbm>> -> memref<1x32x128xf32, #tpu.memory_space<hbm>>
    %dma_start3A_1099 = tpu.memref_squeeze %dma_start3A_1098 : memref<1x32x128xf32, #tpu.memory_space<hbm>> -> memref<32x128xf32, #tpu.memory_space<hbm>>
    %dma_start3A_1100 = arith.constant 0 : i32
    %dma_start3A_1101 = tpu.memref_slice %arg4[%dma_start3A_1093, %mul3A_2, %dma_start3A_1100] : memref<40x1024x128xf32, #tpu.memory_space<hbm>> -> memref<1x32x128xf32, #tpu.memory_space<hbm>>
    %dma_start3A_1102 = tpu.memref_squeeze %dma_start3A_1101 : memref<1x32x128xf32, #tpu.memory_space<hbm>> -> memref<32x128xf32, #tpu.memory_space<hbm>>
    %dma_start3A_1103 = arith.constant 32 : i32
    %dma_start3A_1104 = arith.constant 0 : i32
    %dma_start3A_1105 = tpu.memref_slice %arg6[%dma_start3A_1103, %dma_start3A_1104] : memref<64x128xf32, #tpu.memory_space<vmem>> -> memref<32x128xf32, #tpu.memory_space<vmem>>
    tpu.enqueue_dma source(%dma_start3A_1105 : memref<32x128xf32, #tpu.memory_space<vmem>>) target(%dma_start3A_1102 : memref<32x128xf32, #tpu.memory_space<hbm>>) target_semaphore(%arg11 : memref<!tpu.dma_semaphore, #tpu.memory_space<semaphore_mem>>)
    %dma_wait3A_1106 = arith.constant 32 : i32
    %dma_wait3A_1107 = arith.constant 0 : i32
    %dma_wait3A_1108 = arith.constant 0 : i32
    %dma_wait3A_1109 = tpu.memref_slice %arg6[%dma_wait3A_1107, %dma_wait3A_1108] : memref<64x128xf32, #tpu.memory_space<vmem>> -> memref<32x128xf32, #tpu.memory_space<vmem>>
    %dma_wait3A_1110 = arith.constant 0 : i32
    %dma_wait3A_1111 = tpu.memref_slice %arg4[%dma_wait3A_1106, %mul3A_2, %dma_wait3A_1110] : memref<40x1024x128xf32, #tpu.memory_space<hbm>> -> memref<1x32x128xf32, #tpu.memory_space<hbm>>
    %dma_wait3A_1112 = tpu.memref_squeeze %dma_wait3A_1111 : memref<1x32x128xf32, #tpu.memory_space<hbm>> -> memref<32x128xf32, #tpu.memory_space<hbm>>
    %dma_wait3A_1113 = arith.constant 0 : i32
    %dma_wait3A_1114 = tpu.memref_slice %arg4[%dma_wait3A_1106, %mul3A_2, %dma_wait3A_1113] : memref<40x1024x128xf32, #tpu.memory_space<hbm>> -> memref<1x32x128xf32, #tpu.memory_space<hbm>>
    %dma_wait3A_1115 = tpu.memref_squeeze %dma_wait3A_1114 : memref<1x32x128xf32, #tpu.memory_space<hbm>> -> memref<32x128xf32, #tpu.memory_space<hbm>>
    %dma_wait3A_1116 = arith.constant 0 : i32
    %dma_wait3A_1117 = arith.constant 0 : i32
    %dma_wait3A_1118 = tpu.memref_slice %arg6[%dma_wait3A_1116, %dma_wait3A_1117] : memref<64x128xf32, #tpu.memory_space<vmem>> -> memref<32x128xf32, #tpu.memory_space<vmem>>
    tpu.wait_dma2 semaphore(%arg11 : memref<!tpu.dma_semaphore, #tpu.memory_space<semaphore_mem>>) src(%dma_wait3A_1118 : memref<32x128xf32, #tpu.memory_space<vmem>>) dst(%dma_wait3A_1115 : memref<32x128xf32, #tpu.memory_space<hbm>>)
    %dma_wait3A_1119 = arith.constant 33 : i32
    %dma_wait3A_1120 = arith.constant 32 : i32
    %dma_wait3A_1121 = arith.constant 0 : i32
    %dma_wait3A_1122 = tpu.memref_slice %arg6[%dma_wait3A_1120, %dma_wait3A_1121] : memref<64x128xf32, #tpu.memory_space<vmem>> -> memref<32x128xf32, #tpu.memory_space<vmem>>
    %dma_wait3A_1123 = arith.constant 0 : i32
    %dma_wait3A_1124 = tpu.memref_slice %arg4[%dma_wait3A_1119, %mul3A_2, %dma_wait3A_1123] : memref<40x1024x128xf32, #tpu.memory_space<hbm>> -> memref<1x32x128xf32, #tpu.memory_space<hbm>>
    %dma_wait3A_1125 = tpu.memref_squeeze %dma_wait3A_1124 : memref<1x32x128xf32, #tpu.memory_space<hbm>> -> memref<32x128xf32, #tpu.memory_space<hbm>>
    %dma_wait3A_1126 = arith.constant 0 : i32
    %dma_wait3A_1127 = tpu.memref_slice %arg4[%dma_wait3A_1119, %mul3A_2, %dma_wait3A_1126] : memref<40x1024x128xf32, #tpu.memory_space<hbm>> -> memref<1x32x128xf32, #tpu.memory_space<hbm>>
    %dma_wait3A_1128 = tpu.memref_squeeze %dma_wait3A_1127 : memref<1x32x128xf32, #tpu.memory_space<hbm>> -> memref<32x128xf32, #tpu.memory_space<hbm>>
    %dma_wait3A_1129 = arith.constant 32 : i32
    %dma_wait3A_1130 = arith.constant 0 : i32
    %dma_wait3A_1131 = tpu.memref_slice %arg6[%dma_wait3A_1129, %dma_wait3A_1130] : memref<64x128xf32, #tpu.memory_space<vmem>> -> memref<32x128xf32, #tpu.memory_space<vmem>>
    tpu.wait_dma2 semaphore(%arg11 : memref<!tpu.dma_semaphore, #tpu.memory_space<semaphore_mem>>) src(%dma_wait3A_1131 : memref<32x128xf32, #tpu.memory_space<vmem>>) dst(%dma_wait3A_1128 : memref<32x128xf32, #tpu.memory_space<hbm>>)
    %dma_start3A_1132 = arith.constant 18 : i32
    %dma_start3A_1133 = arith.constant 0 : i32
    %dma_start3A_1134 = tpu.memref_slice %arg5[%dma_start3A_1132, %dma_start3A_1133] : memref<20x64xi32, #tpu.memory_space<vmem>> -> memref<1x64xi32, #tpu.memory_space<vmem>>
    %dma_start3A_1135 = tpu.memref_squeeze %dma_start3A_1134 : memref<1x64xi32, #tpu.memory_space<vmem>> -> memref<64xi32, #tpu.memory_space<vmem>>
    %dma_start3A_1136 = arith.constant 0 : i32
    %dma_start3A_1137 = arith.constant 0 : i32
    %dma_start3A_1138 = tpu.memref_slice %arg8[%dma_start3A_1136, %dma_start3A_1137] : memref<1000x128xf32, #tpu.memory_space<vmem_shared>> -> memref<1000x128xf32, #tpu.memory_space<vmem_shared>>
    tpu.enqueue_indirect_dma source(%dma_start3A_1138 : memref<1000x128xf32, #tpu.memory_space<vmem_shared>>) target(%arg6 : memref<64x128xf32, #tpu.memory_space<vmem>>) offsets(%dma_start3A_1135 : memref<64xi32, #tpu.memory_space<vmem>>) semaphore(%arg9 : memref<!tpu.dma_semaphore, #tpu.memory_space<semaphore_mem>>)
    %dma_wait3A_1139 = arith.constant 17 : i32
    %dma_wait3A_1140 = arith.constant 0 : i32
    %dma_wait3A_1141 = tpu.memref_slice %arg5[%dma_wait3A_1139, %dma_wait3A_1140] : memref<20x64xi32, #tpu.memory_space<vmem>> -> memref<1x64xi32, #tpu.memory_space<vmem>>
    %dma_wait3A_1142 = tpu.memref_squeeze %dma_wait3A_1141 : memref<1x64xi32, #tpu.memory_space<vmem>> -> memref<64xi32, #tpu.memory_space<vmem>>
    %dma_wait3A_1143 = arith.constant 0 : i32
    %dma_wait3A_1144 = arith.constant 0 : i32
    %dma_wait3A_1145 = tpu.memref_slice %arg8[%dma_wait3A_1143, %dma_wait3A_1144] : memref<1000x128xf32, #tpu.memory_space<vmem_shared>> -> memref<1000x128xf32, #tpu.memory_space<vmem_shared>>
    tpu.wait_indirect_dma semaphore(%arg10 : memref<!tpu.dma_semaphore, #tpu.memory_space<semaphore_mem>>) src(%dma_wait3A_1145 : memref<1000x128xf32, #tpu.memory_space<vmem_shared>>) dst(%arg7 : memref<64x128xf32, #tpu.memory_space<vmem>>)
    %dma_start3A_1146 = arith.constant 34 : i32
    %dma_start3A_1147 = arith.constant 0 : i32
    %dma_start3A_1148 = arith.constant 0 : i32
    %dma_start3A_1149 = tpu.memref_slice %arg7[%dma_start3A_1147, %dma_start3A_1148] : memref<64x128xf32, #tpu.memory_space<vmem>> -> memref<32x128xf32, #tpu.memory_space<vmem>>
    %dma_start3A_1150 = arith.constant 0 : i32
    %dma_start3A_1151 = tpu.memref_slice %arg4[%dma_start3A_1146, %mul3A_2, %dma_start3A_1150] : memref<40x1024x128xf32, #tpu.memory_space<hbm>> -> memref<1x32x128xf32, #tpu.memory_space<hbm>>
    %dma_start3A_1152 = tpu.memref_squeeze %dma_start3A_1151 : memref<1x32x128xf32, #tpu.memory_space<hbm>> -> memref<32x128xf32, #tpu.memory_space<hbm>>
    %dma_start3A_1153 = arith.constant 0 : i32
    %dma_start3A_1154 = tpu.memref_slice %arg4[%dma_start3A_1146, %mul3A_2, %dma_start3A_1153] : memref<40x1024x128xf32, #tpu.memory_space<hbm>> -> memref<1x32x128xf32, #tpu.memory_space<hbm>>
    %dma_start3A_1155 = tpu.memref_squeeze %dma_start3A_1154 : memref<1x32x128xf32, #tpu.memory_space<hbm>> -> memref<32x128xf32, #tpu.memory_space<hbm>>
    %dma_start3A_1156 = arith.constant 0 : i32
    %dma_start3A_1157 = arith.constant 0 : i32
    %dma_start3A_1158 = tpu.memref_slice %arg7[%dma_start3A_1156, %dma_start3A_1157] : memref<64x128xf32, #tpu.memory_space<vmem>> -> memref<32x128xf32, #tpu.memory_space<vmem>>
    tpu.enqueue_dma source(%dma_start3A_1158 : memref<32x128xf32, #tpu.memory_space<vmem>>) target(%dma_start3A_1155 : memref<32x128xf32, #tpu.memory_space<hbm>>) target_semaphore(%arg12 : memref<!tpu.dma_semaphore, #tpu.memory_space<semaphore_mem>>)
    %dma_start3A_1159 = arith.constant 35 : i32
    %dma_start3A_1160 = arith.constant 32 : i32
    %dma_start3A_1161 = arith.constant 0 : i32
    %dma_start3A_1162 = tpu.memref_slice %arg7[%dma_start3A_1160, %dma_start3A_1161] : memref<64x128xf32, #tpu.memory_space<vmem>> -> memref<32x128xf32, #tpu.memory_space<vmem>>
    %dma_start3A_1163 = arith.constant 0 : i32
    %dma_start3A_1164 = tpu.memref_slice %arg4[%dma_start3A_1159, %mul3A_2, %dma_start3A_1163] : memref<40x1024x128xf32, #tpu.memory_space<hbm>> -> memref<1x32x128xf32, #tpu.memory_space<hbm>>
    %dma_start3A_1165 = tpu.memref_squeeze %dma_start3A_1164 : memref<1x32x128xf32, #tpu.memory_space<hbm>> -> memref<32x128xf32, #tpu.memory_space<hbm>>
    %dma_start3A_1166 = arith.constant 0 : i32
    %dma_start3A_1167 = tpu.memref_slice %arg4[%dma_start3A_1159, %mul3A_2, %dma_start3A_1166] : memref<40x1024x128xf32, #tpu.memory_space<hbm>> -> memref<1x32x128xf32, #tpu.memory_space<hbm>>
    %dma_start3A_1168 = tpu.memref_squeeze %dma_start3A_1167 : memref<1x32x128xf32, #tpu.memory_space<hbm>> -> memref<32x128xf32, #tpu.memory_space<hbm>>
    %dma_start3A_1169 = arith.constant 32 : i32
    %dma_start3A_1170 = arith.constant 0 : i32
    %dma_start3A_1171 = tpu.memref_slice %arg7[%dma_start3A_1169, %dma_start3A_1170] : memref<64x128xf32, #tpu.memory_space<vmem>> -> memref<32x128xf32, #tpu.memory_space<vmem>>
    tpu.enqueue_dma source(%dma_start3A_1171 : memref<32x128xf32, #tpu.memory_space<vmem>>) target(%dma_start3A_1168 : memref<32x128xf32, #tpu.memory_space<hbm>>) target_semaphore(%arg12 : memref<!tpu.dma_semaphore, #tpu.memory_space<semaphore_mem>>)
    %dma_wait3A_1172 = arith.constant 34 : i32
    %dma_wait3A_1173 = arith.constant 0 : i32
    %dma_wait3A_1174 = arith.constant 0 : i32
    %dma_wait3A_1175 = tpu.memref_slice %arg7[%dma_wait3A_1173, %dma_wait3A_1174] : memref<64x128xf32, #tpu.memory_space<vmem>> -> memref<32x128xf32, #tpu.memory_space<vmem>>
    %dma_wait3A_1176 = arith.constant 0 : i32
    %dma_wait3A_1177 = tpu.memref_slice %arg4[%dma_wait3A_1172, %mul3A_2, %dma_wait3A_1176] : memref<40x1024x128xf32, #tpu.memory_space<hbm>> -> memref<1x32x128xf32, #tpu.memory_space<hbm>>
    %dma_wait3A_1178 = tpu.memref_squeeze %dma_wait3A_1177 : memref<1x32x128xf32, #tpu.memory_space<hbm>> -> memref<32x128xf32, #tpu.memory_space<hbm>>
    %dma_wait3A_1179 = arith.constant 0 : i32
    %dma_wait3A_1180 = tpu.memref_slice %arg4[%dma_wait3A_1172, %mul3A_2, %dma_wait3A_1179] : memref<40x1024x128xf32, #tpu.memory_space<hbm>> -> memref<1x32x128xf32, #tpu.memory_space<hbm>>
    %dma_wait3A_1181 = tpu.memref_squeeze %dma_wait3A_1180 : memref<1x32x128xf32, #tpu.memory_space<hbm>> -> memref<32x128xf32, #tpu.memory_space<hbm>>
    %dma_wait3A_1182 = arith.constant 0 : i32
    %dma_wait3A_1183 = arith.constant 0 : i32
    %dma_wait3A_1184 = tpu.memref_slice %arg7[%dma_wait3A_1182, %dma_wait3A_1183] : memref<64x128xf32, #tpu.memory_space<vmem>> -> memref<32x128xf32, #tpu.memory_space<vmem>>
    tpu.wait_dma2 semaphore(%arg12 : memref<!tpu.dma_semaphore, #tpu.memory_space<semaphore_mem>>) src(%dma_wait3A_1184 : memref<32x128xf32, #tpu.memory_space<vmem>>) dst(%dma_wait3A_1181 : memref<32x128xf32, #tpu.memory_space<hbm>>)
    %dma_wait3A_1185 = arith.constant 35 : i32
    %dma_wait3A_1186 = arith.constant 32 : i32
    %dma_wait3A_1187 = arith.constant 0 : i32
    %dma_wait3A_1188 = tpu.memref_slice %arg7[%dma_wait3A_1186, %dma_wait3A_1187] : memref<64x128xf32, #tpu.memory_space<vmem>> -> memref<32x128xf32, #tpu.memory_space<vmem>>
    %dma_wait3A_1189 = arith.constant 0 : i32
    %dma_wait3A_1190 = tpu.memref_slice %arg4[%dma_wait3A_1185, %mul3A_2, %dma_wait3A_1189] : memref<40x1024x128xf32, #tpu.memory_space<hbm>> -> memref<1x32x128xf32, #tpu.memory_space<hbm>>
    %dma_wait3A_1191 = tpu.memref_squeeze %dma_wait3A_1190 : memref<1x32x128xf32, #tpu.memory_space<hbm>> -> memref<32x128xf32, #tpu.memory_space<hbm>>
    %dma_wait3A_1192 = arith.constant 0 : i32
    %dma_wait3A_1193 = tpu.memref_slice %arg4[%dma_wait3A_1185, %mul3A_2, %dma_wait3A_1192] : memref<40x1024x128xf32, #tpu.memory_space<hbm>> -> memref<1x32x128xf32, #tpu.memory_space<hbm>>
    %dma_wait3A_1194 = tpu.memref_squeeze %dma_wait3A_1193 : memref<1x32x128xf32, #tpu.memory_space<hbm>> -> memref<32x128xf32, #tpu.memory_space<hbm>>
    %dma_wait3A_1195 = arith.constant 32 : i32
    %dma_wait3A_1196 = arith.constant 0 : i32
    %dma_wait3A_1197 = tpu.memref_slice %arg7[%dma_wait3A_1195, %dma_wait3A_1196] : memref<64x128xf32, #tpu.memory_space<vmem>> -> memref<32x128xf32, #tpu.memory_space<vmem>>
    tpu.wait_dma2 semaphore(%arg12 : memref<!tpu.dma_semaphore, #tpu.memory_space<semaphore_mem>>) src(%dma_wait3A_1197 : memref<32x128xf32, #tpu.memory_space<vmem>>) dst(%dma_wait3A_1194 : memref<32x128xf32, #tpu.memory_space<hbm>>)
    %dma_start3A_1198 = arith.constant 19 : i32
    %dma_start3A_1199 = arith.constant 0 : i32
    %dma_start3A_1200 = tpu.memref_slice %arg5[%dma_start3A_1198, %dma_start3A_1199] : memref<20x64xi32, #tpu.memory_space<vmem>> -> memref<1x64xi32, #tpu.memory_space<vmem>>
    %dma_start3A_1201 = tpu.memref_squeeze %dma_start3A_1200 : memref<1x64xi32, #tpu.memory_space<vmem>> -> memref<64xi32, #tpu.memory_space<vmem>>
    %dma_start3A_1202 = arith.constant 0 : i32
    %dma_start3A_1203 = arith.constant 0 : i32
    %dma_start3A_1204 = tpu.memref_slice %arg8[%dma_start3A_1202, %dma_start3A_1203] : memref<1000x128xf32, #tpu.memory_space<vmem_shared>> -> memref<1000x128xf32, #tpu.memory_space<vmem_shared>>
    tpu.enqueue_indirect_dma source(%dma_start3A_1204 : memref<1000x128xf32, #tpu.memory_space<vmem_shared>>) target(%arg7 : memref<64x128xf32, #tpu.memory_space<vmem>>) offsets(%dma_start3A_1201 : memref<64xi32, #tpu.memory_space<vmem>>) semaphore(%arg10 : memref<!tpu.dma_semaphore, #tpu.memory_space<semaphore_mem>>)
    %dma_wait3A_1205 = arith.constant 18 : i32
    %dma_wait3A_1206 = arith.constant 0 : i32
    %dma_wait3A_1207 = tpu.memref_slice %arg5[%dma_wait3A_1205, %dma_wait3A_1206] : memref<20x64xi32, #tpu.memory_space<vmem>> -> memref<1x64xi32, #tpu.memory_space<vmem>>
    %dma_wait3A_1208 = tpu.memref_squeeze %dma_wait3A_1207 : memref<1x64xi32, #tpu.memory_space<vmem>> -> memref<64xi32, #tpu.memory_space<vmem>>
    %dma_wait3A_1209 = arith.constant 0 : i32
    %dma_wait3A_1210 = arith.constant 0 : i32
    %dma_wait3A_1211 = tpu.memref_slice %arg8[%dma_wait3A_1209, %dma_wait3A_1210] : memref<1000x128xf32, #tpu.memory_space<vmem_shared>> -> memref<1000x128xf32, #tpu.memory_space<vmem_shared>>
    tpu.wait_indirect_dma semaphore(%arg9 : memref<!tpu.dma_semaphore, #tpu.memory_space<semaphore_mem>>) src(%dma_wait3A_1211 : memref<1000x128xf32, #tpu.memory_space<vmem_shared>>) dst(%arg6 : memref<64x128xf32, #tpu.memory_space<vmem>>)
    %dma_start3A_1212 = arith.constant 36 : i32
    %dma_start3A_1213 = arith.constant 0 : i32
    %dma_start3A_1214 = arith.constant 0 : i32
    %dma_start3A_1215 = tpu.memref_slice %arg6[%dma_start3A_1213, %dma_start3A_1214] : memref<64x128xf32, #tpu.memory_space<vmem>> -> memref<32x128xf32, #tpu.memory_space<vmem>>
    %dma_start3A_1216 = arith.constant 0 : i32
    %dma_start3A_1217 = tpu.memref_slice %arg4[%dma_start3A_1212, %mul3A_2, %dma_start3A_1216] : memref<40x1024x128xf32, #tpu.memory_space<hbm>> -> memref<1x32x128xf32, #tpu.memory_space<hbm>>
    %dma_start3A_1218 = tpu.memref_squeeze %dma_start3A_1217 : memref<1x32x128xf32, #tpu.memory_space<hbm>> -> memref<32x128xf32, #tpu.memory_space<hbm>>
    %dma_start3A_1219 = arith.constant 0 : i32
    %dma_start3A_1220 = tpu.memref_slice %arg4[%dma_start3A_1212, %mul3A_2, %dma_start3A_1219] : memref<40x1024x128xf32, #tpu.memory_space<hbm>> -> memref<1x32x128xf32, #tpu.memory_space<hbm>>
    %dma_start3A_1221 = tpu.memref_squeeze %dma_start3A_1220 : memref<1x32x128xf32, #tpu.memory_space<hbm>> -> memref<32x128xf32, #tpu.memory_space<hbm>>
    %dma_start3A_1222 = arith.constant 0 : i32
    %dma_start3A_1223 = arith.constant 0 : i32
    %dma_start3A_1224 = tpu.memref_slice %arg6[%dma_start3A_1222, %dma_start3A_1223] : memref<64x128xf32, #tpu.memory_space<vmem>> -> memref<32x128xf32, #tpu.memory_space<vmem>>
    tpu.enqueue_dma source(%dma_start3A_1224 : memref<32x128xf32, #tpu.memory_space<vmem>>) target(%dma_start3A_1221 : memref<32x128xf32, #tpu.memory_space<hbm>>) target_semaphore(%arg11 : memref<!tpu.dma_semaphore, #tpu.memory_space<semaphore_mem>>)
    %dma_start3A_1225 = arith.constant 37 : i32
    %dma_start3A_1226 = arith.constant 32 : i32
    %dma_start3A_1227 = arith.constant 0 : i32
    %dma_start3A_1228 = tpu.memref_slice %arg6[%dma_start3A_1226, %dma_start3A_1227] : memref<64x128xf32, #tpu.memory_space<vmem>> -> memref<32x128xf32, #tpu.memory_space<vmem>>
    %dma_start3A_1229 = arith.constant 0 : i32
    %dma_start3A_1230 = tpu.memref_slice %arg4[%dma_start3A_1225, %mul3A_2, %dma_start3A_1229] : memref<40x1024x128xf32, #tpu.memory_space<hbm>> -> memref<1x32x128xf32, #tpu.memory_space<hbm>>
    %dma_start3A_1231 = tpu.memref_squeeze %dma_start3A_1230 : memref<1x32x128xf32, #tpu.memory_space<hbm>> -> memref<32x128xf32, #tpu.memory_space<hbm>>
    %dma_start3A_1232 = arith.constant 0 : i32
    %dma_start3A_1233 = tpu.memref_slice %arg4[%dma_start3A_1225, %mul3A_2, %dma_start3A_1232] : memref<40x1024x128xf32, #tpu.memory_space<hbm>> -> memref<1x32x128xf32, #tpu.memory_space<hbm>>
    %dma_start3A_1234 = tpu.memref_squeeze %dma_start3A_1233 : memref<1x32x128xf32, #tpu.memory_space<hbm>> -> memref<32x128xf32, #tpu.memory_space<hbm>>
    %dma_start3A_1235 = arith.constant 32 : i32
    %dma_start3A_1236 = arith.constant 0 : i32
    %dma_start3A_1237 = tpu.memref_slice %arg6[%dma_start3A_1235, %dma_start3A_1236] : memref<64x128xf32, #tpu.memory_space<vmem>> -> memref<32x128xf32, #tpu.memory_space<vmem>>
    tpu.enqueue_dma source(%dma_start3A_1237 : memref<32x128xf32, #tpu.memory_space<vmem>>) target(%dma_start3A_1234 : memref<32x128xf32, #tpu.memory_space<hbm>>) target_semaphore(%arg11 : memref<!tpu.dma_semaphore, #tpu.memory_space<semaphore_mem>>)
    %dma_wait3A_1238 = arith.constant 19 : i32
    %dma_wait3A_1239 = arith.constant 0 : i32
    %dma_wait3A_1240 = tpu.memref_slice %arg5[%dma_wait3A_1238, %dma_wait3A_1239] : memref<20x64xi32, #tpu.memory_space<vmem>> -> memref<1x64xi32, #tpu.memory_space<vmem>>
    %dma_wait3A_1241 = tpu.memref_squeeze %dma_wait3A_1240 : memref<1x64xi32, #tpu.memory_space<vmem>> -> memref<64xi32, #tpu.memory_space<vmem>>
    %dma_wait3A_1242 = arith.constant 0 : i32
    %dma_wait3A_1243 = arith.constant 0 : i32
    %dma_wait3A_1244 = tpu.memref_slice %arg8[%dma_wait3A_1242, %dma_wait3A_1243] : memref<1000x128xf32, #tpu.memory_space<vmem_shared>> -> memref<1000x128xf32, #tpu.memory_space<vmem_shared>>
    tpu.wait_indirect_dma semaphore(%arg10 : memref<!tpu.dma_semaphore, #tpu.memory_space<semaphore_mem>>) src(%dma_wait3A_1244 : memref<1000x128xf32, #tpu.memory_space<vmem_shared>>) dst(%arg7 : memref<64x128xf32, #tpu.memory_space<vmem>>)
    %dma_start3A_1245 = arith.constant 38 : i32
    %dma_start3A_1246 = arith.constant 0 : i32
    %dma_start3A_1247 = arith.constant 0 : i32
    %dma_start3A_1248 = tpu.memref_slice %arg7[%dma_start3A_1246, %dma_start3A_1247] : memref<64x128xf32, #tpu.memory_space<vmem>> -> memref<32x128xf32, #tpu.memory_space<vmem>>
    %dma_start3A_1249 = arith.constant 0 : i32
    %dma_start3A_1250 = tpu.memref_slice %arg4[%dma_start3A_1245, %mul3A_2, %dma_start3A_1249] : memref<40x1024x128xf32, #tpu.memory_space<hbm>> -> memref<1x32x128xf32, #tpu.memory_space<hbm>>
    %dma_start3A_1251 = tpu.memref_squeeze %dma_start3A_1250 : memref<1x32x128xf32, #tpu.memory_space<hbm>> -> memref<32x128xf32, #tpu.memory_space<hbm>>
    %dma_start3A_1252 = arith.constant 0 : i32
    %dma_start3A_1253 = tpu.memref_slice %arg4[%dma_start3A_1245, %mul3A_2, %dma_start3A_1252] : memref<40x1024x128xf32, #tpu.memory_space<hbm>> -> memref<1x32x128xf32, #tpu.memory_space<hbm>>
    %dma_start3A_1254 = tpu.memref_squeeze %dma_start3A_1253 : memref<1x32x128xf32, #tpu.memory_space<hbm>> -> memref<32x128xf32, #tpu.memory_space<hbm>>
    %dma_start3A_1255 = arith.constant 0 : i32
    %dma_start3A_1256 = arith.constant 0 : i32
    %dma_start3A_1257 = tpu.memref_slice %arg7[%dma_start3A_1255, %dma_start3A_1256] : memref<64x128xf32, #tpu.memory_space<vmem>> -> memref<32x128xf32, #tpu.memory_space<vmem>>
    tpu.enqueue_dma source(%dma_start3A_1257 : memref<32x128xf32, #tpu.memory_space<vmem>>) target(%dma_start3A_1254 : memref<32x128xf32, #tpu.memory_space<hbm>>) target_semaphore(%arg12 : memref<!tpu.dma_semaphore, #tpu.memory_space<semaphore_mem>>)
    %dma_start3A_1258 = arith.constant 39 : i32
    %dma_start3A_1259 = arith.constant 32 : i32
    %dma_start3A_1260 = arith.constant 0 : i32
    %dma_start3A_1261 = tpu.memref_slice %arg7[%dma_start3A_1259, %dma_start3A_1260] : memref<64x128xf32, #tpu.memory_space<vmem>> -> memref<32x128xf32, #tpu.memory_space<vmem>>
    %dma_start3A_1262 = arith.constant 0 : i32
    %dma_start3A_1263 = tpu.memref_slice %arg4[%dma_start3A_1258, %mul3A_2, %dma_start3A_1262] : memref<40x1024x128xf32, #tpu.memory_space<hbm>> -> memref<1x32x128xf32, #tpu.memory_space<hbm>>
    %dma_start3A_1264 = tpu.memref_squeeze %dma_start3A_1263 : memref<1x32x128xf32, #tpu.memory_space<hbm>> -> memref<32x128xf32, #tpu.memory_space<hbm>>
    %dma_start3A_1265 = arith.constant 0 : i32
    %dma_start3A_1266 = tpu.memref_slice %arg4[%dma_start3A_1258, %mul3A_2, %dma_start3A_1265] : memref<40x1024x128xf32, #tpu.memory_space<hbm>> -> memref<1x32x128xf32, #tpu.memory_space<hbm>>
    %dma_start3A_1267 = tpu.memref_squeeze %dma_start3A_1266 : memref<1x32x128xf32, #tpu.memory_space<hbm>> -> memref<32x128xf32, #tpu.memory_space<hbm>>
    %dma_start3A_1268 = arith.constant 32 : i32
    %dma_start3A_1269 = arith.constant 0 : i32
    %dma_start3A_1270 = tpu.memref_slice %arg7[%dma_start3A_1268, %dma_start3A_1269] : memref<64x128xf32, #tpu.memory_space<vmem>> -> memref<32x128xf32, #tpu.memory_space<vmem>>
    tpu.enqueue_dma source(%dma_start3A_1270 : memref<32x128xf32, #tpu.memory_space<vmem>>) target(%dma_start3A_1267 : memref<32x128xf32, #tpu.memory_space<hbm>>) target_semaphore(%arg12 : memref<!tpu.dma_semaphore, #tpu.memory_space<semaphore_mem>>)
    %dma_wait3A_1271 = arith.constant 36 : i32
    %dma_wait3A_1272 = arith.constant 0 : i32
    %dma_wait3A_1273 = arith.constant 0 : i32
    %dma_wait3A_1274 = tpu.memref_slice %arg6[%dma_wait3A_1272, %dma_wait3A_1273] : memref<64x128xf32, #tpu.memory_space<vmem>> -> memref<32x128xf32, #tpu.memory_space<vmem>>
    %dma_wait3A_1275 = arith.constant 0 : i32
    %dma_wait3A_1276 = tpu.memref_slice %arg4[%dma_wait3A_1271, %mul3A_2, %dma_wait3A_1275] : memref<40x1024x128xf32, #tpu.memory_space<hbm>> -> memref<1x32x128xf32, #tpu.memory_space<hbm>>
    %dma_wait3A_1277 = tpu.memref_squeeze %dma_wait3A_1276 : memref<1x32x128xf32, #tpu.memory_space<hbm>> -> memref<32x128xf32, #tpu.memory_space<hbm>>
    %dma_wait3A_1278 = arith.constant 0 : i32
    %dma_wait3A_1279 = tpu.memref_slice %arg4[%dma_wait3A_1271, %mul3A_2, %dma_wait3A_1278] : memref<40x1024x128xf32, #tpu.memory_space<hbm>> -> memref<1x32x128xf32, #tpu.memory_space<hbm>>
    %dma_wait3A_1280 = tpu.memref_squeeze %dma_wait3A_1279 : memref<1x32x128xf32, #tpu.memory_space<hbm>> -> memref<32x128xf32, #tpu.memory_space<hbm>>
    %dma_wait3A_1281 = arith.constant 0 : i32
    %dma_wait3A_1282 = arith.constant 0 : i32
    %dma_wait3A_1283 = tpu.memref_slice %arg6[%dma_wait3A_1281, %dma_wait3A_1282] : memref<64x128xf32, #tpu.memory_space<vmem>> -> memref<32x128xf32, #tpu.memory_space<vmem>>
    tpu.wait_dma2 semaphore(%arg11 : memref<!tpu.dma_semaphore, #tpu.memory_space<semaphore_mem>>) src(%dma_wait3A_1283 : memref<32x128xf32, #tpu.memory_space<vmem>>) dst(%dma_wait3A_1280 : memref<32x128xf32, #tpu.memory_space<hbm>>)
    %dma_wait3A_1284 = arith.constant 37 : i32
    %dma_wait3A_1285 = arith.constant 32 : i32
    %dma_wait3A_1286 = arith.constant 0 : i32
    %dma_wait3A_1287 = tpu.memref_slice %arg6[%dma_wait3A_1285, %dma_wait3A_1286] : memref<64x128xf32, #tpu.memory_space<vmem>> -> memref<32x128xf32, #tpu.memory_space<vmem>>
    %dma_wait3A_1288 = arith.constant 0 : i32
    %dma_wait3A_1289 = tpu.memref_slice %arg4[%dma_wait3A_1284, %mul3A_2, %dma_wait3A_1288] : memref<40x1024x128xf32, #tpu.memory_space<hbm>> -> memref<1x32x128xf32, #tpu.memory_space<hbm>>
    %dma_wait3A_1290 = tpu.memref_squeeze %dma_wait3A_1289 : memref<1x32x128xf32, #tpu.memory_space<hbm>> -> memref<32x128xf32, #tpu.memory_space<hbm>>
    %dma_wait3A_1291 = arith.constant 0 : i32
    %dma_wait3A_1292 = tpu.memref_slice %arg4[%dma_wait3A_1284, %mul3A_2, %dma_wait3A_1291] : memref<40x1024x128xf32, #tpu.memory_space<hbm>> -> memref<1x32x128xf32, #tpu.memory_space<hbm>>
    %dma_wait3A_1293 = tpu.memref_squeeze %dma_wait3A_1292 : memref<1x32x128xf32, #tpu.memory_space<hbm>> -> memref<32x128xf32, #tpu.memory_space<hbm>>
    %dma_wait3A_1294 = arith.constant 32 : i32
    %dma_wait3A_1295 = arith.constant 0 : i32
    %dma_wait3A_1296 = tpu.memref_slice %arg6[%dma_wait3A_1294, %dma_wait3A_1295] : memref<64x128xf32, #tpu.memory_space<vmem>> -> memref<32x128xf32, #tpu.memory_space<vmem>>
    tpu.wait_dma2 semaphore(%arg11 : memref<!tpu.dma_semaphore, #tpu.memory_space<semaphore_mem>>) src(%dma_wait3A_1296 : memref<32x128xf32, #tpu.memory_space<vmem>>) dst(%dma_wait3A_1293 : memref<32x128xf32, #tpu.memory_space<hbm>>)
    %dma_wait3A_1297 = arith.constant 38 : i32
    %dma_wait3A_1298 = arith.constant 0 : i32
    %dma_wait3A_1299 = arith.constant 0 : i32
    %dma_wait3A_1300 = tpu.memref_slice %arg7[%dma_wait3A_1298, %dma_wait3A_1299] : memref<64x128xf32, #tpu.memory_space<vmem>> -> memref<32x128xf32, #tpu.memory_space<vmem>>
    %dma_wait3A_1301 = arith.constant 0 : i32
    %dma_wait3A_1302 = tpu.memref_slice %arg4[%dma_wait3A_1297, %mul3A_2, %dma_wait3A_1301] : memref<40x1024x128xf32, #tpu.memory_space<hbm>> -> memref<1x32x128xf32, #tpu.memory_space<hbm>>
    %dma_wait3A_1303 = tpu.memref_squeeze %dma_wait3A_1302 : memref<1x32x128xf32, #tpu.memory_space<hbm>> -> memref<32x128xf32, #tpu.memory_space<hbm>>
    %dma_wait3A_1304 = arith.constant 0 : i32
    %dma_wait3A_1305 = tpu.memref_slice %arg4[%dma_wait3A_1297, %mul3A_2, %dma_wait3A_1304] : memref<40x1024x128xf32, #tpu.memory_space<hbm>> -> memref<1x32x128xf32, #tpu.memory_space<hbm>>
    %dma_wait3A_1306 = tpu.memref_squeeze %dma_wait3A_1305 : memref<1x32x128xf32, #tpu.memory_space<hbm>> -> memref<32x128xf32, #tpu.memory_space<hbm>>
    %dma_wait3A_1307 = arith.constant 0 : i32
    %dma_wait3A_1308 = arith.constant 0 : i32
    %dma_wait3A_1309 = tpu.memref_slice %arg7[%dma_wait3A_1307, %dma_wait3A_1308] : memref<64x128xf32, #tpu.memory_space<vmem>> -> memref<32x128xf32, #tpu.memory_space<vmem>>
    tpu.wait_dma2 semaphore(%arg12 : memref<!tpu.dma_semaphore, #tpu.memory_space<semaphore_mem>>) src(%dma_wait3A_1309 : memref<32x128xf32, #tpu.memory_space<vmem>>) dst(%dma_wait3A_1306 : memref<32x128xf32, #tpu.memory_space<hbm>>)
    %dma_wait3A_1310 = arith.constant 39 : i32
    %dma_wait3A_1311 = arith.constant 32 : i32
    %dma_wait3A_1312 = arith.constant 0 : i32
    %dma_wait3A_1313 = tpu.memref_slice %arg7[%dma_wait3A_1311, %dma_wait3A_1312] : memref<64x128xf32, #tpu.memory_space<vmem>> -> memref<32x128xf32, #tpu.memory_space<vmem>>
    %dma_wait3A_1314 = arith.constant 0 : i32
    %dma_wait3A_1315 = tpu.memref_slice %arg4[%dma_wait3A_1310, %mul3A_2, %dma_wait3A_1314] : memref<40x1024x128xf32, #tpu.memory_space<hbm>> -> memref<1x32x128xf32, #tpu.memory_space<hbm>>
    %dma_wait3A_1316 = tpu.memref_squeeze %dma_wait3A_1315 : memref<1x32x128xf32, #tpu.memory_space<hbm>> -> memref<32x128xf32, #tpu.memory_space<hbm>>
    %dma_wait3A_1317 = arith.constant 0 : i32
    %dma_wait3A_1318 = tpu.memref_slice %arg4[%dma_wait3A_1310, %mul3A_2, %dma_wait3A_1317] : memref<40x1024x128xf32, #tpu.memory_space<hbm>> -> memref<1x32x128xf32, #tpu.memory_space<hbm>>
    %dma_wait3A_1319 = tpu.memref_squeeze %dma_wait3A_1318 : memref<1x32x128xf32, #tpu.memory_space<hbm>> -> memref<32x128xf32, #tpu.memory_space<hbm>>
    %dma_wait3A_1320 = arith.constant 32 : i32
    %dma_wait3A_1321 = arith.constant 0 : i32
    %dma_wait3A_1322 = tpu.memref_slice %arg7[%dma_wait3A_1320, %dma_wait3A_1321] : memref<64x128xf32, #tpu.memory_space<vmem>> -> memref<32x128xf32, #tpu.memory_space<vmem>>
    tpu.wait_dma2 semaphore(%arg12 : memref<!tpu.dma_semaphore, #tpu.memory_space<semaphore_mem>>) src(%dma_wait3A_1322 : memref<32x128xf32, #tpu.memory_space<vmem>>) dst(%dma_wait3A_1319 : memref<32x128xf32, #tpu.memory_space<hbm>>)
    return
  }
}

module attributes {stable_mosaic.version = 14 : i64} {
  func.func @_pos_body(%arg0: memref<50x128xf32, #tpu.memory_space<vmem>>, %arg1: memref<128x1000xf32, #tpu.memory_space<vmem>>, %arg2: memref<1000xf32, #tpu.memory_space<vmem>>, %arg3: memref<50x1000xf32, #tpu.memory_space<vmem>>) attributes {dimension_semantics = [], scalar_prefetch = 0 : i64, scratch_operands = 0 : i64, tpu.core_type = #tpu.core_type<tc>} {
    %get3A = arith.constant 0 : index
    %get3A_0 = arith.constant 0 : index
    %get3A_1 = vector.load %arg0[%get3A, %get3A_0] : memref<50x128xf32, #tpu.memory_space<vmem>>, vector<50x128xf32>
    %get3A_2 = arith.constant 0 : index
    %get3A_3 = arith.constant 0 : index
    %get3A_4 = vector.load %arg1[%get3A_2, %get3A_3] : memref<128x1000xf32, #tpu.memory_space<vmem>>, vector<128x1000xf32>
    %dot_general3A = arith.constant dense<0.000000e+00> : vector<50x1000xf32>
    %dot_general3A_5 = tpu.matmul %get3A_1, %get3A_4, %dot_general3A {dimension_numbers = #tpu.dot_dimension_numbers<[1], [0], [0], [1], [0, 0, 1, 1], [], []>, transpose_lhs_hint = false} : vector<50x128xf32>, vector<128x1000xf32>, vector<50x1000xf32> -> vector<50x1000xf32>
    %get3A_6 = arith.constant 0 : index
    %get3A_7 = vector.load %arg2[%get3A_6] : memref<1000xf32, #tpu.memory_space<vmem>>, vector<1000xf32>
    %broadcast_in_dim3A = vector.shape_cast %get3A_7 : vector<1000xf32> to vector<1x1000xf32>
    %add3A = vector.broadcast %broadcast_in_dim3A : vector<1x1000xf32> to vector<50x1000xf32>
    %add3A_8 = arith.addf %dot_general3A_5, %add3A : vector<50x1000xf32>
    %swap3A = arith.constant 0 : index
    %swap3A_9 = arith.constant 0 : index
    %swap3A_10 = vector.load %arg3[%swap3A, %swap3A_9] : memref<50x1000xf32, #tpu.memory_space<vmem>>, vector<50x1000xf32>
    tpu.vector_store %arg3[%swap3A, %swap3A_9], %add3A_8 {strides = array<i32>} : memref<50x1000xf32, #tpu.memory_space<vmem>>, vector<50x1000xf32>,
    return
  }
}

module attributes {stable_mosaic.version = 14 : i64} {
  func.func @_mm_body_rest(%arg0: i32, %arg1: memref<2x1024x128xf32, #tpu.memory_space<vmem>>, %arg2: memref<1000x128xf32, #tpu.memory_space<vmem>>, %arg3: memref<2x1000x1xf32, #tpu.memory_space<vmem>>, %arg4: memref<50x1000x1024xf32, #tpu.memory_space<any>>, %arg5: memref<2x1000x1024xf32, #tpu.memory_space<vmem>>) attributes {dimension_semantics = [#tpu.dimension_semantics<arbitrary>], iteration_bounds = array<i64: 20>, scalar_prefetch = 0 : i64, scratch_operands = 0 : i64, tpu.core_type = #tpu.core_type<tc>, window_params = [{transform_indices = @transform_0, window_bounds = array<i64: 2, 1024, 128>}, {pipeline_mode = #tpu.pipeline_mode<synchronous>, transform_indices = @transform_1, window_bounds = array<i64: 1000, 128>}, {transform_indices = @transform_2, window_bounds = array<i64: 2, 1000, 1>}, {}, {transform_indices = @transform_4, window_bounds = array<i64: 2, 1000, 1024>}]} {
    %get3A = arith.constant 0 : index
    %get3A_0 = arith.constant 0 : index
    %get3A_1 = vector.load %arg2[%get3A, %get3A_0] : memref<1000x128xf32, #tpu.memory_space<vmem>>, vector<1000x128xf32>
    %get3A_2 = arith.constant 0 : index
    %get3A_3 = arith.constant 0 : index
    %get3A_4 = arith.constant 0 : index
    %get3A_5 = vector.load %arg1[%get3A_2, %get3A_3, %get3A_4] : memref<2x1024x128xf32, #tpu.memory_space<vmem>>, vector<1x1024x128xf32>
    %get3A_6 = vector.shape_cast %get3A_5 : vector<1x1024x128xf32> to vector<1024x128xf32>
    %dot_general3A = arith.constant dense<0.000000e+00> : vector<1000x1024xf32>
    %dot_general3A_7 = tpu.matmul %get3A_1, %get3A_6, %dot_general3A {dimension_numbers = #tpu.dot_dimension_numbers<[1], [1], [0], [0], [0, 0, 1, 0], [], []>, transpose_lhs_hint = false} : vector<1000x128xf32>, vector<1024x128xf32>, vector<1000x1024xf32> -> vector<1000x1024xf32>
    %get3A_8 = arith.constant 0 : index
    %get3A_9 = arith.constant 0 : index
    %get3A_10 = arith.constant 0 : index
    %get3A_11 = vector.load %arg3[%get3A_8, %get3A_9, %get3A_10] : memref<2x1000x1xf32, #tpu.memory_space<vmem>>, vector<1x1000x1xf32>
    %get3A_12 = vector.shape_cast %get3A_11 : vector<1x1000x1xf32> to vector<1000x1xf32>
    %add3A = vector.broadcast %get3A_12 : vector<1000x1xf32> to vector<1000x1024xf32>
    %add3A_13 = arith.addf %dot_general3A_7, %add3A : vector<1000x1024xf32>
    %swap3A = arith.constant 0 : index
    %swap3A_14 = arith.constant 0 : index
    %swap3A_15 = arith.constant 0 : index
    %swap3A_16 = vector.load %arg5[%swap3A, %swap3A_14, %swap3A_15] : memref<2x1000x1024xf32, #tpu.memory_space<vmem>>, vector<1x1000x1024xf32>
    %swap3A_17 = vector.shape_cast %swap3A_16 : vector<1x1000x1024xf32> to vector<1000x1024xf32>
    %swap3A_18 = vector.shape_cast %add3A_13 : vector<1000x1024xf32> to vector<1x1000x1024xf32>
    tpu.vector_store %arg5[%swap3A, %swap3A_14, %swap3A_15], %swap3A_18 {strides = array<i32>} : memref<2x1000x1024xf32, #tpu.memory_space<vmem>>, vector<1x1000x1024xf32>,
    %get3A_19 = arith.constant 0 : index
    %get3A_20 = arith.constant 0 : index
    %get3A_21 = vector.load %arg2[%get3A_19, %get3A_20] : memref<1000x128xf32, #tpu.memory_space<vmem>>, vector<1000x128xf32>
    %get3A_22 = arith.constant 1 : index
    %get3A_23 = arith.constant 0 : index
    %get3A_24 = arith.constant 0 : index
    %get3A_25 = vector.load %arg1[%get3A_22, %get3A_23, %get3A_24] : memref<2x1024x128xf32, #tpu.memory_space<vmem>>, vector<1x1024x128xf32>
    %get3A_26 = vector.shape_cast %get3A_25 : vector<1x1024x128xf32> to vector<1024x128xf32>
    %dot_general3A_27 = arith.constant dense<0.000000e+00> : vector<1000x1024xf32>
    %dot_general3A_28 = tpu.matmul %get3A_21, %get3A_26, %dot_general3A_27 {dimension_numbers = #tpu.dot_dimension_numbers<[1], [1], [0], [0], [0, 0, 1, 0], [], []>, transpose_lhs_hint = false} : vector<1000x128xf32>, vector<1024x128xf32>, vector<1000x1024xf32> -> vector<1000x1024xf32>
    %get3A_29 = arith.constant 1 : index
    %get3A_30 = arith.constant 0 : index
    %get3A_31 = arith.constant 0 : index
    %get3A_32 = vector.load %arg3[%get3A_29, %get3A_30, %get3A_31] : memref<2x1000x1xf32, #tpu.memory_space<vmem>>, vector<1x1000x1xf32>
    %get3A_33 = vector.shape_cast %get3A_32 : vector<1x1000x1xf32> to vector<1000x1xf32>
    %add3A_34 = vector.broadcast %get3A_33 : vector<1000x1xf32> to vector<1000x1024xf32>
    %add3A_35 = arith.addf %dot_general3A_28, %add3A_34 : vector<1000x1024xf32>
    %swap3A_36 = arith.constant 1 : index
    %swap3A_37 = arith.constant 0 : index
    %swap3A_38 = arith.constant 0 : index
    %swap3A_39 = vector.load %arg5[%swap3A_36, %swap3A_37, %swap3A_38] : memref<2x1000x1024xf32, #tpu.memory_space<vmem>>, vector<1x1000x1024xf32>
    %swap3A_40 = vector.shape_cast %swap3A_39 : vector<1x1000x1024xf32> to vector<1000x1024xf32>
    %swap3A_41 = vector.shape_cast %add3A_35 : vector<1000x1024xf32> to vector<1x1000x1024xf32>
    tpu.vector_store %arg5[%swap3A_36, %swap3A_37, %swap3A_38], %swap3A_41 {strides = array<i32>} : memref<2x1000x1024xf32, #tpu.memory_space<vmem>>, vector<1x1000x1024xf32>,
    return
  }
  func.func @transform_0(%arg0: i32) -> (i32, i32, i32) {
    %c0_i32 = arith.constant 0 : i32
    %c0_i32_0 = arith.constant 0 : i32
    %c0_i32_1 = arith.constant 0 : i32
    return %arg0, %c0_i32, %c0_i32_0 : i32, i32, i32
  }
  func.func @transform_1(%arg0: i32) -> (i32, i32) {
    %c0_i32 = arith.constant 0 : i32
    %c0_i32_0 = arith.constant 0 : i32
    %c0_i32_1 = arith.constant 0 : i32
    return %c0_i32, %c0_i32_0 : i32, i32
  }
  func.func @transform_2(%arg0: i32) -> (i32, i32, i32) {
    %add3A = arith.constant 5 : i32
    %add3A_0 = arith.addi %arg0, %add3A : i32
    %c0_i32 = arith.constant 0 : i32
    %c0_i32_1 = arith.constant 0 : i32
    %c0_i32_2 = arith.constant 0 : i32
    return %add3A_0, %c0_i32, %c0_i32_1 : i32, i32, i32
  }
  func.func @transform_4(%arg0: i32) -> (i32, i32, i32) {
    %add3A = arith.constant 5 : i32
    %add3A_0 = arith.addi %arg0, %add3A : i32
    %c0_i32 = arith.constant 0 : i32
    %c0_i32_1 = arith.constant 0 : i32
    %c0_i32_2 = arith.constant 0 : i32
    return %add3A_0, %c0_i32, %c0_i32_1 : i32, i32, i32
  }
}

module attributes {stable_mosaic.version = 14 : i64} {
  func.func @_mm_body_first(%arg0: i32, %arg1: memref<2x1024x128xf32, #tpu.memory_space<vmem>>, %arg2: memref<1000x128xf32, #tpu.memory_space<vmem>>, %arg3: memref<2x1000x1xf32, #tpu.memory_space<vmem>>, %arg4: memref<2x1000x1024xf32, #tpu.memory_space<vmem>>) attributes {dimension_semantics = [#tpu.dimension_semantics<arbitrary>], iteration_bounds = array<i64: 5>, scalar_prefetch = 0 : i64, scratch_operands = 0 : i64, tpu.core_type = #tpu.core_type<tc>, window_params = [{transform_indices = @transform_0, window_bounds = array<i64: 2, 1024, 128>}, {pipeline_mode = #tpu.pipeline_mode<synchronous>, transform_indices = @transform_1, window_bounds = array<i64: 1000, 128>}, {transform_indices = @transform_2, window_bounds = array<i64: 2, 1000, 1>}, {transform_indices = @transform_3, window_bounds = array<i64: 2, 1000, 1024>}]} {
    %get3A = arith.constant 0 : index
    %get3A_0 = arith.constant 0 : index
    %get3A_1 = vector.load %arg2[%get3A, %get3A_0] : memref<1000x128xf32, #tpu.memory_space<vmem>>, vector<1000x128xf32>
    %get3A_2 = arith.constant 0 : index
    %get3A_3 = arith.constant 0 : index
    %get3A_4 = arith.constant 0 : index
    %get3A_5 = vector.load %arg1[%get3A_2, %get3A_3, %get3A_4] : memref<2x1024x128xf32, #tpu.memory_space<vmem>>, vector<1x1024x128xf32>
    %get3A_6 = vector.shape_cast %get3A_5 : vector<1x1024x128xf32> to vector<1024x128xf32>
    %dot_general3A = arith.constant dense<0.000000e+00> : vector<1000x1024xf32>
    %dot_general3A_7 = tpu.matmul %get3A_1, %get3A_6, %dot_general3A {dimension_numbers = #tpu.dot_dimension_numbers<[1], [1], [0], [0], [0, 0, 1, 0], [], []>, transpose_lhs_hint = false} : vector<1000x128xf32>, vector<1024x128xf32>, vector<1000x1024xf32> -> vector<1000x1024xf32>
    %get3A_8 = arith.constant 0 : index
    %get3A_9 = arith.constant 0 : index
    %get3A_10 = arith.constant 0 : index
    %get3A_11 = vector.load %arg3[%get3A_8, %get3A_9, %get3A_10] : memref<2x1000x1xf32, #tpu.memory_space<vmem>>, vector<1x1000x1xf32>
    %get3A_12 = vector.shape_cast %get3A_11 : vector<1x1000x1xf32> to vector<1000x1xf32>
    %add3A = vector.broadcast %get3A_12 : vector<1000x1xf32> to vector<1000x1024xf32>
    %add3A_13 = arith.addf %dot_general3A_7, %add3A : vector<1000x1024xf32>
    %swap3A = arith.constant 0 : index
    %swap3A_14 = arith.constant 0 : index
    %swap3A_15 = arith.constant 0 : index
    %swap3A_16 = vector.load %arg4[%swap3A, %swap3A_14, %swap3A_15] : memref<2x1000x1024xf32, #tpu.memory_space<vmem>>, vector<1x1000x1024xf32>
    %swap3A_17 = vector.shape_cast %swap3A_16 : vector<1x1000x1024xf32> to vector<1000x1024xf32>
    %swap3A_18 = vector.shape_cast %add3A_13 : vector<1000x1024xf32> to vector<1x1000x1024xf32>
    tpu.vector_store %arg4[%swap3A, %swap3A_14, %swap3A_15], %swap3A_18 {strides = array<i32>} : memref<2x1000x1024xf32, #tpu.memory_space<vmem>>, vector<1x1000x1024xf32>,
    %get3A_19 = arith.constant 0 : index
    %get3A_20 = arith.constant 0 : index
    %get3A_21 = vector.load %arg2[%get3A_19, %get3A_20] : memref<1000x128xf32, #tpu.memory_space<vmem>>, vector<1000x128xf32>
    %get3A_22 = arith.constant 1 : index
    %get3A_23 = arith.constant 0 : index
    %get3A_24 = arith.constant 0 : index
    %get3A_25 = vector.load %arg1[%get3A_22, %get3A_23, %get3A_24] : memref<2x1024x128xf32, #tpu.memory_space<vmem>>, vector<1x1024x128xf32>
    %get3A_26 = vector.shape_cast %get3A_25 : vector<1x1024x128xf32> to vector<1024x128xf32>
    %dot_general3A_27 = arith.constant dense<0.000000e+00> : vector<1000x1024xf32>
    %dot_general3A_28 = tpu.matmul %get3A_21, %get3A_26, %dot_general3A_27 {dimension_numbers = #tpu.dot_dimension_numbers<[1], [1], [0], [0], [0, 0, 1, 0], [], []>, transpose_lhs_hint = false} : vector<1000x128xf32>, vector<1024x128xf32>, vector<1000x1024xf32> -> vector<1000x1024xf32>
    %get3A_29 = arith.constant 1 : index
    %get3A_30 = arith.constant 0 : index
    %get3A_31 = arith.constant 0 : index
    %get3A_32 = vector.load %arg3[%get3A_29, %get3A_30, %get3A_31] : memref<2x1000x1xf32, #tpu.memory_space<vmem>>, vector<1x1000x1xf32>
    %get3A_33 = vector.shape_cast %get3A_32 : vector<1x1000x1xf32> to vector<1000x1xf32>
    %add3A_34 = vector.broadcast %get3A_33 : vector<1000x1xf32> to vector<1000x1024xf32>
    %add3A_35 = arith.addf %dot_general3A_28, %add3A_34 : vector<1000x1024xf32>
    %swap3A_36 = arith.constant 1 : index
    %swap3A_37 = arith.constant 0 : index
    %swap3A_38 = arith.constant 0 : index
    %swap3A_39 = vector.load %arg4[%swap3A_36, %swap3A_37, %swap3A_38] : memref<2x1000x1024xf32, #tpu.memory_space<vmem>>, vector<1x1000x1024xf32>
    %swap3A_40 = vector.shape_cast %swap3A_39 : vector<1x1000x1024xf32> to vector<1000x1024xf32>
    %swap3A_41 = vector.shape_cast %add3A_35 : vector<1000x1024xf32> to vector<1x1000x1024xf32>
    tpu.vector_store %arg4[%swap3A_36, %swap3A_37, %swap3A_38], %swap3A_41 {strides = array<i32>} : memref<2x1000x1024xf32, #tpu.memory_space<vmem>>, vector<1x1000x1024xf32>,
    return
  }
  func.func @transform_0(%arg0: i32) -> (i32, i32, i32) {
    %c0_i32 = arith.constant 0 : i32
    %c0_i32_0 = arith.constant 0 : i32
    %c0_i32_1 = arith.constant 0 : i32
    return %arg0, %c0_i32, %c0_i32_0 : i32, i32, i32
  }
  func.func @transform_1(%arg0: i32) -> (i32, i32) {
    %c0_i32 = arith.constant 0 : i32
    %c0_i32_0 = arith.constant 0 : i32
    %c0_i32_1 = arith.constant 0 : i32
    return %c0_i32, %c0_i32_0 : i32, i32
  }
  func.func @transform_2(%arg0: i32) -> (i32, i32, i32) {
    %add3A = arith.constant 0 : i32
    %add3A_0 = arith.addi %arg0, %add3A : i32
    %c0_i32 = arith.constant 0 : i32
    %c0_i32_1 = arith.constant 0 : i32
    %c0_i32_2 = arith.constant 0 : i32
    return %add3A_0, %c0_i32, %c0_i32_1 : i32, i32, i32
  }
  func.func @transform_3(%arg0: i32) -> (i32, i32, i32) {
    %add3A = arith.constant 0 : i32
    %add3A_0 = arith.addi %arg0, %add3A : i32
    %c0_i32 = arith.constant 0 : i32
    %c0_i32_1 = arith.constant 0 : i32
    %c0_i32_2 = arith.constant 0 : i32
    return %add3A_0, %c0_i32, %c0_i32_1 : i32, i32, i32
  }
}

</mosaic_0001>

<sc_bundles>
// kernel: kernel.10.cloned.1.call-start
scs
__scs_entry_jumppad:
0x0: {  	(pc) =	sbr.rel $0x88, $3  }
0x1: {  	(tag) =	ssettag $0x0;
	lr =	simm.s32 $0x1  }
0x2: {  	[smem:$0x3F9C] =	sst lr;
	_ =	strace $0xD0000000  }
0x3: {  	_ = 	snop  }
0x4: {  	_ = 	snop  }
0x5: {  	_ = 	snop  }
0x6: {  	_ = 	snop  }
0x7: {  	_ = 	snop  }
__scs_overlays_trampoline_lowered:
0x8: {  	[smem:$0x3FAB] =	sst s0  }
0x9: {  	[smem:$0x3FAC] =	sst s1  }
0xa: {  	[smem:$0x3FAD] =	sst s2  }
0xb: {  	[smem:$0x3FAE] =	sst s3  }
0xc: {  	[smem:$0x3FAF] =	sst s4  }
0xd: {  	[smem:$0x3FB0] =	sst s5  }
0xe: {  	[smem:$0x3FB1] =	sst s6  }
0xf: {  	[smem:$0x3FB2] =	sst s7  }
0x10: {  	[smem:$0x3FB3] =	sst s8  }
0x11: {  	[smem:$0x3FB4] =	sst s9;
	s0 =	simm.s32 @!p0 $0x0  }
0x12: {  	s1 =	sld [smem:$0x3F9A];
	s0 =	simm.s32 @p0 $0x1  }
0x13: {  	[smem:$0x3FB5] =	sst s0;
	s0 =	simm.s32 @!p1 $0x0  }
0x14: {  	s2 =	sld [smem:$0x3F99];
	s0 =	simm.s32 @p1 $0x1  }
0x15: {  	[smem:$0x3FB6] =	sst s0;
	s0 =	simm.s32 @!p2 $0x0  }
0x16: {  	s3 =	sld [smem:$0x3FDB];
	s0 =	simm.s32 @p2 $0x1  }
0x17: {  	s4 =	simm.s32 $0x1BF5;
	[smem:$0x3FB8] =	sst s0  }
0x18: {  	s0 =	sld [smem:$0x3F9B];
	_ =	swait.ge [sflag:s4], $0x0  }
0x19: {  	s7 =	sld [smem:$0x3F9C]  }
0x1a: {  	s8 =	sadd.s32 $0xFFFFE003, lr  }
0x1b: {  	s9 =	sadd.s32 $0xFFFFFEF7, lr;
	s5 =	simm.s32 $0xFFFFFFFF;
	p2 =	slt.u32 s8, $0xFFFFF086  }
0x1c: {  	p1 =	slt.u32 s9, $0xF7A;
	s5 =	simm.s32 @!p2 $0x0  }
0x1d: {  	s5 =	simm.s32 @p1 $0x1;
	p0 =	seq.s32 s7, s2  }
0x1e: {  	s7 =	smul.u32 @!p0 $0xF7A, s2;
	p2 =	seq.s32 @!p0 s5, $0x0  }
0x1f: {  	s9 =	smul.u32 $0xF7A, s1;
	s8 =	simm.s32 @!p0 $0x1BF5;
	p2 =	por !p2, p0  }
0x20: {  	[sflag:s8] =	ssyncset.s32 @!p0 $0xFFFFF086;
	s6 =	sadd.s32 @!p0 s3, s7;
	s7 =	simm.s32 @!p0 $0x108  }
0x21: {  	s3 =	sadd.s32 s3, s9;
	s6 =	sadd.s32 @!p0 $0x88, s6;
	s7 =	simm.s32 @p2 $0x1082  }
0x22: {  	[simem:s7], [sflag:s8] =	dma.local @!p0 [hbm:s6], $0xF7A  }
0x23: {  	s9 =	sor.u32 $0xD0000000, s2;
	s6 =	simm.s32 $0x108;
	_ =	swait.ge @!p0 [sflag:s8], $0x0  }
0x24: {  	s3 =	sadd.s32 $0x88, s3;
	s6 =	simm.s32 @!p1 $0x1082;
	[sflag:s4] =	ssyncset.s32 $0xFFFFF086  }
0x25: {  	[simem:s6], [sflag:s4] =	dma.local [hbm:s3], $0xF7A  }
0x26: {  	[smem:$0x3F9C] =	sst s1;
	(tag) =	ssettag s2;
	_ =	strace s9  }
0x27: {  	s1 =	sld [smem:$0x3FAC]  }
0x28: {  	s2 =	sld [smem:$0x3FAD]  }
0x29: {  	s4 =	sld [smem:$0x3FAF]  }
0x2a: {  	p0 =	seq.s32 s5, $0x0;
	s5 =	sld [smem:$0x3FB0]  }
0x2b: {  	s6 =	sld [smem:$0x3FB1]  }
0x2c: {  	s7 =	sld [smem:$0x3FB2]  }
0x2d: {  	s3 =	simm.s32 $0x108;
	s8 =	sld [smem:$0x3FB3]  }
0x2e: {  	s3 =	simm.s32 @!p0 $0x1082;
	s9 =	sld [smem:$0x3FB4]  }
0x2f: {  	lr =	sadd.s32 s0, s3;
	s0 =	sld [smem:$0x3FAB]  }
0x30: {  	s3 =	sld [smem:$0x3FAE]  }
0x31: {  	[smem:$0x3FB7] =	sst s10  }
0x32: {  	s10 =	sld [smem:$0x3FB5];
	_ =	sdelay $0x3  }
0x33: {  	p0 =	seq.s32 s10, $0x1;
	s10 =	sld [smem:$0x3FB7];
	_ =	sdelay $0x3  }
0x34: {  	[smem:$0x3FB7] =	sst s10  }
0x35: {  	s10 =	sld [smem:$0x3FB6];
	_ =	sdelay $0x3  }
0x36: {  	p1 =	seq.s32 s10, $0x1;
	s10 =	sld [smem:$0x3FB7];
	_ =	sdelay $0x3  }
0x37: {  	[smem:$0x3FB7] =	sst s10  }
0x38: {  	s10 =	sld [smem:$0x3FB8]  }
0x39: {  	_ = 	snop;
	(pc) =	sbr.ind lr, $3  }
0x3a: {  	_ = 	snop  }
0x3b: {  	_ = 	snop  }
0x3c: {  	p2 =	seq.s32 s10, $0x1;
	s10 =	sld [smem:$0x3FB7]  }
0x3d: {  	_ =	shalt  }
0x3e: {  	_ =	shalt  }
0x3f: {  	_ =	shalt  }
0x40: {  	_ =	shalt  }
0x41: {  	_ =	shalt  }
0x42: {  	_ =	shalt  }
0x43: {  	_ =	shalt  }
0x44: {  	_ =	shalt  }
0x45: {  	_ =	shalt  }
0x46: {  	_ =	shalt  }
0x47: {  	_ =	shalt  }
0x48: {  	_ =	shalt  }
0x49: {  	_ =	shalt  }
0x4a: {  	_ =	shalt  }
0x4b: {  	_ =	shalt  }
0x4c: {  	_ =	shalt  }
0x4d: {  	_ =	shalt  }
0x4e: {  	_ =	shalt  }
0x4f: {  	_ =	shalt  }
0x50: {  	_ =	shalt  }
0x51: {  	_ =	shalt  }
0x52: {  	_ =	shalt  }
0x53: {  	_ =	shalt  }
0x54: {  	_ =	shalt  }
0x55: {  	_ =	shalt  }
0x56: {  	_ =	shalt  }
0x57: {  	_ =	shalt  }
0x58: {  	_ =	shalt  }
0x59: {  	_ =	shalt  }
0x5a: {  	_ =	shalt  }
0x5b: {  	_ =	shalt  }
0x5c: {  	_ =	shalt  }
0x5d: {  	_ =	shalt  }
0x5e: {  	_ =	shalt  }
0x5f: {  	_ =	shalt  }
0x60: {  	_ =	shalt  }
0x61: {  	_ =	shalt  }
0x62: {  	_ =	shalt  }
0x63: {  	_ =	shalt  }
0x64: {  	_ =	shalt  }
0x65: {  	_ =	shalt  }
0x66: {  	_ =	shalt  }
0x67: {  	_ =	shalt  }
0x68: {  	_ =	shalt  }
0x69: {  	_ =	shalt  }
0x6a: {  	_ =	shalt  }
0x6b: {  	_ =	shalt  }
0x6c: {  	_ =	shalt  }
0x6d: {  	_ =	shalt  }
0x6e: {  	_ =	shalt  }
0x6f: {  	_ =	shalt  }
0x70: {  	_ =	shalt  }
0x71: {  	_ =	shalt  }
0x72: {  	_ =	shalt  }
0x73: {  	_ =	shalt  }
0x74: {  	_ =	shalt  }
0x75: {  	_ =	shalt  }
0x76: {  	_ =	shalt  }
0x77: {  	_ =	shalt  }
0x78: {  	_ =	shalt  }
0x79: {  	_ =	shalt  }
0x7a: {  	_ =	shalt  }
0x7b: {  	_ =	shalt  }
0x7c: {  	_ =	shalt  }
0x7d: {  	_ =	shalt  }
0x7e: {  	_ =	shalt  }
0x7f: {  	_ =	shalt  }
0x80: {  	_ =	shalt  }
0x81: {  	_ =	shalt  }
0x82: {  	_ =	shalt  }
0x83: {  	_ =	shalt  }
0x84: {  	_ =	shalt  }
0x85: {  	_ =	shalt  }
0x86: {  	_ =	shalt  }
0x87: {  	_ =	shalt  }
.Lfunc_end0:
.L_simem_size_0:
called_computation.1_lowered:
.L_overlay_start_0:
0x88: {  	s2 =	sld [smem:$0x3FD9]  }
0x89: {  	s3 =	sld [smem:$0x3FFE];
	_ =	sdelay $0x1  }
0x8a: {  	s1 =	srdreg.scid  }
0x8b: {  	s0 =	sand.u32 $0x1, s1  }
0x8c: {  	s17 =	sshll.u32 s0, $0xA;
	s2 =	sadd.s32 s3, s2  }
0x8d: {  	s2 =	sadd.s32 s2, s17  }
0x8e: {  	[smem:$0x3FC3] =	sst s2  }
0x8f: {  	_ = 	snop  }
0x90: {  	s18 =	sld [smem:$0x3FC8];
	(tm) =	ssettm $0x1  }
0x91: {  	s19 =	sld [smem:$0x3FFB];
	_ =	sdelay $0x3  }
0x92: {  	_ =	strace s19  }
0x93: {  	s2 =	sld [smem:$0x3FFC];
	_ =	sdelay $0x3  }
0x94: {  	_ =	strace s2  }
0x95: {  	s2 =	sld [smem:$0x3FFD];
	_ =	sdelay $0x3  }
0x96: {  	_ =	strace s2  }
0x97: {  	_ =	strace $0x8FFFFFFF  }
0x98: {  	s20 =	sld [smem:$0x3FDB];
	_ =	sdelay $0x1  }
0x99: {  	s4 =	simm.s32 $_scs_section_size  }
0x9a: {  	s5 =	simm.s32 $_size__tile_overlayer_lowered;
	s6 =	simm.s32 $_tile_overlayer_lowered  }
0x9b: {  	s7 =	simm.s32 $0x1BFF;
	s21 =	sshll.u32 s6, $0x1;
	s4 =	sadd.s32 s4, s20  }
0x9c: {  	s22 =	simm.s32 $0x0;
	s5 =	sshll.u32 s5, $0x1;
	s6 =	sadd.s32 s21, s4  }
0x9d: {  	[timem:s22], [sflag:s7] =	dma.local [hbm:s6], s5  }
0x9e: {  	_ =	swait.ge [sflag:s7], s5  }
0x9f: {  	s5 =	ssub.s32 $0x0, s5;
	[sflag:s7] =	ssyncset.done $0x0  }
0xa0: {  	[sflag:s7] =	ssyncadd.s32 s5;
	_ =	sdelay $0x1  }
0xa1: {  	s23 =	simm.s32 $0x1B8B  }
0xa2: {  	_ =	swait.ge [sflag:s23], $0x1  }
0xa3: {  	[sflag:s23] =	ssyncset.done $0x0  }
0xa4: {  	[sflag:s23] =	ssyncadd.s32 $0xFFFFFFFF  }
0xa5: {  	s5 =	sld [smem:$0x0]  }
0xa6: {  	s6 =	sand.u32 $0xFFFFFFFE, s1  }
0xa7: {  	p0 =	sne.s32 s1, s6  }
0xa8: {  	s6 =	sshll.u32 @p0 s6, $0xE  }
0xa9: {  	s6 =	sadd.s32 @p0 $0x11B8D, s6;
	s7 =	sshll.u32 @p0 s5, $0x11  }
0xaa: {  	s6 =	sor.u32 @p0 s7, s6  }
0xab: {  	[sflag:s6] =	ssyncadd.remote.s32 @p0 $0x1;
	_ =	sdelay $0x1  }
0xac: {  	s6 =	simm.s32 @p0 $0x1B8D  }
0xad: {  	_ =	swait.eq @p0 [sflag:s6], $0x1  }
0xae: {  	[sflag:s6] =	ssyncadd.s32 @p0 $0xFFFFFFFF  }
0xaf: {  	s7 =	sshll.u32 @!p0 s1, $0xE  }
0xb0: {  	s7 =	sor.u32 @!p0 $0x4000, s7;
	s6 =	simm.s32 @!p0 $0x1B8D  }
0xb1: {  	s5 =	sshll.u32 @!p0 s5, $0x11;
	s7 =	sadd.s32 @!p0 $0x11B8D, s7;
	_ =	swait.eq @!p0 [sflag:s6], $0x1  }
0xb2: {  	s5 =	sor.u32 @!p0 s5, s7;
	[sflag:s6] =	ssyncadd.s32 @!p0 $0xFFFFFFFF  }
0xb3: {  	s25 =	simm.s32 $0x1B8E;
	s24 =	sld [smem:$0x3FFE];
	[sflag:s5] =	ssyncadd.remote.s32 @!p0 $0x1  }
0xb4: {  	s26 =	simm.s32 $execute0_lowered;
	[smem:$0x3FD2] =	sst s25  }
0xb5: {  	s6 =	sshll.u32 s26, $0x1;
	_ =	strace $0x80000049;
	[dreg:$0x1] =	wrdreg $0xFFFFFFFF  }
0xb6: {  	s28 =	simm.s32 $_size_execute0_lowered;
	s4 =	sadd.s32 s4, s6;
	[dreg:$0x0] =	wrdreg $0x0  }
0xb7: {  	s6 =	sshll.u32 s28, $0x1;
	[dreg:$0x2] =	wrdreg s4  }
0xb8: {  	[dreg:$0x3] =	wrdreg s6  }
0xb9: {  	[dreg:$0x4] =	wrdreg $0xC0  }
0xba: {  	_ =	task [dreg:s22], $0x5FFFF  }
0xbb: {  	[dreg:$0x1] =	wrdreg $0xFFFFFFFF  }
0xbc: {  	[dreg:$0x0] =	wrdreg $0x60  }
0xbd: {  	[dreg:$0x2] =	wrdreg s24  }
0xbe: {  	[dreg:$0x3] =	wrdreg s18  }
0xbf: {  	[dreg:$0x4] =	wrdreg $0x4C000  }
0xc0: {  	[dreg:$0x5] =	wrdreg $0xA  }
0xc1: {  	_ =	task.clear_ibuf [dreg:s22], $0x6FFFF;
	_ =	strace $0x90000049  }
0xc2: {  	s29 =	simm.s32 $0xA;
	_ =	strace $0x8000004B  }
0xc3: {  	_ =	swait.ge [sflag:s29], $0x1  }
0xc4: {  	[sflag:s29] =	ssyncadd.s32 $0xFFFFFFFF  }
0xc5: {  	_ =	strace $0x9000004B  }
0xc6: {  	_ =	sfence  }
0xc7: {  	s30 =	sld [smem:$0x0];
	_ =	sdelay $0x2  }
0xc8: {  	s31 =	sshll.u32 s1, $0xD;
	s1 =	sshrl.u32 s1, $0x2  }
0xc9: {  	s4 =	sand.u32 $0x4000, s31;
	s1 =	sadd.s32 s1, s30  }
0xca: {  	s0 =	sor.u32 s4, s0;
	s1 =	sshll.u32 s1, $0x11  }
0xcb: {  	s0 =	sor.u32 s1, s0  }
0xcc: {  	s0 =	sadd.s32 $0x8F2B, s0  }
0xcd: {  	[sflag:s0] =	ssyncadd.remote.s32 $0x1  }
0xce: {  	_ =	sfence.sel $0xFFFF  }
0xcf: {  	[dreg:$0x0] =	wrdreg $0xFFFFFFFF;
	(pc) =	sbr.abs _section_cstart, $3  }
0xd0: {  	[dreg:$0x1] =	wrdreg $0xFFFFFFFF  }
0xd1: {  	_ =	task.clear_ibuf [dreg:s22], $0x2FFFF;
	_ =	strace $0x9FFFFFFF  }
0xd2: {  	(tm) =	ssettm $0x7FFFFFFF  }
0xd3: {  	_ =	shalt  }
tec
execute0_lowered:
.L_overlay_start_1:
0x0: {  	(tag) =	ssettag $0x1  }
0x1: {  	s0 =	rddreg [dreg:$0x0];
	s1 =	srdreg.scid  }
0x2: {  	s3 =	stileid.u32;
	s2 =	rddreg [dreg:$0x1]  }
0x3: {  	s29 =	rddreg [dreg:$0x3];
	s4 =	sand.u32 $0x1, s1;
	s16 =	sshll.u32 s3, $0x1  }
0x4: {  	[dreg:$0x4] =	wrdreg s2;
	s1 =	simm.s32 $0x0;
	s5 =	sor.u32 s4, s16  }
0x5: {  	[smem:$0x7FF] =	sst s1;
	s6 =	smul.u32 $0x180, s5;
	s5 =	sshll.u32 s5, $0x9  }
0x6: {  	s2 =	rddreg [dreg:$0x2];
	_ =	strace $0x8000004A;
	s5 =	sadd.s32 s5, s0  }
0x7: {  	s6 =	sadd.s32 s6, s0;
	s18 =	sadd.s32 $0x5200, s5;
	s0 =	rddreg [dreg:$0x4]  }
0x8: {  	s19 =	sadd.s32 $0x9200, s5;
	[dreg:$0x6] =	wrdreg s18  }
0x9: {  	s20 =	sadd.s32 $0xD200, s5;
	[dreg:$0x7] =	wrdreg s19  }
0xa: {  	s21 =	sadd.s32 $0x11200, s5;
	[dreg:$0x8] =	wrdreg s20  }
0xb: {  	s22 =	sadd.s32 $0x15200, s5;
	[dreg:$0x9] =	wrdreg s21  }
0xc: {  	s23 =	sadd.s32 $0x19200, s5;
	[dreg:$0xa] =	wrdreg s22  }
0xd: {  	s24 =	sadd.s32 $0x1D200, s5;
	[dreg:$0xb] =	wrdreg s23  }
0xe: {  	s25 =	sadd.s32 $0x21200, s5;
	[dreg:$0xc] =	wrdreg s24  }
0xf: {  	s26 =	sadd.s32 $0x25200, s5;
	[dreg:$0xd] =	wrdreg s25  }
0x10: {  	s30 =	sadd.s32 $0x29200, s5;
	[dreg:$0xe] =	wrdreg s26  }
0x11: {  	s31 =	sadd.s32 $0x2D200, s5;
	[dreg:$0xf] =	wrdreg s30  }
0x12: {  	s7 =	sadd.s32 $0x35200, s5;
	[dreg:$0x10] =	wrdreg s31  }
0x13: {  	s8 =	sadd.s32 $0x39200, s5;
	[dreg:$0x12] =	wrdreg s7  }
0x14: {  	s9 =	sadd.s32 $0x3D200, s5;
	[dreg:$0x13] =	wrdreg s8  }
0x15: {  	s10 =	sadd.s32 $0x41200, s5;
	[dreg:$0x14] =	wrdreg s9  }
0x16: {  	s11 =	sadd.s32 $0x45200, s5;
	[dreg:$0x15] =	wrdreg s10  }
0x17: {  	s12 =	sadd.s32 $0x49200, s5;
	[dreg:$0x16] =	wrdreg s11  }
0x18: {  	s13 =	sadd.s32 $0x4D200, s5;
	[dreg:$0x17] =	wrdreg s12  }
0x19: {  	s14 =	sadd.s32 $0x51200, s5;
	[dreg:$0x18] =	wrdreg s13  }
0x1a: {  	s15 =	sadd.s32 $0x55200, s5;
	[dreg:$0x19] =	wrdreg s14  }
0x1b: {  	s16 =	sadd.s32 $0x59200, s5;
	[dreg:$0x1a] =	wrdreg s15  }
0x1c: {  	s17 =	sadd.s32 $0x2200, s6;
	[dreg:$0x1b] =	wrdreg s16  }
0x1d: {  	s6 =	sadd.s32 $0x31200, s5;
	[dreg:$0x5] =	wrdreg s17  }
0x1e: {  	s18 =	sadd.s32 $0x61200, s5;
	[dreg:$0x11] =	wrdreg s6  }
0x1f: {  	s19 =	sadd.s32 $0x65200, s5;
	[dreg:$0x1d] =	wrdreg s18  }
0x20: {  	s20 =	sadd.s32 $0x69200, s5;
	[dreg:$0x1e] =	wrdreg s19  }
0x21: {  	s21 =	sadd.s32 $0x6D200, s5;
	[dreg:$0x1f] =	wrdreg s20  }
0x22: {  	p1 =	por $0x0, $0x0;
	s22 =	sadd.s32 $0x71200, s5;
	[smem:$0x7EB] =	sst s21  }
0x23: {  	p0 =	sne.s32 s3, $0x0;
	s23 =	sadd.s32 $0x75200, s5;
	[smem:$0x7EC] =	sst s22  }
0x24: {  	s3 =	simm.s32 $0x3;
	s24 =	sadd.s32 $0x79200, s5;
	[smem:$0x7ED] =	sst s23  }
0x25: {  	s4 =	ssub.s32 $0x2, s4;
	s25 =	sadd.s32 $0x7D200, s5;
	[smem:$0x7EE] =	sst s24  }
0x26: {  	s28 =	sshrl.u32 @!p0 s2, $0x3;
	s26 =	sadd.s32 $0x81200, s5;
	[smem:$0x7EF] =	sst s25  }
0x27: {  	s30 =	sadd.s32 $0x85200, s5;
	s31 =	sadd.s32 $0x89200, s5;
	[smem:$0x7F0] =	sst s26  }
0x28: {  	s7 =	sadd.s32 $0x91200, s5;
	s8 =	sadd.s32 $0x95200, s5;
	[smem:$0x7F1] =	sst s30  }
0x29: {  	s9 =	sadd.s32 $0x99200, s5;
	s10 =	sshrl.u32 s4, $0x1;
	[smem:$0x7F2] =	sst s31  }
0x2a: {  	s11 =	sadd.s32 $0x9D200, s5;
	s12 =	sadd.s32 $0xA1200, s5;
	[smem:$0x7F4] =	sst s7  }
0x2b: {  	s16 =	simm.s32 $0x780;
	s15 =	simm.s32 $0x800;
	[smem:$0x7F5] =	sst s8  }
0x2c: {  	s14 =	simm.s32 $0x880;
	s17 =	sadd.s32 $0x5D200, s5;
	[smem:$0x7F6] =	sst s9  }
0x2d: {  	s6 =	sadd.s32 $0x8D200, s5;
	s4 =	ssub.s32 s4, s10;
	[smem:$0x7F7] =	sst s11  }
0x2e: {  	[smem:$0x7F8] =	sst s12;
	s26 =	simm.s32 $0x5;
	s8 =	simm.s32 $0x40  }
0x2f: {  	s24 =	simm.s32 $0x80;
	s11 =	simm.s32 $0x1;
	s7 =	simm.s32 $0x1C00  }
0x30: {  	s25 =	simm.s32 $0x100;
	s30 =	simm.s32 $0x180;
	s9 =	simm.s32 $0x2  }
0x31: {  	s31 =	simm.s32 $0x200;
	s10 =	simm.s32 $0x3C00;
	s12 =	simm.s32 $0x280  }
0x32: {  	s5 =	simm.s32 $0x4;
	[dreg:$0x1c] =	wrdreg s17;
	s13 =	smax.u32 s4, $0x1  }
0x33: {  	s23 =	simm.s32 $0x400;
	[smem:$0x7FD] =	sst s12;
	s12 =	sadd.s32 $0xFFFFFFFF, s13  }
0x34: {  	s22 =	simm.s32 $0x480;
	[smem:$0x7F3] =	sst s6;
	p2 =	sne.s32 s12, $0x0  }
.Ltmp0:
0x35: {  	s21 =	simm.s32 $0x500;
	[smem:$0x7F9] =	sst s24;
	(pc) =	sbr.rel @!p2 .LBB2_1-.Ltmp0, $4  }
0x36: {  	s20 =	simm.s32 $0x580;
	s19 =	simm.s32 $0x600;
	[smem:$0x7FA] =	sst s25  }
0x37: {  	s18 =	simm.s32 $0x680;
	s6 =	simm.s32 $0xC00;
	[smem:$0x7FB] =	sst s30  }
0x38: {  	s4 =	simm.s32 $0x2C00;
	[smem:$0x7FC] =	sst s31;
	s25 =	simm.s32 $0x300  }
0x39: {  	s24 =	simm.s32 $0x380;
	s17 =	simm.s32 $0x700;
	s13 =	simm.s32 $0x900  }
0x3a: {  	s29 =	simm.s32 @!p0 $0x1C05;
	s30 =	simm.s32 @!p0 $0x5  }
0x3b: {  	[spmem:s28], [sflag:s29] =	dma.local @!p0 [hbm:s0], $0x3E80  }
0x3c: {  	_ =	swait.ge @!p0 [sflag:s30], $0x3E80  }
0x3d: {  	[sflag:s30] =	ssyncset.done @!p0 $0x0  }
0x3e: {  	s0 =	rddreg [dreg:$0x5];
	[sflag:s30] =	ssyncadd.s32 @!p0 $0xFFFFC180  }
0x3f: {  	[tilespmem:s1], [sflag:$0x5] =	stream.linear.gather [hbm4b:s0+s1], $0xA00, $0x38;
	[tilespmem:$0x6B40] =	vst v63  }
0x40: {  	_ =	swait.ge [sflag:s26], $0xA00  }
0x41: {  	[sflag:s26] =	ssyncset.done $0x0  }
0x42: {  	[sflag:s26] =	ssyncadd.s32 $0xFFFFF600  }
0x43: {  	[bflag:$0x0] =	sbarrier.arrive $0xFFFF  }
0x44: {  	s0 =	sld [smem:$0x7F9]  }
0x45: {  	[tilespmem:s6], [sflag:$0x1] =	stream.indirect.gather [spmem:s2], $0x80, s1, s8, $0xb8;
	[tilespmem:$0x6B40] =	vst v63  }
0x46: {  	_ = 	snop  }
0x47: {  	[tilespmem:s4], [sflag:$0x2] =	stream.indirect.gather [spmem:s2], $0x80, s0, s8, $0xb8;
	[tilespmem:$0x6B40] =	vst v63  }
0x48: {  	_ =	swait.ge [sflag:s11], $0x2000  }
0x49: {  	[sflag:s11] =	ssyncset.done $0x0  }
0x4a: {  	s0 =	rddreg [dreg:$0x6];
	[sflag:s11] =	ssyncadd.s32 $0xFFFFE000  }
0x4b: {  	[hbm4b:s0+s1] =	stream.linear.scatter [tilespmem:s6], [sflag:$0x3], $0x1000, $0x38;
	[tilespmem:$0x6B40] =	vst v63  }
0x4c: {  	s31 =	rddreg [dreg:$0x7]  }
0x4d: {  	[hbm4b:s31+s1] =	stream.linear.scatter [tilespmem:s7], [sflag:$0x3], $0x1000, $0x38;
	[tilespmem:$0x6B40] =	vst v63  }
0x4e: {  	_ =	swait.ge [sflag:s3], $0x1000  }
0x4f: {  	[sflag:s3] =	ssyncset.done $0x0  }
0x50: {  	[sflag:s3] =	ssyncadd.s32 $0xFFFFF000  }
0x51: {  	_ =	swait.ge [sflag:s3], $0x1000  }
0x52: {  	s0 =	sld [smem:$0x7FA]  }
0x53: {  	[sflag:s3] =	ssyncset.done $0x0  }
0x54: {  	[sflag:s3] =	ssyncadd.s32 $0xFFFFF000  }
0x55: {  	[tilespmem:s6], [sflag:$0x1] =	stream.indirect.gather [spmem:s2], $0x80, s0, s8, $0xb8;
	[tilespmem:$0x6B40] =	vst v63  }
0x56: {  	_ =	swait.ge [sflag:s9], $0x2000  }
0x57: {  	[sflag:s9] =	ssyncset.done $0x0  }
0x58: {  	s0 =	rddreg [dreg:$0x8];
	[sflag:s9] =	ssyncadd.s32 $0xFFFFE000  }
0x59: {  	[hbm4b:s0+s1] =	stream.linear.scatter [tilespmem:s4], [sflag:$0x4], $0x1000, $0x38;
	[tilespmem:$0x6B40] =	vst v63  }
0x5a: {  	s31 =	rddreg [dreg:$0x9]  }
0x5b: {  	[hbm4b:s31+s1] =	stream.linear.scatter [tilespmem:s10], [sflag:$0x4], $0x1000, $0x38;
	[tilespmem:$0x6B40] =	vst v63  }
0x5c: {  	_ =	swait.ge [sflag:s5], $0x1000  }
0x5d: {  	[sflag:s5] =	ssyncset.done $0x0  }
0x5e: {  	[sflag:s5] =	ssyncadd.s32 $0xFFFFF000  }
0x5f: {  	_ =	swait.ge [sflag:s5], $0x1000  }
0x60: {  	s0 =	sld [smem:$0x7FB]  }
0x61: {  	[sflag:s5] =	ssyncset.done $0x0  }
0x62: {  	[sflag:s5] =	ssyncadd.s32 $0xFFFFF000  }
0x63: {  	[tilespmem:s4], [sflag:$0x2] =	stream.indirect.gather [spmem:s2], $0x80, s0, s8, $0xb8;
	[tilespmem:$0x6B40] =	vst v63  }
0x64: {  	_ =	swait.ge [sflag:s11], $0x2000  }
0x65: {  	[sflag:s11] =	ssyncset.done $0x0  }
0x66: {  	s0 =	rddreg [dreg:$0xa];
	[sflag:s11] =	ssyncadd.s32 $0xFFFFE000  }
0x67: {  	[hbm4b:s0+s1] =	stream.linear.scatter [tilespmem:s6], [sflag:$0x3], $0x1000, $0x38;
	[tilespmem:$0x6B40] =	vst v63  }
0x68: {  	s31 =	rddreg [dreg:$0xb]  }
0x69: {  	[hbm4b:s31+s1] =	stream.linear.scatter [tilespmem:s7], [sflag:$0x3], $0x1000, $0x38;
	[tilespmem:$0x6B40] =	vst v63  }
0x6a: {  	_ =	swait.ge [sflag:s3], $0x1000  }
0x6b: {  	[sflag:s3] =	ssyncset.done $0x0  }
0x6c: {  	[sflag:s3] =	ssyncadd.s32 $0xFFFFF000  }
0x6d: {  	_ =	swait.ge [sflag:s3], $0x1000  }
0x6e: {  	s0 =	sld [smem:$0x7FC]  }
0x6f: {  	[sflag:s3] =	ssyncset.done $0x0  }
0x70: {  	[sflag:s3] =	ssyncadd.s32 $0xFFFFF000  }
0x71: {  	[tilespmem:s6], [sflag:$0x1] =	stream.indirect.gather [spmem:s2], $0x80, s0, s8, $0xb8;
	[tilespmem:$0x6B40] =	vst v63  }
0x72: {  	_ =	swait.ge [sflag:s9], $0x2000  }
0x73: {  	[sflag:s9] =	ssyncset.done $0x0  }
0x74: {  	s0 =	rddreg [dreg:$0xc];
	[sflag:s9] =	ssyncadd.s32 $0xFFFFE000  }
0x75: {  	[hbm4b:s0+s1] =	stream.linear.scatter [tilespmem:s4], [sflag:$0x4], $0x1000, $0x38;
	[tilespmem:$0x6B40] =	vst v63  }
0x76: {  	s31 =	rddreg [dreg:$0xd]  }
0x77: {  	[hbm4b:s31+s1] =	stream.linear.scatter [tilespmem:s10], [sflag:$0x4], $0x1000, $0x38;
	[tilespmem:$0x6B40] =	vst v63  }
0x78: {  	_ =	swait.ge [sflag:s5], $0x1000  }
0x79: {  	[sflag:s5] =	ssyncset.done $0x0  }
0x7a: {  	[sflag:s5] =	ssyncadd.s32 $0xFFFFF000  }
0x7b: {  	_ =	swait.ge [sflag:s5], $0x1000  }
0x7c: {  	s0 =	sld [smem:$0x7FD]  }
0x7d: {  	[sflag:s5] =	ssyncset.done $0x0  }
0x7e: {  	[sflag:s5] =	ssyncadd.s32 $0xFFFFF000  }
0x7f: {  	[tilespmem:s4], [sflag:$0x2] =	stream.indirect.gather [spmem:s2], $0x80, s0, s8, $0xb8;
	[tilespmem:$0x6B40] =	vst v63  }
0x80: {  	_ =	swait.ge [sflag:s11], $0x2000  }
0x81: {  	[sflag:s11] =	ssyncset.done $0x0  }
0x82: {  	s0 =	rddreg [dreg:$0xe];
	[sflag:s11] =	ssyncadd.s32 $0xFFFFE000  }
0x83: {  	[hbm4b:s0+s1] =	stream.linear.scatter [tilespmem:s6], [sflag:$0x3], $0x1000, $0x38;
	[tilespmem:$0x6B40] =	vst v63  }
0x84: {  	s31 =	rddreg [dreg:$0xf]  }
0x85: {  	[hbm4b:s31+s1] =	stream.linear.scatter [tilespmem:s7], [sflag:$0x3], $0x1000, $0x38;
	[tilespmem:$0x6B40] =	vst v63  }
0x86: {  	_ =	swait.ge [sflag:s3], $0x1000  }
0x87: {  	[sflag:s3] =	ssyncset.done $0x0  }
0x88: {  	[sflag:s3] =	ssyncadd.s32 $0xFFFFF000  }
0x89: {  	_ =	swait.ge [sflag:s3], $0x1000  }
0x8a: {  	[sflag:s3] =	ssyncset.done $0x0  }
0x8b: {  	[sflag:s3] =	ssyncadd.s32 $0xFFFFF000  }
0x8c: {  	[tilespmem:s6], [sflag:$0x1] =	stream.indirect.gather [spmem:s2], $0x80, s25, s8, $0xb8;
	[tilespmem:$0x6B40] =	vst v63  }
0x8d: {  	_ =	swait.ge [sflag:s9], $0x2000  }
0x8e: {  	[sflag:s9] =	ssyncset.done $0x0  }
0x8f: {  	s25 =	rddreg [dreg:$0x10];
	[sflag:s9] =	ssyncadd.s32 $0xFFFFE000  }
0x90: {  	[hbm4b:s25+s1] =	stream.linear.scatter [tilespmem:s4], [sflag:$0x4], $0x1000, $0x38;
	[tilespmem:$0x6B40] =	vst v63  }
0x91: {  	s31 =	rddreg [dreg:$0x11]  }
0x92: {  	[hbm4b:s31+s1] =	stream.linear.scatter [tilespmem:s10], [sflag:$0x4], $0x1000, $0x38;
	[tilespmem:$0x6B40] =	vst v63  }
0x93: {  	_ =	swait.ge [sflag:s5], $0x1000  }
0x94: {  	[sflag:s5] =	ssyncset.done $0x0  }
0x95: {  	[sflag:s5] =	ssyncadd.s32 $0xFFFFF000  }
0x96: {  	_ =	swait.ge [sflag:s5], $0x1000  }
0x97: {  	[sflag:s5] =	ssyncset.done $0x0  }
0x98: {  	[sflag:s5] =	ssyncadd.s32 $0xFFFFF000  }
0x99: {  	[tilespmem:s4], [sflag:$0x2] =	stream.indirect.gather [spmem:s2], $0x80, s24, s8, $0xb8;
	[tilespmem:$0x6B40] =	vst v63  }
0x9a: {  	_ =	swait.ge [sflag:s11], $0x2000  }
0x9b: {  	[sflag:s11] =	ssyncset.done $0x0  }
0x9c: {  	s25 =	rddreg [dreg:$0x12];
	[sflag:s11] =	ssyncadd.s32 $0xFFFFE000  }
0x9d: {  	[hbm4b:s25+s1] =	stream.linear.scatter [tilespmem:s6], [sflag:$0x3], $0x1000, $0x38;
	[tilespmem:$0x6B40] =	vst v63  }
0x9e: {  	s31 =	rddreg [dreg:$0x13]  }
0x9f: {  	[hbm4b:s31+s1] =	stream.linear.scatter [tilespmem:s7], [sflag:$0x3], $0x1000, $0x38;
	[tilespmem:$0x6B40] =	vst v63  }
0xa0: {  	_ =	swait.ge [sflag:s3], $0x1000  }
0xa1: {  	[sflag:s3] =	ssyncset.done $0x0  }
0xa2: {  	[sflag:s3] =	ssyncadd.s32 $0xFFFFF000  }
0xa3: {  	_ =	swait.ge [sflag:s3], $0x1000  }
0xa4: {  	[sflag:s3] =	ssyncset.done $0x0  }
0xa5: {  	[sflag:s3] =	ssyncadd.s32 $0xFFFFF000  }
0xa6: {  	[tilespmem:s6], [sflag:$0x1] =	stream.indirect.gather [spmem:s2], $0x80, s23, s8, $0xb8;
	[tilespmem:$0x6B40] =	vst v63  }
0xa7: {  	_ =	swait.ge [sflag:s9], $0x2000  }
0xa8: {  	[sflag:s9] =	ssyncset.done $0x0  }
0xa9: {  	s24 =	rddreg [dreg:$0x14];
	[sflag:s9] =	ssyncadd.s32 $0xFFFFE000  }
0xaa: {  	[hbm4b:s24+s1] =	stream.linear.scatter [tilespmem:s4], [sflag:$0x4], $0x1000, $0x38;
	[tilespmem:$0x6B40] =	vst v63  }
0xab: {  	s31 =	rddreg [dreg:$0x15]  }
0xac: {  	[hbm4b:s31+s1] =	stream.linear.scatter [tilespmem:s10], [sflag:$0x4], $0x1000, $0x38;
	[tilespmem:$0x6B40] =	vst v63  }
0xad: {  	_ =	swait.ge [sflag:s5], $0x1000  }
0xae: {  	[sflag:s5] =	ssyncset.done $0x0  }
0xaf: {  	[sflag:s5] =	ssyncadd.s32 $0xFFFFF000  }
0xb0: {  	_ =	swait.ge [sflag:s5], $0x1000  }
0xb1: {  	[sflag:s5] =	ssyncset.done $0x0  }
0xb2: {  	[sflag:s5] =	ssyncadd.s32 $0xFFFFF000  }
0xb3: {  	[tilespmem:s4], [sflag:$0x2] =	stream.indirect.gather [spmem:s2], $0x80, s22, s8, $0xb8;
	[tilespmem:$0x6B40] =	vst v63  }
0xb4: {  	_ =	swait.ge [sflag:s11], $0x2000  }
0xb5: {  	[sflag:s11] =	ssyncset.done $0x0  }
0xb6: {  	s25 =	rddreg [dreg:$0x16];
	[sflag:s11] =	ssyncadd.s32 $0xFFFFE000  }
0xb7: {  	[hbm4b:s25+s1] =	stream.linear.scatter [tilespmem:s6], [sflag:$0x3], $0x1000, $0x38;
	[tilespmem:$0x6B40] =	vst v63  }
0xb8: {  	s31 =	rddreg [dreg:$0x17]  }
0xb9: {  	[hbm4b:s31+s1] =	stream.linear.scatter [tilespmem:s7], [sflag:$0x3], $0x1000, $0x38;
	[tilespmem:$0x6B40] =	vst v63  }
0xba: {  	_ =	swait.ge [sflag:s3], $0x1000  }
0xbb: {  	[sflag:s3] =	ssyncset.done $0x0  }
0xbc: {  	[sflag:s3] =	ssyncadd.s32 $0xFFFFF000  }
0xbd: {  	_ =	swait.ge [sflag:s3], $0x1000  }
0xbe: {  	[sflag:s3] =	ssyncset.done $0x0  }
0xbf: {  	[sflag:s3] =	ssyncadd.s32 $0xFFFFF000  }
0xc0: {  	[tilespmem:s6], [sflag:$0x1] =	stream.indirect.gather [spmem:s2], $0x80, s21, s8, $0xb8;
	[tilespmem:$0x6B40] =	vst v63  }
0xc1: {  	_ =	swait.ge [sflag:s9], $0x2000  }
0xc2: {  	[sflag:s9] =	ssyncset.done $0x0  }
0xc3: {  	s22 =	rddreg [dreg:$0x18];
	[sflag:s9] =	ssyncadd.s32 $0xFFFFE000  }
0xc4: {  	[hbm4b:s22+s1] =	stream.linear.scatter [tilespmem:s4], [sflag:$0x4], $0x1000, $0x38;
	[tilespmem:$0x6B40] =	vst v63  }
0xc5: {  	s31 =	rddreg [dreg:$0x19]  }
0xc6: {  	[hbm4b:s31+s1] =	stream.linear.scatter [tilespmem:s10], [sflag:$0x4], $0x1000, $0x38;
	[tilespmem:$0x6B40] =	vst v63  }
0xc7: {  	_ =	swait.ge [sflag:s5], $0x1000  }
0xc8: {  	[sflag:s5] =	ssyncset.done $0x0  }
0xc9: {  	[sflag:s5] =	ssyncadd.s32 $0xFFFFF000  }
0xca: {  	_ =	swait.ge [sflag:s5], $0x1000  }
0xcb: {  	[sflag:s5] =	ssyncset.done $0x0  }
0xcc: {  	[sflag:s5] =	ssyncadd.s32 $0xFFFFF000  }
0xcd: {  	[tilespmem:s4], [sflag:$0x2] =	stream.indirect.gather [spmem:s2], $0x80, s20, s8, $0xb8;
	[tilespmem:$0x6B40] =	vst v63  }
0xce: {  	_ =	swait.ge [sflag:s11], $0x2000  }
0xcf: {  	[sflag:s11] =	ssyncset.done $0x0  }
0xd0: {  	s23 =	rddreg [dreg:$0x1a];
	[sflag:s11] =	ssyncadd.s32 $0xFFFFE000  }
0xd1: {  	[hbm4b:s23+s1] =	stream.linear.scatter [tilespmem:s6], [sflag:$0x3], $0x1000, $0x38;
	[tilespmem:$0x6B40] =	vst v63  }
0xd2: {  	s31 =	rddreg [dreg:$0x1b]  }
0xd3: {  	[hbm4b:s31+s1] =	stream.linear.scatter [tilespmem:s7], [sflag:$0x3], $0x1000, $0x38;
	[tilespmem:$0x6B40] =	vst v63  }
0xd4: {  	_ =	swait.ge [sflag:s3], $0x1000  }
0xd5: {  	[sflag:s3] =	ssyncset.done $0x0  }
0xd6: {  	[sflag:s3] =	ssyncadd.s32 $0xFFFFF000  }
0xd7: {  	_ =	swait.ge [sflag:s3], $0x1000  }
0xd8: {  	[sflag:s3] =	ssyncset.done $0x0  }
0xd9: {  	[sflag:s3] =	ssyncadd.s32 $0xFFFFF000  }
0xda: {  	[tilespmem:s6], [sflag:$0x1] =	stream.indirect.gather [spmem:s2], $0x80, s19, s8, $0xb8;
	[tilespmem:$0x6B40] =	vst v63  }
0xdb: {  	_ =	swait.ge [sflag:s9], $0x2000  }
0xdc: {  	[sflag:s9] =	ssyncset.done $0x0  }
0xdd: {  	s24 =	rddreg [dreg:$0x1c];
	[sflag:s9] =	ssyncadd.s32 $0xFFFFE000  }
0xde: {  	[hbm4b:s24+s1] =	stream.linear.scatter [tilespmem:s4], [sflag:$0x4], $0x1000, $0x38;
	[tilespmem:$0x6B40] =	vst v63  }
0xdf: {  	s31 =	rddreg [dreg:$0x1d]  }
0xe0: {  	[hbm4b:s31+s1] =	stream.linear.scatter [tilespmem:s10], [sflag:$0x4], $0x1000, $0x38;
	[tilespmem:$0x6B40] =	vst v63  }
0xe1: {  	_ =	swait.ge [sflag:s5], $0x1000  }
0xe2: {  	[sflag:s5] =	ssyncset.done $0x0  }
0xe3: {  	[sflag:s5] =	ssyncadd.s32 $0xFFFFF000  }
0xe4: {  	_ =	swait.ge [sflag:s5], $0x1000  }
0xe5: {  	[sflag:s5] =	ssyncset.done $0x0  }
0xe6: {  	[sflag:s5] =	ssyncadd.s32 $0xFFFFF000  }
0xe7: {  	[tilespmem:s4], [sflag:$0x2] =	stream.indirect.gather [spmem:s2], $0x80, s18, s8, $0xb8;
	[tilespmem:$0x6B40] =	vst v63  }
0xe8: {  	_ =	swait.ge [sflag:s11], $0x2000  }
0xe9: {  	[sflag:s11] =	ssyncset.done $0x0  }
0xea: {  	s25 =	rddreg [dreg:$0x1e];
	[sflag:s11] =	ssyncadd.s32 $0xFFFFE000  }
0xeb: {  	[hbm4b:s25+s1] =	stream.linear.scatter [tilespmem:s6], [sflag:$0x3], $0x1000, $0x38;
	[tilespmem:$0x6B40] =	vst v63  }
0xec: {  	s31 =	rddreg [dreg:$0x1f]  }
0xed: {  	[hbm4b:s31+s1] =	stream.linear.scatter [tilespmem:s7], [sflag:$0x3], $0x1000, $0x38;
	[tilespmem:$0x6B40] =	vst v63  }
0xee: {  	_ =	swait.ge [sflag:s3], $0x1000  }
0xef: {  	[sflag:s3] =	ssyncset.done $0x0  }
0xf0: {  	[sflag:s3] =	ssyncadd.s32 $0xFFFFF000  }
0xf1: {  	_ =	swait.ge [sflag:s3], $0x1000  }
0xf2: {  	[sflag:s3] =	ssyncset.done $0x0  }
0xf3: {  	[sflag:s3] =	ssyncadd.s32 $0xFFFFF000  }
0xf4: {  	[tilespmem:s6], [sflag:$0x1] =	stream.indirect.gather [spmem:s2], $0x80, s17, s8, $0xb8;
	[tilespmem:$0x6B40] =	vst v63  }
0xf5: {  	_ =	swait.ge [sflag:s9], $0x2000  }
0xf6: {  	s18 =	sld [smem:$0x7EB]  }
0xf7: {  	[sflag:s9] =	ssyncset.done $0x0  }
0xf8: {  	s31 =	sld [smem:$0x7EC];
	[sflag:s9] =	ssyncadd.s32 $0xFFFFE000  }
0xf9: {  	[hbm4b:s18+s1] =	stream.linear.scatter [tilespmem:s4], [sflag:$0x4], $0x1000, $0x38;
	[tilespmem:$0x6B40] =	vst v63  }
0xfa: {  	_ = 	snop  }
0xfb: {  	[hbm4b:s31+s1] =	stream.linear.scatter [tilespmem:s10], [sflag:$0x4], $0x1000, $0x38;
	[tilespmem:$0x6B40] =	vst v63  }
0xfc: {  	_ =	swait.ge [sflag:s5], $0x1000  }
0xfd: {  	[sflag:s5] =	ssyncset.done $0x0  }
0xfe: {  	[sflag:s5] =	ssyncadd.s32 $0xFFFFF000  }
0xff: {  	_ =	swait.ge [sflag:s5], $0x1000  }
0x100: {  	[sflag:s5] =	ssyncset.done $0x0  }
0x101: {  	[sflag:s5] =	ssyncadd.s32 $0xFFFFF000  }
0x102: {  	[tilespmem:s4], [sflag:$0x2] =	stream.indirect.gather [spmem:s2], $0x80, s16, s8, $0xb8;
	[tilespmem:$0x6B40] =	vst v63  }
0x103: {  	_ =	swait.ge [sflag:s11], $0x2000  }
0x104: {  	s19 =	sld [smem:$0x7ED]  }
0x105: {  	[sflag:s11] =	ssyncset.done $0x0  }
0x106: {  	s31 =	sld [smem:$0x7EE];
	[sflag:s11] =	ssyncadd.s32 $0xFFFFE000  }
0x107: {  	[hbm4b:s19+s1] =	stream.linear.scatter [tilespmem:s6], [sflag:$0x3], $0x1000, $0x38;
	[tilespmem:$0x6B40] =	vst v63  }
0x108: {  	_ = 	snop  }
0x109: {  	[hbm4b:s31+s1] =	stream.linear.scatter [tilespmem:s7], [sflag:$0x3], $0x1000, $0x38;
	[tilespmem:$0x6B40] =	vst v63  }
0x10a: {  	_ =	swait.ge [sflag:s3], $0x1000  }
0x10b: {  	[sflag:s3] =	ssyncset.done $0x0  }
0x10c: {  	[sflag:s3] =	ssyncadd.s32 $0xFFFFF000  }
0x10d: {  	_ =	swait.ge [sflag:s3], $0x1000  }
0x10e: {  	[sflag:s3] =	ssyncset.done $0x0  }
0x10f: {  	[sflag:s3] =	ssyncadd.s32 $0xFFFFF000  }
0x110: {  	[tilespmem:s6], [sflag:$0x1] =	stream.indirect.gather [spmem:s2], $0x80, s15, s8, $0xb8;
	[tilespmem:$0x6B40] =	vst v63  }
0x111: {  	_ =	swait.ge [sflag:s9], $0x2000  }
0x112: {  	s20 =	sld [smem:$0x7EF]  }
0x113: {  	[sflag:s9] =	ssyncset.done $0x0  }
0x114: {  	s31 =	sld [smem:$0x7F0];
	[sflag:s9] =	ssyncadd.s32 $0xFFFFE000  }
0x115: {  	[hbm4b:s20+s1] =	stream.linear.scatter [tilespmem:s4], [sflag:$0x4], $0x1000, $0x38;
	[tilespmem:$0x6B40] =	vst v63  }
0x116: {  	_ = 	snop  }
0x117: {  	[hbm4b:s31+s1] =	stream.linear.scatter [tilespmem:s10], [sflag:$0x4], $0x1000, $0x38;
	[tilespmem:$0x6B40] =	vst v63  }
0x118: {  	_ =	swait.ge [sflag:s5], $0x1000  }
0x119: {  	[sflag:s5] =	ssyncset.done $0x0  }
0x11a: {  	[sflag:s5] =	ssyncadd.s32 $0xFFFFF000  }
0x11b: {  	_ =	swait.ge [sflag:s5], $0x1000  }
0x11c: {  	[sflag:s5] =	ssyncset.done $0x0  }
0x11d: {  	[sflag:s5] =	ssyncadd.s32 $0xFFFFF000  }
0x11e: {  	[tilespmem:s4], [sflag:$0x2] =	stream.indirect.gather [spmem:s2], $0x80, s14, s8, $0xb8;
	[tilespmem:$0x6B40] =	vst v63  }
0x11f: {  	_ =	swait.ge [sflag:s11], $0x2000  }
0x120: {  	s21 =	sld [smem:$0x7F1]  }
0x121: {  	[sflag:s11] =	ssyncset.done $0x0  }
0x122: {  	s31 =	sld [smem:$0x7F2];
	[sflag:s11] =	ssyncadd.s32 $0xFFFFE000  }
0x123: {  	[hbm4b:s21+s1] =	stream.linear.scatter [tilespmem:s6], [sflag:$0x3], $0x1000, $0x38;
	[tilespmem:$0x6B40] =	vst v63  }
0x124: {  	_ = 	snop  }
0x125: {  	[hbm4b:s31+s1] =	stream.linear.scatter [tilespmem:s7], [sflag:$0x3], $0x1000, $0x38;
	[tilespmem:$0x6B40] =	vst v63  }
0x126: {  	_ =	swait.ge [sflag:s3], $0x1000  }
0x127: {  	[sflag:s3] =	ssyncset.done $0x0  }
0x128: {  	[sflag:s3] =	ssyncadd.s32 $0xFFFFF000  }
0x129: {  	_ =	swait.ge [sflag:s3], $0x1000  }
0x12a: {  	[sflag:s3] =	ssyncset.done $0x0  }
0x12b: {  	[sflag:s3] =	ssyncadd.s32 $0xFFFFF000  }
0x12c: {  	[tilespmem:s6], [sflag:$0x1] =	stream.indirect.gather [spmem:s2], $0x80, s13, s8, $0xb8;
	[tilespmem:$0x6B40] =	vst v63  }
0x12d: {  	_ =	swait.ge [sflag:s9], $0x2000  }
0x12e: {  	s22 =	sld [smem:$0x7F3]  }
0x12f: {  	[sflag:s9] =	ssyncset.done $0x0  }
0x130: {  	s31 =	sld [smem:$0x7F4];
	[sflag:s9] =	ssyncadd.s32 $0xFFFFE000  }
0x131: {  	[hbm4b:s22+s1] =	stream.linear.scatter [tilespmem:s4], [sflag:$0x4], $0x1000, $0x38;
	[tilespmem:$0x6B40] =	vst v63  }
0x132: {  	_ = 	snop  }
0x133: {  	[hbm4b:s31+s1] =	stream.linear.scatter [tilespmem:s10], [sflag:$0x4], $0x1000, $0x38;
	[tilespmem:$0x6B40] =	vst v63  }
0x134: {  	_ =	swait.ge [sflag:s5], $0x1000  }
0x135: {  	[sflag:s5] =	ssyncset.done $0x0  }
0x136: {  	[sflag:s5] =	ssyncadd.s32 $0xFFFFF000  }
0x137: {  	_ =	swait.ge [sflag:s5], $0x1000  }
0x138: {  	[sflag:s5] =	ssyncset.done $0x0  }
0x139: {  	s23 =	simm.s32 $0x980;
	[sflag:s5] =	ssyncadd.s32 $0xFFFFF000  }
0x13a: {  	[tilespmem:s4], [sflag:$0x2] =	stream.indirect.gather [spmem:s2], $0x80, s23, s8, $0xb8;
	[tilespmem:$0x6B40] =	vst v63  }
0x13b: {  	_ =	swait.ge [sflag:s11], $0x2000  }
0x13c: {  	s24 =	sld [smem:$0x7F5]  }
0x13d: {  	[sflag:s11] =	ssyncset.done $0x0  }
0x13e: {  	s31 =	sld [smem:$0x7F6];
	[sflag:s11] =	ssyncadd.s32 $0xFFFFE000  }
0x13f: {  	[hbm4b:s24+s1] =	stream.linear.scatter [tilespmem:s6], [sflag:$0x3], $0x1000, $0x38;
	[tilespmem:$0x6B40] =	vst v63  }
0x140: {  	_ = 	snop  }
0x141: {  	[hbm4b:s31+s1] =	stream.linear.scatter [tilespmem:s7], [sflag:$0x3], $0x1000, $0x38;
	[tilespmem:$0x6B40] =	vst v63  }
0x142: {  	_ =	swait.ge [sflag:s9], $0x2000  }
0x143: {  	s25 =	sld [smem:$0x7F7]  }
0x144: {  	[sflag:s9] =	ssyncset.done $0x0  }
0x145: {  	s31 =	sld [smem:$0x7F8];
	[sflag:s9] =	ssyncadd.s32 $0xFFFFE000  }
0x146: {  	[hbm4b:s25+s1] =	stream.linear.scatter [tilespmem:s4], [sflag:$0x4], $0x1000, $0x38;
	[tilespmem:$0x6B40] =	vst v63  }
0x147: {  	_ = 	snop  }
0x148: {  	[hbm4b:s31+s1] =	stream.linear.scatter [tilespmem:s10], [sflag:$0x4], $0x1000, $0x38;
	[tilespmem:$0x6B40] =	vst v63  }
0x149: {  	_ =	swait.ge [sflag:s3], $0x1000  }
0x14a: {  	p1 =	por $0x1, $0x1;
	[sflag:s3] =	ssyncset.done $0x0  }
0x14b: {  	s29 =	simm.s32 $0x300;
	s17 =	simm.s32 $0x780;
	[sflag:s3] =	ssyncadd.s32 $0xFFFFF000  }
0x14c: {  	s18 =	simm.s32 $0x700;
	s16 =	simm.s32 $0x800;
	_ =	swait.ge [sflag:s3], $0x1000  }
0x14d: {  	s19 =	simm.s32 $0x680;
	s31 =	sadd.s32 $0xFFFFFFFF, s12;
	[sflag:s3] =	ssyncset.done $0x0  }
0x14e: {  	s15 =	simm.s32 $0x880;
	p2 =	sne.s32 s31, $0x0;
	[sflag:s3] =	ssyncadd.s32 $0xFFFFF000  }
.Ltmp1:
0x14f: {  	s20 =	simm.s32 $0x600;
	_ =	swait.ge [sflag:s5], $0x1000;
	(pc) =	sbr.rel @!p2 .LBB2_3-.Ltmp1, $4  }
0x150: {  	s14 =	simm.s32 $0x900;
	s21 =	simm.s32 $0x580;
	[sflag:s5] =	ssyncset.done $0x0  }
0x151: {  	s13 =	simm.s32 $0x980;
	s22 =	simm.s32 $0x500;
	[sflag:s5] =	ssyncadd.s32 $0xFFFFF000  }
0x152: {  	s23 =	simm.s32 $0x480;
	s24 =	simm.s32 $0x400;
	_ =	swait.ge [sflag:s5], $0x1000  }
0x153: {  	s25 =	simm.s32 $0x380;
	s0 =	rddreg [dreg:$0x4];
	[sflag:s5] =	ssyncset.done $0x0  }
.LBB2_4:
0x154: {  	[sflag:s5] =	ssyncadd.s32 $0xFFFFF000;
	s12 =	simm.s32 @!p0 $0x1C05  }
0x155: {  	[spmem:s28], [sflag:s12] =	dma.local @!p0 [hbm:s0], $0x3E80  }
0x156: {  	_ =	swait.ge @!p0 [sflag:s30], $0x3E80  }
0x157: {  	[sflag:s30] =	ssyncset.done @!p0 $0x0  }
0x158: {  	s12 =	rddreg [dreg:$0x5];
	[sflag:s30] =	ssyncadd.s32 @!p0 $0xFFFFC180  }
0x159: {  	[tilespmem:s1], [sflag:$0x5] =	stream.linear.gather [hbm4b:s12+s1], $0xA00, $0x38;
	[tilespmem:$0x6B40] =	vst v63  }
0x15a: {  	_ =	swait.ge [sflag:s26], $0xA00  }
0x15b: {  	[sflag:s26] =	ssyncset.done $0x0  }
0x15c: {  	[sflag:s26] =	ssyncadd.s32 $0xFFFFF600  }
0x15d: {  	[bflag:$0x0] =	sbarrier.arrive $0xFFFF  }
0x15e: {  	s12 =	sld [smem:$0x7F9]  }
0x15f: {  	[tilespmem:s6], [sflag:$0x1] =	stream.indirect.gather [spmem:s2], $0x80, s1, s8, $0xb8;
	[tilespmem:$0x6B40] =	vst v63  }
0x160: {  	_ = 	snop  }
0x161: {  	[tilespmem:s4], [sflag:$0x2] =	stream.indirect.gather [spmem:s2], $0x80, s12, s8, $0xb8;
	[tilespmem:$0x6B40] =	vst v63  }
0x162: {  	_ =	swait.ge [sflag:s11], $0x2000  }
0x163: {  	[sflag:s11] =	ssyncset.done $0x0  }
0x164: {  	s0 =	rddreg [dreg:$0x6];
	[sflag:s11] =	ssyncadd.s32 $0xFFFFE000  }
0x165: {  	[hbm4b:s0+s1] =	stream.linear.scatter [tilespmem:s6], [sflag:$0x3], $0x1000, $0x38;
	[tilespmem:$0x6B40] =	vst v63  }
0x166: {  	s12 =	rddreg [dreg:$0x7]  }
0x167: {  	[hbm4b:s12+s1] =	stream.linear.scatter [tilespmem:s7], [sflag:$0x3], $0x1000, $0x38;
	[tilespmem:$0x6B40] =	vst v63  }
0x168: {  	_ =	swait.ge [sflag:s3], $0x1000  }
0x169: {  	[sflag:s3] =	ssyncset.done $0x0  }
0x16a: {  	[sflag:s3] =	ssyncadd.s32 $0xFFFFF000  }
0x16b: {  	_ =	swait.ge [sflag:s3], $0x1000  }
0x16c: {  	s12 =	sld [smem:$0x7FA]  }
0x16d: {  	[sflag:s3] =	ssyncset.done $0x0  }
0x16e: {  	[sflag:s3] =	ssyncadd.s32 $0xFFFFF000  }
0x16f: {  	[tilespmem:s6], [sflag:$0x1] =	stream.indirect.gather [spmem:s2], $0x80, s12, s8, $0xb8;
	[tilespmem:$0x6B40] =	vst v63  }
0x170: {  	_ =	swait.ge [sflag:s9], $0x2000  }
0x171: {  	[sflag:s9] =	ssyncset.done $0x0  }
0x172: {  	s0 =	rddreg [dreg:$0x8];
	[sflag:s9] =	ssyncadd.s32 $0xFFFFE000  }
0x173: {  	[hbm4b:s0+s1] =	stream.linear.scatter [tilespmem:s4], [sflag:$0x4], $0x1000, $0x38;
	[tilespmem:$0x6B40] =	vst v63  }
0x174: {  	s12 =	rddreg [dreg:$0x9]  }
0x175: {  	[hbm4b:s12+s1] =	stream.linear.scatter [tilespmem:s10], [sflag:$0x4], $0x1000, $0x38;
	[tilespmem:$0x6B40] =	vst v63  }
0x176: {  	_ =	swait.ge [sflag:s5], $0x1000  }
0x177: {  	[sflag:s5] =	ssyncset.done $0x0  }
0x178: {  	[sflag:s5] =	ssyncadd.s32 $0xFFFFF000  }
0x179: {  	_ =	swait.ge [sflag:s5], $0x1000  }
0x17a: {  	s12 =	sld [smem:$0x7FB]  }
0x17b: {  	[sflag:s5] =	ssyncset.done $0x0  }
0x17c: {  	[sflag:s5] =	ssyncadd.s32 $0xFFFFF000  }
0x17d: {  	[tilespmem:s4], [sflag:$0x2] =	stream.indirect.gather [spmem:s2], $0x80, s12, s8, $0xb8;
	[tilespmem:$0x6B40] =	vst v63  }
0x17e: {  	_ =	swait.ge [sflag:s11], $0x2000  }
0x17f: {  	[sflag:s11] =	ssyncset.done $0x0  }
0x180: {  	s0 =	rddreg [dreg:$0xa];
	[sflag:s11] =	ssyncadd.s32 $0xFFFFE000  }
0x181: {  	[hbm4b:s0+s1] =	stream.linear.scatter [tilespmem:s6], [sflag:$0x3], $0x1000, $0x38;
	[tilespmem:$0x6B40] =	vst v63  }
0x182: {  	s12 =	rddreg [dreg:$0xb]  }
0x183: {  	[hbm4b:s12+s1] =	stream.linear.scatter [tilespmem:s7], [sflag:$0x3], $0x1000, $0x38;
	[tilespmem:$0x6B40] =	vst v63  }
0x184: {  	_ =	swait.ge [sflag:s3], $0x1000  }
0x185: {  	[sflag:s3] =	ssyncset.done $0x0  }
0x186: {  	[sflag:s3] =	ssyncadd.s32 $0xFFFFF000  }
0x187: {  	_ =	swait.ge [sflag:s3], $0x1000  }
0x188: {  	s12 =	sld [smem:$0x7FC]  }
0x189: {  	[sflag:s3] =	ssyncset.done $0x0  }
0x18a: {  	[sflag:s3] =	ssyncadd.s32 $0xFFFFF000  }
0x18b: {  	[tilespmem:s6], [sflag:$0x1] =	stream.indirect.gather [spmem:s2], $0x80, s12, s8, $0xb8;
	[tilespmem:$0x6B40] =	vst v63  }
0x18c: {  	_ =	swait.ge [sflag:s9], $0x2000  }
0x18d: {  	[sflag:s9] =	ssyncset.done $0x0  }
0x18e: {  	s0 =	rddreg [dreg:$0xc];
	[sflag:s9] =	ssyncadd.s32 $0xFFFFE000  }
0x18f: {  	[hbm4b:s0+s1] =	stream.linear.scatter [tilespmem:s4], [sflag:$0x4], $0x1000, $0x38;
	[tilespmem:$0x6B40] =	vst v63  }
0x190: {  	s12 =	rddreg [dreg:$0xd]  }
0x191: {  	[hbm4b:s12+s1] =	stream.linear.scatter [tilespmem:s10], [sflag:$0x4], $0x1000, $0x38;
	[tilespmem:$0x6B40] =	vst v63  }
0x192: {  	_ =	swait.ge [sflag:s5], $0x1000  }
0x193: {  	[sflag:s5] =	ssyncset.done $0x0  }
0x194: {  	[sflag:s5] =	ssyncadd.s32 $0xFFFFF000  }
0x195: {  	_ =	swait.ge [sflag:s5], $0x1000  }
0x196: {  	s12 =	sld [smem:$0x7FD]  }
0x197: {  	[sflag:s5] =	ssyncset.done $0x0  }
0x198: {  	[sflag:s5] =	ssyncadd.s32 $0xFFFFF000  }
0x199: {  	[tilespmem:s4], [sflag:$0x2] =	stream.indirect.gather [spmem:s2], $0x80, s12, s8, $0xb8;
	[tilespmem:$0x6B40] =	vst v63  }
0x19a: {  	_ =	swait.ge [sflag:s11], $0x2000  }
0x19b: {  	[sflag:s11] =	ssyncset.done $0x0  }
0x19c: {  	s0 =	rddreg [dreg:$0xe];
	[sflag:s11] =	ssyncadd.s32 $0xFFFFE000  }
0x19d: {  	[hbm4b:s0+s1] =	stream.linear.scatter [tilespmem:s6], [sflag:$0x3], $0x1000, $0x38;
	[tilespmem:$0x6B40] =	vst v63  }
0x19e: {  	s12 =	rddreg [dreg:$0xf]  }
0x19f: {  	[hbm4b:s12+s1] =	stream.linear.scatter [tilespmem:s7], [sflag:$0x3], $0x1000, $0x38;
	[tilespmem:$0x6B40] =	vst v63  }
0x1a0: {  	_ =	swait.ge [sflag:s3], $0x1000  }
0x1a1: {  	[sflag:s3] =	ssyncset.done $0x0  }
0x1a2: {  	[sflag:s3] =	ssyncadd.s32 $0xFFFFF000  }
0x1a3: {  	_ =	swait.ge [sflag:s3], $0x1000  }
0x1a4: {  	[sflag:s3] =	ssyncset.done $0x0  }
0x1a5: {  	[sflag:s3] =	ssyncadd.s32 $0xFFFFF000  }
0x1a6: {  	[tilespmem:s6], [sflag:$0x1] =	stream.indirect.gather [spmem:s2], $0x80, s29, s8, $0xb8;
	[tilespmem:$0x6B40] =	vst v63  }
0x1a7: {  	_ =	swait.ge [sflag:s9], $0x2000  }
0x1a8: {  	[sflag:s9] =	ssyncset.done $0x0  }
0x1a9: {  	s0 =	rddreg [dreg:$0x10];
	[sflag:s9] =	ssyncadd.s32 $0xFFFFE000  }
0x1aa: {  	[hbm4b:s0+s1] =	stream.linear.scatter [tilespmem:s4], [sflag:$0x4], $0x1000, $0x38;
	[tilespmem:$0x6B40] =	vst v63  }
0x1ab: {  	s12 =	rddreg [dreg:$0x11]  }
0x1ac: {  	[hbm4b:s12+s1] =	stream.linear.scatter [tilespmem:s10], [sflag:$0x4], $0x1000, $0x38;
	[tilespmem:$0x6B40] =	vst v63  }
0x1ad: {  	_ =	swait.ge [sflag:s5], $0x1000  }
0x1ae: {  	[sflag:s5] =	ssyncset.done $0x0  }
0x1af: {  	[sflag:s5] =	ssyncadd.s32 $0xFFFFF000  }
0x1b0: {  	_ =	swait.ge [sflag:s5], $0x1000  }
0x1b1: {  	[sflag:s5] =	ssyncset.done $0x0  }
0x1b2: {  	[sflag:s5] =	ssyncadd.s32 $0xFFFFF000  }
0x1b3: {  	[tilespmem:s4], [sflag:$0x2] =	stream.indirect.gather [spmem:s2], $0x80, s25, s8, $0xb8;
	[tilespmem:$0x6B40] =	vst v63  }
0x1b4: {  	_ =	swait.ge [sflag:s11], $0x2000  }
0x1b5: {  	[sflag:s11] =	ssyncset.done $0x0  }
0x1b6: {  	s0 =	rddreg [dreg:$0x12];
	[sflag:s11] =	ssyncadd.s32 $0xFFFFE000  }
0x1b7: {  	[hbm4b:s0+s1] =	stream.linear.scatter [tilespmem:s6], [sflag:$0x3], $0x1000, $0x38;
	[tilespmem:$0x6B40] =	vst v63  }
0x1b8: {  	s12 =	rddreg [dreg:$0x13]  }
0x1b9: {  	[hbm4b:s12+s1] =	stream.linear.scatter [tilespmem:s7], [sflag:$0x3], $0x1000, $0x38;
	[tilespmem:$0x6B40] =	vst v63  }
0x1ba: {  	_ =	swait.ge [sflag:s3], $0x1000  }
0x1bb: {  	[sflag:s3] =	ssyncset.done $0x0  }
0x1bc: {  	[sflag:s3] =	ssyncadd.s32 $0xFFFFF000  }
0x1bd: {  	_ =	swait.ge [sflag:s3], $0x1000  }
0x1be: {  	[sflag:s3] =	ssyncset.done $0x0  }
0x1bf: {  	[sflag:s3] =	ssyncadd.s32 $0xFFFFF000  }
0x1c0: {  	[tilespmem:s6], [sflag:$0x1] =	stream.indirect.gather [spmem:s2], $0x80, s24, s8, $0xb8;
	[tilespmem:$0x6B40] =	vst v63  }
0x1c1: {  	_ =	swait.ge [sflag:s9], $0x2000  }
0x1c2: {  	[sflag:s9] =	ssyncset.done $0x0  }
0x1c3: {  	s0 =	rddreg [dreg:$0x14];
	[sflag:s9] =	ssyncadd.s32 $0xFFFFE000  }
0x1c4: {  	[hbm4b:s0+s1] =	stream.linear.scatter [tilespmem:s4], [sflag:$0x4], $0x1000, $0x38;
	[tilespmem:$0x6B40] =	vst v63  }
0x1c5: {  	s12 =	rddreg [dreg:$0x15]  }
0x1c6: {  	[hbm4b:s12+s1] =	stream.linear.scatter [tilespmem:s10], [sflag:$0x4], $0x1000, $0x38;
	[tilespmem:$0x6B40] =	vst v63  }
0x1c7: {  	_ =	swait.ge [sflag:s5], $0x1000  }
0x1c8: {  	[sflag:s5] =	ssyncset.done $0x0  }
0x1c9: {  	[sflag:s5] =	ssyncadd.s32 $0xFFFFF000  }
0x1ca: {  	_ =	swait.ge [sflag:s5], $0x1000  }
0x1cb: {  	[sflag:s5] =	ssyncset.done $0x0  }
0x1cc: {  	[sflag:s5] =	ssyncadd.s32 $0xFFFFF000  }
0x1cd: {  	[tilespmem:s4], [sflag:$0x2] =	stream.indirect.gather [spmem:s2], $0x80, s23, s8, $0xb8;
	[tilespmem:$0x6B40] =	vst v63  }
0x1ce: {  	_ =	swait.ge [sflag:s11], $0x2000  }
0x1cf: {  	[sflag:s11] =	ssyncset.done $0x0  }
0x1d0: {  	s0 =	rddreg [dreg:$0x16];
	[sflag:s11] =	ssyncadd.s32 $0xFFFFE000  }
0x1d1: {  	[hbm4b:s0+s1] =	stream.linear.scatter [tilespmem:s6], [sflag:$0x3], $0x1000, $0x38;
	[tilespmem:$0x6B40] =	vst v63  }
0x1d2: {  	s12 =	rddreg [dreg:$0x17]  }
0x1d3: {  	[hbm4b:s12+s1] =	stream.linear.scatter [tilespmem:s7], [sflag:$0x3], $0x1000, $0x38;
	[tilespmem:$0x6B40] =	vst v63  }
0x1d4: {  	_ =	swait.ge [sflag:s3], $0x1000  }
0x1d5: {  	[sflag:s3] =	ssyncset.done $0x0  }
0x1d6: {  	[sflag:s3] =	ssyncadd.s32 $0xFFFFF000  }
0x1d7: {  	_ =	swait.ge [sflag:s3], $0x1000  }
0x1d8: {  	[sflag:s3] =	ssyncset.done $0x0  }
0x1d9: {  	[sflag:s3] =	ssyncadd.s32 $0xFFFFF000  }
0x1da: {  	[tilespmem:s6], [sflag:$0x1] =	stream.indirect.gather [spmem:s2], $0x80, s22, s8, $0xb8;
	[tilespmem:$0x6B40] =	vst v63  }
0x1db: {  	_ =	swait.ge [sflag:s9], $0x2000  }
0x1dc: {  	[sflag:s9] =	ssyncset.done $0x0  }
0x1dd: {  	s0 =	rddreg [dreg:$0x18];
	[sflag:s9] =	ssyncadd.s32 $0xFFFFE000  }
0x1de: {  	[hbm4b:s0+s1] =	stream.linear.scatter [tilespmem:s4], [sflag:$0x4], $0x1000, $0x38;
	[tilespmem:$0x6B40] =	vst v63  }
0x1df: {  	s12 =	rddreg [dreg:$0x19]  }
0x1e0: {  	[hbm4b:s12+s1] =	stream.linear.scatter [tilespmem:s10], [sflag:$0x4], $0x1000, $0x38;
	[tilespmem:$0x6B40] =	vst v63  }
0x1e1: {  	_ =	swait.ge [sflag:s5], $0x1000  }
0x1e2: {  	[sflag:s5] =	ssyncset.done $0x0  }
0x1e3: {  	[sflag:s5] =	ssyncadd.s32 $0xFFFFF000  }
0x1e4: {  	_ =	swait.ge [sflag:s5], $0x1000  }
0x1e5: {  	[sflag:s5] =	ssyncset.done $0x0  }
0x1e6: {  	[sflag:s5] =	ssyncadd.s32 $0xFFFFF000  }
0x1e7: {  	[tilespmem:s4], [sflag:$0x2] =	stream.indirect.gather [spmem:s2], $0x80, s21, s8, $0xb8;
	[tilespmem:$0x6B40] =	vst v63  }
0x1e8: {  	_ =	swait.ge [sflag:s11], $0x2000  }
0x1e9: {  	[sflag:s11] =	ssyncset.done $0x0  }
0x1ea: {  	s0 =	rddreg [dreg:$0x1a];
	[sflag:s11] =	ssyncadd.s32 $0xFFFFE000  }
0x1eb: {  	[hbm4b:s0+s1] =	stream.linear.scatter [tilespmem:s6], [sflag:$0x3], $0x1000, $0x38;
	[tilespmem:$0x6B40] =	vst v63  }
0x1ec: {  	s12 =	rddreg [dreg:$0x1b]  }
0x1ed: {  	[hbm4b:s12+s1] =	stream.linear.scatter [tilespmem:s7], [sflag:$0x3], $0x1000, $0x38;
	[tilespmem:$0x6B40] =	vst v63  }
0x1ee: {  	_ =	swait.ge [sflag:s3], $0x1000  }
0x1ef: {  	[sflag:s3] =	ssyncset.done $0x0  }
0x1f0: {  	[sflag:s3] =	ssyncadd.s32 $0xFFFFF000  }
0x1f1: {  	_ =	swait.ge [sflag:s3], $0x1000  }
0x1f2: {  	[sflag:s3] =	ssyncset.done $0x0  }
0x1f3: {  	[sflag:s3] =	ssyncadd.s32 $0xFFFFF000  }
0x1f4: {  	[tilespmem:s6], [sflag:$0x1] =	stream.indirect.gather [spmem:s2], $0x80, s20, s8, $0xb8;
	[tilespmem:$0x6B40] =	vst v63  }
0x1f5: {  	_ =	swait.ge [sflag:s9], $0x2000  }
0x1f6: {  	[sflag:s9] =	ssyncset.done $0x0  }
0x1f7: {  	s0 =	rddreg [dreg:$0x1c];
	[sflag:s9] =	ssyncadd.s32 $0xFFFFE000  }
0x1f8: {  	[hbm4b:s0+s1] =	stream.linear.scatter [tilespmem:s4], [sflag:$0x4], $0x1000, $0x38;
	[tilespmem:$0x6B40] =	vst v63  }
0x1f9: {  	s12 =	rddreg [dreg:$0x1d]  }
0x1fa: {  	[hbm4b:s12+s1] =	stream.linear.scatter [tilespmem:s10], [sflag:$0x4], $0x1000, $0x38;
	[tilespmem:$0x6B40] =	vst v63  }
0x1fb: {  	_ =	swait.ge [sflag:s5], $0x1000  }
0x1fc: {  	[sflag:s5] =	ssyncset.done $0x0  }
0x1fd: {  	[sflag:s5] =	ssyncadd.s32 $0xFFFFF000  }
0x1fe: {  	_ =	swait.ge [sflag:s5], $0x1000  }
0x1ff: {  	[sflag:s5] =	ssyncset.done $0x0  }
0x200: {  	[sflag:s5] =	ssyncadd.s32 $0xFFFFF000  }
0x201: {  	[tilespmem:s4], [sflag:$0x2] =	stream.indirect.gather [spmem:s2], $0x80, s19, s8, $0xb8;
	[tilespmem:$0x6B40] =	vst v63  }
0x202: {  	_ =	swait.ge [sflag:s11], $0x2000  }
0x203: {  	[sflag:s11] =	ssyncset.done $0x0  }
0x204: {  	s0 =	rddreg [dreg:$0x1e];
	[sflag:s11] =	ssyncadd.s32 $0xFFFFE000  }
0x205: {  	[hbm4b:s0+s1] =	stream.linear.scatter [tilespmem:s6], [sflag:$0x3], $0x1000, $0x38;
	[tilespmem:$0x6B40] =	vst v63  }
0x206: {  	s12 =	rddreg [dreg:$0x1f]  }
0x207: {  	[hbm4b:s12+s1] =	stream.linear.scatter [tilespmem:s7], [sflag:$0x3], $0x1000, $0x38;
	[tilespmem:$0x6B40] =	vst v63  }
0x208: {  	_ =	swait.ge [sflag:s3], $0x1000  }
0x209: {  	[sflag:s3] =	ssyncset.done $0x0  }
0x20a: {  	[sflag:s3] =	ssyncadd.s32 $0xFFFFF000  }
0x20b: {  	_ =	swait.ge [sflag:s3], $0x1000  }
0x20c: {  	[sflag:s3] =	ssyncset.done $0x0  }
0x20d: {  	[sflag:s3] =	ssyncadd.s32 $0xFFFFF000  }
0x20e: {  	[tilespmem:s6], [sflag:$0x1] =	stream.indirect.gather [spmem:s2], $0x80, s18, s8, $0xb8;
	[tilespmem:$0x6B40] =	vst v63  }
0x20f: {  	_ =	swait.ge [sflag:s9], $0x2000  }
0x210: {  	s0 =	sld [smem:$0x7EB]  }
0x211: {  	[sflag:s9] =	ssyncset.done $0x0  }
0x212: {  	s12 =	sld [smem:$0x7EC];
	[sflag:s9] =	ssyncadd.s32 $0xFFFFE000  }
0x213: {  	[hbm4b:s0+s1] =	stream.linear.scatter [tilespmem:s4], [sflag:$0x4], $0x1000, $0x38;
	[tilespmem:$0x6B40] =	vst v63  }
0x214: {  	_ = 	snop  }
0x215: {  	[hbm4b:s12+s1] =	stream.linear.scatter [tilespmem:s10], [sflag:$0x4], $0x1000, $0x38;
	[tilespmem:$0x6B40] =	vst v63  }
0x216: {  	_ =	swait.ge [sflag:s5], $0x1000  }
0x217: {  	[sflag:s5] =	ssyncset.done $0x0  }
0x218: {  	[sflag:s5] =	ssyncadd.s32 $0xFFFFF000  }
0x219: {  	_ =	swait.ge [sflag:s5], $0x1000  }
0x21a: {  	[sflag:s5] =	ssyncset.done $0x0  }
0x21b: {  	[sflag:s5] =	ssyncadd.s32 $0xFFFFF000  }
0x21c: {  	[tilespmem:s4], [sflag:$0x2] =	stream.indirect.gather [spmem:s2], $0x80, s17, s8, $0xb8;
	[tilespmem:$0x6B40] =	vst v63  }
0x21d: {  	_ =	swait.ge [sflag:s11], $0x2000  }
0x21e: {  	s0 =	sld [smem:$0x7ED]  }
0x21f: {  	[sflag:s11] =	ssyncset.done $0x0  }
0x220: {  	s12 =	sld [smem:$0x7EE];
	[sflag:s11] =	ssyncadd.s32 $0xFFFFE000  }
0x221: {  	[hbm4b:s0+s1] =	stream.linear.scatter [tilespmem:s6], [sflag:$0x3], $0x1000, $0x38;
	[tilespmem:$0x6B40] =	vst v63  }
0x222: {  	_ = 	snop  }
0x223: {  	[hbm4b:s12+s1] =	stream.linear.scatter [tilespmem:s7], [sflag:$0x3], $0x1000, $0x38;
	[tilespmem:$0x6B40] =	vst v63  }
0x224: {  	_ =	swait.ge [sflag:s3], $0x1000  }
0x225: {  	[sflag:s3] =	ssyncset.done $0x0  }
0x226: {  	[sflag:s3] =	ssyncadd.s32 $0xFFFFF000  }
0x227: {  	_ =	swait.ge [sflag:s3], $0x1000  }
0x228: {  	[sflag:s3] =	ssyncset.done $0x0  }
0x229: {  	[sflag:s3] =	ssyncadd.s32 $0xFFFFF000  }
0x22a: {  	[tilespmem:s6], [sflag:$0x1] =	stream.indirect.gather [spmem:s2], $0x80, s16, s8, $0xb8;
	[tilespmem:$0x6B40] =	vst v63  }
0x22b: {  	_ =	swait.ge [sflag:s9], $0x2000  }
0x22c: {  	s0 =	sld [smem:$0x7EF]  }
0x22d: {  	[sflag:s9] =	ssyncset.done $0x0  }
0x22e: {  	s12 =	sld [smem:$0x7F0];
	[sflag:s9] =	ssyncadd.s32 $0xFFFFE000  }
0x22f: {  	[hbm4b:s0+s1] =	stream.linear.scatter [tilespmem:s4], [sflag:$0x4], $0x1000, $0x38;
	[tilespmem:$0x6B40] =	vst v63  }
0x230: {  	_ = 	snop  }
0x231: {  	[hbm4b:s12+s1] =	stream.linear.scatter [tilespmem:s10], [sflag:$0x4], $0x1000, $0x38;
	[tilespmem:$0x6B40] =	vst v63  }
0x232: {  	_ =	swait.ge [sflag:s5], $0x1000  }
0x233: {  	[sflag:s5] =	ssyncset.done $0x0  }
0x234: {  	[sflag:s5] =	ssyncadd.s32 $0xFFFFF000  }
0x235: {  	_ =	swait.ge [sflag:s5], $0x1000  }
0x236: {  	[sflag:s5] =	ssyncset.done $0x0  }
0x237: {  	[sflag:s5] =	ssyncadd.s32 $0xFFFFF000  }
0x238: {  	[tilespmem:s4], [sflag:$0x2] =	stream.indirect.gather [spmem:s2], $0x80, s15, s8, $0xb8;
	[tilespmem:$0x6B40] =	vst v63  }
0x239: {  	_ =	swait.ge [sflag:s11], $0x2000  }
0x23a: {  	s0 =	sld [smem:$0x7F1]  }
0x23b: {  	[sflag:s11] =	ssyncset.done $0x0  }
0x23c: {  	s12 =	sld [smem:$0x7F2];
	[sflag:s11] =	ssyncadd.s32 $0xFFFFE000  }
0x23d: {  	[hbm4b:s0+s1] =	stream.linear.scatter [tilespmem:s6], [sflag:$0x3], $0x1000, $0x38;
	[tilespmem:$0x6B40] =	vst v63  }
0x23e: {  	_ = 	snop  }
0x23f: {  	[hbm4b:s12+s1] =	stream.linear.scatter [tilespmem:s7], [sflag:$0x3], $0x1000, $0x38;
	[tilespmem:$0x6B40] =	vst v63  }
0x240: {  	_ =	swait.ge [sflag:s3], $0x1000  }
0x241: {  	[sflag:s3] =	ssyncset.done $0x0  }
0x242: {  	[sflag:s3] =	ssyncadd.s32 $0xFFFFF000  }
0x243: {  	_ =	swait.ge [sflag:s3], $0x1000  }
0x244: {  	[sflag:s3] =	ssyncset.done $0x0  }
0x245: {  	[sflag:s3] =	ssyncadd.s32 $0xFFFFF000  }
0x246: {  	[tilespmem:s6], [sflag:$0x1] =	stream.indirect.gather [spmem:s2], $0x80, s14, s8, $0xb8;
	[tilespmem:$0x6B40] =	vst v63  }
0x247: {  	_ =	swait.ge [sflag:s9], $0x2000  }
0x248: {  	s0 =	sld [smem:$0x7F3]  }
0x249: {  	[sflag:s9] =	ssyncset.done $0x0  }
0x24a: {  	s12 =	sld [smem:$0x7F4];
	[sflag:s9] =	ssyncadd.s32 $0xFFFFE000  }
0x24b: {  	[hbm4b:s0+s1] =	stream.linear.scatter [tilespmem:s4], [sflag:$0x4], $0x1000, $0x38;
	[tilespmem:$0x6B40] =	vst v63  }
0x24c: {  	_ = 	snop  }
0x24d: {  	[hbm4b:s12+s1] =	stream.linear.scatter [tilespmem:s10], [sflag:$0x4], $0x1000, $0x38;
	[tilespmem:$0x6B40] =	vst v63  }
0x24e: {  	_ =	swait.ge [sflag:s5], $0x1000  }
0x24f: {  	[sflag:s5] =	ssyncset.done $0x0  }
0x250: {  	[sflag:s5] =	ssyncadd.s32 $0xFFFFF000  }
0x251: {  	_ =	swait.ge [sflag:s5], $0x1000  }
0x252: {  	[sflag:s5] =	ssyncset.done $0x0  }
0x253: {  	[sflag:s5] =	ssyncadd.s32 $0xFFFFF000  }
0x254: {  	[tilespmem:s4], [sflag:$0x2] =	stream.indirect.gather [spmem:s2], $0x80, s13, s8, $0xb8;
	[tilespmem:$0x6B40] =	vst v63  }
0x255: {  	_ =	swait.ge [sflag:s11], $0x2000  }
0x256: {  	s0 =	sld [smem:$0x7F5]  }
0x257: {  	[sflag:s11] =	ssyncset.done $0x0  }
0x258: {  	s12 =	sld [smem:$0x7F6];
	[sflag:s11] =	ssyncadd.s32 $0xFFFFE000  }
0x259: {  	[hbm4b:s0+s1] =	stream.linear.scatter [tilespmem:s6], [sflag:$0x3], $0x1000, $0x38;
	[tilespmem:$0x6B40] =	vst v63  }
0x25a: {  	_ = 	snop  }
0x25b: {  	[hbm4b:s12+s1] =	stream.linear.scatter [tilespmem:s7], [sflag:$0x3], $0x1000, $0x38;
	[tilespmem:$0x6B40] =	vst v63  }
0x25c: {  	_ =	swait.ge [sflag:s9], $0x2000  }
0x25d: {  	s0 =	sld [smem:$0x7F7]  }
0x25e: {  	[sflag:s9] =	ssyncset.done $0x0  }
0x25f: {  	s12 =	sld [smem:$0x7F8];
	[sflag:s9] =	ssyncadd.s32 $0xFFFFE000  }
0x260: {  	[hbm4b:s0+s1] =	stream.linear.scatter [tilespmem:s4], [sflag:$0x4], $0x1000, $0x38;
	[tilespmem:$0x6B40] =	vst v63  }
0x261: {  	_ = 	snop  }
0x262: {  	[hbm4b:s12+s1] =	stream.linear.scatter [tilespmem:s10], [sflag:$0x4], $0x1000, $0x38;
	[tilespmem:$0x6B40] =	vst v63  }
0x263: {  	_ =	swait.ge [sflag:s3], $0x1000  }
0x264: {  	[sflag:s3] =	ssyncset.done $0x0  }
0x265: {  	[sflag:s3] =	ssyncadd.s32 $0xFFFFF000  }
0x266: {  	_ =	swait.ge [sflag:s3], $0x1000  }
0x267: {  	s31 =	sadd.s32 $0xFFFFFFFF, s31;
	[sflag:s3] =	ssyncset.done $0x0  }
0x268: {  	p2 =	sne.s32 s31, $0x0;
	[sflag:s3] =	ssyncadd.s32 $0xFFFFF000  }
.Ltmp2:
0x269: {  	_ =	swait.ge [sflag:s5], $0x1000;
	(pc) =	sbr.rel @p2 .LBB2_4-.Ltmp2, $4  }
0x26a: {  	[sflag:s5] =	ssyncset.done $0x0  }
0x26b: {  	[sflag:s5] =	ssyncadd.s32 $0xFFFFF000  }
0x26c: {  	_ =	swait.ge [sflag:s5], $0x1000  }
0x26d: {  	s0 =	rddreg [dreg:$0x4];
	[sflag:s5] =	ssyncset.done $0x0  }
0x26e: {  	s30 =	simm.s32 $0x300;
	s25 =	simm.s32 $0x380;
	s24 =	simm.s32 $0x400  }
0x26f: {  	s23 =	simm.s32 $0x480;
	s22 =	simm.s32 $0x500;
	s21 =	simm.s32 $0x580  }
0x270: {  	s20 =	simm.s32 $0x600;
	s19 =	simm.s32 $0x680;
	s18 =	simm.s32 $0x700  }
0x271: {  	s17 =	simm.s32 $0x780;
	s16 =	simm.s32 $0x800;
	s15 =	simm.s32 $0x880  }
0x272: {  	s14 =	simm.s32 $0x900;
	s13 =	simm.s32 $0x980;
	s29 =	rddreg [dreg:$0x3]  }
.LBB2_6:
0x273: {  	[sflag:s5] =	ssyncadd.s32 @p1 $0xFFFFF000;
	s12 =	simm.s32 @!p0 $0x1C05  }
0x274: {  	[spmem:s28], [sflag:s12] =	dma.local @!p0 [hbm:s0], $0x3E80  }
0x275: {  	s0 =	simm.s32 @!p0 $0x5  }
0x276: {  	_ =	swait.ge @!p0 [sflag:s0], $0x3E80  }
0x277: {  	[sflag:s0] =	ssyncset.done @!p0 $0x0  }
0x278: {  	s31 =	rddreg [dreg:$0x5];
	[sflag:s0] =	ssyncadd.s32 @!p0 $0xFFFFC180  }
0x279: {  	[tilespmem:s1], [sflag:$0x5] =	stream.linear.gather [hbm4b:s31+s1], $0xA00, $0x38;
	[tilespmem:$0x6B40] =	vst v63  }
0x27a: {  	_ =	swait.ge [sflag:s26], $0xA00  }
0x27b: {  	[sflag:s26] =	ssyncset.done $0x0  }
0x27c: {  	[sflag:s26] =	ssyncadd.s32 $0xFFFFF600  }
0x27d: {  	[bflag:$0x0] =	sbarrier.arrive $0xFFFF  }
0x27e: {  	s26 =	sld [smem:$0x7F9]  }
0x27f: {  	[tilespmem:s6], [sflag:$0x1] =	stream.indirect.gather [spmem:s2], $0x80, s1, s8, $0xb8;
	[tilespmem:$0x6B40] =	vst v63  }
0x280: {  	_ = 	snop  }
0x281: {  	[tilespmem:s4], [sflag:$0x2] =	stream.indirect.gather [spmem:s2], $0x80, s26, s8, $0xb8;
	[tilespmem:$0x6B40] =	vst v63  }
0x282: {  	_ =	swait.ge [sflag:s11], $0x2000  }
0x283: {  	[sflag:s11] =	ssyncset.done $0x0  }
0x284: {  	s28 =	rddreg [dreg:$0x6];
	[sflag:s11] =	ssyncadd.s32 $0xFFFFE000  }
0x285: {  	[hbm4b:s28+s1] =	stream.linear.scatter [tilespmem:s6], [sflag:$0x3], $0x1000, $0x38;
	[tilespmem:$0x6B40] =	vst v63  }
0x286: {  	s31 =	rddreg [dreg:$0x7]  }
0x287: {  	[hbm4b:s31+s1] =	stream.linear.scatter [tilespmem:s7], [sflag:$0x3], $0x1000, $0x38;
	[tilespmem:$0x6B40] =	vst v63  }
0x288: {  	_ =	swait.ge [sflag:s3], $0x1000  }
0x289: {  	[sflag:s3] =	ssyncset.done $0x0  }
0x28a: {  	[sflag:s3] =	ssyncadd.s32 $0xFFFFF000  }
0x28b: {  	_ =	swait.ge [sflag:s3], $0x1000  }
0x28c: {  	s26 =	sld [smem:$0x7FA]  }
0x28d: {  	[sflag:s3] =	ssyncset.done $0x0  }
0x28e: {  	[sflag:s3] =	ssyncadd.s32 $0xFFFFF000  }
0x28f: {  	[tilespmem:s6], [sflag:$0x1] =	stream.indirect.gather [spmem:s2], $0x80, s26, s8, $0xb8;
	[tilespmem:$0x6B40] =	vst v63  }
0x290: {  	_ =	swait.ge [sflag:s9], $0x2000  }
0x291: {  	[sflag:s9] =	ssyncset.done $0x0  }
0x292: {  	s28 =	rddreg [dreg:$0x8];
	[sflag:s9] =	ssyncadd.s32 $0xFFFFE000  }
0x293: {  	[hbm4b:s28+s1] =	stream.linear.scatter [tilespmem:s4], [sflag:$0x4], $0x1000, $0x38;
	[tilespmem:$0x6B40] =	vst v63  }
0x294: {  	s31 =	rddreg [dreg:$0x9]  }
0x295: {  	[hbm4b:s31+s1] =	stream.linear.scatter [tilespmem:s10], [sflag:$0x4], $0x1000, $0x38;
	[tilespmem:$0x6B40] =	vst v63  }
0x296: {  	_ =	swait.ge [sflag:s5], $0x1000  }
0x297: {  	[sflag:s5] =	ssyncset.done $0x0  }
0x298: {  	[sflag:s5] =	ssyncadd.s32 $0xFFFFF000  }
0x299: {  	_ =	swait.ge [sflag:s5], $0x1000  }
0x29a: {  	s26 =	sld [smem:$0x7FB]  }
0x29b: {  	[sflag:s5] =	ssyncset.done $0x0  }
0x29c: {  	[sflag:s5] =	ssyncadd.s32 $0xFFFFF000  }
0x29d: {  	[tilespmem:s4], [sflag:$0x2] =	stream.indirect.gather [spmem:s2], $0x80, s26, s8, $0xb8;
	[tilespmem:$0x6B40] =	vst v63  }
0x29e: {  	_ =	swait.ge [sflag:s11], $0x2000  }
0x29f: {  	[sflag:s11] =	ssyncset.done $0x0  }
0x2a0: {  	s28 =	rddreg [dreg:$0xa];
	[sflag:s11] =	ssyncadd.s32 $0xFFFFE000  }
0x2a1: {  	[hbm4b:s28+s1] =	stream.linear.scatter [tilespmem:s6], [sflag:$0x3], $0x1000, $0x38;
	[tilespmem:$0x6B40] =	vst v63  }
0x2a2: {  	s31 =	rddreg [dreg:$0xb]  }
0x2a3: {  	[hbm4b:s31+s1] =	stream.linear.scatter [tilespmem:s7], [sflag:$0x3], $0x1000, $0x38;
	[tilespmem:$0x6B40] =	vst v63  }
0x2a4: {  	_ =	swait.ge [sflag:s3], $0x1000  }
0x2a5: {  	[sflag:s3] =	ssyncset.done $0x0  }
0x2a6: {  	[sflag:s3] =	ssyncadd.s32 $0xFFFFF000  }
0x2a7: {  	_ =	swait.ge [sflag:s3], $0x1000  }
0x2a8: {  	s26 =	sld [smem:$0x7FC]  }
0x2a9: {  	[sflag:s3] =	ssyncset.done $0x0  }
0x2aa: {  	[sflag:s3] =	ssyncadd.s32 $0xFFFFF000  }
0x2ab: {  	[tilespmem:s6], [sflag:$0x1] =	stream.indirect.gather [spmem:s2], $0x80, s26, s8, $0xb8;
	[tilespmem:$0x6B40] =	vst v63  }
0x2ac: {  	_ =	swait.ge [sflag:s9], $0x2000  }
0x2ad: {  	[sflag:s9] =	ssyncset.done $0x0  }
0x2ae: {  	s28 =	rddreg [dreg:$0xc];
	[sflag:s9] =	ssyncadd.s32 $0xFFFFE000  }
0x2af: {  	[hbm4b:s28+s1] =	stream.linear.scatter [tilespmem:s4], [sflag:$0x4], $0x1000, $0x38;
	[tilespmem:$0x6B40] =	vst v63  }
0x2b0: {  	s31 =	rddreg [dreg:$0xd]  }
0x2b1: {  	[hbm4b:s31+s1] =	stream.linear.scatter [tilespmem:s10], [sflag:$0x4], $0x1000, $0x38;
	[tilespmem:$0x6B40] =	vst v63  }
0x2b2: {  	_ =	swait.ge [sflag:s5], $0x1000  }
0x2b3: {  	[sflag:s5] =	ssyncset.done $0x0  }
0x2b4: {  	[sflag:s5] =	ssyncadd.s32 $0xFFFFF000  }
0x2b5: {  	_ =	swait.ge [sflag:s5], $0x1000  }
0x2b6: {  	s26 =	sld [smem:$0x7FD]  }
0x2b7: {  	[sflag:s5] =	ssyncset.done $0x0  }
0x2b8: {  	[sflag:s5] =	ssyncadd.s32 $0xFFFFF000  }
0x2b9: {  	[tilespmem:s4], [sflag:$0x2] =	stream.indirect.gather [spmem:s2], $0x80, s26, s8, $0xb8;
	[tilespmem:$0x6B40] =	vst v63  }
0x2ba: {  	_ =	swait.ge [sflag:s11], $0x2000  }
0x2bb: {  	[sflag:s11] =	ssyncset.done $0x0  }
0x2bc: {  	s28 =	rddreg [dreg:$0xe];
	[sflag:s11] =	ssyncadd.s32 $0xFFFFE000  }
0x2bd: {  	[hbm4b:s28+s1] =	stream.linear.scatter [tilespmem:s6], [sflag:$0x3], $0x1000, $0x38;
	[tilespmem:$0x6B40] =	vst v63  }
0x2be: {  	s31 =	rddreg [dreg:$0xf]  }
0x2bf: {  	[hbm4b:s31+s1] =	stream.linear.scatter [tilespmem:s7], [sflag:$0x3], $0x1000, $0x38;
	[tilespmem:$0x6B40] =	vst v63  }
0x2c0: {  	_ =	swait.ge [sflag:s3], $0x1000  }
0x2c1: {  	[sflag:s3] =	ssyncset.done $0x0  }
0x2c2: {  	[sflag:s3] =	ssyncadd.s32 $0xFFFFF000  }
0x2c3: {  	_ =	swait.ge [sflag:s3], $0x1000  }
0x2c4: {  	[sflag:s3] =	ssyncset.done $0x0  }
0x2c5: {  	[sflag:s3] =	ssyncadd.s32 $0xFFFFF000  }
0x2c6: {  	[tilespmem:s6], [sflag:$0x1] =	stream.indirect.gather [spmem:s2], $0x80, s30, s8, $0xb8;
	[tilespmem:$0x6B40] =	vst v63  }
0x2c7: {  	_ =	swait.ge [sflag:s9], $0x2000  }
0x2c8: {  	[sflag:s9] =	ssyncset.done $0x0  }
0x2c9: {  	s26 =	rddreg [dreg:$0x10];
	[sflag:s9] =	ssyncadd.s32 $0xFFFFE000  }
0x2ca: {  	[hbm4b:s26+s1] =	stream.linear.scatter [tilespmem:s4], [sflag:$0x4], $0x1000, $0x38;
	[tilespmem:$0x6B40] =	vst v63  }
0x2cb: {  	s28 =	rddreg [dreg:$0x11]  }
0x2cc: {  	[hbm4b:s28+s1] =	stream.linear.scatter [tilespmem:s10], [sflag:$0x4], $0x1000, $0x38;
	[tilespmem:$0x6B40] =	vst v63  }
0x2cd: {  	_ =	swait.ge [sflag:s5], $0x1000  }
0x2ce: {  	[sflag:s5] =	ssyncset.done $0x0  }
0x2cf: {  	[sflag:s5] =	ssyncadd.s32 $0xFFFFF000  }
0x2d0: {  	_ =	swait.ge [sflag:s5], $0x1000  }
0x2d1: {  	[sflag:s5] =	ssyncset.done $0x0  }
0x2d2: {  	[sflag:s5] =	ssyncadd.s32 $0xFFFFF000  }
0x2d3: {  	[tilespmem:s4], [sflag:$0x2] =	stream.indirect.gather [spmem:s2], $0x80, s25, s8, $0xb8;
	[tilespmem:$0x6B40] =	vst v63  }
0x2d4: {  	_ =	swait.ge [sflag:s11], $0x2000  }
0x2d5: {  	[sflag:s11] =	ssyncset.done $0x0  }
0x2d6: {  	s30 =	rddreg [dreg:$0x12];
	[sflag:s11] =	ssyncadd.s32 $0xFFFFE000  }
0x2d7: {  	[hbm4b:s30+s1] =	stream.linear.scatter [tilespmem:s6], [sflag:$0x3], $0x1000, $0x38;
	[tilespmem:$0x6B40] =	vst v63  }
0x2d8: {  	s31 =	rddreg [dreg:$0x13]  }
0x2d9: {  	[hbm4b:s31+s1] =	stream.linear.scatter [tilespmem:s7], [sflag:$0x3], $0x1000, $0x38;
	[tilespmem:$0x6B40] =	vst v63  }
0x2da: {  	_ =	swait.ge [sflag:s3], $0x1000  }
0x2db: {  	[sflag:s3] =	ssyncset.done $0x0  }
0x2dc: {  	[sflag:s3] =	ssyncadd.s32 $0xFFFFF000  }
0x2dd: {  	_ =	swait.ge [sflag:s3], $0x1000  }
0x2de: {  	[sflag:s3] =	ssyncset.done $0x0  }
0x2df: {  	[sflag:s3] =	ssyncadd.s32 $0xFFFFF000  }
0x2e0: {  	[tilespmem:s6], [sflag:$0x1] =	stream.indirect.gather [spmem:s2], $0x80, s24, s8, $0xb8;
	[tilespmem:$0x6B40] =	vst v63  }
0x2e1: {  	_ =	swait.ge [sflag:s9], $0x2000  }
0x2e2: {  	[sflag:s9] =	ssyncset.done $0x0  }
0x2e3: {  	s24 =	rddreg [dreg:$0x14];
	[sflag:s9] =	ssyncadd.s32 $0xFFFFE000  }
0x2e4: {  	[hbm4b:s24+s1] =	stream.linear.scatter [tilespmem:s4], [sflag:$0x4], $0x1000, $0x38;
	[tilespmem:$0x6B40] =	vst v63  }
0x2e5: {  	s25 =	rddreg [dreg:$0x15]  }
0x2e6: {  	[hbm4b:s25+s1] =	stream.linear.scatter [tilespmem:s10], [sflag:$0x4], $0x1000, $0x38;
	[tilespmem:$0x6B40] =	vst v63  }
0x2e7: {  	_ =	swait.ge [sflag:s5], $0x1000  }
0x2e8: {  	[sflag:s5] =	ssyncset.done $0x0  }
0x2e9: {  	[sflag:s5] =	ssyncadd.s32 $0xFFFFF000  }
0x2ea: {  	_ =	swait.ge [sflag:s5], $0x1000  }
0x2eb: {  	[sflag:s5] =	ssyncset.done $0x0  }
0x2ec: {  	[sflag:s5] =	ssyncadd.s32 $0xFFFFF000  }
0x2ed: {  	[tilespmem:s4], [sflag:$0x2] =	stream.indirect.gather [spmem:s2], $0x80, s23, s8, $0xb8;
	[tilespmem:$0x6B40] =	vst v63  }
0x2ee: {  	_ =	swait.ge [sflag:s11], $0x2000  }
0x2ef: {  	[sflag:s11] =	ssyncset.done $0x0  }
0x2f0: {  	s26 =	rddreg [dreg:$0x16];
	[sflag:s11] =	ssyncadd.s32 $0xFFFFE000  }
0x2f1: {  	[hbm4b:s26+s1] =	stream.linear.scatter [tilespmem:s6], [sflag:$0x3], $0x1000, $0x38;
	[tilespmem:$0x6B40] =	vst v63  }
0x2f2: {  	s28 =	rddreg [dreg:$0x17]  }
0x2f3: {  	[hbm4b:s28+s1] =	stream.linear.scatter [tilespmem:s7], [sflag:$0x3], $0x1000, $0x38;
	[tilespmem:$0x6B40] =	vst v63  }
0x2f4: {  	_ =	swait.ge [sflag:s3], $0x1000  }
0x2f5: {  	[sflag:s3] =	ssyncset.done $0x0  }
0x2f6: {  	[sflag:s3] =	ssyncadd.s32 $0xFFFFF000  }
0x2f7: {  	_ =	swait.ge [sflag:s3], $0x1000  }
0x2f8: {  	[sflag:s3] =	ssyncset.done $0x0  }
0x2f9: {  	[sflag:s3] =	ssyncadd.s32 $0xFFFFF000  }
0x2fa: {  	[tilespmem:s6], [sflag:$0x1] =	stream.indirect.gather [spmem:s2], $0x80, s22, s8, $0xb8;
	[tilespmem:$0x6B40] =	vst v63  }
0x2fb: {  	_ =	swait.ge [sflag:s9], $0x2000  }
0x2fc: {  	[sflag:s9] =	ssyncset.done $0x0  }
0x2fd: {  	s30 =	rddreg [dreg:$0x18];
	[sflag:s9] =	ssyncadd.s32 $0xFFFFE000  }
0x2fe: {  	[hbm4b:s30+s1] =	stream.linear.scatter [tilespmem:s4], [sflag:$0x4], $0x1000, $0x38;
	[tilespmem:$0x6B40] =	vst v63  }
0x2ff: {  	s31 =	rddreg [dreg:$0x19]  }
0x300: {  	[hbm4b:s31+s1] =	stream.linear.scatter [tilespmem:s10], [sflag:$0x4], $0x1000, $0x38;
	[tilespmem:$0x6B40] =	vst v63  }
0x301: {  	_ =	swait.ge [sflag:s5], $0x1000  }
0x302: {  	[sflag:s5] =	ssyncset.done $0x0  }
0x303: {  	[sflag:s5] =	ssyncadd.s32 $0xFFFFF000  }
0x304: {  	_ =	swait.ge [sflag:s5], $0x1000  }
0x305: {  	[sflag:s5] =	ssyncset.done $0x0  }
0x306: {  	[sflag:s5] =	ssyncadd.s32 $0xFFFFF000  }
0x307: {  	[tilespmem:s4], [sflag:$0x2] =	stream.indirect.gather [spmem:s2], $0x80, s21, s8, $0xb8;
	[tilespmem:$0x6B40] =	vst v63  }
0x308: {  	_ =	swait.ge [sflag:s11], $0x2000  }
0x309: {  	[sflag:s11] =	ssyncset.done $0x0  }
0x30a: {  	s22 =	rddreg [dreg:$0x1a];
	[sflag:s11] =	ssyncadd.s32 $0xFFFFE000  }
0x30b: {  	[hbm4b:s22+s1] =	stream.linear.scatter [tilespmem:s6], [sflag:$0x3], $0x1000, $0x38;
	[tilespmem:$0x6B40] =	vst v63  }
0x30c: {  	s23 =	rddreg [dreg:$0x1b]  }
0x30d: {  	[hbm4b:s23+s1] =	stream.linear.scatter [tilespmem:s7], [sflag:$0x3], $0x1000, $0x38;
	[tilespmem:$0x6B40] =	vst v63  }
0x30e: {  	_ =	swait.ge [sflag:s3], $0x1000  }
0x30f: {  	[sflag:s3] =	ssyncset.done $0x0  }
0x310: {  	[sflag:s3] =	ssyncadd.s32 $0xFFFFF000  }
0x311: {  	_ =	swait.ge [sflag:s3], $0x1000  }
0x312: {  	[sflag:s3] =	ssyncset.done $0x0  }
0x313: {  	[sflag:s3] =	ssyncadd.s32 $0xFFFFF000  }
0x314: {  	[tilespmem:s6], [sflag:$0x1] =	stream.indirect.gather [spmem:s2], $0x80, s20, s8, $0xb8;
	[tilespmem:$0x6B40] =	vst v63  }
0x315: {  	_ =	swait.ge [sflag:s9], $0x2000  }
0x316: {  	[sflag:s9] =	ssyncset.done $0x0  }
0x317: {  	s24 =	rddreg [dreg:$0x1c];
	[sflag:s9] =	ssyncadd.s32 $0xFFFFE000  }
0x318: {  	[hbm4b:s24+s1] =	stream.linear.scatter [tilespmem:s4], [sflag:$0x4], $0x1000, $0x38;
	[tilespmem:$0x6B40] =	vst v63  }
0x319: {  	s25 =	rddreg [dreg:$0x1d]  }
0x31a: {  	[hbm4b:s25+s1] =	stream.linear.scatter [tilespmem:s10], [sflag:$0x4], $0x1000, $0x38;
	[tilespmem:$0x6B40] =	vst v63  }
0x31b: {  	_ =	swait.ge [sflag:s5], $0x1000  }
0x31c: {  	[sflag:s5] =	ssyncset.done $0x0  }
0x31d: {  	[sflag:s5] =	ssyncadd.s32 $0xFFFFF000  }
0x31e: {  	_ =	swait.ge [sflag:s5], $0x1000  }
0x31f: {  	[sflag:s5] =	ssyncset.done $0x0  }
0x320: {  	[sflag:s5] =	ssyncadd.s32 $0xFFFFF000  }
0x321: {  	[tilespmem:s4], [sflag:$0x2] =	stream.indirect.gather [spmem:s2], $0x80, s19, s8, $0xb8;
	[tilespmem:$0x6B40] =	vst v63  }
0x322: {  	_ =	swait.ge [sflag:s11], $0x2000  }
0x323: {  	[sflag:s11] =	ssyncset.done $0x0  }
0x324: {  	s26 =	rddreg [dreg:$0x1e];
	[sflag:s11] =	ssyncadd.s32 $0xFFFFE000  }
0x325: {  	[hbm4b:s26+s1] =	stream.linear.scatter [tilespmem:s6], [sflag:$0x3], $0x1000, $0x38;
	[tilespmem:$0x6B40] =	vst v63  }
0x326: {  	s28 =	rddreg [dreg:$0x1f]  }
0x327: {  	[hbm4b:s28+s1] =	stream.linear.scatter [tilespmem:s7], [sflag:$0x3], $0x1000, $0x38;
	[tilespmem:$0x6B40] =	vst v63  }
0x328: {  	_ =	swait.ge [sflag:s3], $0x1000  }
0x329: {  	[sflag:s3] =	ssyncset.done $0x0  }
0x32a: {  	[sflag:s3] =	ssyncadd.s32 $0xFFFFF000  }
0x32b: {  	_ =	swait.ge [sflag:s3], $0x1000  }
0x32c: {  	[sflag:s3] =	ssyncset.done $0x0  }
0x32d: {  	[sflag:s3] =	ssyncadd.s32 $0xFFFFF000  }
0x32e: {  	[tilespmem:s6], [sflag:$0x1] =	stream.indirect.gather [spmem:s2], $0x80, s18, s8, $0xb8;
	[tilespmem:$0x6B40] =	vst v63  }
0x32f: {  	_ =	swait.ge [sflag:s9], $0x2000  }
0x330: {  	s30 =	sld [smem:$0x7EB]  }
0x331: {  	[sflag:s9] =	ssyncset.done $0x0  }
0x332: {  	s31 =	sld [smem:$0x7EC];
	[sflag:s9] =	ssyncadd.s32 $0xFFFFE000  }
0x333: {  	[hbm4b:s30+s1] =	stream.linear.scatter [tilespmem:s4], [sflag:$0x4], $0x1000, $0x38;
	[tilespmem:$0x6B40] =	vst v63  }
0x334: {  	_ = 	snop  }
0x335: {  	[hbm4b:s31+s1] =	stream.linear.scatter [tilespmem:s10], [sflag:$0x4], $0x1000, $0x38;
	[tilespmem:$0x6B40] =	vst v63  }
0x336: {  	_ =	swait.ge [sflag:s5], $0x1000  }
0x337: {  	[sflag:s5] =	ssyncset.done $0x0  }
0x338: {  	[sflag:s5] =	ssyncadd.s32 $0xFFFFF000  }
0x339: {  	_ =	swait.ge [sflag:s5], $0x1000  }
0x33a: {  	[sflag:s5] =	ssyncset.done $0x0  }
0x33b: {  	[sflag:s5] =	ssyncadd.s32 $0xFFFFF000  }
0x33c: {  	[tilespmem:s4], [sflag:$0x2] =	stream.indirect.gather [spmem:s2], $0x80, s17, s8, $0xb8;
	[tilespmem:$0x6B40] =	vst v63  }
0x33d: {  	_ =	swait.ge [sflag:s11], $0x2000  }
0x33e: {  	s18 =	sld [smem:$0x7ED]  }
0x33f: {  	[sflag:s11] =	ssyncset.done $0x0  }
0x340: {  	s19 =	sld [smem:$0x7EE];
	[sflag:s11] =	ssyncadd.s32 $0xFFFFE000  }
0x341: {  	[hbm4b:s18+s1] =	stream.linear.scatter [tilespmem:s6], [sflag:$0x3], $0x1000, $0x38;
	[tilespmem:$0x6B40] =	vst v63  }
0x342: {  	_ = 	snop  }
0x343: {  	[hbm4b:s19+s1] =	stream.linear.scatter [tilespmem:s7], [sflag:$0x3], $0x1000, $0x38;
	[tilespmem:$0x6B40] =	vst v63  }
0x344: {  	_ =	swait.ge [sflag:s3], $0x1000  }
0x345: {  	[sflag:s3] =	ssyncset.done $0x0  }
0x346: {  	[sflag:s3] =	ssyncadd.s32 $0xFFFFF000  }
0x347: {  	_ =	swait.ge [sflag:s3], $0x1000  }
0x348: {  	[sflag:s3] =	ssyncset.done $0x0  }
0x349: {  	[sflag:s3] =	ssyncadd.s32 $0xFFFFF000  }
0x34a: {  	[tilespmem:s6], [sflag:$0x1] =	stream.indirect.gather [spmem:s2], $0x80, s16, s8, $0xb8;
	[tilespmem:$0x6B40] =	vst v63  }
0x34b: {  	_ =	swait.ge [sflag:s9], $0x2000  }
0x34c: {  	s20 =	sld [smem:$0x7EF]  }
0x34d: {  	[sflag:s9] =	ssyncset.done $0x0  }
0x34e: {  	s21 =	sld [smem:$0x7F0];
	[sflag:s9] =	ssyncadd.s32 $0xFFFFE000  }
0x34f: {  	[hbm4b:s20+s1] =	stream.linear.scatter [tilespmem:s4], [sflag:$0x4], $0x1000, $0x38;
	[tilespmem:$0x6B40] =	vst v63  }
0x350: {  	_ = 	snop  }
0x351: {  	[hbm4b:s21+s1] =	stream.linear.scatter [tilespmem:s10], [sflag:$0x4], $0x1000, $0x38;
	[tilespmem:$0x6B40] =	vst v63  }
0x352: {  	_ =	swait.ge [sflag:s5], $0x1000  }
0x353: {  	[sflag:s5] =	ssyncset.done $0x0  }
0x354: {  	[sflag:s5] =	ssyncadd.s32 $0xFFFFF000  }
0x355: {  	_ =	swait.ge [sflag:s5], $0x1000  }
0x356: {  	[sflag:s5] =	ssyncset.done $0x0  }
0x357: {  	[sflag:s5] =	ssyncadd.s32 $0xFFFFF000  }
0x358: {  	[tilespmem:s4], [sflag:$0x2] =	stream.indirect.gather [spmem:s2], $0x80, s15, s8, $0xb8;
	[tilespmem:$0x6B40] =	vst v63  }
0x359: {  	_ =	swait.ge [sflag:s11], $0x2000  }
0x35a: {  	s22 =	sld [smem:$0x7F1]  }
0x35b: {  	[sflag:s11] =	ssyncset.done $0x0  }
0x35c: {  	s23 =	sld [smem:$0x7F2];
	[sflag:s11] =	ssyncadd.s32 $0xFFFFE000  }
0x35d: {  	[hbm4b:s22+s1] =	stream.linear.scatter [tilespmem:s6], [sflag:$0x3], $0x1000, $0x38;
	[tilespmem:$0x6B40] =	vst v63  }
0x35e: {  	_ = 	snop  }
0x35f: {  	[hbm4b:s23+s1] =	stream.linear.scatter [tilespmem:s7], [sflag:$0x3], $0x1000, $0x38;
	[tilespmem:$0x6B40] =	vst v63  }
0x360: {  	_ =	swait.ge [sflag:s3], $0x1000  }
0x361: {  	[sflag:s3] =	ssyncset.done $0x0  }
0x362: {  	[sflag:s3] =	ssyncadd.s32 $0xFFFFF000  }
0x363: {  	_ =	swait.ge [sflag:s3], $0x1000  }
0x364: {  	[sflag:s3] =	ssyncset.done $0x0  }
0x365: {  	[sflag:s3] =	ssyncadd.s32 $0xFFFFF000  }
0x366: {  	[tilespmem:s6], [sflag:$0x1] =	stream.indirect.gather [spmem:s2], $0x80, s14, s8, $0xb8;
	[tilespmem:$0x6B40] =	vst v63  }
0x367: {  	_ =	swait.ge [sflag:s9], $0x2000  }
0x368: {  	s24 =	sld [smem:$0x7F3]  }
0x369: {  	[sflag:s9] =	ssyncset.done $0x0  }
0x36a: {  	s25 =	sld [smem:$0x7F4];
	[sflag:s9] =	ssyncadd.s32 $0xFFFFE000  }
0x36b: {  	[hbm4b:s24+s1] =	stream.linear.scatter [tilespmem:s4], [sflag:$0x4], $0x1000, $0x38;
	[tilespmem:$0x6B40] =	vst v63  }
0x36c: {  	_ = 	snop  }
0x36d: {  	[hbm4b:s25+s1] =	stream.linear.scatter [tilespmem:s10], [sflag:$0x4], $0x1000, $0x38;
	[tilespmem:$0x6B40] =	vst v63  }
0x36e: {  	_ =	swait.ge [sflag:s5], $0x1000  }
0x36f: {  	[sflag:s5] =	ssyncset.done $0x0  }
0x370: {  	[sflag:s5] =	ssyncadd.s32 $0xFFFFF000  }
0x371: {  	_ =	swait.ge [sflag:s5], $0x1000  }
0x372: {  	[sflag:s5] =	ssyncset.done $0x0  }
0x373: {  	[sflag:s5] =	ssyncadd.s32 $0xFFFFF000  }
0x374: {  	[tilespmem:s4], [sflag:$0x2] =	stream.indirect.gather [spmem:s2], $0x80, s13, s8, $0xb8;
	[tilespmem:$0x6B40] =	vst v63  }
0x375: {  	_ =	swait.ge [sflag:s11], $0x2000  }
0x376: {  	s26 =	sld [smem:$0x7F5]  }
0x377: {  	[sflag:s11] =	ssyncset.done $0x0  }
0x378: {  	s28 =	sld [smem:$0x7F6];
	[sflag:s11] =	ssyncadd.s32 $0xFFFFE000  }
0x379: {  	[hbm4b:s26+s1] =	stream.linear.scatter [tilespmem:s6], [sflag:$0x3], $0x1000, $0x38;
	[tilespmem:$0x6B40] =	vst v63  }
0x37a: {  	_ = 	snop  }
0x37b: {  	[hbm4b:s28+s1] =	stream.linear.scatter [tilespmem:s7], [sflag:$0x3], $0x1000, $0x38;
	[tilespmem:$0x6B40] =	vst v63  }
0x37c: {  	_ =	swait.ge [sflag:s9], $0x2000  }
0x37d: {  	s30 =	sld [smem:$0x7F7]  }
0x37e: {  	[sflag:s9] =	ssyncset.done $0x0  }
0x37f: {  	s31 =	sld [smem:$0x7F8];
	[sflag:s9] =	ssyncadd.s32 $0xFFFFE000  }
0x380: {  	[hbm4b:s30+s1] =	stream.linear.scatter [tilespmem:s4], [sflag:$0x4], $0x1000, $0x38;
	[tilespmem:$0x6B40] =	vst v63  }
0x381: {  	_ = 	snop  }
0x382: {  	[hbm4b:s31+s1] =	stream.linear.scatter [tilespmem:s10], [sflag:$0x4], $0x1000, $0x38;
	[tilespmem:$0x6B40] =	vst v63  }
0x383: {  	_ =	swait.ge [sflag:s3], $0x1000  }
0x384: {  	[sflag:s3] =	ssyncset.done $0x0  }
0x385: {  	[sflag:s3] =	ssyncadd.s32 $0xFFFFF000  }
0x386: {  	_ =	swait.ge [sflag:s3], $0x1000  }
0x387: {  	[sflag:s3] =	ssyncset.done $0x0  }
0x388: {  	[sflag:s3] =	ssyncadd.s32 $0xFFFFF000  }
0x389: {  	_ =	swait.ge [sflag:s5], $0x1000  }
0x38a: {  	[sflag:s5] =	ssyncset.done $0x0  }
0x38b: {  	[sflag:s5] =	ssyncadd.s32 $0xFFFFF000  }
0x38c: {  	_ =	swait.ge [sflag:s5], $0x1000  }
0x38d: {  	[sflag:s5] =	ssyncset.done $0x0  }
0x38e: {  	[sflag:s5] =	ssyncadd.s32 $0xFFFFF000  }
0x38f: {  	_ =	sfence.sel $0x180000  }
0x390: {  	[bflag:$0x0] =	sbarrier.arrive $0xFFFF  }
0x391: {  	_ =	strace $0x9000004A  }
0x392: {  	s0 =	sadd.s32 @!p0 $0x100000, s29;
	[bflag:$0x2] =	sbarrier.arrive $0xFFFF  }
0x393: {  	[sflag:s0] =	ssyncadd.tile.s32 @!p0 $0x1;
	_ =	shalt  }
.LBB2_1:
.Ltmp3:
0x394: {  	s30 =	simm.s32 $0x300;
	s25 =	simm.s32 $0x380;
	(pc) =	sbr.rel .LBB2_6-.Ltmp3, $4  }
0x395: {  	s24 =	simm.s32 $0x400;
	s23 =	simm.s32 $0x480;
	s22 =	simm.s32 $0x500  }
0x396: {  	s21 =	simm.s32 $0x580;
	s20 =	simm.s32 $0x600;
	s19 =	simm.s32 $0x680  }
0x397: {  	s18 =	simm.s32 $0x700;
	s17 =	simm.s32 $0x780;
	s16 =	simm.s32 $0x800  }
0x398: {  	s15 =	simm.s32 $0x880;
	s14 =	simm.s32 $0x900;
	s13 =	simm.s32 $0x980  }
.LBB2_3:
0x399: {  	s30 =	simm.s32 $0x300  }
.Ltmp4:
0x39a: {  	s25 =	simm.s32 $0x380;
	s24 =	simm.s32 $0x400;
	(pc) =	sbr.rel .LBB2_6-.Ltmp4, $4  }
0x39b: {  	s23 =	simm.s32 $0x480;
	s22 =	simm.s32 $0x500;
	s21 =	simm.s32 $0x580  }
0x39c: {  	s20 =	simm.s32 $0x600;
	s19 =	simm.s32 $0x680;
	s18 =	simm.s32 $0x700  }
0x39d: {  	s17 =	simm.s32 $0x780;
	s16 =	simm.s32 $0x800;
	s15 =	simm.s32 $0x880  }
0x39e: {  	s14 =	simm.s32 $0x900;
	s13 =	simm.s32 $0x980;
	s29 =	rddreg [dreg:$0x3]  }
.Lfunc_end2:
_tile_overlayer_lowered:
.L_overlay_start_2:
0x39f: {  	(tag) =	ssettag $0x2  }
0x3a0: {  	s0 =	rddreg [dreg:$0x0];
	s2 =	stileid.u32  }
0x3a1: {  	s1 =	rddreg [dreg:$0x1];
	p0 =	sne.s32 s2, $0x0  }
0x3a2: {  	s3 =	rddreg [dreg:$0x2];
	[bflag:$0x3] =	sbarrier.arrive $0xFFFF;
	s2 =	simm.s32 @!p0 $0x1C05  }
0x3a3: {  	[timem:s3], [sflag:s2] =	dma.local @!p0 [hbm:s0], s1  }
0x3a4: {  	s0 =	simm.s32 @!p0 $0x5  }
0x3a5: {  	_ =	swait.ge @!p0 [sflag:s0], s1  }
0x3a6: {  	s1 =	ssub.s32 @!p0 $0x0, s1;
	[sflag:s0] =	ssyncset.done @!p0 $0x0  }
0x3a7: {  	[sflag:s0] =	ssyncadd.s32 @!p0 s1  }
0x3a8: {  	[bflag:$0x3] =	sbarrier.arrive $0xFFFF  }
0x3a9: {  	_ =	shalt  }

// kernel: kernel.7.cloned.1.call-start
scs
__scs_entry_jumppad:
0x0: {  	(pc) =	sbr.rel $0x88, $3  }
0x1: {  	(tag) =	ssettag $0x0;
	lr =	simm.s32 $0x1  }
0x2: {  	[smem:$0x3F9C] =	sst lr;
	_ =	strace $0xD0000000  }
0x3: {  	_ = 	snop  }
0x4: {  	_ = 	snop  }
0x5: {  	_ = 	snop  }
0x6: {  	_ = 	snop  }
0x7: {  	_ = 	snop  }
__scs_overlays_trampoline_lowered:
0x8: {  	[smem:$0x3FAB] =	sst s0  }
0x9: {  	[smem:$0x3FAC] =	sst s1  }
0xa: {  	[smem:$0x3FAD] =	sst s2  }
0xb: {  	[smem:$0x3FAE] =	sst s3  }
0xc: {  	[smem:$0x3FAF] =	sst s4  }
0xd: {  	[smem:$0x3FB0] =	sst s5  }
0xe: {  	[smem:$0x3FB1] =	sst s6  }
0xf: {  	[smem:$0x3FB2] =	sst s7  }
0x10: {  	[smem:$0x3FB3] =	sst s8  }
0x11: {  	[smem:$0x3FB4] =	sst s9;
	s0 =	simm.s32 @!p0 $0x0  }
0x12: {  	s1 =	sld [smem:$0x3F9A];
	s0 =	simm.s32 @p0 $0x1  }
0x13: {  	[smem:$0x3FB5] =	sst s0;
	s0 =	simm.s32 @!p1 $0x0  }
0x14: {  	s2 =	sld [smem:$0x3F99];
	s0 =	simm.s32 @p1 $0x1  }
0x15: {  	[smem:$0x3FB6] =	sst s0;
	s0 =	simm.s32 @!p2 $0x0  }
0x16: {  	s3 =	sld [smem:$0x3FDB];
	s0 =	simm.s32 @p2 $0x1  }
0x17: {  	s4 =	simm.s32 $0x1BF5;
	[smem:$0x3FB8] =	sst s0  }
0x18: {  	s0 =	sld [smem:$0x3F9B];
	_ =	swait.ge [sflag:s4], $0x0  }
0x19: {  	s7 =	sld [smem:$0x3F9C]  }
0x1a: {  	s8 =	sadd.s32 $0xFFFFE003, lr  }
0x1b: {  	s9 =	sadd.s32 $0xFFFFFEF7, lr;
	s5 =	simm.s32 $0xFFFFFFFF;
	p2 =	slt.u32 s8, $0xFFFFF086  }
0x1c: {  	p1 =	slt.u32 s9, $0xF7A;
	s5 =	simm.s32 @!p2 $0x0  }
0x1d: {  	s5 =	simm.s32 @p1 $0x1;
	p0 =	seq.s32 s7, s2  }
0x1e: {  	s7 =	smul.u32 @!p0 $0xF7A, s2;
	p2 =	seq.s32 @!p0 s5, $0x0  }
0x1f: {  	s9 =	smul.u32 $0xF7A, s1;
	s8 =	simm.s32 @!p0 $0x1BF5;
	p2 =	por !p2, p0  }
0x20: {  	[sflag:s8] =	ssyncset.s32 @!p0 $0xFFFFF086;
	s6 =	sadd.s32 @!p0 s3, s7;
	s7 =	simm.s32 @!p0 $0x108  }
0x21: {  	s3 =	sadd.s32 s3, s9;
	s6 =	sadd.s32 @!p0 $0x88, s6;
	s7 =	simm.s32 @p2 $0x1082  }
0x22: {  	[simem:s7], [sflag:s8] =	dma.local @!p0 [hbm:s6], $0xF7A  }
0x23: {  	s9 =	sor.u32 $0xD0000000, s2;
	s6 =	simm.s32 $0x108;
	_ =	swait.ge @!p0 [sflag:s8], $0x0  }
0x24: {  	s3 =	sadd.s32 $0x88, s3;
	s6 =	simm.s32 @!p1 $0x1082;
	[sflag:s4] =	ssyncset.s32 $0xFFFFF086  }
0x25: {  	[simem:s6], [sflag:s4] =	dma.local [hbm:s3], $0xF7A  }
0x26: {  	[smem:$0x3F9C] =	sst s1;
	(tag) =	ssettag s2;
	_ =	strace s9  }
0x27: {  	s1 =	sld [smem:$0x3FAC]  }
0x28: {  	s2 =	sld [smem:$0x3FAD]  }
0x29: {  	s4 =	sld [smem:$0x3FAF]  }
0x2a: {  	p0 =	seq.s32 s5, $0x0;
	s5 =	sld [smem:$0x3FB0]  }
0x2b: {  	s6 =	sld [smem:$0x3FB1]  }
0x2c: {  	s7 =	sld [smem:$0x3FB2]  }
0x2d: {  	s3 =	simm.s32 $0x108;
	s8 =	sld [smem:$0x3FB3]  }
0x2e: {  	s3 =	simm.s32 @!p0 $0x1082;
	s9 =	sld [smem:$0x3FB4]  }
0x2f: {  	lr =	sadd.s32 s0, s3;
	s0 =	sld [smem:$0x3FAB]  }
0x30: {  	s3 =	sld [smem:$0x3FAE]  }
0x31: {  	[smem:$0x3FB7] =	sst s10  }
0x32: {  	s10 =	sld [smem:$0x3FB5];
	_ =	sdelay $0x3  }
0x33: {  	p0 =	seq.s32 s10, $0x1;
	s10 =	sld [smem:$0x3FB7];
	_ =	sdelay $0x3  }
0x34: {  	[smem:$0x3FB7] =	sst s10  }
0x35: {  	s10 =	sld [smem:$0x3FB6];
	_ =	sdelay $0x3  }
0x36: {  	p1 =	seq.s32 s10, $0x1;
	s10 =	sld [smem:$0x3FB7];
	_ =	sdelay $0x3  }
0x37: {  	[smem:$0x3FB7] =	sst s10  }
0x38: {  	s10 =	sld [smem:$0x3FB8]  }
0x39: {  	_ = 	snop;
	(pc) =	sbr.ind lr, $3  }
0x3a: {  	_ = 	snop  }
0x3b: {  	_ = 	snop  }
0x3c: {  	p2 =	seq.s32 s10, $0x1;
	s10 =	sld [smem:$0x3FB7]  }
0x3d: {  	_ =	shalt  }
0x3e: {  	_ =	shalt  }
0x3f: {  	_ =	shalt  }
0x40: {  	_ =	shalt  }
0x41: {  	_ =	shalt  }
0x42: {  	_ =	shalt  }
0x43: {  	_ =	shalt  }
0x44: {  	_ =	shalt  }
0x45: {  	_ =	shalt  }
0x46: {  	_ =	shalt  }
0x47: {  	_ =	shalt  }
0x48: {  	_ =	shalt  }
0x49: {  	_ =	shalt  }
0x4a: {  	_ =	shalt  }
0x4b: {  	_ =	shalt  }
0x4c: {  	_ =	shalt  }
0x4d: {  	_ =	shalt  }
0x4e: {  	_ =	shalt  }
0x4f: {  	_ =	shalt  }
0x50: {  	_ =	shalt  }
0x51: {  	_ =	shalt  }
0x52: {  	_ =	shalt  }
0x53: {  	_ =	shalt  }
0x54: {  	_ =	shalt  }
0x55: {  	_ =	shalt  }
0x56: {  	_ =	shalt  }
0x57: {  	_ =	shalt  }
0x58: {  	_ =	shalt  }
0x59: {  	_ =	shalt  }
0x5a: {  	_ =	shalt  }
0x5b: {  	_ =	shalt  }
0x5c: {  	_ =	shalt  }
0x5d: {  	_ =	shalt  }
0x5e: {  	_ =	shalt  }
0x5f: {  	_ =	shalt  }
0x60: {  	_ =	shalt  }
0x61: {  	_ =	shalt  }
0x62: {  	_ =	shalt  }
0x63: {  	_ =	shalt  }
0x64: {  	_ =	shalt  }
0x65: {  	_ =	shalt  }
0x66: {  	_ =	shalt  }
0x67: {  	_ =	shalt  }
0x68: {  	_ =	shalt  }
0x69: {  	_ =	shalt  }
0x6a: {  	_ =	shalt  }
0x6b: {  	_ =	shalt  }
0x6c: {  	_ =	shalt  }
0x6d: {  	_ =	shalt  }
0x6e: {  	_ =	shalt  }
0x6f: {  	_ =	shalt  }
0x70: {  	_ =	shalt  }
0x71: {  	_ =	shalt  }
0x72: {  	_ =	shalt  }
0x73: {  	_ =	shalt  }
0x74: {  	_ =	shalt  }
0x75: {  	_ =	shalt  }
0x76: {  	_ =	shalt  }
0x77: {  	_ =	shalt  }
0x78: {  	_ =	shalt  }
0x79: {  	_ =	shalt  }
0x7a: {  	_ =	shalt  }
0x7b: {  	_ =	shalt  }
0x7c: {  	_ =	shalt  }
0x7d: {  	_ =	shalt  }
0x7e: {  	_ =	shalt  }
0x7f: {  	_ =	shalt  }
0x80: {  	_ =	shalt  }
0x81: {  	_ =	shalt  }
0x82: {  	_ =	shalt  }
0x83: {  	_ =	shalt  }
0x84: {  	_ =	shalt  }
0x85: {  	_ =	shalt  }
0x86: {  	_ =	shalt  }
0x87: {  	_ =	shalt  }
.Lfunc_end0:
.L_simem_size_0:
called_computation_lowered:
.L_overlay_start_0:
0x88: {  	s2 =	sld [smem:$0x3FD9]  }
0x89: {  	s3 =	sld [smem:$0x3FFE];
	_ =	sdelay $0x1  }
0x8a: {  	s1 =	srdreg.scid  }
0x8b: {  	s0 =	sand.u32 $0x1, s1  }
0x8c: {  	s14 =	sshll.u32 s0, $0xA;
	s2 =	sadd.s32 s3, s2  }
0x8d: {  	s2 =	sadd.s32 s2, s14  }
0x8e: {  	[smem:$0x3FC3] =	sst s2  }
0x8f: {  	_ = 	snop  }
0x90: {  	s2 =	sld [smem:$0x3FD0];
	_ =	sdelay $0x2  }
0x91: {  	s4 =	simm.s32 $0xB;
	s5 =	simm.s32 $0x10;
	s15 =	sld [smem:$0x3FC8]  }
0x92: {  	[smem:s5], [sflag:s4] =	dma.local [hbm:s2], $0x1  }
0x93: {  	_ =	swait.eq [sflag:s4], $0x1  }
0x94: {  	[sflag:s4] =	ssyncset.done $0x0  }
0x95: {  	[sflag:s4] =	ssyncadd.s32 $0xFFFFFFFF  }
0x96: {  	s16 =	sld [smem:$0x10];
	(tm) =	ssettm $0x1  }
0x97: {  	s17 =	sld [smem:$0x3FFB];
	_ =	sdelay $0x3  }
0x98: {  	_ =	strace s17  }
0x99: {  	s4 =	sld [smem:$0x3FFC];
	_ =	sdelay $0x3  }
0x9a: {  	_ =	strace s4  }
0x9b: {  	s4 =	sld [smem:$0x3FFD];
	_ =	sdelay $0x3  }
0x9c: {  	_ =	strace s4  }
0x9d: {  	_ =	strace $0x8FFFFFFF  }
0x9e: {  	s18 =	sld [smem:$0x3FDB];
	_ =	sdelay $0x1  }
0x9f: {  	s19 =	simm.s32 $_scs_section_size  }
0xa0: {  	s6 =	simm.s32 $_size__tile_overlayer_lowered;
	s7 =	simm.s32 $_tile_overlayer_lowered  }
0xa1: {  	s22 =	simm.s32 $0x1BFF;
	s21 =	sshll.u32 s7, $0x1;
	s4 =	sadd.s32 s19, s18  }
0xa2: {  	s8 =	simm.s32 $0x0;
	s20 =	sshll.u32 s6, $0x1;
	s6 =	sadd.s32 s21, s4  }
0xa3: {  	[timem:s8], [sflag:s22] =	dma.local [hbm:s6], s20  }
0xa4: {  	_ =	swait.ge [sflag:s22], s20  }
0xa5: {  	s5 =	ssub.s32 $0x0, s20;
	[sflag:s22] =	ssyncset.done $0x0  }
0xa6: {  	[sflag:s22] =	ssyncadd.s32 s5;
	_ =	sdelay $0x1  }
0xa7: {  	s23 =	simm.s32 $0x1B8B  }
0xa8: {  	_ =	swait.ge [sflag:s23], $0x1  }
0xa9: {  	[sflag:s23] =	ssyncset.done $0x0  }
0xaa: {  	s25 =	simm.s32 $0x1B8E;
	s24 =	sld [smem:$0x3FFE];
	[sflag:s23] =	ssyncadd.s32 $0xFFFFFFFF  }
0xab: {  	s26 =	simm.s32 $execute0_lowered;
	[smem:$0x3FD2] =	sst s25  }
0xac: {  	s6 =	sshll.u32 s26, $0x1;
	_ =	strace $0x80000046;
	[dreg:$0x1] =	wrdreg $0xFFFFFFFF  }
0xad: {  	s28 =	simm.s32 $_size_execute0_lowered;
	s4 =	sadd.s32 s4, s6;
	[dreg:$0x0] =	wrdreg $0x0  }
0xae: {  	s6 =	sshll.u32 s28, $0x1;
	[dreg:$0x2] =	wrdreg s4  }
0xaf: {  	[dreg:$0x3] =	wrdreg s6  }
0xb0: {  	[dreg:$0x4] =	wrdreg $0xC0  }
0xb1: {  	_ =	task [dreg:s8], $0x5FFFF  }
0xb2: {  	[dreg:$0x1] =	wrdreg $0xFFFFFFFF  }
0xb3: {  	[dreg:$0x0] =	wrdreg $0x60  }
0xb4: {  	[dreg:$0x2] =	wrdreg s24  }
0xb5: {  	[dreg:$0x3] =	wrdreg s15  }
0xb6: {  	[dreg:$0x4] =	wrdreg s16  }
0xb7: {  	[dreg:$0x5] =	wrdreg $0x44000  }
0xb8: {  	[dreg:$0x6] =	wrdreg $0x9  }
0xb9: {  	_ =	task.clear_ibuf [dreg:s8], $0x7FFFF;
	_ =	strace $0x90000046  }
0xba: {  	s29 =	simm.s32 $0x9;
	_ =	strace $0x80000048  }
0xbb: {  	_ =	swait.ge [sflag:s29], $0x1  }
0xbc: {  	[sflag:s29] =	ssyncadd.s32 $0xFFFFFFFF  }
0xbd: {  	_ =	strace $0x90000048  }
0xbe: {  	_ =	sfence  }
0xbf: {  	s30 =	sld [smem:$0x0];
	_ =	sdelay $0x2  }
0xc0: {  	s31 =	sshll.u32 s1, $0xD;
	s1 =	sshrl.u32 s1, $0x2  }
0xc1: {  	s3 =	sand.u32 $0x4000, s31;
	s1 =	sadd.s32 s1, s30  }
0xc2: {  	s0 =	sor.u32 s3, s0;
	s1 =	sshll.u32 s1, $0x11  }
0xc3: {  	s0 =	sor.u32 s1, s0  }
0xc4: {  	s0 =	sadd.s32 $0x8F2B, s0  }
0xc5: {  	[sflag:s0] =	ssyncadd.remote.s32 $0x1  }
0xc6: {  	_ =	sfence.sel $0xFFFF  }
0xc7: {  	[dreg:$0x0] =	wrdreg $0xFFFFFFFF;
	(pc) =	sbr.abs _section_cstart, $3  }
0xc8: {  	[dreg:$0x1] =	wrdreg $0xFFFFFFFF  }
0xc9: {  	_ =	task.clear_ibuf [dreg:s8], $0x2FFFF;
	_ =	strace $0x9FFFFFFF  }
0xca: {  	(tm) =	ssettm $0x7FFFFFFF  }
0xcb: {  	_ =	shalt  }
tec
execute0_lowered:
.L_overlay_start_1:
0x0: {  	(tag) =	ssettag $0x1  }
0x1: {  	s0 =	rddreg [dreg:$0x0]  }
0x2: {  	s1 =	rddreg [dreg:$0x1]  }
0x3: {  	s3 =	rddreg [dreg:$0x2];
	s25 =	srdreg.scid  }
0x4: {  	s5 =	stileid.u32;
	s2 =	rddreg [dreg:$0x3]  }
0x5: {  	s30 =	rddreg [dreg:$0x4];
	s15 =	simm.s32 $0x40;
	s14 =	simm.s32 $0x2400  }
0x6: {  	s10 =	simm.s32 $0x1;
	s9 =	simm.s32 $0x1400;
	s24 =	simm.s32 $0x100  }
0x7: {  	s17 =	simm.s32 $0x2;
	s16 =	simm.s32 $0x3400;
	p1 =	por $0x0, $0x0  }
0x8: {  	s11 =	simm.s32 $0x4;
	s23 =	simm.s32 $0x180;
	s20 =	simm.s32 $0x200  }
0x9: {  	[dreg:$0x5] =	wrdreg s1;
	s4 =	sand.u32 $0x1, s25;
	s6 =	sshll.u32 s5, $0x1  }
0xa: {  	s1 =	simm.s32 $0x0;
	s6 =	sor.u32 s4, s6;
	s4 =	ssub.s32 $0x2, s4  }
0xb: {  	p0 =	sne.s32 s5, $0x0;
	s25 =	simm.s32 $0x5;
	s26 =	sshrl.u32 s4, $0x1  }
0xc: {  	[smem:$0x7FF] =	sst s1;
	s28 =	sshrl.u32 @!p0 s2, $0x3;
	s8 =	ssub.s32 s4, s26  }
0xd: {  	s7 =	sshll.u32 s6, $0x7;
	_ =	strace $0x80000047;
	s29 =	smax.u32 s8, $0x1  }
0xe: {  	s6 =	sshll.u32 s6, $0x9;
	s0 =	sadd.s32 s7, s0;
	s31 =	sadd.s32 $0xFFFFFFFF, s29  }
0xf: {  	s21 =	sadd.s32 s3, s6;
	s26 =	simm.s32 $0x80;
	p2 =	sne.s32 s31, $0x0  }
.Ltmp0:
0x10: {  	s3 =	simm.s32 $0x3;
	s0 =	sadd.s32 $0x1200, s0;
	(pc) =	sbr.rel @!p2 .LBB2_5-.Ltmp0, $4  }
0x11: {  	s22 =	sadd.s32 $0x4000, s21;
	s18 =	sadd.s32 $0x8000, s21;
	s19 =	sadd.s32 $0xC000, s21  }
0x12: {  	s12 =	sadd.s32 $0x10000, s21;
	s13 =	sadd.s32 $0x14000, s21;
	s6 =	sadd.s32 $0x18000, s21  }
0x13: {  	s7 =	sadd.s32 $0x1C000, s21;
	s4 =	sadd.s32 $0x20000, s21;
	[dreg:$0x6] =	wrdreg s0  }
0x14: {  	s5 =	sadd.s32 $0x24000, s21;
	s8 =	simm.s32 $0x400;
	s0 =	rddreg [dreg:$0x5]  }
0x15: {  	s29 =	simm.s32 @!p0 $0x1C05;
	s30 =	simm.s32 @!p0 $0x5  }
0x16: {  	[spmem:s28], [sflag:s29] =	dma.local @!p0 [hbm:s0], $0x3E80  }
0x17: {  	_ =	swait.ge @!p0 [sflag:s30], $0x3E80  }
0x18: {  	[sflag:s30] =	ssyncset.done @!p0 $0x0  }
0x19: {  	s0 =	rddreg [dreg:$0x6];
	[sflag:s30] =	ssyncadd.s32 @!p0 $0xFFFFC180  }
0x1a: {  	[tilespmem:s1], [sflag:$0x5] =	stream.linear.gather [hbm4b:s0+s1], $0x280, $0x38;
	[tilespmem:$0x6340] =	vst v63  }
0x1b: {  	_ =	swait.ge [sflag:s25], $0x280  }
0x1c: {  	[sflag:s25] =	ssyncset.done $0x0  }
0x1d: {  	[sflag:s25] =	ssyncadd.s32 $0xFFFFFD80  }
0x1e: {  	[bflag:$0x0] =	sbarrier.arrive $0xFFFF  }
0x1f: {  	[tilespmem:s8], [sflag:$0x1] =	stream.indirect.gather [spmem:s2], $0x80, s1, s15, $0xb8;
	[tilespmem:$0x6340] =	vst v63  }
0x20: {  	_ = 	snop  }
0x21: {  	[tilespmem:s14], [sflag:$0x2] =	stream.indirect.gather [spmem:s2], $0x80, s26, s15, $0xb8;
	[tilespmem:$0x6340] =	vst v63  }
0x22: {  	_ =	swait.ge [sflag:s10], $0x2000  }
0x23: {  	[sflag:s10] =	ssyncset.done $0x0  }
0x24: {  	[sflag:s10] =	ssyncadd.s32 $0xFFFFE000  }
0x25: {  	[hbm4b:s21+s1] =	stream.linear.scatter [tilespmem:s8], [sflag:$0x3], $0x1000, $0x38;
	[tilespmem:$0x6340] =	vst v63  }
0x26: {  	_ = 	snop  }
0x27: {  	[hbm4b:s22+s1] =	stream.linear.scatter [tilespmem:s9], [sflag:$0x3], $0x1000, $0x38;
	[tilespmem:$0x6340] =	vst v63  }
0x28: {  	_ =	swait.ge [sflag:s3], $0x1000  }
0x29: {  	[sflag:s3] =	ssyncset.done $0x0  }
0x2a: {  	[sflag:s3] =	ssyncadd.s32 $0xFFFFF000  }
0x2b: {  	_ =	swait.ge [sflag:s3], $0x1000  }
0x2c: {  	[sflag:s3] =	ssyncset.done $0x0  }
0x2d: {  	[sflag:s3] =	ssyncadd.s32 $0xFFFFF000  }
0x2e: {  	[tilespmem:s8], [sflag:$0x1] =	stream.indirect.gather [spmem:s2], $0x80, s24, s15, $0xb8;
	[tilespmem:$0x6340] =	vst v63  }
0x2f: {  	_ =	swait.ge [sflag:s17], $0x2000  }
0x30: {  	[sflag:s17] =	ssyncset.done $0x0  }
0x31: {  	[sflag:s17] =	ssyncadd.s32 $0xFFFFE000  }
0x32: {  	[hbm4b:s18+s1] =	stream.linear.scatter [tilespmem:s14], [sflag:$0x4], $0x1000, $0x38;
	[tilespmem:$0x6340] =	vst v63  }
0x33: {  	_ = 	snop  }
0x34: {  	[hbm4b:s19+s1] =	stream.linear.scatter [tilespmem:s16], [sflag:$0x4], $0x1000, $0x38;
	[tilespmem:$0x6340] =	vst v63  }
0x35: {  	_ =	swait.ge [sflag:s11], $0x1000  }
0x36: {  	[sflag:s11] =	ssyncset.done $0x0  }
0x37: {  	[sflag:s11] =	ssyncadd.s32 $0xFFFFF000  }
0x38: {  	_ =	swait.ge [sflag:s11], $0x1000  }
0x39: {  	[sflag:s11] =	ssyncset.done $0x0  }
0x3a: {  	[sflag:s11] =	ssyncadd.s32 $0xFFFFF000  }
0x3b: {  	[tilespmem:s14], [sflag:$0x2] =	stream.indirect.gather [spmem:s2], $0x80, s23, s15, $0xb8;
	[tilespmem:$0x6340] =	vst v63  }
0x3c: {  	_ =	swait.ge [sflag:s10], $0x2000  }
0x3d: {  	[sflag:s10] =	ssyncset.done $0x0  }
0x3e: {  	[sflag:s10] =	ssyncadd.s32 $0xFFFFE000  }
0x3f: {  	[hbm4b:s12+s1] =	stream.linear.scatter [tilespmem:s8], [sflag:$0x3], $0x1000, $0x38;
	[tilespmem:$0x6340] =	vst v63  }
0x40: {  	_ = 	snop  }
0x41: {  	[hbm4b:s13+s1] =	stream.linear.scatter [tilespmem:s9], [sflag:$0x3], $0x1000, $0x38;
	[tilespmem:$0x6340] =	vst v63  }
0x42: {  	_ =	swait.ge [sflag:s3], $0x1000  }
0x43: {  	[sflag:s3] =	ssyncset.done $0x0  }
0x44: {  	[sflag:s3] =	ssyncadd.s32 $0xFFFFF000  }
0x45: {  	_ =	swait.ge [sflag:s3], $0x1000  }
0x46: {  	[sflag:s3] =	ssyncset.done $0x0  }
0x47: {  	[sflag:s3] =	ssyncadd.s32 $0xFFFFF000  }
0x48: {  	[tilespmem:s8], [sflag:$0x1] =	stream.indirect.gather [spmem:s2], $0x80, s20, s15, $0xb8;
	[tilespmem:$0x6340] =	vst v63  }
0x49: {  	_ =	swait.ge [sflag:s17], $0x2000  }
0x4a: {  	[sflag:s17] =	ssyncset.done $0x0  }
0x4b: {  	[sflag:s17] =	ssyncadd.s32 $0xFFFFE000  }
0x4c: {  	[hbm4b:s6+s1] =	stream.linear.scatter [tilespmem:s14], [sflag:$0x4], $0x1000, $0x38;
	[tilespmem:$0x6340] =	vst v63  }
0x4d: {  	_ = 	snop  }
0x4e: {  	[hbm4b:s7+s1] =	stream.linear.scatter [tilespmem:s16], [sflag:$0x4], $0x1000, $0x38;
	[tilespmem:$0x6340] =	vst v63  }
0x4f: {  	_ =	swait.ge [sflag:s10], $0x2000  }
0x50: {  	[sflag:s10] =	ssyncset.done $0x0  }
0x51: {  	[sflag:s10] =	ssyncadd.s32 $0xFFFFE000  }
0x52: {  	[hbm4b:s4+s1] =	stream.linear.scatter [tilespmem:s8], [sflag:$0x3], $0x1000, $0x38;
	[tilespmem:$0x6340] =	vst v63  }
0x53: {  	_ = 	snop  }
0x54: {  	[hbm4b:s5+s1] =	stream.linear.scatter [tilespmem:s9], [sflag:$0x3], $0x1000, $0x38;
	[tilespmem:$0x6340] =	vst v63  }
0x55: {  	_ =	swait.ge [sflag:s11], $0x1000  }
0x56: {  	[sflag:s11] =	ssyncset.done $0x0  }
0x57: {  	[sflag:s11] =	ssyncadd.s32 $0xFFFFF000  }
0x58: {  	_ =	swait.ge [sflag:s11], $0x1000  }
0x59: {  	s31 =	sadd.s32 $0xFFFFFFFF, s31;
	[sflag:s11] =	ssyncset.done $0x0  }
0x5a: {  	p2 =	sne.s32 s31, $0x0;
	[sflag:s11] =	ssyncadd.s32 $0xFFFFF000  }
.Ltmp1:
0x5b: {  	_ =	swait.ge [sflag:s3], $0x1000;
	(pc) =	sbr.rel @!p2 .LBB2_2-.Ltmp1, $4  }
0x5c: {  	[sflag:s3] =	ssyncset.done $0x0  }
0x5d: {  	[sflag:s3] =	ssyncadd.s32 $0xFFFFF000  }
0x5e: {  	_ =	swait.ge [sflag:s3], $0x1000  }
0x5f: {  	p1 =	por $0x1, $0x1;
	s0 =	rddreg [dreg:$0x5];
	[sflag:s3] =	ssyncset.done $0x0  }
.LBB2_3:
0x60: {  	[sflag:s3] =	ssyncadd.s32 $0xFFFFF000  }
0x61: {  	[spmem:s28], [sflag:s29] =	dma.local @!p0 [hbm:s0], $0x3E80  }
0x62: {  	_ =	swait.ge @!p0 [sflag:s30], $0x3E80  }
0x63: {  	[sflag:s30] =	ssyncset.done @!p0 $0x0  }
0x64: {  	s0 =	rddreg [dreg:$0x6];
	[sflag:s30] =	ssyncadd.s32 @!p0 $0xFFFFC180  }
0x65: {  	[tilespmem:s1], [sflag:$0x5] =	stream.linear.gather [hbm4b:s0+s1], $0x280, $0x38;
	[tilespmem:$0x6340] =	vst v63  }
0x66: {  	_ =	swait.ge [sflag:s25], $0x280  }
0x67: {  	[sflag:s25] =	ssyncset.done $0x0  }
0x68: {  	[sflag:s25] =	ssyncadd.s32 $0xFFFFFD80  }
0x69: {  	[bflag:$0x0] =	sbarrier.arrive $0xFFFF  }
0x6a: {  	[tilespmem:s8], [sflag:$0x1] =	stream.indirect.gather [spmem:s2], $0x80, s1, s15, $0xb8;
	[tilespmem:$0x6340] =	vst v63  }
0x6b: {  	_ = 	snop  }
0x6c: {  	[tilespmem:s14], [sflag:$0x2] =	stream.indirect.gather [spmem:s2], $0x80, s26, s15, $0xb8;
	[tilespmem:$0x6340] =	vst v63  }
0x6d: {  	_ =	swait.ge [sflag:s10], $0x2000  }
0x6e: {  	[sflag:s10] =	ssyncset.done $0x0  }
0x6f: {  	[sflag:s10] =	ssyncadd.s32 $0xFFFFE000  }
0x70: {  	[hbm4b:s21+s1] =	stream.linear.scatter [tilespmem:s8], [sflag:$0x3], $0x1000, $0x38;
	[tilespmem:$0x6340] =	vst v63  }
0x71: {  	_ = 	snop  }
0x72: {  	[hbm4b:s22+s1] =	stream.linear.scatter [tilespmem:s9], [sflag:$0x3], $0x1000, $0x38;
	[tilespmem:$0x6340] =	vst v63  }
0x73: {  	_ =	swait.ge [sflag:s3], $0x1000  }
0x74: {  	[sflag:s3] =	ssyncset.done $0x0  }
0x75: {  	[sflag:s3] =	ssyncadd.s32 $0xFFFFF000  }
0x76: {  	_ =	swait.ge [sflag:s3], $0x1000  }
0x77: {  	[sflag:s3] =	ssyncset.done $0x0  }
0x78: {  	[sflag:s3] =	ssyncadd.s32 $0xFFFFF000  }
0x79: {  	[tilespmem:s8], [sflag:$0x1] =	stream.indirect.gather [spmem:s2], $0x80, s24, s15, $0xb8;
	[tilespmem:$0x6340] =	vst v63  }
0x7a: {  	_ =	swait.ge [sflag:s17], $0x2000  }
0x7b: {  	[sflag:s17] =	ssyncset.done $0x0  }
0x7c: {  	[sflag:s17] =	ssyncadd.s32 $0xFFFFE000  }
0x7d: {  	[hbm4b:s18+s1] =	stream.linear.scatter [tilespmem:s14], [sflag:$0x4], $0x1000, $0x38;
	[tilespmem:$0x6340] =	vst v63  }
0x7e: {  	_ = 	snop  }
0x7f: {  	[hbm4b:s19+s1] =	stream.linear.scatter [tilespmem:s16], [sflag:$0x4], $0x1000, $0x38;
	[tilespmem:$0x6340] =	vst v63  }
0x80: {  	_ =	swait.ge [sflag:s11], $0x1000  }
0x81: {  	[sflag:s11] =	ssyncset.done $0x0  }
0x82: {  	[sflag:s11] =	ssyncadd.s32 $0xFFFFF000  }
0x83: {  	_ =	swait.ge [sflag:s11], $0x1000  }
0x84: {  	[sflag:s11] =	ssyncset.done $0x0  }
0x85: {  	[sflag:s11] =	ssyncadd.s32 $0xFFFFF000  }
0x86: {  	[tilespmem:s14], [sflag:$0x2] =	stream.indirect.gather [spmem:s2], $0x80, s23, s15, $0xb8;
	[tilespmem:$0x6340] =	vst v63  }
0x87: {  	_ =	swait.ge [sflag:s10], $0x2000  }
0x88: {  	[sflag:s10] =	ssyncset.done $0x0  }
0x89: {  	[sflag:s10] =	ssyncadd.s32 $0xFFFFE000  }
0x8a: {  	[hbm4b:s12+s1] =	stream.linear.scatter [tilespmem:s8], [sflag:$0x3], $0x1000, $0x38;
	[tilespmem:$0x6340] =	vst v63  }
0x8b: {  	_ = 	snop  }
0x8c: {  	[hbm4b:s13+s1] =	stream.linear.scatter [tilespmem:s9], [sflag:$0x3], $0x1000, $0x38;
	[tilespmem:$0x6340] =	vst v63  }
0x8d: {  	_ =	swait.ge [sflag:s3], $0x1000  }
0x8e: {  	[sflag:s3] =	ssyncset.done $0x0  }
0x8f: {  	[sflag:s3] =	ssyncadd.s32 $0xFFFFF000  }
0x90: {  	_ =	swait.ge [sflag:s3], $0x1000  }
0x91: {  	[sflag:s3] =	ssyncset.done $0x0  }
0x92: {  	[sflag:s3] =	ssyncadd.s32 $0xFFFFF000  }
0x93: {  	[tilespmem:s8], [sflag:$0x1] =	stream.indirect.gather [spmem:s2], $0x80, s20, s15, $0xb8;
	[tilespmem:$0x6340] =	vst v63  }
0x94: {  	_ =	swait.ge [sflag:s17], $0x2000  }
0x95: {  	[sflag:s17] =	ssyncset.done $0x0  }
0x96: {  	[sflag:s17] =	ssyncadd.s32 $0xFFFFE000  }
0x97: {  	[hbm4b:s6+s1] =	stream.linear.scatter [tilespmem:s14], [sflag:$0x4], $0x1000, $0x38;
	[tilespmem:$0x6340] =	vst v63  }
0x98: {  	_ = 	snop  }
0x99: {  	[hbm4b:s7+s1] =	stream.linear.scatter [tilespmem:s16], [sflag:$0x4], $0x1000, $0x38;
	[tilespmem:$0x6340] =	vst v63  }
0x9a: {  	_ =	swait.ge [sflag:s10], $0x2000  }
0x9b: {  	[sflag:s10] =	ssyncset.done $0x0  }
0x9c: {  	[sflag:s10] =	ssyncadd.s32 $0xFFFFE000  }
0x9d: {  	[hbm4b:s4+s1] =	stream.linear.scatter [tilespmem:s8], [sflag:$0x3], $0x1000, $0x38;
	[tilespmem:$0x6340] =	vst v63  }
0x9e: {  	_ = 	snop  }
0x9f: {  	[hbm4b:s5+s1] =	stream.linear.scatter [tilespmem:s9], [sflag:$0x3], $0x1000, $0x38;
	[tilespmem:$0x6340] =	vst v63  }
0xa0: {  	_ =	swait.ge [sflag:s11], $0x1000  }
0xa1: {  	[sflag:s11] =	ssyncset.done $0x0  }
0xa2: {  	[sflag:s11] =	ssyncadd.s32 $0xFFFFF000  }
0xa3: {  	_ =	swait.ge [sflag:s11], $0x1000  }
0xa4: {  	s31 =	sadd.s32 $0xFFFFFFFF, s31;
	[sflag:s11] =	ssyncset.done $0x0  }
0xa5: {  	p2 =	sne.s32 s31, $0x0;
	[sflag:s11] =	ssyncadd.s32 $0xFFFFF000  }
.Ltmp2:
0xa6: {  	_ =	swait.ge [sflag:s3], $0x1000;
	(pc) =	sbr.rel @p2 .LBB2_3-.Ltmp2, $4  }
0xa7: {  	[sflag:s3] =	ssyncset.done $0x0  }
0xa8: {  	[sflag:s3] =	ssyncadd.s32 $0xFFFFF000  }
0xa9: {  	_ =	swait.ge [sflag:s3], $0x1000  }
0xaa: {  	s0 =	rddreg [dreg:$0x5];
	[sflag:s3] =	ssyncset.done $0x0  }
0xab: {  	s30 =	rddreg [dreg:$0x4]  }
.LBB2_5:
0xac: {  	[sflag:s3] =	ssyncadd.s32 @p1 $0xFFFFF000;
	s29 =	simm.s32 @!p0 $0x1C05  }
0xad: {  	[spmem:s28], [sflag:s29] =	dma.local @!p0 [hbm:s0], $0x3E80  }
0xae: {  	s0 =	simm.s32 @!p0 $0x5  }
0xaf: {  	_ =	swait.ge @!p0 [sflag:s0], $0x3E80  }
0xb0: {  	[sflag:s0] =	ssyncset.done @!p0 $0x0  }
0xb1: {  	s31 =	rddreg [dreg:$0x6];
	[sflag:s0] =	ssyncadd.s32 @!p0 $0xFFFFC180  }
0xb2: {  	[tilespmem:s1], [sflag:$0x5] =	stream.linear.gather [hbm4b:s31+s1], $0x280, $0x38;
	[tilespmem:$0x6340] =	vst v63  }
0xb3: {  	_ =	swait.ge [sflag:s25], $0x280  }
0xb4: {  	[sflag:s25] =	ssyncset.done $0x0  }
0xb5: {  	[sflag:s25] =	ssyncadd.s32 $0xFFFFFD80  }
0xb6: {  	[bflag:$0x0] =	sbarrier.arrive $0xFFFF  }
0xb7: {  	[tilespmem:s8], [sflag:$0x1] =	stream.indirect.gather [spmem:s2], $0x80, s1, s15, $0xb8;
	[tilespmem:$0x6340] =	vst v63  }
0xb8: {  	_ = 	snop  }
0xb9: {  	[tilespmem:s14], [sflag:$0x2] =	stream.indirect.gather [spmem:s2], $0x80, s26, s15, $0xb8;
	[tilespmem:$0x6340] =	vst v63  }
0xba: {  	_ =	swait.ge [sflag:s10], $0x2000  }
0xbb: {  	[sflag:s10] =	ssyncset.done $0x0  }
0xbc: {  	[sflag:s10] =	ssyncadd.s32 $0xFFFFE000  }
0xbd: {  	[hbm4b:s21+s1] =	stream.linear.scatter [tilespmem:s8], [sflag:$0x3], $0x1000, $0x38;
	[tilespmem:$0x6340] =	vst v63  }
0xbe: {  	_ = 	snop  }
0xbf: {  	[hbm4b:s22+s1] =	stream.linear.scatter [tilespmem:s9], [sflag:$0x3], $0x1000, $0x38;
	[tilespmem:$0x6340] =	vst v63  }
0xc0: {  	_ =	swait.ge [sflag:s3], $0x1000  }
0xc1: {  	[sflag:s3] =	ssyncset.done $0x0  }
0xc2: {  	[sflag:s3] =	ssyncadd.s32 $0xFFFFF000  }
0xc3: {  	_ =	swait.ge [sflag:s3], $0x1000  }
0xc4: {  	[sflag:s3] =	ssyncset.done $0x0  }
0xc5: {  	[sflag:s3] =	ssyncadd.s32 $0xFFFFF000  }
0xc6: {  	[tilespmem:s8], [sflag:$0x1] =	stream.indirect.gather [spmem:s2], $0x80, s24, s15, $0xb8;
	[tilespmem:$0x6340] =	vst v63  }
0xc7: {  	_ =	swait.ge [sflag:s17], $0x2000  }
0xc8: {  	[sflag:s17] =	ssyncset.done $0x0  }
0xc9: {  	[sflag:s17] =	ssyncadd.s32 $0xFFFFE000  }
0xca: {  	[hbm4b:s18+s1] =	stream.linear.scatter [tilespmem:s14], [sflag:$0x4], $0x1000, $0x38;
	[tilespmem:$0x6340] =	vst v63  }
0xcb: {  	_ = 	snop  }
0xcc: {  	[hbm4b:s19+s1] =	stream.linear.scatter [tilespmem:s16], [sflag:$0x4], $0x1000, $0x38;
	[tilespmem:$0x6340] =	vst v63  }
0xcd: {  	_ =	swait.ge [sflag:s11], $0x1000  }
0xce: {  	[sflag:s11] =	ssyncset.done $0x0  }
0xcf: {  	[sflag:s11] =	ssyncadd.s32 $0xFFFFF000  }
0xd0: {  	_ =	swait.ge [sflag:s11], $0x1000  }
0xd1: {  	[sflag:s11] =	ssyncset.done $0x0  }
0xd2: {  	[sflag:s11] =	ssyncadd.s32 $0xFFFFF000  }
0xd3: {  	[tilespmem:s14], [sflag:$0x2] =	stream.indirect.gather [spmem:s2], $0x80, s23, s15, $0xb8;
	[tilespmem:$0x6340] =	vst v63  }
0xd4: {  	_ =	swait.ge [sflag:s10], $0x2000  }
0xd5: {  	[sflag:s10] =	ssyncset.done $0x0  }
0xd6: {  	[sflag:s10] =	ssyncadd.s32 $0xFFFFE000  }
0xd7: {  	[hbm4b:s12+s1] =	stream.linear.scatter [tilespmem:s8], [sflag:$0x3], $0x1000, $0x38;
	[tilespmem:$0x6340] =	vst v63  }
0xd8: {  	_ = 	snop  }
0xd9: {  	[hbm4b:s13+s1] =	stream.linear.scatter [tilespmem:s9], [sflag:$0x3], $0x1000, $0x38;
	[tilespmem:$0x6340] =	vst v63  }
0xda: {  	_ =	swait.ge [sflag:s3], $0x1000  }
0xdb: {  	[sflag:s3] =	ssyncset.done $0x0  }
0xdc: {  	[sflag:s3] =	ssyncadd.s32 $0xFFFFF000  }
0xdd: {  	_ =	swait.ge [sflag:s3], $0x1000  }
0xde: {  	[sflag:s3] =	ssyncset.done $0x0  }
0xdf: {  	[sflag:s3] =	ssyncadd.s32 $0xFFFFF000  }
0xe0: {  	[tilespmem:s8], [sflag:$0x1] =	stream.indirect.gather [spmem:s2], $0x80, s20, s15, $0xb8;
	[tilespmem:$0x6340] =	vst v63  }
0xe1: {  	_ =	swait.ge [sflag:s17], $0x2000  }
0xe2: {  	[sflag:s17] =	ssyncset.done $0x0  }
0xe3: {  	[sflag:s17] =	ssyncadd.s32 $0xFFFFE000  }
0xe4: {  	[hbm4b:s6+s1] =	stream.linear.scatter [tilespmem:s14], [sflag:$0x4], $0x1000, $0x38;
	[tilespmem:$0x6340] =	vst v63  }
0xe5: {  	_ = 	snop  }
0xe6: {  	[hbm4b:s7+s1] =	stream.linear.scatter [tilespmem:s16], [sflag:$0x4], $0x1000, $0x38;
	[tilespmem:$0x6340] =	vst v63  }
0xe7: {  	_ =	swait.ge [sflag:s10], $0x2000  }
0xe8: {  	[sflag:s10] =	ssyncset.done $0x0  }
0xe9: {  	[sflag:s10] =	ssyncadd.s32 $0xFFFFE000  }
0xea: {  	[hbm4b:s4+s1] =	stream.linear.scatter [tilespmem:s8], [sflag:$0x3], $0x1000, $0x38;
	[tilespmem:$0x6340] =	vst v63  }
0xeb: {  	_ = 	snop  }
0xec: {  	[hbm4b:s5+s1] =	stream.linear.scatter [tilespmem:s9], [sflag:$0x3], $0x1000, $0x38;
	[tilespmem:$0x6340] =	vst v63  }
0xed: {  	_ =	swait.ge [sflag:s11], $0x1000  }
0xee: {  	[sflag:s11] =	ssyncset.done $0x0  }
0xef: {  	[sflag:s11] =	ssyncadd.s32 $0xFFFFF000  }
0xf0: {  	_ =	swait.ge [sflag:s11], $0x1000  }
0xf1: {  	[sflag:s11] =	ssyncset.done $0x0  }
0xf2: {  	[sflag:s11] =	ssyncadd.s32 $0xFFFFF000  }
0xf3: {  	_ =	swait.ge [sflag:s3], $0x1000  }
0xf4: {  	[sflag:s3] =	ssyncset.done $0x0  }
0xf5: {  	[sflag:s3] =	ssyncadd.s32 $0xFFFFF000  }
0xf6: {  	_ =	swait.ge [sflag:s3], $0x1000  }
0xf7: {  	[sflag:s3] =	ssyncset.done $0x0  }
0xf8: {  	[sflag:s3] =	ssyncadd.s32 $0xFFFFF000  }
0xf9: {  	_ =	sfence.sel $0x180000  }
0xfa: {  	[bflag:$0x0] =	sbarrier.arrive $0xFFFF  }
0xfb: {  	_ =	strace $0x90000047  }
0xfc: {  	s0 =	sadd.s32 @!p0 $0x100000, s30;
	[bflag:$0x2] =	sbarrier.arrive $0xFFFF  }
0xfd: {  	[sflag:s0] =	ssyncadd.tile.s32 @!p0 $0x1;
	_ =	shalt  }
.LBB2_2:
.Ltmp3:
0xfe: {  	(pc) =	sbr.rel .LBB2_5-.Ltmp3, $2  }
0xff: {  	_ =	sdelay $0x2  }
0x100: {  	s30 =	rddreg [dreg:$0x4]  }
.Lfunc_end2:
_tile_overlayer_lowered:
.L_overlay_start_2:
0x101: {  	(tag) =	ssettag $0x2  }
0x102: {  	s0 =	rddreg [dreg:$0x0];
	s2 =	stileid.u32  }
0x103: {  	s1 =	rddreg [dreg:$0x1];
	p0 =	sne.s32 s2, $0x0  }
0x104: {  	s3 =	rddreg [dreg:$0x2];
	[bflag:$0x3] =	sbarrier.arrive $0xFFFF;
	s2 =	simm.s32 @!p0 $0x1C05  }
0x105: {  	[timem:s3], [sflag:s2] =	dma.local @!p0 [hbm:s0], s1  }
0x106: {  	s0 =	simm.s32 @!p0 $0x5  }
0x107: {  	_ =	swait.ge @!p0 [sflag:s0], s1  }
0x108: {  	s1 =	ssub.s32 @!p0 $0x0, s1;
	[sflag:s0] =	ssyncset.done @!p0 $0x0  }
0x109: {  	[sflag:s0] =	ssyncadd.s32 @!p0 s1  }
0x10a: {  	[bflag:$0x3] =	sbarrier.arrive $0xFFFF  }
0x10b: {  	_ =	shalt  }

</sc_bundles>
